<compile_context>
chip_gen: v7x
topology: tpu7x:2x2x1
jax: 0.10.2.dev20260603
libtpu: 0.0.44.dev20260713+nightly
codegen_flags: <defaults>
</compile_context>

<pallas_src>
import jax
import jax.numpy as jnp
from jax import lax
from jax.experimental import pallas as pl
from jax.experimental.pallas import tpu as pltpu
from jax.experimental.pallas import tpu_sc as plsc

CLASSES = 1000
N = 320000
D = 128

NC = 2
NS = 16
NW = NC * NS
L = 16

CH = 256
NCHUNK = N // CH
NUNIT = NCHUNK // 2
PER_W = NUNIT // NW
EXTRA = NUNIT - PER_W * NW
CPAD = 1024

_sc_mesh = plsc.VectorSubcoreMesh(core_axis_name="c", subcore_axis_name="s",
                                  num_cores=NC, num_subcores=NS)


def _sc_body(z_hbm, y_hbm, sums_hbm, cnts_hbm, zbuf0, zbuf1, ybuf0, ybuf1,
             hist, acc, sem_s0, sem_s1, sem_x0, sem_x1):
    cid = lax.axis_index("c")
    sid = lax.axis_index("s")
    wid = sid * NC + cid

    share = CPAD // NS
    def zero_body(i, carry):
        zbuf0[i, :] = jnp.zeros((D,), jnp.float32)
        return carry

    lax.fori_loop(0, share, zero_body, 0)

    def hzero_body(i, carry):
        for k in range(8):
            hist[i, pl.ds(k * L, L)] = jnp.zeros((L,), jnp.int32)
        return carry

    lax.fori_loop(0, 128, hzero_body, 0)
    pltpu.sync_copy(zbuf0.at[pl.ds(0, share)],
                    acc.at[pl.ds(sid * share, share)])
    plsc.subcore_barrier()

    def stage_start(c, zb, yb, sem):
        start = c * CH
        pltpu.async_copy(z_hbm.at[pl.ds(start, CH)], zb, sem)
        pltpu.async_copy(y_hbm.at[pl.ds(start, 128)], yb.at[0], sem)
        pltpu.async_copy(y_hbm.at[pl.ds(start + 128, 128)], yb.at[1], sem)

    def stage_wait(zb, yb, sem):
        pltpu.make_async_copy(z_hbm.at[pl.ds(0, CH)], zb, sem).wait()
        pltpu.make_async_copy(y_hbm.at[pl.ds(0, 128)], yb.at[0], sem).wait()
        pltpu.make_async_copy(y_hbm.at[pl.ds(0, 128)], yb.at[1], sem).wait()

    def scat_start(zb, yb, sem):
        pltpu.async_copy(zb.at[pl.ds(0, 128)], acc.at[yb.at[0]], sem,
                         add=True)
        pltpu.async_copy(zb.at[pl.ds(128, 128)], acc.at[yb.at[1]], sem,
                         add=True)

    def scat_drain(zb, yb, sem):
        pltpu.make_async_copy(zb.at[pl.ds(0, 128)], acc.at[yb.at[0]],
                              sem).wait()
        pltpu.make_async_copy(zb.at[pl.ds(128, 128)], acc.at[yb.at[1]],
                              sem).wait()

    def count_update(yb):
        def cnt_body(k, carry):
            for j in range(2):
                v = yb[j, pl.ds(pl.multiple_of(k * L, L), L)]
                for l in range(L):
                    c = v[l]
                    hi = c >> 3
                    lo = pl.multiple_of((c & 7) * L, L)
                    hist[hi, pl.ds(lo, L)] = hist[hi, pl.ds(lo, L)] + 1
            return carry

        lax.fori_loop(0, 128 // L, cnt_body, 0)

    firstc = 2 * (wid * PER_W + jnp.minimum(wid, EXTRA))
    nunits = PER_W + jnp.where(wid < EXTRA, 1, 0)

    stage_start(firstc, zbuf0, ybuf0, sem_s0)
    stage_start(firstc + 1, zbuf1, ybuf1, sem_s1)

    def unit_body(u, carry):
        c = firstc + 2 * u
        stage_wait(zbuf0, ybuf0, sem_s0)
        scat_start(zbuf0, ybuf0, sem_x0)
        count_update(ybuf0)
        stage_wait(zbuf1, ybuf1, sem_s1)
        scat_start(zbuf1, ybuf1, sem_x1)
        count_update(ybuf1)
        cn = jnp.minimum(c + 2, NCHUNK - 2)
        scat_drain(zbuf0, ybuf0, sem_x0)
        stage_start(cn, zbuf0, ybuf0, sem_s0)
        scat_drain(zbuf1, ybuf1, sem_x1)
        stage_start(cn + 1, zbuf1, ybuf1, sem_s1)
        return carry

    lax.fori_loop(0, nunits, unit_body, 0)
    stage_wait(zbuf0, ybuf0, sem_s0)
    stage_wait(zbuf1, ybuf1, sem_s1)
    plsc.subcore_barrier()

    pltpu.sync_copy(acc.at[pl.ds(sid * share, share)],
                    zbuf0.at[pl.ds(0, share)])
    pltpu.sync_copy(zbuf0.at[pl.ds(0, share)],
                    sums_hbm.at[pl.ds(cid * CPAD + sid * share, share)])
    pltpu.sync_copy(hist, cnts_hbm.at[pl.ds(wid * 128, 128)])


_sc_segsum = pl.kernel(
    _sc_body,
    out_type=(
        jax.ShapeDtypeStruct((NC * CPAD, D), jnp.float32),
        jax.ShapeDtypeStruct((NW * 128, 128), jnp.int32),
    ),
    mesh=_sc_mesh,
    scratch_types=[
        pltpu.VMEM((CH, D), jnp.float32),
        pltpu.VMEM((CH, D), jnp.float32),
        pltpu.VMEM((2, 128), jnp.int32),
        pltpu.VMEM((2, 128), jnp.int32),
        pltpu.VMEM((128, 128), jnp.int32),
        pltpu.VMEM_SHARED((CPAD, D), jnp.float32),
        pltpu.SemaphoreType.DMA,
        pltpu.SemaphoreType.DMA,
        pltpu.SemaphoreType.DMA,
        pltpu.SemaphoreType.DMA,
    ],
)


def _tc_body(sums_ref, cnts_ref, zp_ref, zm_ref, mmd_ref, l2_ref):
    s2 = sums_ref[...].reshape(NC, CPAD, D)
    sums = jnp.sum(s2, axis=0)[:CLASSES, :]
    c2 = jnp.sum(cnts_ref[...].reshape(NW, 128, 128), axis=0)
    cnt_all = jnp.sum(c2.reshape(128, 8, L), axis=-1).reshape(CPAD) / L
    cnt = cnt_all[:CLASSES, None].astype(jnp.float32)
    zm = sums / cnt
    zm_ref[...] = zm
    valid = cnt > 0.0
    d = zm - zp_ref[...]
    sq = jnp.where(valid, d * d, jnp.zeros_like(d))
    nv = jnp.sum(valid.astype(jnp.float32)) * D
    mmd_ref[...] = (jnp.sum(sq) / nv).reshape(1, 1)
    m = jnp.sum(sums, axis=0) * (1.0 / N)
    l2_ref[...] = jnp.sqrt(jnp.sum(m * m)).reshape(1, 1)


_tc_epilogue = pl.pallas_call(
    _tc_body,
    out_shape=(
        jax.ShapeDtypeStruct((CLASSES, D), jnp.float32),
        jax.ShapeDtypeStruct((1, 1), jnp.float32),
        jax.ShapeDtypeStruct((1, 1), jnp.float32),
    ),
)


def kernel(z, z_prior, y):
    y1d = y.reshape(N).astype(jnp.int32)
    sums, cnts = _sc_segsum(z, y1d)
    zm, mmd, l2 = _tc_epilogue(sums, cnts, z_prior)
    return (mmd[0, 0], l2[0, 0], zm)

# --- scband reference (transcript-rebuilt; emitter-appended) ---
"""Pipeline reference for scband-maximum-mean-discrepancy-loss-8615704396440 (READ-ONLY COPY).

The authoritative reference and input builder live on the scoring server;
editing this copy changes nothing except your own understanding.
"""

import jax, jax.numpy as jnp
import numpy as np

CLASSES = 1000
N = 320000
D = 128

def setup_inputs(seed: int = 0) -> dict:
    key = jax.random.key(seed)
    k1, k2, k3 = jax.random.split(key, 3)
    z = jax.random.normal(k1, (N, D), dtype=jnp.float32)
    z_prior = jax.random.normal(k2, (CLASSES, D), dtype=jnp.float32)
    y = jax.random.randint(k3, (N,), 0, CLASSES)
    # guarantee every class appears at least once (N >> CLASSES so this is the
    # overwhelmingly typical case anyway; keeps output shapes deterministic)
    y = y.at[:CLASSES].set(jnp.arange(CLASSES, dtype=y.dtype))
    return {"z": z, "z_prior": z_prior, "y": y}

def reference(z, z_prior, y):
    # per-class mean via segment reduce (equivalent to torch z[y==i].mean(0) stacked)
    counts = jnp.bincount(y, length=CLASSES).astype(z.dtype)
    sums = jax.ops.segment_sum(z, y, num_segments=CLASSES)
    z_mean = sums / counts[:, None]  # 0/0 -> NaN matches torch mean of empty slice
    y_valid = counts > 0  # i_cls in y
    l2_z_mean = jnp.linalg.norm(jnp.mean(z, axis=0), ord=2)
    mask = y_valid[:, None]
    zm_valid = jnp.where(mask, z_mean, z_mean)
    zp_valid = jnp.where(mask, z_prior, z_prior)
    sq = (zm_valid - zp_valid) ** 2
    n_valid = jnp.sum(y_valid.astype(z.dtype)) * sq.shape[1]
    mmd_loss = jnp.sum(jnp.where(mask, sq, jnp.zeros_like(sq))) / n_valid
    return (mmd_loss, l2_z_mean, zm_valid)

if __name__ == "__main__":
    import jax
    _d = setup_inputs()
    print(jax.jit(kernel)(*tuple(_d.values())))

</pallas_src>

<mosaic_0001>
#map = affine_map<(d0, d1) -> (0, 0)>
#map1 = affine_map<(d0, d1) -> (0)>
module attributes {stable_mosaic.version = 14 : i64} {
  func.func @_sc_body(%arg0: i32, %arg1: i32, %arg2: memref<320000x128xf32, #tpu.memory_space<hbm>>, %arg3: memref<320000xi32, #tpu.memory_space<hbm>>, %arg4: memref<2048x128xf32, #tpu.memory_space<hbm>>, %arg5: memref<4096x128xi32, #tpu.memory_space<hbm>>, %arg6: memref<256x128xf32, #tpu.memory_space<vmem>>, %arg7: memref<256x128xf32, #tpu.memory_space<vmem>>, %arg8: memref<2x128xi32, #tpu.memory_space<vmem>>, %arg9: memref<2x128xi32, #tpu.memory_space<vmem>>, %arg10: memref<128x128xi32, #tpu.memory_space<vmem>>, %arg11: memref<1024x128xf32, #tpu.memory_space<vmem_shared>>, %arg12: memref<!tpu.dma_semaphore, #tpu.memory_space<semaphore_mem>>, %arg13: memref<!tpu.dma_semaphore, #tpu.memory_space<semaphore_mem>>, %arg14: memref<!tpu.dma_semaphore, #tpu.memory_space<semaphore_mem>>, %arg15: memref<!tpu.dma_semaphore, #tpu.memory_space<semaphore_mem>>) attributes {dimension_semantics = [#tpu.dimension_semantics<core_parallel>, #tpu.dimension_semantics<subcore_parallel>], iteration_bounds = array<i64: 2, 16>, scalar_prefetch = 0 : i64, scratch_operands = 10 : i64, tpu.core_type = #tpu.core_type<sc_vector_subcore>, window_params = [{transform_indices = #map}, {transform_indices = #map1}, {transform_indices = #map}, {transform_indices = #map}]} {
    %mul3A = arith.constant 2 : i32
    %mul3A_0 = arith.muli %arg1, %mul3A : i32
    %add3A = arith.addi %mul3A_0, %arg0 : i32
    %scan3A = arith.constant 0 : i32
    %scan3A_1 = arith.constant 0 : i32
    %scan3A_2 = arith.constant 64 : i32
    %scan3A_3 = arith.addi %scan3A_1, %scan3A_2 : i32
    %scan3A_4 = arith.constant 1 : i32
    scf.for %scan3A_151 = %scan3A_1 to %scan3A_3 step %scan3A_4  : i32 {
      %broadcast_in_dim3A = arith.constant 0.000000e+00 : f32
      %broadcast_in_dim3A_152 = vector.broadcast %broadcast_in_dim3A : f32 to vector<128xf32>
      %swap3A = arith.index_cast %scan3A_151 : i32 to index
      %swap3A_153 = arith.constant 0 : index
      %swap3A_154 = tpu.vector_load %arg6[%swap3A, %swap3A_153] {strides = array<i32>} : memref<256x128xf32, #tpu.memory_space<vmem>>, vector<1x128xf32>,
      %swap3A_155 = vector.shape_cast %swap3A_154 : vector<1x128xf32> to vector<128xf32>
      %swap3A_156 = vector.shape_cast %broadcast_in_dim3A_152 : vector<128xf32> to vector<1x128xf32>
      tpu.vector_store %arg6[%swap3A, %swap3A_153], %swap3A_156 {strides = array<i32>} : memref<256x128xf32, #tpu.memory_space<vmem>>, vector<1x128xf32>,
    }
    %scan3A_5 = arith.constant 64 : i32
    %scan3A_6 = arith.constant 0 : i32
    %scan3A_7 = arith.constant 0 : i32
    %scan3A_8 = arith.constant 128 : i32
    %scan3A_9 = arith.addi %scan3A_7, %scan3A_8 : i32
    %scan3A_10 = arith.constant 1 : i32
    scf.for %scan3A_151 = %scan3A_7 to %scan3A_9 step %scan3A_10  : i32 {
      %broadcast_in_dim3A = arith.constant 0 : i32
      %broadcast_in_dim3A_152 = vector.broadcast %broadcast_in_dim3A : i32 to vector<16xi32>
      %swap3A = arith.index_cast %scan3A_151 : i32 to index
      %swap3A_153 = arith.constant 0 : index
      %swap3A_154 = tpu.vector_load %arg10[%swap3A, %swap3A_153] {strides = array<i32>} : memref<128x128xi32, #tpu.memory_space<vmem>>, vector<1x16xi32>,
      %swap3A_155 = vector.shape_cast %swap3A_154 : vector<1x16xi32> to vector<16xi32>
      %swap3A_156 = vector.shape_cast %broadcast_in_dim3A_152 : vector<16xi32> to vector<1x16xi32>
      tpu.vector_store %arg10[%swap3A, %swap3A_153], %swap3A_156 {strides = array<i32>} : memref<128x128xi32, #tpu.memory_space<vmem>>, vector<1x16xi32>,
      %broadcast_in_dim3A_157 = arith.constant 0 : i32
      %broadcast_in_dim3A_158 = vector.broadcast %broadcast_in_dim3A_157 : i32 to vector<16xi32>
      %swap3A_159 = arith.index_cast %scan3A_151 : i32 to index
      %swap3A_160 = arith.constant 16 : index
      %swap3A_161 = tpu.vector_load %arg10[%swap3A_159, %swap3A_160] {strides = array<i32>} : memref<128x128xi32, #tpu.memory_space<vmem>>, vector<1x16xi32>,
      %swap3A_162 = vector.shape_cast %swap3A_161 : vector<1x16xi32> to vector<16xi32>
      %swap3A_163 = vector.shape_cast %broadcast_in_dim3A_158 : vector<16xi32> to vector<1x16xi32>
      tpu.vector_store %arg10[%swap3A_159, %swap3A_160], %swap3A_163 {strides = array<i32>} : memref<128x128xi32, #tpu.memory_space<vmem>>, vector<1x16xi32>,
      %broadcast_in_dim3A_164 = arith.constant 0 : i32
      %broadcast_in_dim3A_165 = vector.broadcast %broadcast_in_dim3A_164 : i32 to vector<16xi32>
      %swap3A_166 = arith.index_cast %scan3A_151 : i32 to index
      %swap3A_167 = arith.constant 32 : index
      %swap3A_168 = tpu.vector_load %arg10[%swap3A_166, %swap3A_167] {strides = array<i32>} : memref<128x128xi32, #tpu.memory_space<vmem>>, vector<1x16xi32>,
      %swap3A_169 = vector.shape_cast %swap3A_168 : vector<1x16xi32> to vector<16xi32>
      %swap3A_170 = vector.shape_cast %broadcast_in_dim3A_165 : vector<16xi32> to vector<1x16xi32>
      tpu.vector_store %arg10[%swap3A_166, %swap3A_167], %swap3A_170 {strides = array<i32>} : memref<128x128xi32, #tpu.memory_space<vmem>>, vector<1x16xi32>,
      %broadcast_in_dim3A_171 = arith.constant 0 : i32
      %broadcast_in_dim3A_172 = vector.broadcast %broadcast_in_dim3A_171 : i32 to vector<16xi32>
      %swap3A_173 = arith.index_cast %scan3A_151 : i32 to index
      %swap3A_174 = arith.constant 48 : index
      %swap3A_175 = tpu.vector_load %arg10[%swap3A_173, %swap3A_174] {strides = array<i32>} : memref<128x128xi32, #tpu.memory_space<vmem>>, vector<1x16xi32>,
      %swap3A_176 = vector.shape_cast %swap3A_175 : vector<1x16xi32> to vector<16xi32>
      %swap3A_177 = vector.shape_cast %broadcast_in_dim3A_172 : vector<16xi32> to vector<1x16xi32>
      tpu.vector_store %arg10[%swap3A_173, %swap3A_174], %swap3A_177 {strides = array<i32>} : memref<128x128xi32, #tpu.memory_space<vmem>>, vector<1x16xi32>,
      %broadcast_in_dim3A_178 = arith.constant 0 : i32
      %broadcast_in_dim3A_179 = vector.broadcast %broadcast_in_dim3A_178 : i32 to vector<16xi32>
      %swap3A_180 = arith.index_cast %scan3A_151 : i32 to index
      %swap3A_181 = arith.constant 64 : index
      %swap3A_182 = tpu.vector_load %arg10[%swap3A_180, %swap3A_181] {strides = array<i32>} : memref<128x128xi32, #tpu.memory_space<vmem>>, vector<1x16xi32>,
      %swap3A_183 = vector.shape_cast %swap3A_182 : vector<1x16xi32> to vector<16xi32>
      %swap3A_184 = vector.shape_cast %broadcast_in_dim3A_179 : vector<16xi32> to vector<1x16xi32>
      tpu.vector_store %arg10[%swap3A_180, %swap3A_181], %swap3A_184 {strides = array<i32>} : memref<128x128xi32, #tpu.memory_space<vmem>>, vector<1x16xi32>,
      %broadcast_in_dim3A_185 = arith.constant 0 : i32
      %broadcast_in_dim3A_186 = vector.broadcast %broadcast_in_dim3A_185 : i32 to vector<16xi32>
      %swap3A_187 = arith.index_cast %scan3A_151 : i32 to index
      %swap3A_188 = arith.constant 80 : index
      %swap3A_189 = tpu.vector_load %arg10[%swap3A_187, %swap3A_188] {strides = array<i32>} : memref<128x128xi32, #tpu.memory_space<vmem>>, vector<1x16xi32>,
      %swap3A_190 = vector.shape_cast %swap3A_189 : vector<1x16xi32> to vector<16xi32>
      %swap3A_191 = vector.shape_cast %broadcast_in_dim3A_186 : vector<16xi32> to vector<1x16xi32>
      tpu.vector_store %arg10[%swap3A_187, %swap3A_188], %swap3A_191 {strides = array<i32>} : memref<128x128xi32, #tpu.memory_space<vmem>>, vector<1x16xi32>,
      %broadcast_in_dim3A_192 = arith.constant 0 : i32
      %broadcast_in_dim3A_193 = vector.broadcast %broadcast_in_dim3A_192 : i32 to vector<16xi32>
      %swap3A_194 = arith.index_cast %scan3A_151 : i32 to index
      %swap3A_195 = arith.constant 96 : index
      %swap3A_196 = tpu.vector_load %arg10[%swap3A_194, %swap3A_195] {strides = array<i32>} : memref<128x128xi32, #tpu.memory_space<vmem>>, vector<1x16xi32>,
      %swap3A_197 = vector.shape_cast %swap3A_196 : vector<1x16xi32> to vector<16xi32>
      %swap3A_198 = vector.shape_cast %broadcast_in_dim3A_193 : vector<16xi32> to vector<1x16xi32>
      tpu.vector_store %arg10[%swap3A_194, %swap3A_195], %swap3A_198 {strides = array<i32>} : memref<128x128xi32, #tpu.memory_space<vmem>>, vector<1x16xi32>,
      %broadcast_in_dim3A_199 = arith.constant 0 : i32
      %broadcast_in_dim3A_200 = vector.broadcast %broadcast_in_dim3A_199 : i32 to vector<16xi32>
      %swap3A_201 = arith.index_cast %scan3A_151 : i32 to index
      %swap3A_202 = arith.constant 112 : index
      %swap3A_203 = tpu.vector_load %arg10[%swap3A_201, %swap3A_202] {strides = array<i32>} : memref<128x128xi32, #tpu.memory_space<vmem>>, vector<1x16xi32>,
      %swap3A_204 = vector.shape_cast %swap3A_203 : vector<1x16xi32> to vector<16xi32>
      %swap3A_205 = vector.shape_cast %broadcast_in_dim3A_200 : vector<16xi32> to vector<1x16xi32>
      tpu.vector_store %arg10[%swap3A_201, %swap3A_202], %swap3A_205 {strides = array<i32>} : memref<128x128xi32, #tpu.memory_space<vmem>>, vector<1x16xi32>,
    }
    %scan3A_11 = arith.constant 128 : i32
    %mul3A_12 = arith.constant 64 : i32
    %mul3A_13 = arith.muli %arg1, %mul3A_12 : i32
    "tpu.region"() ({
      %run_scoped3A = tpu.sem_alloc : memref<!tpu.dma_semaphore, #tpu.memory_space<semaphore_mem>>
      %dma_start3A_151 = arith.constant 0 : i32
      %dma_start3A_152 = arith.constant 0 : i32
      %dma_start3A_153 = tpu.memref_slice %arg6[%dma_start3A_151, %dma_start3A_152] : memref<256x128xf32, #tpu.memory_space<vmem>> -> memref<64x128xf32, #tpu.memory_space<vmem>>
      %dma_start3A_154 = arith.constant 0 : i32
      %dma_start3A_155 = tpu.memref_slice %arg11[%mul3A_13, %dma_start3A_154] : memref<1024x128xf32, #tpu.memory_space<vmem_shared>> -> memref<64x128xf32, #tpu.memory_space<vmem_shared>>
      %dma_start3A_156 = arith.constant 0 : i32
      %dma_start3A_157 = tpu.memref_slice %arg11[%mul3A_13, %dma_start3A_156] : memref<1024x128xf32, #tpu.memory_space<vmem_shared>> -> memref<64x128xf32, #tpu.memory_space<vmem_shared>>
      %dma_start3A_158 = arith.constant 0 : i32
      %dma_start3A_159 = arith.constant 0 : i32
      %dma_start3A_160 = tpu.memref_slice %arg6[%dma_start3A_158, %dma_start3A_159] : memref<256x128xf32, #tpu.memory_space<vmem>> -> memref<64x128xf32, #tpu.memory_space<vmem>>
      tpu.enqueue_dma source(%dma_start3A_160 : memref<64x128xf32, #tpu.memory_space<vmem>>) target(%dma_start3A_157 : memref<64x128xf32, #tpu.memory_space<vmem_shared>>) target_semaphore(%run_scoped3A : memref<!tpu.dma_semaphore, #tpu.memory_space<semaphore_mem>>)
      %dma_wait3A_161 = arith.constant 0 : i32
      %dma_wait3A_162 = arith.constant 0 : i32
      %dma_wait3A_163 = tpu.memref_slice %arg6[%dma_wait3A_161, %dma_wait3A_162] : memref<256x128xf32, #tpu.memory_space<vmem>> -> memref<64x128xf32, #tpu.memory_space<vmem>>
      %dma_wait3A_164 = arith.constant 0 : i32
      %dma_wait3A_165 = tpu.memref_slice %arg11[%mul3A_13, %dma_wait3A_164] : memref<1024x128xf32, #tpu.memory_space<vmem_shared>> -> memref<64x128xf32, #tpu.memory_space<vmem_shared>>
      %dma_wait3A_166 = arith.constant 0 : i32
      %dma_wait3A_167 = tpu.memref_slice %arg11[%mul3A_13, %dma_wait3A_166] : memref<1024x128xf32, #tpu.memory_space<vmem_shared>> -> memref<64x128xf32, #tpu.memory_space<vmem_shared>>
      %dma_wait3A_168 = arith.constant 0 : i32
      %dma_wait3A_169 = arith.constant 0 : i32
      %dma_wait3A_170 = tpu.memref_slice %arg6[%dma_wait3A_168, %dma_wait3A_169] : memref<256x128xf32, #tpu.memory_space<vmem>> -> memref<64x128xf32, #tpu.memory_space<vmem>>
      tpu.wait_dma2 semaphore(%run_scoped3A : memref<!tpu.dma_semaphore, #tpu.memory_space<semaphore_mem>>) src(%dma_wait3A_170 : memref<64x128xf32, #tpu.memory_space<vmem>>) dst(%dma_wait3A_167 : memref<64x128xf32, #tpu.memory_space<vmem_shared>>)
      tpu.yield
    }) : () -> ()
    %barrier3A = arith.constant 0 : index
    tpu.barrier barrier_id(%barrier3A)
    %mul3A_14 = arith.constant 19 : i32
    %mul3A_15 = arith.muli %add3A, %mul3A_14 : i32
    %min3A = arith.constant 17 : i32
    %min3A_16 = arith.minsi %add3A, %min3A : i32
    %add3A_17 = arith.addi %mul3A_15, %min3A_16 : i32
    %mul3A_18 = arith.constant 2 : i32
    %mul3A_19 = arith.muli %mul3A_18, %add3A_17 : i32
    %lt3A = arith.constant 17 : i32
    %lt3A_20 = arith.cmpi slt, %add3A, %lt3A : i32
    %jit3A = arith.constant 1 : i32
    %jit3A_21 = arith.constant 0 : i32
    %select_n3A = arith.select %lt3A_20, %jit3A, %jit3A_21 : i32
    %add3A_22 = arith.constant 19 : i32
    %add3A_23 = arith.addi %add3A_22, %select_n3A : i32
    %mul3A_24 = arith.constant 256 : i32
    %mul3A_25 = arith.muli %mul3A_19, %mul3A_24 : i32
    %dma_start3A = arith.constant 0 : i32
    %dma_start3A_26 = tpu.memref_slice %arg2[%mul3A_25, %dma_start3A] : memref<320000x128xf32, #tpu.memory_space<hbm>> -> memref<256x128xf32, #tpu.memory_space<hbm>>
    %dma_start3A_27 = arith.constant 0 : i32
    %dma_start3A_28 = tpu.memref_slice %arg2[%mul3A_25, %dma_start3A_27] : memref<320000x128xf32, #tpu.memory_space<hbm>> -> memref<256x128xf32, #tpu.memory_space<hbm>>
    tpu.enqueue_dma source(%dma_start3A_28 : memref<256x128xf32, #tpu.memory_space<hbm>>) target(%arg6 : memref<256x128xf32, #tpu.memory_space<vmem>>) target_semaphore(%arg12 : memref<!tpu.dma_semaphore, #tpu.memory_space<semaphore_mem>>)
    %dma_start3A_29 = arith.constant 0 : i32
    %dma_start3A_30 = arith.constant 0 : i32
    %dma_start3A_31 = tpu.memref_slice %arg8[%dma_start3A_29, %dma_start3A_30] : memref<2x128xi32, #tpu.memory_space<vmem>> -> memref<1x128xi32, #tpu.memory_space<vmem>>
    %dma_start3A_32 = tpu.memref_squeeze %dma_start3A_31 : memref<1x128xi32, #tpu.memory_space<vmem>> -> memref<128xi32, #tpu.memory_space<vmem>>
    %dma_start3A_33 = tpu.memref_slice %arg3[%mul3A_25] : memref<320000xi32, #tpu.memory_space<hbm>> -> memref<128xi32, #tpu.memory_space<hbm>>
    %dma_start3A_34 = arith.constant 0 : i32
    %dma_start3A_35 = tpu.memref_slice %arg8[%dma_start3A_29, %dma_start3A_34] : memref<2x128xi32, #tpu.memory_space<vmem>> -> memref<1x128xi32, #tpu.memory_space<vmem>>
    %dma_start3A_36 = tpu.memref_squeeze %dma_start3A_35 : memref<1x128xi32, #tpu.memory_space<vmem>> -> memref<128xi32, #tpu.memory_space<vmem>>
    %dma_start3A_37 = tpu.memref_slice %arg3[%mul3A_25] : memref<320000xi32, #tpu.memory_space<hbm>> -> memref<128xi32, #tpu.memory_space<hbm>>
    tpu.enqueue_dma source(%dma_start3A_37 : memref<128xi32, #tpu.memory_space<hbm>>) target(%dma_start3A_36 : memref<128xi32, #tpu.memory_space<vmem>>) target_semaphore(%arg12 : memref<!tpu.dma_semaphore, #tpu.memory_space<semaphore_mem>>)
    %add3A_38 = arith.constant 128 : i32
    %add3A_39 = arith.addi %mul3A_25, %add3A_38 : i32
    %dma_start3A_40 = arith.constant 1 : i32
    %dma_start3A_41 = arith.constant 0 : i32
    %dma_start3A_42 = tpu.memref_slice %arg8[%dma_start3A_40, %dma_start3A_41] : memref<2x128xi32, #tpu.memory_space<vmem>> -> memref<1x128xi32, #tpu.memory_space<vmem>>
    %dma_start3A_43 = tpu.memref_squeeze %dma_start3A_42 : memref<1x128xi32, #tpu.memory_space<vmem>> -> memref<128xi32, #tpu.memory_space<vmem>>
    %dma_start3A_44 = tpu.memref_slice %arg3[%add3A_39] : memref<320000xi32, #tpu.memory_space<hbm>> -> memref<128xi32, #tpu.memory_space<hbm>>
    %dma_start3A_45 = arith.constant 0 : i32
    %dma_start3A_46 = tpu.memref_slice %arg8[%dma_start3A_40, %dma_start3A_45] : memref<2x128xi32, #tpu.memory_space<vmem>> -> memref<1x128xi32, #tpu.memory_space<vmem>>
    %dma_start3A_47 = tpu.memref_squeeze %dma_start3A_46 : memref<1x128xi32, #tpu.memory_space<vmem>> -> memref<128xi32, #tpu.memory_space<vmem>>
    %dma_start3A_48 = tpu.memref_slice %arg3[%add3A_39] : memref<320000xi32, #tpu.memory_space<hbm>> -> memref<128xi32, #tpu.memory_space<hbm>>
    tpu.enqueue_dma source(%dma_start3A_48 : memref<128xi32, #tpu.memory_space<hbm>>) target(%dma_start3A_47 : memref<128xi32, #tpu.memory_space<vmem>>) target_semaphore(%arg12 : memref<!tpu.dma_semaphore, #tpu.memory_space<semaphore_mem>>)
    %add3A_49 = arith.constant 1 : i32
    %add3A_50 = arith.addi %mul3A_19, %add3A_49 : i32
    %mul3A_51 = arith.constant 256 : i32
    %mul3A_52 = arith.muli %add3A_50, %mul3A_51 : i32
    %dma_start3A_53 = arith.constant 0 : i32
    %dma_start3A_54 = tpu.memref_slice %arg2[%mul3A_52, %dma_start3A_53] : memref<320000x128xf32, #tpu.memory_space<hbm>> -> memref<256x128xf32, #tpu.memory_space<hbm>>
    %dma_start3A_55 = arith.constant 0 : i32
    %dma_start3A_56 = tpu.memref_slice %arg2[%mul3A_52, %dma_start3A_55] : memref<320000x128xf32, #tpu.memory_space<hbm>> -> memref<256x128xf32, #tpu.memory_space<hbm>>
    tpu.enqueue_dma source(%dma_start3A_56 : memref<256x128xf32, #tpu.memory_space<hbm>>) target(%arg7 : memref<256x128xf32, #tpu.memory_space<vmem>>) target_semaphore(%arg13 : memref<!tpu.dma_semaphore, #tpu.memory_space<semaphore_mem>>)
    %dma_start3A_57 = arith.constant 0 : i32
    %dma_start3A_58 = arith.constant 0 : i32
    %dma_start3A_59 = tpu.memref_slice %arg9[%dma_start3A_57, %dma_start3A_58] : memref<2x128xi32, #tpu.memory_space<vmem>> -> memref<1x128xi32, #tpu.memory_space<vmem>>
    %dma_start3A_60 = tpu.memref_squeeze %dma_start3A_59 : memref<1x128xi32, #tpu.memory_space<vmem>> -> memref<128xi32, #tpu.memory_space<vmem>>
    %dma_start3A_61 = tpu.memref_slice %arg3[%mul3A_52] : memref<320000xi32, #tpu.memory_space<hbm>> -> memref<128xi32, #tpu.memory_space<hbm>>
    %dma_start3A_62 = arith.constant 0 : i32
    %dma_start3A_63 = tpu.memref_slice %arg9[%dma_start3A_57, %dma_start3A_62] : memref<2x128xi32, #tpu.memory_space<vmem>> -> memref<1x128xi32, #tpu.memory_space<vmem>>
    %dma_start3A_64 = tpu.memref_squeeze %dma_start3A_63 : memref<1x128xi32, #tpu.memory_space<vmem>> -> memref<128xi32, #tpu.memory_space<vmem>>
    %dma_start3A_65 = tpu.memref_slice %arg3[%mul3A_52] : memref<320000xi32, #tpu.memory_space<hbm>> -> memref<128xi32, #tpu.memory_space<hbm>>
    tpu.enqueue_dma source(%dma_start3A_65 : memref<128xi32, #tpu.memory_space<hbm>>) target(%dma_start3A_64 : memref<128xi32, #tpu.memory_space<vmem>>) target_semaphore(%arg13 : memref<!tpu.dma_semaphore, #tpu.memory_space<semaphore_mem>>)
    %add3A_66 = arith.constant 128 : i32
    %add3A_67 = arith.addi %mul3A_52, %add3A_66 : i32
    %dma_start3A_68 = arith.constant 1 : i32
    %dma_start3A_69 = arith.constant 0 : i32
    %dma_start3A_70 = tpu.memref_slice %arg9[%dma_start3A_68, %dma_start3A_69] : memref<2x128xi32, #tpu.memory_space<vmem>> -> memref<1x128xi32, #tpu.memory_space<vmem>>
    %dma_start3A_71 = tpu.memref_squeeze %dma_start3A_70 : memref<1x128xi32, #tpu.memory_space<vmem>> -> memref<128xi32, #tpu.memory_space<vmem>>
    %dma_start3A_72 = tpu.memref_slice %arg3[%add3A_67] : memref<320000xi32, #tpu.memory_space<hbm>> -> memref<128xi32, #tpu.memory_space<hbm>>
    %dma_start3A_73 = arith.constant 0 : i32
    %dma_start3A_74 = tpu.memref_slice %arg9[%dma_start3A_68, %dma_start3A_73] : memref<2x128xi32, #tpu.memory_space<vmem>> -> memref<1x128xi32, #tpu.memory_space<vmem>>
    %dma_start3A_75 = tpu.memref_squeeze %dma_start3A_74 : memref<1x128xi32, #tpu.memory_space<vmem>> -> memref<128xi32, #tpu.memory_space<vmem>>
    %dma_start3A_76 = tpu.memref_slice %arg3[%add3A_67] : memref<320000xi32, #tpu.memory_space<hbm>> -> memref<128xi32, #tpu.memory_space<hbm>>
    tpu.enqueue_dma source(%dma_start3A_76 : memref<128xi32, #tpu.memory_space<hbm>>) target(%dma_start3A_75 : memref<128xi32, #tpu.memory_space<vmem>>) target_semaphore(%arg13 : memref<!tpu.dma_semaphore, #tpu.memory_space<semaphore_mem>>)
    %while3A = arith.constant 0 : i32
    %while3A_77 = arith.constant 0 : i32
    %while3A_78 = arith.subi %add3A_23, %while3A_77 : i32
    %while3A_79 = arith.addi %while3A_77, %while3A_78 : i32
    %while3A_80 = arith.constant 1 : i32
    %while3A_81 = arith.divsi %while3A_78, %while3A_80 : i32
    %while3A_82 = arith.muli %while3A_81, %while3A_80 : i32
    %while3A_83 = arith.addi %while3A_77, %while3A_82 : i32
    %while3A_84 = arith.constant 1 : i32
    scf.for %while3A_151 = %while3A_77 to %while3A_83 step %while3A_84  : i32 {
      %mul3A_152 = arith.constant 2 : i32
      %mul3A_153 = arith.muli %mul3A_152, %while3A_151 : i32
      %add3A_154 = arith.addi %mul3A_19, %mul3A_153 : i32
      %dma_wait3A_155 = arith.constant 0 : i32
      %dma_wait3A_156 = arith.constant 0 : i32
      %dma_wait3A_157 = tpu.memref_slice %arg2[%dma_wait3A_155, %dma_wait3A_156] : memref<320000x128xf32, #tpu.memory_space<hbm>> -> memref<256x128xf32, #tpu.memory_space<hbm>>
      %dma_wait3A_158 = arith.constant 0 : i32
      %dma_wait3A_159 = arith.constant 0 : i32
      %dma_wait3A_160 = tpu.memref_slice %arg2[%dma_wait3A_158, %dma_wait3A_159] : memref<320000x128xf32, #tpu.memory_space<hbm>> -> memref<256x128xf32, #tpu.memory_space<hbm>>
      tpu.wait_dma2 semaphore(%arg12 : memref<!tpu.dma_semaphore, #tpu.memory_space<semaphore_mem>>) src(%dma_wait3A_160 : memref<256x128xf32, #tpu.memory_space<hbm>>) dst(%arg6 : memref<256x128xf32, #tpu.memory_space<vmem>>)
      %dma_wait3A_161 = arith.constant 0 : i32
      %dma_wait3A_162 = arith.constant 0 : i32
      %dma_wait3A_163 = tpu.memref_slice %arg8[%dma_wait3A_161, %dma_wait3A_162] : memref<2x128xi32, #tpu.memory_space<vmem>> -> memref<1x128xi32, #tpu.memory_space<vmem>>
      %dma_wait3A_164 = tpu.memref_squeeze %dma_wait3A_163 : memref<1x128xi32, #tpu.memory_space<vmem>> -> memref<128xi32, #tpu.memory_space<vmem>>
      %dma_wait3A_165 = arith.constant 0 : i32
      %dma_wait3A_166 = tpu.memref_slice %arg3[%dma_wait3A_165] : memref<320000xi32, #tpu.memory_space<hbm>> -> memref<128xi32, #tpu.memory_space<hbm>>
      %dma_wait3A_167 = arith.constant 0 : i32
      %dma_wait3A_168 = tpu.memref_slice %arg8[%dma_wait3A_161, %dma_wait3A_167] : memref<2x128xi32, #tpu.memory_space<vmem>> -> memref<1x128xi32, #tpu.memory_space<vmem>>
      %dma_wait3A_169 = tpu.memref_squeeze %dma_wait3A_168 : memref<1x128xi32, #tpu.memory_space<vmem>> -> memref<128xi32, #tpu.memory_space<vmem>>
      %dma_wait3A_170 = arith.constant 0 : i32
      %dma_wait3A_171 = tpu.memref_slice %arg3[%dma_wait3A_170] : memref<320000xi32, #tpu.memory_space<hbm>> -> memref<128xi32, #tpu.memory_space<hbm>>
      tpu.wait_dma2 semaphore(%arg12 : memref<!tpu.dma_semaphore, #tpu.memory_space<semaphore_mem>>) src(%dma_wait3A_171 : memref<128xi32, #tpu.memory_space<hbm>>) dst(%dma_wait3A_169 : memref<128xi32, #tpu.memory_space<vmem>>)
      %dma_wait3A_172 = arith.constant 1 : i32
      %dma_wait3A_173 = arith.constant 0 : i32
      %dma_wait3A_174 = tpu.memref_slice %arg8[%dma_wait3A_172, %dma_wait3A_173] : memref<2x128xi32, #tpu.memory_space<vmem>> -> memref<1x128xi32, #tpu.memory_space<vmem>>
      %dma_wait3A_175 = tpu.memref_squeeze %dma_wait3A_174 : memref<1x128xi32, #tpu.memory_space<vmem>> -> memref<128xi32, #tpu.memory_space<vmem>>
      %dma_wait3A_176 = arith.constant 0 : i32
      %dma_wait3A_177 = tpu.memref_slice %arg3[%dma_wait3A_176] : memref<320000xi32, #tpu.memory_space<hbm>> -> memref<128xi32, #tpu.memory_space<hbm>>
      %dma_wait3A_178 = arith.constant 0 : i32
      %dma_wait3A_179 = tpu.memref_slice %arg8[%dma_wait3A_172, %dma_wait3A_178] : memref<2x128xi32, #tpu.memory_space<vmem>> -> memref<1x128xi32, #tpu.memory_space<vmem>>
      %dma_wait3A_180 = tpu.memref_squeeze %dma_wait3A_179 : memref<1x128xi32, #tpu.memory_space<vmem>> -> memref<128xi32, #tpu.memory_space<vmem>>
      %dma_wait3A_181 = arith.constant 0 : i32
      %dma_wait3A_182 = tpu.memref_slice %arg3[%dma_wait3A_181] : memref<320000xi32, #tpu.memory_space<hbm>> -> memref<128xi32, #tpu.memory_space<hbm>>
      tpu.wait_dma2 semaphore(%arg12 : memref<!tpu.dma_semaphore, #tpu.memory_space<semaphore_mem>>) src(%dma_wait3A_182 : memref<128xi32, #tpu.memory_space<hbm>>) dst(%dma_wait3A_180 : memref<128xi32, #tpu.memory_space<vmem>>)
      %dma_start3A_183 = arith.constant 0 : i32
      %dma_start3A_184 = arith.constant 0 : i32
      %dma_start3A_185 = arith.constant 0 : i32
      %dma_start3A_186 = tpu.memref_slice %arg6[%dma_start3A_184, %dma_start3A_185] : memref<256x128xf32, #tpu.memory_space<vmem>> -> memref<128x128xf32, #tpu.memory_space<vmem>>
      %dma_start3A_187 = arith.constant 0 : i32
      %dma_start3A_188 = tpu.memref_slice %arg8[%dma_start3A_183, %dma_start3A_187] : memref<2x128xi32, #tpu.memory_space<vmem>> -> memref<1x128xi32, #tpu.memory_space<vmem>>
      %dma_start3A_189 = tpu.memref_squeeze %dma_start3A_188 : memref<1x128xi32, #tpu.memory_space<vmem>> -> memref<128xi32, #tpu.memory_space<vmem>>
      %dma_start3A_190 = arith.constant 0 : i32
      %dma_start3A_191 = arith.constant 0 : i32
      %dma_start3A_192 = tpu.memref_slice %arg11[%dma_start3A_190, %dma_start3A_191] : memref<1024x128xf32, #tpu.memory_space<vmem_shared>> -> memref<1024x128xf32, #tpu.memory_space<vmem_shared>>
      tpu.enqueue_indirect_dma source(%dma_start3A_186 : memref<128x128xf32, #tpu.memory_space<vmem>>) target(%dma_start3A_192 : memref<1024x128xf32, #tpu.memory_space<vmem_shared>>) offsets(%dma_start3A_189 : memref<128xi32, #tpu.memory_space<vmem>>) semaphore(%arg14 : memref<!tpu.dma_semaphore, #tpu.memory_space<semaphore_mem>>) {add = true}
      %dma_start3A_193 = arith.constant 1 : i32
      %dma_start3A_194 = arith.constant 128 : i32
      %dma_start3A_195 = arith.constant 0 : i32
      %dma_start3A_196 = tpu.memref_slice %arg6[%dma_start3A_194, %dma_start3A_195] : memref<256x128xf32, #tpu.memory_space<vmem>> -> memref<128x128xf32, #tpu.memory_space<vmem>>
      %dma_start3A_197 = arith.constant 0 : i32
      %dma_start3A_198 = tpu.memref_slice %arg8[%dma_start3A_193, %dma_start3A_197] : memref<2x128xi32, #tpu.memory_space<vmem>> -> memref<1x128xi32, #tpu.memory_space<vmem>>
      %dma_start3A_199 = tpu.memref_squeeze %dma_start3A_198 : memref<1x128xi32, #tpu.memory_space<vmem>> -> memref<128xi32, #tpu.memory_space<vmem>>
      %dma_start3A_200 = arith.constant 0 : i32
      %dma_start3A_201 = arith.constant 0 : i32
      %dma_start3A_202 = tpu.memref_slice %arg11[%dma_start3A_200, %dma_start3A_201] : memref<1024x128xf32, #tpu.memory_space<vmem_shared>> -> memref<1024x128xf32, #tpu.memory_space<vmem_shared>>
      tpu.enqueue_indirect_dma source(%dma_start3A_196 : memref<128x128xf32, #tpu.memory_space<vmem>>) target(%dma_start3A_202 : memref<1024x128xf32, #tpu.memory_space<vmem_shared>>) offsets(%dma_start3A_199 : memref<128xi32, #tpu.memory_space<vmem>>) semaphore(%arg14 : memref<!tpu.dma_semaphore, #tpu.memory_space<semaphore_mem>>) {add = true}
      %scan3A_203 = arith.constant 0 : i32
      %scan3A_204 = arith.constant 0 : i32
      %scan3A_205 = arith.constant 8 : i32
      %scan3A_206 = arith.addi %scan3A_204, %scan3A_205 : i32
      %scan3A_207 = arith.constant 1 : i32
      scf.for %scan3A_361 = %scan3A_204 to %scan3A_206 step %scan3A_207  : i32 {
        %mul3A_362 = arith.constant 16 : i32
        %mul3A_363 = arith.muli %scan3A_361, %mul3A_362 : i32
        %multiple_of3A = tpu.assume_multiple %mul3A_363, 16 : i32
        %get3A = arith.constant 0 : i32
        %get3A_364 = arith.index_cast %get3A : i32 to index
        %get3A_365 = arith.index_cast %multiple_of3A : i32 to index
        %get3A_366 = tpu.vector_load %arg8[%get3A_364, %get3A_365] {strides = array<i32>} : memref<2x128xi32, #tpu.memory_space<vmem>>, vector<1x16xi32>,
        %get3A_367 = vector.shape_cast %get3A_366 : vector<1x16xi32> to vector<16xi32>
        %slice3A = vector.extract_strided_slice %get3A_367 {offsets = [0], sizes = [1], strides = [1]} : vector<16xi32> to vector<1xi32>
        %squeeze3A = vector.extract %slice3A[0] : i32 from vector<1xi32>
        %shift_right_arithmetic3A = arith.constant 3 : i32
        %shift_right_arithmetic3A_368 = arith.shrsi %squeeze3A, %shift_right_arithmetic3A : i32
        %and3A = arith.constant 7 : i32
        %and3A_369 = arith.andi %squeeze3A, %and3A : i32
        %mul3A_370 = arith.constant 16 : i32
        %mul3A_371 = arith.muli %and3A_369, %mul3A_370 : i32
        %multiple_of3A_372 = tpu.assume_multiple %mul3A_371, 16 : i32
        %get3A_373 = arith.index_cast %shift_right_arithmetic3A_368 : i32 to index
        %get3A_374 = arith.index_cast %multiple_of3A_372 : i32 to index
        %get3A_375 = tpu.vector_load %arg10[%get3A_373, %get3A_374] {strides = array<i32>} : memref<128x128xi32, #tpu.memory_space<vmem>>, vector<1x16xi32>,
        %get3A_376 = vector.shape_cast %get3A_375 : vector<1x16xi32> to vector<16xi32>
        %add3A_377 = arith.constant 1 : i32
        %add3A_378 = vector.broadcast %add3A_377 : i32 to vector<16xi32>
        %add3A_379 = arith.addi %get3A_376, %add3A_378 : vector<16xi32>
        %swap3A = arith.index_cast %shift_right_arithmetic3A_368 : i32 to index
        %swap3A_380 = arith.index_cast %multiple_of3A_372 : i32 to index
        %swap3A_381 = tpu.vector_load %arg10[%swap3A, %swap3A_380] {strides = array<i32>} : memref<128x128xi32, #tpu.memory_space<vmem>>, vector<1x16xi32>,
        %swap3A_382 = vector.shape_cast %swap3A_381 : vector<1x16xi32> to vector<16xi32>
        %swap3A_383 = vector.shape_cast %add3A_379 : vector<16xi32> to vector<1x16xi32>
        tpu.vector_store %arg10[%swap3A, %swap3A_380], %swap3A_383 {strides = array<i32>} : memref<128x128xi32, #tpu.memory_space<vmem>>, vector<1x16xi32>,
        %slice3A_384 = vector.extract_strided_slice %get3A_367 {offsets = [1], sizes = [1], strides = [1]} : vector<16xi32> to vector<1xi32>
        %squeeze3A_385 = vector.extract %slice3A_384[0] : i32 from vector<1xi32>
        %shift_right_arithmetic3A_386 = arith.constant 3 : i32
        %shift_right_arithmetic3A_387 = arith.shrsi %squeeze3A_385, %shift_right_arithmetic3A_386 : i32
        %and3A_388 = arith.constant 7 : i32
        %and3A_389 = arith.andi %squeeze3A_385, %and3A_388 : i32
        %mul3A_390 = arith.constant 16 : i32
        %mul3A_391 = arith.muli %and3A_389, %mul3A_390 : i32
        %multiple_of3A_392 = tpu.assume_multiple %mul3A_391, 16 : i32
        %get3A_393 = arith.index_cast %shift_right_arithmetic3A_387 : i32 to index
        %get3A_394 = arith.index_cast %multiple_of3A_392 : i32 to index
        %get3A_395 = tpu.vector_load %arg10[%get3A_393, %get3A_394] {strides = array<i32>} : memref<128x128xi32, #tpu.memory_space<vmem>>, vector<1x16xi32>,
        %get3A_396 = vector.shape_cast %get3A_395 : vector<1x16xi32> to vector<16xi32>
        %add3A_397 = arith.constant 1 : i32
        %add3A_398 = vector.broadcast %add3A_397 : i32 to vector<16xi32>
        %add3A_399 = arith.addi %get3A_396, %add3A_398 : vector<16xi32>
        %swap3A_400 = arith.index_cast %shift_right_arithmetic3A_387 : i32 to index
        %swap3A_401 = arith.index_cast %multiple_of3A_392 : i32 to index
        %swap3A_402 = tpu.vector_load %arg10[%swap3A_400, %swap3A_401] {strides = array<i32>} : memref<128x128xi32, #tpu.memory_space<vmem>>, vector<1x16xi32>,
        %swap3A_403 = vector.shape_cast %swap3A_402 : vector<1x16xi32> to vector<16xi32>
        %swap3A_404 = vector.shape_cast %add3A_399 : vector<16xi32> to vector<1x16xi32>
        tpu.vector_store %arg10[%swap3A_400, %swap3A_401], %swap3A_404 {strides = array<i32>} : memref<128x128xi32, #tpu.memory_space<vmem>>, vector<1x16xi32>,
        %slice3A_405 = vector.extract_strided_slice %get3A_367 {offsets = [2], sizes = [1], strides = [1]} : vector<16xi32> to vector<1xi32>
        %squeeze3A_406 = vector.extract %slice3A_405[0] : i32 from vector<1xi32>
        %shift_right_arithmetic3A_407 = arith.constant 3 : i32
        %shift_right_arithmetic3A_408 = arith.shrsi %squeeze3A_406, %shift_right_arithmetic3A_407 : i32
        %and3A_409 = arith.constant 7 : i32
        %and3A_410 = arith.andi %squeeze3A_406, %and3A_409 : i32
        %mul3A_411 = arith.constant 16 : i32
        %mul3A_412 = arith.muli %and3A_410, %mul3A_411 : i32
        %multiple_of3A_413 = tpu.assume_multiple %mul3A_412, 16 : i32
        %get3A_414 = arith.index_cast %shift_right_arithmetic3A_408 : i32 to index
        %get3A_415 = arith.index_cast %multiple_of3A_413 : i32 to index
        %get3A_416 = tpu.vector_load %arg10[%get3A_414, %get3A_415] {strides = array<i32>} : memref<128x128xi32, #tpu.memory_space<vmem>>, vector<1x16xi32>,
        %get3A_417 = vector.shape_cast %get3A_416 : vector<1x16xi32> to vector<16xi32>
        %add3A_418 = arith.constant 1 : i32
        %add3A_419 = vector.broadcast %add3A_418 : i32 to vector<16xi32>
        %add3A_420 = arith.addi %get3A_417, %add3A_419 : vector<16xi32>
        %swap3A_421 = arith.index_cast %shift_right_arithmetic3A_408 : i32 to index
        %swap3A_422 = arith.index_cast %multiple_of3A_413 : i32 to index
        %swap3A_423 = tpu.vector_load %arg10[%swap3A_421, %swap3A_422] {strides = array<i32>} : memref<128x128xi32, #tpu.memory_space<vmem>>, vector<1x16xi32>,
        %swap3A_424 = vector.shape_cast %swap3A_423 : vector<1x16xi32> to vector<16xi32>
        %swap3A_425 = vector.shape_cast %add3A_420 : vector<16xi32> to vector<1x16xi32>
        tpu.vector_store %arg10[%swap3A_421, %swap3A_422], %swap3A_425 {strides = array<i32>} : memref<128x128xi32, #tpu.memory_space<vmem>>, vector<1x16xi32>,
        %slice3A_426 = vector.extract_strided_slice %get3A_367 {offsets = [3], sizes = [1], strides = [1]} : vector<16xi32> to vector<1xi32>
        %squeeze3A_427 = vector.extract %slice3A_426[0] : i32 from vector<1xi32>
        %shift_right_arithmetic3A_428 = arith.constant 3 : i32
        %shift_right_arithmetic3A_429 = arith.shrsi %squeeze3A_427, %shift_right_arithmetic3A_428 : i32
        %and3A_430 = arith.constant 7 : i32
        %and3A_431 = arith.andi %squeeze3A_427, %and3A_430 : i32
        %mul3A_432 = arith.constant 16 : i32
        %mul3A_433 = arith.muli %and3A_431, %mul3A_432 : i32
        %multiple_of3A_434 = tpu.assume_multiple %mul3A_433, 16 : i32
        %get3A_435 = arith.index_cast %shift_right_arithmetic3A_429 : i32 to index
        %get3A_436 = arith.index_cast %multiple_of3A_434 : i32 to index
        %get3A_437 = tpu.vector_load %arg10[%get3A_435, %get3A_436] {strides = array<i32>} : memref<128x128xi32, #tpu.memory_space<vmem>>, vector<1x16xi32>,
        %get3A_438 = vector.shape_cast %get3A_437 : vector<1x16xi32> to vector<16xi32>
        %add3A_439 = arith.constant 1 : i32
        %add3A_440 = vector.broadcast %add3A_439 : i32 to vector<16xi32>
        %add3A_441 = arith.addi %get3A_438, %add3A_440 : vector<16xi32>
        %swap3A_442 = arith.index_cast %shift_right_arithmetic3A_429 : i32 to index
        %swap3A_443 = arith.index_cast %multiple_of3A_434 : i32 to index
        %swap3A_444 = tpu.vector_load %arg10[%swap3A_442, %swap3A_443] {strides = array<i32>} : memref<128x128xi32, #tpu.memory_space<vmem>>, vector<1x16xi32>,
        %swap3A_445 = vector.shape_cast %swap3A_444 : vector<1x16xi32> to vector<16xi32>
        %swap3A_446 = vector.shape_cast %add3A_441 : vector<16xi32> to vector<1x16xi32>
        tpu.vector_store %arg10[%swap3A_442, %swap3A_443], %swap3A_446 {strides = array<i32>} : memref<128x128xi32, #tpu.memory_space<vmem>>, vector<1x16xi32>,
        %slice3A_447 = vector.extract_strided_slice %get3A_367 {offsets = [4], sizes = [1], strides = [1]} : vector<16xi32> to vector<1xi32>
        %squeeze3A_448 = vector.extract %slice3A_447[0] : i32 from vector<1xi32>
        %shift_right_arithmetic3A_449 = arith.constant 3 : i32
        %shift_right_arithmetic3A_450 = arith.shrsi %squeeze3A_448, %shift_right_arithmetic3A_449 : i32
        %and3A_451 = arith.constant 7 : i32
        %and3A_452 = arith.andi %squeeze3A_448, %and3A_451 : i32
        %mul3A_453 = arith.constant 16 : i32
        %mul3A_454 = arith.muli %and3A_452, %mul3A_453 : i32
        %multiple_of3A_455 = tpu.assume_multiple %mul3A_454, 16 : i32
        %get3A_456 = arith.index_cast %shift_right_arithmetic3A_450 : i32 to index
        %get3A_457 = arith.index_cast %multiple_of3A_455 : i32 to index
        %get3A_458 = tpu.vector_load %arg10[%get3A_456, %get3A_457] {strides = array<i32>} : memref<128x128xi32, #tpu.memory_space<vmem>>, vector<1x16xi32>,
        %get3A_459 = vector.shape_cast %get3A_458 : vector<1x16xi32> to vector<16xi32>
        %add3A_460 = arith.constant 1 : i32
        %add3A_461 = vector.broadcast %add3A_460 : i32 to vector<16xi32>
        %add3A_462 = arith.addi %get3A_459, %add3A_461 : vector<16xi32>
        %swap3A_463 = arith.index_cast %shift_right_arithmetic3A_450 : i32 to index
        %swap3A_464 = arith.index_cast %multiple_of3A_455 : i32 to index
        %swap3A_465 = tpu.vector_load %arg10[%swap3A_463, %swap3A_464] {strides = array<i32>} : memref<128x128xi32, #tpu.memory_space<vmem>>, vector<1x16xi32>,
        %swap3A_466 = vector.shape_cast %swap3A_465 : vector<1x16xi32> to vector<16xi32>
        %swap3A_467 = vector.shape_cast %add3A_462 : vector<16xi32> to vector<1x16xi32>
        tpu.vector_store %arg10[%swap3A_463, %swap3A_464], %swap3A_467 {strides = array<i32>} : memref<128x128xi32, #tpu.memory_space<vmem>>, vector<1x16xi32>,
        %slice3A_468 = vector.extract_strided_slice %get3A_367 {offsets = [5], sizes = [1], strides = [1]} : vector<16xi32> to vector<1xi32>
        %squeeze3A_469 = vector.extract %slice3A_468[0] : i32 from vector<1xi32>
        %shift_right_arithmetic3A_470 = arith.constant 3 : i32
        %shift_right_arithmetic3A_471 = arith.shrsi %squeeze3A_469, %shift_right_arithmetic3A_470 : i32
        %and3A_472 = arith.constant 7 : i32
        %and3A_473 = arith.andi %squeeze3A_469, %and3A_472 : i32
        %mul3A_474 = arith.constant 16 : i32
        %mul3A_475 = arith.muli %and3A_473, %mul3A_474 : i32
        %multiple_of3A_476 = tpu.assume_multiple %mul3A_475, 16 : i32
        %get3A_477 = arith.index_cast %shift_right_arithmetic3A_471 : i32 to index
        %get3A_478 = arith.index_cast %multiple_of3A_476 : i32 to index
        %get3A_479 = tpu.vector_load %arg10[%get3A_477, %get3A_478] {strides = array<i32>} : memref<128x128xi32, #tpu.memory_space<vmem>>, vector<1x16xi32>,
        %get3A_480 = vector.shape_cast %get3A_479 : vector<1x16xi32> to vector<16xi32>
        %add3A_481 = arith.constant 1 : i32
        %add3A_482 = vector.broadcast %add3A_481 : i32 to vector<16xi32>
        %add3A_483 = arith.addi %get3A_480, %add3A_482 : vector<16xi32>
        %swap3A_484 = arith.index_cast %shift_right_arithmetic3A_471 : i32 to index
        %swap3A_485 = arith.index_cast %multiple_of3A_476 : i32 to index
        %swap3A_486 = tpu.vector_load %arg10[%swap3A_484, %swap3A_485] {strides = array<i32>} : memref<128x128xi32, #tpu.memory_space<vmem>>, vector<1x16xi32>,
        %swap3A_487 = vector.shape_cast %swap3A_486 : vector<1x16xi32> to vector<16xi32>
        %swap3A_488 = vector.shape_cast %add3A_483 : vector<16xi32> to vector<1x16xi32>
        tpu.vector_store %arg10[%swap3A_484, %swap3A_485], %swap3A_488 {strides = array<i32>} : memref<128x128xi32, #tpu.memory_space<vmem>>, vector<1x16xi32>,
        %slice3A_489 = vector.extract_strided_slice %get3A_367 {offsets = [6], sizes = [1], strides = [1]} : vector<16xi32> to vector<1xi32>
        %squeeze3A_490 = vector.extract %slice3A_489[0] : i32 from vector<1xi32>
        %shift_right_arithmetic3A_491 = arith.constant 3 : i32
        %shift_right_arithmetic3A_492 = arith.shrsi %squeeze3A_490, %shift_right_arithmetic3A_491 : i32
        %and3A_493 = arith.constant 7 : i32
        %and3A_494 = arith.andi %squeeze3A_490, %and3A_493 : i32
        %mul3A_495 = arith.constant 16 : i32
        %mul3A_496 = arith.muli %and3A_494, %mul3A_495 : i32
        %multiple_of3A_497 = tpu.assume_multiple %mul3A_496, 16 : i32
        %get3A_498 = arith.index_cast %shift_right_arithmetic3A_492 : i32 to index
        %get3A_499 = arith.index_cast %multiple_of3A_497 : i32 to index
        %get3A_500 = tpu.vector_load %arg10[%get3A_498, %get3A_499] {strides = array<i32>} : memref<128x128xi32, #tpu.memory_space<vmem>>, vector<1x16xi32>,
        %get3A_501 = vector.shape_cast %get3A_500 : vector<1x16xi32> to vector<16xi32>
        %add3A_502 = arith.constant 1 : i32
        %add3A_503 = vector.broadcast %add3A_502 : i32 to vector<16xi32>
        %add3A_504 = arith.addi %get3A_501, %add3A_503 : vector<16xi32>
        %swap3A_505 = arith.index_cast %shift_right_arithmetic3A_492 : i32 to index
        %swap3A_506 = arith.index_cast %multiple_of3A_497 : i32 to index
        %swap3A_507 = tpu.vector_load %arg10[%swap3A_505, %swap3A_506] {strides = array<i32>} : memref<128x128xi32, #tpu.memory_space<vmem>>, vector<1x16xi32>,
        %swap3A_508 = vector.shape_cast %swap3A_507 : vector<1x16xi32> to vector<16xi32>
        %swap3A_509 = vector.shape_cast %add3A_504 : vector<16xi32> to vector<1x16xi32>
        tpu.vector_store %arg10[%swap3A_505, %swap3A_506], %swap3A_509 {strides = array<i32>} : memref<128x128xi32, #tpu.memory_space<vmem>>, vector<1x16xi32>,
        %slice3A_510 = vector.extract_strided_slice %get3A_367 {offsets = [7], sizes = [1], strides = [1]} : vector<16xi32> to vector<1xi32>
        %squeeze3A_511 = vector.extract %slice3A_510[0] : i32 from vector<1xi32>
        %shift_right_arithmetic3A_512 = arith.constant 3 : i32
        %shift_right_arithmetic3A_513 = arith.shrsi %squeeze3A_511, %shift_right_arithmetic3A_512 : i32
        %and3A_514 = arith.constant 7 : i32
        %and3A_515 = arith.andi %squeeze3A_511, %and3A_514 : i32
        %mul3A_516 = arith.constant 16 : i32
        %mul3A_517 = arith.muli %and3A_515, %mul3A_516 : i32
        %multiple_of3A_518 = tpu.assume_multiple %mul3A_517, 16 : i32
        %get3A_519 = arith.index_cast %shift_right_arithmetic3A_513 : i32 to index
        %get3A_520 = arith.index_cast %multiple_of3A_518 : i32 to index
        %get3A_521 = tpu.vector_load %arg10[%get3A_519, %get3A_520] {strides = array<i32>} : memref<128x128xi32, #tpu.memory_space<vmem>>, vector<1x16xi32>,
        %get3A_522 = vector.shape_cast %get3A_521 : vector<1x16xi32> to vector<16xi32>
        %add3A_523 = arith.constant 1 : i32
        %add3A_524 = vector.broadcast %add3A_523 : i32 to vector<16xi32>
        %add3A_525 = arith.addi %get3A_522, %add3A_524 : vector<16xi32>
        %swap3A_526 = arith.index_cast %shift_right_arithmetic3A_513 : i32 to index
        %swap3A_527 = arith.index_cast %multiple_of3A_518 : i32 to index
        %swap3A_528 = tpu.vector_load %arg10[%swap3A_526, %swap3A_527] {strides = array<i32>} : memref<128x128xi32, #tpu.memory_space<vmem>>, vector<1x16xi32>,
        %swap3A_529 = vector.shape_cast %swap3A_528 : vector<1x16xi32> to vector<16xi32>
        %swap3A_530 = vector.shape_cast %add3A_525 : vector<16xi32> to vector<1x16xi32>
        tpu.vector_store %arg10[%swap3A_526, %swap3A_527], %swap3A_530 {strides = array<i32>} : memref<128x128xi32, #tpu.memory_space<vmem>>, vector<1x16xi32>,
        %slice3A_531 = vector.extract_strided_slice %get3A_367 {offsets = [8], sizes = [1], strides = [1]} : vector<16xi32> to vector<1xi32>
        %squeeze3A_532 = vector.extract %slice3A_531[0] : i32 from vector<1xi32>
        %shift_right_arithmetic3A_533 = arith.constant 3 : i32
        %shift_right_arithmetic3A_534 = arith.shrsi %squeeze3A_532, %shift_right_arithmetic3A_533 : i32
        %and3A_535 = arith.constant 7 : i32
        %and3A_536 = arith.andi %squeeze3A_532, %and3A_535 : i32
        %mul3A_537 = arith.constant 16 : i32
        %mul3A_538 = arith.muli %and3A_536, %mul3A_537 : i32
        %multiple_of3A_539 = tpu.assume_multiple %mul3A_538, 16 : i32
        %get3A_540 = arith.index_cast %shift_right_arithmetic3A_534 : i32 to index
        %get3A_541 = arith.index_cast %multiple_of3A_539 : i32 to index
        %get3A_542 = tpu.vector_load %arg10[%get3A_540, %get3A_541] {strides = array<i32>} : memref<128x128xi32, #tpu.memory_space<vmem>>, vector<1x16xi32>,
        %get3A_543 = vector.shape_cast %get3A_542 : vector<1x16xi32> to vector<16xi32>
        %add3A_544 = arith.constant 1 : i32
        %add3A_545 = vector.broadcast %add3A_544 : i32 to vector<16xi32>
        %add3A_546 = arith.addi %get3A_543, %add3A_545 : vector<16xi32>
        %swap3A_547 = arith.index_cast %shift_right_arithmetic3A_534 : i32 to index
        %swap3A_548 = arith.index_cast %multiple_of3A_539 : i32 to index
        %swap3A_549 = tpu.vector_load %arg10[%swap3A_547, %swap3A_548] {strides = array<i32>} : memref<128x128xi32, #tpu.memory_space<vmem>>, vector<1x16xi32>,
        %swap3A_550 = vector.shape_cast %swap3A_549 : vector<1x16xi32> to vector<16xi32>
        %swap3A_551 = vector.shape_cast %add3A_546 : vector<16xi32> to vector<1x16xi32>
        tpu.vector_store %arg10[%swap3A_547, %swap3A_548], %swap3A_551 {strides = array<i32>} : memref<128x128xi32, #tpu.memory_space<vmem>>, vector<1x16xi32>,
        %slice3A_552 = vector.extract_strided_slice %get3A_367 {offsets = [9], sizes = [1], strides = [1]} : vector<16xi32> to vector<1xi32>
        %squeeze3A_553 = vector.extract %slice3A_552[0] : i32 from vector<1xi32>
        %shift_right_arithmetic3A_554 = arith.constant 3 : i32
        %shift_right_arithmetic3A_555 = arith.shrsi %squeeze3A_553, %shift_right_arithmetic3A_554 : i32
        %and3A_556 = arith.constant 7 : i32
        %and3A_557 = arith.andi %squeeze3A_553, %and3A_556 : i32
        %mul3A_558 = arith.constant 16 : i32
        %mul3A_559 = arith.muli %and3A_557, %mul3A_558 : i32
        %multiple_of3A_560 = tpu.assume_multiple %mul3A_559, 16 : i32
        %get3A_561 = arith.index_cast %shift_right_arithmetic3A_555 : i32 to index
        %get3A_562 = arith.index_cast %multiple_of3A_560 : i32 to index
        %get3A_563 = tpu.vector_load %arg10[%get3A_561, %get3A_562] {strides = array<i32>} : memref<128x128xi32, #tpu.memory_space<vmem>>, vector<1x16xi32>,
        %get3A_564 = vector.shape_cast %get3A_563 : vector<1x16xi32> to vector<16xi32>
        %add3A_565 = arith.constant 1 : i32
        %add3A_566 = vector.broadcast %add3A_565 : i32 to vector<16xi32>
        %add3A_567 = arith.addi %get3A_564, %add3A_566 : vector<16xi32>
        %swap3A_568 = arith.index_cast %shift_right_arithmetic3A_555 : i32 to index
        %swap3A_569 = arith.index_cast %multiple_of3A_560 : i32 to index
        %swap3A_570 = tpu.vector_load %arg10[%swap3A_568, %swap3A_569] {strides = array<i32>} : memref<128x128xi32, #tpu.memory_space<vmem>>, vector<1x16xi32>,
        %swap3A_571 = vector.shape_cast %swap3A_570 : vector<1x16xi32> to vector<16xi32>
        %swap3A_572 = vector.shape_cast %add3A_567 : vector<16xi32> to vector<1x16xi32>
        tpu.vector_store %arg10[%swap3A_568, %swap3A_569], %swap3A_572 {strides = array<i32>} : memref<128x128xi32, #tpu.memory_space<vmem>>, vector<1x16xi32>,
        %slice3A_573 = vector.extract_strided_slice %get3A_367 {offsets = [10], sizes = [1], strides = [1]} : vector<16xi32> to vector<1xi32>
        %squeeze3A_574 = vector.extract %slice3A_573[0] : i32 from vector<1xi32>
        %shift_right_arithmetic3A_575 = arith.constant 3 : i32
        %shift_right_arithmetic3A_576 = arith.shrsi %squeeze3A_574, %shift_right_arithmetic3A_575 : i32
        %and3A_577 = arith.constant 7 : i32
        %and3A_578 = arith.andi %squeeze3A_574, %and3A_577 : i32
        %mul3A_579 = arith.constant 16 : i32
        %mul3A_580 = arith.muli %and3A_578, %mul3A_579 : i32
        %multiple_of3A_581 = tpu.assume_multiple %mul3A_580, 16 : i32
        %get3A_582 = arith.index_cast %shift_right_arithmetic3A_576 : i32 to index
        %get3A_583 = arith.index_cast %multiple_of3A_581 : i32 to index
        %get3A_584 = tpu.vector_load %arg10[%get3A_582, %get3A_583] {strides = array<i32>} : memref<128x128xi32, #tpu.memory_space<vmem>>, vector<1x16xi32>,
        %get3A_585 = vector.shape_cast %get3A_584 : vector<1x16xi32> to vector<16xi32>
        %add3A_586 = arith.constant 1 : i32
        %add3A_587 = vector.broadcast %add3A_586 : i32 to vector<16xi32>
        %add3A_588 = arith.addi %get3A_585, %add3A_587 : vector<16xi32>
        %swap3A_589 = arith.index_cast %shift_right_arithmetic3A_576 : i32 to index
        %swap3A_590 = arith.index_cast %multiple_of3A_581 : i32 to index
        %swap3A_591 = tpu.vector_load %arg10[%swap3A_589, %swap3A_590] {strides = array<i32>} : memref<128x128xi32, #tpu.memory_space<vmem>>, vector<1x16xi32>,
        %swap3A_592 = vector.shape_cast %swap3A_591 : vector<1x16xi32> to vector<16xi32>
        %swap3A_593 = vector.shape_cast %add3A_588 : vector<16xi32> to vector<1x16xi32>
        tpu.vector_store %arg10[%swap3A_589, %swap3A_590], %swap3A_593 {strides = array<i32>} : memref<128x128xi32, #tpu.memory_space<vmem>>, vector<1x16xi32>,
        %slice3A_594 = vector.extract_strided_slice %get3A_367 {offsets = [11], sizes = [1], strides = [1]} : vector<16xi32> to vector<1xi32>
        %squeeze3A_595 = vector.extract %slice3A_594[0] : i32 from vector<1xi32>
        %shift_right_arithmetic3A_596 = arith.constant 3 : i32
        %shift_right_arithmetic3A_597 = arith.shrsi %squeeze3A_595, %shift_right_arithmetic3A_596 : i32
        %and3A_598 = arith.constant 7 : i32
        %and3A_599 = arith.andi %squeeze3A_595, %and3A_598 : i32
        %mul3A_600 = arith.constant 16 : i32
        %mul3A_601 = arith.muli %and3A_599, %mul3A_600 : i32
        %multiple_of3A_602 = tpu.assume_multiple %mul3A_601, 16 : i32
        %get3A_603 = arith.index_cast %shift_right_arithmetic3A_597 : i32 to index
        %get3A_604 = arith.index_cast %multiple_of3A_602 : i32 to index
        %get3A_605 = tpu.vector_load %arg10[%get3A_603, %get3A_604] {strides = array<i32>} : memref<128x128xi32, #tpu.memory_space<vmem>>, vector<1x16xi32>,
        %get3A_606 = vector.shape_cast %get3A_605 : vector<1x16xi32> to vector<16xi32>
        %add3A_607 = arith.constant 1 : i32
        %add3A_608 = vector.broadcast %add3A_607 : i32 to vector<16xi32>
        %add3A_609 = arith.addi %get3A_606, %add3A_608 : vector<16xi32>
        %swap3A_610 = arith.index_cast %shift_right_arithmetic3A_597 : i32 to index
        %swap3A_611 = arith.index_cast %multiple_of3A_602 : i32 to index
        %swap3A_612 = tpu.vector_load %arg10[%swap3A_610, %swap3A_611] {strides = array<i32>} : memref<128x128xi32, #tpu.memory_space<vmem>>, vector<1x16xi32>,
        %swap3A_613 = vector.shape_cast %swap3A_612 : vector<1x16xi32> to vector<16xi32>
        %swap3A_614 = vector.shape_cast %add3A_609 : vector<16xi32> to vector<1x16xi32>
        tpu.vector_store %arg10[%swap3A_610, %swap3A_611], %swap3A_614 {strides = array<i32>} : memref<128x128xi32, #tpu.memory_space<vmem>>, vector<1x16xi32>,
        %slice3A_615 = vector.extract_strided_slice %get3A_367 {offsets = [12], sizes = [1], strides = [1]} : vector<16xi32> to vector<1xi32>
        %squeeze3A_616 = vector.extract %slice3A_615[0] : i32 from vector<1xi32>
        %shift_right_arithmetic3A_617 = arith.constant 3 : i32
        %shift_right_arithmetic3A_618 = arith.shrsi %squeeze3A_616, %shift_right_arithmetic3A_617 : i32
        %and3A_619 = arith.constant 7 : i32
        %and3A_620 = arith.andi %squeeze3A_616, %and3A_619 : i32
        %mul3A_621 = arith.constant 16 : i32
        %mul3A_622 = arith.muli %and3A_620, %mul3A_621 : i32
        %multiple_of3A_623 = tpu.assume_multiple %mul3A_622, 16 : i32
        %get3A_624 = arith.index_cast %shift_right_arithmetic3A_618 : i32 to index
        %get3A_625 = arith.index_cast %multiple_of3A_623 : i32 to index
        %get3A_626 = tpu.vector_load %arg10[%get3A_624, %get3A_625] {strides = array<i32>} : memref<128x128xi32, #tpu.memory_space<vmem>>, vector<1x16xi32>,
        %get3A_627 = vector.shape_cast %get3A_626 : vector<1x16xi32> to vector<16xi32>
        %add3A_628 = arith.constant 1 : i32
        %add3A_629 = vector.broadcast %add3A_628 : i32 to vector<16xi32>
        %add3A_630 = arith.addi %get3A_627, %add3A_629 : vector<16xi32>
        %swap3A_631 = arith.index_cast %shift_right_arithmetic3A_618 : i32 to index
        %swap3A_632 = arith.index_cast %multiple_of3A_623 : i32 to index
        %swap3A_633 = tpu.vector_load %arg10[%swap3A_631, %swap3A_632] {strides = array<i32>} : memref<128x128xi32, #tpu.memory_space<vmem>>, vector<1x16xi32>,
        %swap3A_634 = vector.shape_cast %swap3A_633 : vector<1x16xi32> to vector<16xi32>
        %swap3A_635 = vector.shape_cast %add3A_630 : vector<16xi32> to vector<1x16xi32>
        tpu.vector_store %arg10[%swap3A_631, %swap3A_632], %swap3A_635 {strides = array<i32>} : memref<128x128xi32, #tpu.memory_space<vmem>>, vector<1x16xi32>,
        %slice3A_636 = vector.extract_strided_slice %get3A_367 {offsets = [13], sizes = [1], strides = [1]} : vector<16xi32> to vector<1xi32>
        %squeeze3A_637 = vector.extract %slice3A_636[0] : i32 from vector<1xi32>
        %shift_right_arithmetic3A_638 = arith.constant 3 : i32
        %shift_right_arithmetic3A_639 = arith.shrsi %squeeze3A_637, %shift_right_arithmetic3A_638 : i32
        %and3A_640 = arith.constant 7 : i32
        %and3A_641 = arith.andi %squeeze3A_637, %and3A_640 : i32
        %mul3A_642 = arith.constant 16 : i32
        %mul3A_643 = arith.muli %and3A_641, %mul3A_642 : i32
        %multiple_of3A_644 = tpu.assume_multiple %mul3A_643, 16 : i32
        %get3A_645 = arith.index_cast %shift_right_arithmetic3A_639 : i32 to index
        %get3A_646 = arith.index_cast %multiple_of3A_644 : i32 to index
        %get3A_647 = tpu.vector_load %arg10[%get3A_645, %get3A_646] {strides = array<i32>} : memref<128x128xi32, #tpu.memory_space<vmem>>, vector<1x16xi32>,
        %get3A_648 = vector.shape_cast %get3A_647 : vector<1x16xi32> to vector<16xi32>
        %add3A_649 = arith.constant 1 : i32
        %add3A_650 = vector.broadcast %add3A_649 : i32 to vector<16xi32>
        %add3A_651 = arith.addi %get3A_648, %add3A_650 : vector<16xi32>
        %swap3A_652 = arith.index_cast %shift_right_arithmetic3A_639 : i32 to index
        %swap3A_653 = arith.index_cast %multiple_of3A_644 : i32 to index
        %swap3A_654 = tpu.vector_load %arg10[%swap3A_652, %swap3A_653] {strides = array<i32>} : memref<128x128xi32, #tpu.memory_space<vmem>>, vector<1x16xi32>,
        %swap3A_655 = vector.shape_cast %swap3A_654 : vector<1x16xi32> to vector<16xi32>
        %swap3A_656 = vector.shape_cast %add3A_651 : vector<16xi32> to vector<1x16xi32>
        tpu.vector_store %arg10[%swap3A_652, %swap3A_653], %swap3A_656 {strides = array<i32>} : memref<128x128xi32, #tpu.memory_space<vmem>>, vector<1x16xi32>,
        %slice3A_657 = vector.extract_strided_slice %get3A_367 {offsets = [14], sizes = [1], strides = [1]} : vector<16xi32> to vector<1xi32>
        %squeeze3A_658 = vector.extract %slice3A_657[0] : i32 from vector<1xi32>
        %shift_right_arithmetic3A_659 = arith.constant 3 : i32
        %shift_right_arithmetic3A_660 = arith.shrsi %squeeze3A_658, %shift_right_arithmetic3A_659 : i32
        %and3A_661 = arith.constant 7 : i32
        %and3A_662 = arith.andi %squeeze3A_658, %and3A_661 : i32
        %mul3A_663 = arith.constant 16 : i32
        %mul3A_664 = arith.muli %and3A_662, %mul3A_663 : i32
        %multiple_of3A_665 = tpu.assume_multiple %mul3A_664, 16 : i32
        %get3A_666 = arith.index_cast %shift_right_arithmetic3A_660 : i32 to index
        %get3A_667 = arith.index_cast %multiple_of3A_665 : i32 to index
        %get3A_668 = tpu.vector_load %arg10[%get3A_666, %get3A_667] {strides = array<i32>} : memref<128x128xi32, #tpu.memory_space<vmem>>, vector<1x16xi32>,
        %get3A_669 = vector.shape_cast %get3A_668 : vector<1x16xi32> to vector<16xi32>
        %add3A_670 = arith.constant 1 : i32
        %add3A_671 = vector.broadcast %add3A_670 : i32 to vector<16xi32>
        %add3A_672 = arith.addi %get3A_669, %add3A_671 : vector<16xi32>
        %swap3A_673 = arith.index_cast %shift_right_arithmetic3A_660 : i32 to index
        %swap3A_674 = arith.index_cast %multiple_of3A_665 : i32 to index
        %swap3A_675 = tpu.vector_load %arg10[%swap3A_673, %swap3A_674] {strides = array<i32>} : memref<128x128xi32, #tpu.memory_space<vmem>>, vector<1x16xi32>,
        %swap3A_676 = vector.shape_cast %swap3A_675 : vector<1x16xi32> to vector<16xi32>
        %swap3A_677 = vector.shape_cast %add3A_672 : vector<16xi32> to vector<1x16xi32>
        tpu.vector_store %arg10[%swap3A_673, %swap3A_674], %swap3A_677 {strides = array<i32>} : memref<128x128xi32, #tpu.memory_space<vmem>>, vector<1x16xi32>,
        %slice3A_678 = vector.extract_strided_slice %get3A_367 {offsets = [15], sizes = [1], strides = [1]} : vector<16xi32> to vector<1xi32>
        %squeeze3A_679 = vector.extract %slice3A_678[0] : i32 from vector<1xi32>
        %shift_right_arithmetic3A_680 = arith.constant 3 : i32
        %shift_right_arithmetic3A_681 = arith.shrsi %squeeze3A_679, %shift_right_arithmetic3A_680 : i32
        %and3A_682 = arith.constant 7 : i32
        %and3A_683 = arith.andi %squeeze3A_679, %and3A_682 : i32
        %mul3A_684 = arith.constant 16 : i32
        %mul3A_685 = arith.muli %and3A_683, %mul3A_684 : i32
        %multiple_of3A_686 = tpu.assume_multiple %mul3A_685, 16 : i32
        %get3A_687 = arith.index_cast %shift_right_arithmetic3A_681 : i32 to index
        %get3A_688 = arith.index_cast %multiple_of3A_686 : i32 to index
        %get3A_689 = tpu.vector_load %arg10[%get3A_687, %get3A_688] {strides = array<i32>} : memref<128x128xi32, #tpu.memory_space<vmem>>, vector<1x16xi32>,
        %get3A_690 = vector.shape_cast %get3A_689 : vector<1x16xi32> to vector<16xi32>
        %add3A_691 = arith.constant 1 : i32
        %add3A_692 = vector.broadcast %add3A_691 : i32 to vector<16xi32>
        %add3A_693 = arith.addi %get3A_690, %add3A_692 : vector<16xi32>
        %swap3A_694 = arith.index_cast %shift_right_arithmetic3A_681 : i32 to index
        %swap3A_695 = arith.index_cast %multiple_of3A_686 : i32 to index
        %swap3A_696 = tpu.vector_load %arg10[%swap3A_694, %swap3A_695] {strides = array<i32>} : memref<128x128xi32, #tpu.memory_space<vmem>>, vector<1x16xi32>,
        %swap3A_697 = vector.shape_cast %swap3A_696 : vector<1x16xi32> to vector<16xi32>
        %swap3A_698 = vector.shape_cast %add3A_693 : vector<16xi32> to vector<1x16xi32>
        tpu.vector_store %arg10[%swap3A_694, %swap3A_695], %swap3A_698 {strides = array<i32>} : memref<128x128xi32, #tpu.memory_space<vmem>>, vector<1x16xi32>,
        %mul3A_699 = arith.constant 16 : i32
        %mul3A_700 = arith.muli %scan3A_361, %mul3A_699 : i32
        %multiple_of3A_701 = tpu.assume_multiple %mul3A_700, 16 : i32
        %get3A_702 = arith.constant 1 : i32
        %get3A_703 = arith.index_cast %get3A_702 : i32 to index
        %get3A_704 = arith.index_cast %multiple_of3A_701 : i32 to index
        %get3A_705 = tpu.vector_load %arg8[%get3A_703, %get3A_704] {strides = array<i32>} : memref<2x128xi32, #tpu.memory_space<vmem>>, vector<1x16xi32>,
        %get3A_706 = vector.shape_cast %get3A_705 : vector<1x16xi32> to vector<16xi32>
        %slice3A_707 = vector.extract_strided_slice %get3A_706 {offsets = [0], sizes = [1], strides = [1]} : vector<16xi32> to vector<1xi32>
        %squeeze3A_708 = vector.extract %slice3A_707[0] : i32 from vector<1xi32>
        %shift_right_arithmetic3A_709 = arith.constant 3 : i32
        %shift_right_arithmetic3A_710 = arith.shrsi %squeeze3A_708, %shift_right_arithmetic3A_709 : i32
        %and3A_711 = arith.constant 7 : i32
        %and3A_712 = arith.andi %squeeze3A_708, %and3A_711 : i32
        %mul3A_713 = arith.constant 16 : i32
        %mul3A_714 = arith.muli %and3A_712, %mul3A_713 : i32
        %multiple_of3A_715 = tpu.assume_multiple %mul3A_714, 16 : i32
        %get3A_716 = arith.index_cast %shift_right_arithmetic3A_710 : i32 to index
        %get3A_717 = arith.index_cast %multiple_of3A_715 : i32 to index
        %get3A_718 = tpu.vector_load %arg10[%get3A_716, %get3A_717] {strides = array<i32>} : memref<128x128xi32, #tpu.memory_space<vmem>>, vector<1x16xi32>,
        %get3A_719 = vector.shape_cast %get3A_718 : vector<1x16xi32> to vector<16xi32>
        %add3A_720 = arith.constant 1 : i32
        %add3A_721 = vector.broadcast %add3A_720 : i32 to vector<16xi32>
        %add3A_722 = arith.addi %get3A_719, %add3A_721 : vector<16xi32>
        %swap3A_723 = arith.index_cast %shift_right_arithmetic3A_710 : i32 to index
        %swap3A_724 = arith.index_cast %multiple_of3A_715 : i32 to index
        %swap3A_725 = tpu.vector_load %arg10[%swap3A_723, %swap3A_724] {strides = array<i32>} : memref<128x128xi32, #tpu.memory_space<vmem>>, vector<1x16xi32>,
        %swap3A_726 = vector.shape_cast %swap3A_725 : vector<1x16xi32> to vector<16xi32>
        %swap3A_727 = vector.shape_cast %add3A_722 : vector<16xi32> to vector<1x16xi32>
        tpu.vector_store %arg10[%swap3A_723, %swap3A_724], %swap3A_727 {strides = array<i32>} : memref<128x128xi32, #tpu.memory_space<vmem>>, vector<1x16xi32>,
        %slice3A_728 = vector.extract_strided_slice %get3A_706 {offsets = [1], sizes = [1], strides = [1]} : vector<16xi32> to vector<1xi32>
        %squeeze3A_729 = vector.extract %slice3A_728[0] : i32 from vector<1xi32>
        %shift_right_arithmetic3A_730 = arith.constant 3 : i32
        %shift_right_arithmetic3A_731 = arith.shrsi %squeeze3A_729, %shift_right_arithmetic3A_730 : i32
        %and3A_732 = arith.constant 7 : i32
        %and3A_733 = arith.andi %squeeze3A_729, %and3A_732 : i32
        %mul3A_734 = arith.constant 16 : i32
        %mul3A_735 = arith.muli %and3A_733, %mul3A_734 : i32
        %multiple_of3A_736 = tpu.assume_multiple %mul3A_735, 16 : i32
        %get3A_737 = arith.index_cast %shift_right_arithmetic3A_731 : i32 to index
        %get3A_738 = arith.index_cast %multiple_of3A_736 : i32 to index
        %get3A_739 = tpu.vector_load %arg10[%get3A_737, %get3A_738] {strides = array<i32>} : memref<128x128xi32, #tpu.memory_space<vmem>>, vector<1x16xi32>,
        %get3A_740 = vector.shape_cast %get3A_739 : vector<1x16xi32> to vector<16xi32>
        %add3A_741 = arith.constant 1 : i32
        %add3A_742 = vector.broadcast %add3A_741 : i32 to vector<16xi32>
        %add3A_743 = arith.addi %get3A_740, %add3A_742 : vector<16xi32>
        %swap3A_744 = arith.index_cast %shift_right_arithmetic3A_731 : i32 to index
        %swap3A_745 = arith.index_cast %multiple_of3A_736 : i32 to index
        %swap3A_746 = tpu.vector_load %arg10[%swap3A_744, %swap3A_745] {strides = array<i32>} : memref<128x128xi32, #tpu.memory_space<vmem>>, vector<1x16xi32>,
        %swap3A_747 = vector.shape_cast %swap3A_746 : vector<1x16xi32> to vector<16xi32>
        %swap3A_748 = vector.shape_cast %add3A_743 : vector<16xi32> to vector<1x16xi32>
        tpu.vector_store %arg10[%swap3A_744, %swap3A_745], %swap3A_748 {strides = array<i32>} : memref<128x128xi32, #tpu.memory_space<vmem>>, vector<1x16xi32>,
        %slice3A_749 = vector.extract_strided_slice %get3A_706 {offsets = [2], sizes = [1], strides = [1]} : vector<16xi32> to vector<1xi32>
        %squeeze3A_750 = vector.extract %slice3A_749[0] : i32 from vector<1xi32>
        %shift_right_arithmetic3A_751 = arith.constant 3 : i32
        %shift_right_arithmetic3A_752 = arith.shrsi %squeeze3A_750, %shift_right_arithmetic3A_751 : i32
        %and3A_753 = arith.constant 7 : i32
        %and3A_754 = arith.andi %squeeze3A_750, %and3A_753 : i32
        %mul3A_755 = arith.constant 16 : i32
        %mul3A_756 = arith.muli %and3A_754, %mul3A_755 : i32
        %multiple_of3A_757 = tpu.assume_multiple %mul3A_756, 16 : i32
        %get3A_758 = arith.index_cast %shift_right_arithmetic3A_752 : i32 to index
        %get3A_759 = arith.index_cast %multiple_of3A_757 : i32 to index
        %get3A_760 = tpu.vector_load %arg10[%get3A_758, %get3A_759] {strides = array<i32>} : memref<128x128xi32, #tpu.memory_space<vmem>>, vector<1x16xi32>,
        %get3A_761 = vector.shape_cast %get3A_760 : vector<1x16xi32> to vector<16xi32>
        %add3A_762 = arith.constant 1 : i32
        %add3A_763 = vector.broadcast %add3A_762 : i32 to vector<16xi32>
        %add3A_764 = arith.addi %get3A_761, %add3A_763 : vector<16xi32>
        %swap3A_765 = arith.index_cast %shift_right_arithmetic3A_752 : i32 to index
        %swap3A_766 = arith.index_cast %multiple_of3A_757 : i32 to index
        %swap3A_767 = tpu.vector_load %arg10[%swap3A_765, %swap3A_766] {strides = array<i32>} : memref<128x128xi32, #tpu.memory_space<vmem>>, vector<1x16xi32>,
        %swap3A_768 = vector.shape_cast %swap3A_767 : vector<1x16xi32> to vector<16xi32>
        %swap3A_769 = vector.shape_cast %add3A_764 : vector<16xi32> to vector<1x16xi32>
        tpu.vector_store %arg10[%swap3A_765, %swap3A_766], %swap3A_769 {strides = array<i32>} : memref<128x128xi32, #tpu.memory_space<vmem>>, vector<1x16xi32>,
        %slice3A_770 = vector.extract_strided_slice %get3A_706 {offsets = [3], sizes = [1], strides = [1]} : vector<16xi32> to vector<1xi32>
        %squeeze3A_771 = vector.extract %slice3A_770[0] : i32 from vector<1xi32>
        %shift_right_arithmetic3A_772 = arith.constant 3 : i32
        %shift_right_arithmetic3A_773 = arith.shrsi %squeeze3A_771, %shift_right_arithmetic3A_772 : i32
        %and3A_774 = arith.constant 7 : i32
        %and3A_775 = arith.andi %squeeze3A_771, %and3A_774 : i32
        %mul3A_776 = arith.constant 16 : i32
        %mul3A_777 = arith.muli %and3A_775, %mul3A_776 : i32
        %multiple_of3A_778 = tpu.assume_multiple %mul3A_777, 16 : i32
        %get3A_779 = arith.index_cast %shift_right_arithmetic3A_773 : i32 to index
        %get3A_780 = arith.index_cast %multiple_of3A_778 : i32 to index
        %get3A_781 = tpu.vector_load %arg10[%get3A_779, %get3A_780] {strides = array<i32>} : memref<128x128xi32, #tpu.memory_space<vmem>>, vector<1x16xi32>,
        %get3A_782 = vector.shape_cast %get3A_781 : vector<1x16xi32> to vector<16xi32>
        %add3A_783 = arith.constant 1 : i32
        %add3A_784 = vector.broadcast %add3A_783 : i32 to vector<16xi32>
        %add3A_785 = arith.addi %get3A_782, %add3A_784 : vector<16xi32>
        %swap3A_786 = arith.index_cast %shift_right_arithmetic3A_773 : i32 to index
        %swap3A_787 = arith.index_cast %multiple_of3A_778 : i32 to index
        %swap3A_788 = tpu.vector_load %arg10[%swap3A_786, %swap3A_787] {strides = array<i32>} : memref<128x128xi32, #tpu.memory_space<vmem>>, vector<1x16xi32>,
        %swap3A_789 = vector.shape_cast %swap3A_788 : vector<1x16xi32> to vector<16xi32>
        %swap3A_790 = vector.shape_cast %add3A_785 : vector<16xi32> to vector<1x16xi32>
        tpu.vector_store %arg10[%swap3A_786, %swap3A_787], %swap3A_790 {strides = array<i32>} : memref<128x128xi32, #tpu.memory_space<vmem>>, vector<1x16xi32>,
        %slice3A_791 = vector.extract_strided_slice %get3A_706 {offsets = [4], sizes = [1], strides = [1]} : vector<16xi32> to vector<1xi32>
        %squeeze3A_792 = vector.extract %slice3A_791[0] : i32 from vector<1xi32>
        %shift_right_arithmetic3A_793 = arith.constant 3 : i32
        %shift_right_arithmetic3A_794 = arith.shrsi %squeeze3A_792, %shift_right_arithmetic3A_793 : i32
        %and3A_795 = arith.constant 7 : i32
        %and3A_796 = arith.andi %squeeze3A_792, %and3A_795 : i32
        %mul3A_797 = arith.constant 16 : i32
        %mul3A_798 = arith.muli %and3A_796, %mul3A_797 : i32
        %multiple_of3A_799 = tpu.assume_multiple %mul3A_798, 16 : i32
        %get3A_800 = arith.index_cast %shift_right_arithmetic3A_794 : i32 to index
        %get3A_801 = arith.index_cast %multiple_of3A_799 : i32 to index
        %get3A_802 = tpu.vector_load %arg10[%get3A_800, %get3A_801] {strides = array<i32>} : memref<128x128xi32, #tpu.memory_space<vmem>>, vector<1x16xi32>,
        %get3A_803 = vector.shape_cast %get3A_802 : vector<1x16xi32> to vector<16xi32>
        %add3A_804 = arith.constant 1 : i32
        %add3A_805 = vector.broadcast %add3A_804 : i32 to vector<16xi32>
        %add3A_806 = arith.addi %get3A_803, %add3A_805 : vector<16xi32>
        %swap3A_807 = arith.index_cast %shift_right_arithmetic3A_794 : i32 to index
        %swap3A_808 = arith.index_cast %multiple_of3A_799 : i32 to index
        %swap3A_809 = tpu.vector_load %arg10[%swap3A_807, %swap3A_808] {strides = array<i32>} : memref<128x128xi32, #tpu.memory_space<vmem>>, vector<1x16xi32>,
        %swap3A_810 = vector.shape_cast %swap3A_809 : vector<1x16xi32> to vector<16xi32>
        %swap3A_811 = vector.shape_cast %add3A_806 : vector<16xi32> to vector<1x16xi32>
        tpu.vector_store %arg10[%swap3A_807, %swap3A_808], %swap3A_811 {strides = array<i32>} : memref<128x128xi32, #tpu.memory_space<vmem>>, vector<1x16xi32>,
        %slice3A_812 = vector.extract_strided_slice %get3A_706 {offsets = [5], sizes = [1], strides = [1]} : vector<16xi32> to vector<1xi32>
        %squeeze3A_813 = vector.extract %slice3A_812[0] : i32 from vector<1xi32>
        %shift_right_arithmetic3A_814 = arith.constant 3 : i32
        %shift_right_arithmetic3A_815 = arith.shrsi %squeeze3A_813, %shift_right_arithmetic3A_814 : i32
        %and3A_816 = arith.constant 7 : i32
        %and3A_817 = arith.andi %squeeze3A_813, %and3A_816 : i32
        %mul3A_818 = arith.constant 16 : i32
        %mul3A_819 = arith.muli %and3A_817, %mul3A_818 : i32
        %multiple_of3A_820 = tpu.assume_multiple %mul3A_819, 16 : i32
        %get3A_821 = arith.index_cast %shift_right_arithmetic3A_815 : i32 to index
        %get3A_822 = arith.index_cast %multiple_of3A_820 : i32 to index
        %get3A_823 = tpu.vector_load %arg10[%get3A_821, %get3A_822] {strides = array<i32>} : memref<128x128xi32, #tpu.memory_space<vmem>>, vector<1x16xi32>,
        %get3A_824 = vector.shape_cast %get3A_823 : vector<1x16xi32> to vector<16xi32>
        %add3A_825 = arith.constant 1 : i32
        %add3A_826 = vector.broadcast %add3A_825 : i32 to vector<16xi32>
        %add3A_827 = arith.addi %get3A_824, %add3A_826 : vector<16xi32>
        %swap3A_828 = arith.index_cast %shift_right_arithmetic3A_815 : i32 to index
        %swap3A_829 = arith.index_cast %multiple_of3A_820 : i32 to index
        %swap3A_830 = tpu.vector_load %arg10[%swap3A_828, %swap3A_829] {strides = array<i32>} : memref<128x128xi32, #tpu.memory_space<vmem>>, vector<1x16xi32>,
        %swap3A_831 = vector.shape_cast %swap3A_830 : vector<1x16xi32> to vector<16xi32>
        %swap3A_832 = vector.shape_cast %add3A_827 : vector<16xi32> to vector<1x16xi32>
        tpu.vector_store %arg10[%swap3A_828, %swap3A_829], %swap3A_832 {strides = array<i32>} : memref<128x128xi32, #tpu.memory_space<vmem>>, vector<1x16xi32>,
        %slice3A_833 = vector.extract_strided_slice %get3A_706 {offsets = [6], sizes = [1], strides = [1]} : vector<16xi32> to vector<1xi32>
        %squeeze3A_834 = vector.extract %slice3A_833[0] : i32 from vector<1xi32>
        %shift_right_arithmetic3A_835 = arith.constant 3 : i32
        %shift_right_arithmetic3A_836 = arith.shrsi %squeeze3A_834, %shift_right_arithmetic3A_835 : i32
        %and3A_837 = arith.constant 7 : i32
        %and3A_838 = arith.andi %squeeze3A_834, %and3A_837 : i32
        %mul3A_839 = arith.constant 16 : i32
        %mul3A_840 = arith.muli %and3A_838, %mul3A_839 : i32
        %multiple_of3A_841 = tpu.assume_multiple %mul3A_840, 16 : i32
        %get3A_842 = arith.index_cast %shift_right_arithmetic3A_836 : i32 to index
        %get3A_843 = arith.index_cast %multiple_of3A_841 : i32 to index
        %get3A_844 = tpu.vector_load %arg10[%get3A_842, %get3A_843] {strides = array<i32>} : memref<128x128xi32, #tpu.memory_space<vmem>>, vector<1x16xi32>,
        %get3A_845 = vector.shape_cast %get3A_844 : vector<1x16xi32> to vector<16xi32>
        %add3A_846 = arith.constant 1 : i32
        %add3A_847 = vector.broadcast %add3A_846 : i32 to vector<16xi32>
        %add3A_848 = arith.addi %get3A_845, %add3A_847 : vector<16xi32>
        %swap3A_849 = arith.index_cast %shift_right_arithmetic3A_836 : i32 to index
        %swap3A_850 = arith.index_cast %multiple_of3A_841 : i32 to index
        %swap3A_851 = tpu.vector_load %arg10[%swap3A_849, %swap3A_850] {strides = array<i32>} : memref<128x128xi32, #tpu.memory_space<vmem>>, vector<1x16xi32>,
        %swap3A_852 = vector.shape_cast %swap3A_851 : vector<1x16xi32> to vector<16xi32>
        %swap3A_853 = vector.shape_cast %add3A_848 : vector<16xi32> to vector<1x16xi32>
        tpu.vector_store %arg10[%swap3A_849, %swap3A_850], %swap3A_853 {strides = array<i32>} : memref<128x128xi32, #tpu.memory_space<vmem>>, vector<1x16xi32>,
        %slice3A_854 = vector.extract_strided_slice %get3A_706 {offsets = [7], sizes = [1], strides = [1]} : vector<16xi32> to vector<1xi32>
        %squeeze3A_855 = vector.extract %slice3A_854[0] : i32 from vector<1xi32>
        %shift_right_arithmetic3A_856 = arith.constant 3 : i32
        %shift_right_arithmetic3A_857 = arith.shrsi %squeeze3A_855, %shift_right_arithmetic3A_856 : i32
        %and3A_858 = arith.constant 7 : i32
        %and3A_859 = arith.andi %squeeze3A_855, %and3A_858 : i32
        %mul3A_860 = arith.constant 16 : i32
        %mul3A_861 = arith.muli %and3A_859, %mul3A_860 : i32
        %multiple_of3A_862 = tpu.assume_multiple %mul3A_861, 16 : i32
        %get3A_863 = arith.index_cast %shift_right_arithmetic3A_857 : i32 to index
        %get3A_864 = arith.index_cast %multiple_of3A_862 : i32 to index
        %get3A_865 = tpu.vector_load %arg10[%get3A_863, %get3A_864] {strides = array<i32>} : memref<128x128xi32, #tpu.memory_space<vmem>>, vector<1x16xi32>,
        %get3A_866 = vector.shape_cast %get3A_865 : vector<1x16xi32> to vector<16xi32>
        %add3A_867 = arith.constant 1 : i32
        %add3A_868 = vector.broadcast %add3A_867 : i32 to vector<16xi32>
        %add3A_869 = arith.addi %get3A_866, %add3A_868 : vector<16xi32>
        %swap3A_870 = arith.index_cast %shift_right_arithmetic3A_857 : i32 to index
        %swap3A_871 = arith.index_cast %multiple_of3A_862 : i32 to index
        %swap3A_872 = tpu.vector_load %arg10[%swap3A_870, %swap3A_871] {strides = array<i32>} : memref<128x128xi32, #tpu.memory_space<vmem>>, vector<1x16xi32>,
        %swap3A_873 = vector.shape_cast %swap3A_872 : vector<1x16xi32> to vector<16xi32>
        %swap3A_874 = vector.shape_cast %add3A_869 : vector<16xi32> to vector<1x16xi32>
        tpu.vector_store %arg10[%swap3A_870, %swap3A_871], %swap3A_874 {strides = array<i32>} : memref<128x128xi32, #tpu.memory_space<vmem>>, vector<1x16xi32>,
        %slice3A_875 = vector.extract_strided_slice %get3A_706 {offsets = [8], sizes = [1], strides = [1]} : vector<16xi32> to vector<1xi32>
        %squeeze3A_876 = vector.extract %slice3A_875[0] : i32 from vector<1xi32>
        %shift_right_arithmetic3A_877 = arith.constant 3 : i32
        %shift_right_arithmetic3A_878 = arith.shrsi %squeeze3A_876, %shift_right_arithmetic3A_877 : i32
        %and3A_879 = arith.constant 7 : i32
        %and3A_880 = arith.andi %squeeze3A_876, %and3A_879 : i32
        %mul3A_881 = arith.constant 16 : i32
        %mul3A_882 = arith.muli %and3A_880, %mul3A_881 : i32
        %multiple_of3A_883 = tpu.assume_multiple %mul3A_882, 16 : i32
        %get3A_884 = arith.index_cast %shift_right_arithmetic3A_878 : i32 to index
        %get3A_885 = arith.index_cast %multiple_of3A_883 : i32 to index
        %get3A_886 = tpu.vector_load %arg10[%get3A_884, %get3A_885] {strides = array<i32>} : memref<128x128xi32, #tpu.memory_space<vmem>>, vector<1x16xi32>,
        %get3A_887 = vector.shape_cast %get3A_886 : vector<1x16xi32> to vector<16xi32>
        %add3A_888 = arith.constant 1 : i32
        %add3A_889 = vector.broadcast %add3A_888 : i32 to vector<16xi32>
        %add3A_890 = arith.addi %get3A_887, %add3A_889 : vector<16xi32>
        %swap3A_891 = arith.index_cast %shift_right_arithmetic3A_878 : i32 to index
        %swap3A_892 = arith.index_cast %multiple_of3A_883 : i32 to index
        %swap3A_893 = tpu.vector_load %arg10[%swap3A_891, %swap3A_892] {strides = array<i32>} : memref<128x128xi32, #tpu.memory_space<vmem>>, vector<1x16xi32>,
        %swap3A_894 = vector.shape_cast %swap3A_893 : vector<1x16xi32> to vector<16xi32>
        %swap3A_895 = vector.shape_cast %add3A_890 : vector<16xi32> to vector<1x16xi32>
        tpu.vector_store %arg10[%swap3A_891, %swap3A_892], %swap3A_895 {strides = array<i32>} : memref<128x128xi32, #tpu.memory_space<vmem>>, vector<1x16xi32>,
        %slice3A_896 = vector.extract_strided_slice %get3A_706 {offsets = [9], sizes = [1], strides = [1]} : vector<16xi32> to vector<1xi32>
        %squeeze3A_897 = vector.extract %slice3A_896[0] : i32 from vector<1xi32>
        %shift_right_arithmetic3A_898 = arith.constant 3 : i32
        %shift_right_arithmetic3A_899 = arith.shrsi %squeeze3A_897, %shift_right_arithmetic3A_898 : i32
        %and3A_900 = arith.constant 7 : i32
        %and3A_901 = arith.andi %squeeze3A_897, %and3A_900 : i32
        %mul3A_902 = arith.constant 16 : i32
        %mul3A_903 = arith.muli %and3A_901, %mul3A_902 : i32
        %multiple_of3A_904 = tpu.assume_multiple %mul3A_903, 16 : i32
        %get3A_905 = arith.index_cast %shift_right_arithmetic3A_899 : i32 to index
        %get3A_906 = arith.index_cast %multiple_of3A_904 : i32 to index
        %get3A_907 = tpu.vector_load %arg10[%get3A_905, %get3A_906] {strides = array<i32>} : memref<128x128xi32, #tpu.memory_space<vmem>>, vector<1x16xi32>,
        %get3A_908 = vector.shape_cast %get3A_907 : vector<1x16xi32> to vector<16xi32>
        %add3A_909 = arith.constant 1 : i32
        %add3A_910 = vector.broadcast %add3A_909 : i32 to vector<16xi32>
        %add3A_911 = arith.addi %get3A_908, %add3A_910 : vector<16xi32>
        %swap3A_912 = arith.index_cast %shift_right_arithmetic3A_899 : i32 to index
        %swap3A_913 = arith.index_cast %multiple_of3A_904 : i32 to index
        %swap3A_914 = tpu.vector_load %arg10[%swap3A_912, %swap3A_913] {strides = array<i32>} : memref<128x128xi32, #tpu.memory_space<vmem>>, vector<1x16xi32>,
        %swap3A_915 = vector.shape_cast %swap3A_914 : vector<1x16xi32> to vector<16xi32>
        %swap3A_916 = vector.shape_cast %add3A_911 : vector<16xi32> to vector<1x16xi32>
        tpu.vector_store %arg10[%swap3A_912, %swap3A_913], %swap3A_916 {strides = array<i32>} : memref<128x128xi32, #tpu.memory_space<vmem>>, vector<1x16xi32>,
        %slice3A_917 = vector.extract_strided_slice %get3A_706 {offsets = [10], sizes = [1], strides = [1]} : vector<16xi32> to vector<1xi32>
        %squeeze3A_918 = vector.extract %slice3A_917[0] : i32 from vector<1xi32>
        %shift_right_arithmetic3A_919 = arith.constant 3 : i32
        %shift_right_arithmetic3A_920 = arith.shrsi %squeeze3A_918, %shift_right_arithmetic3A_919 : i32
        %and3A_921 = arith.constant 7 : i32
        %and3A_922 = arith.andi %squeeze3A_918, %and3A_921 : i32
        %mul3A_923 = arith.constant 16 : i32
        %mul3A_924 = arith.muli %and3A_922, %mul3A_923 : i32
        %multiple_of3A_925 = tpu.assume_multiple %mul3A_924, 16 : i32
        %get3A_926 = arith.index_cast %shift_right_arithmetic3A_920 : i32 to index
        %get3A_927 = arith.index_cast %multiple_of3A_925 : i32 to index
        %get3A_928 = tpu.vector_load %arg10[%get3A_926, %get3A_927] {strides = array<i32>} : memref<128x128xi32, #tpu.memory_space<vmem>>, vector<1x16xi32>,
        %get3A_929 = vector.shape_cast %get3A_928 : vector<1x16xi32> to vector<16xi32>
        %add3A_930 = arith.constant 1 : i32
        %add3A_931 = vector.broadcast %add3A_930 : i32 to vector<16xi32>
        %add3A_932 = arith.addi %get3A_929, %add3A_931 : vector<16xi32>
        %swap3A_933 = arith.index_cast %shift_right_arithmetic3A_920 : i32 to index
        %swap3A_934 = arith.index_cast %multiple_of3A_925 : i32 to index
        %swap3A_935 = tpu.vector_load %arg10[%swap3A_933, %swap3A_934] {strides = array<i32>} : memref<128x128xi32, #tpu.memory_space<vmem>>, vector<1x16xi32>,
        %swap3A_936 = vector.shape_cast %swap3A_935 : vector<1x16xi32> to vector<16xi32>
        %swap3A_937 = vector.shape_cast %add3A_932 : vector<16xi32> to vector<1x16xi32>
        tpu.vector_store %arg10[%swap3A_933, %swap3A_934], %swap3A_937 {strides = array<i32>} : memref<128x128xi32, #tpu.memory_space<vmem>>, vector<1x16xi32>,
        %slice3A_938 = vector.extract_strided_slice %get3A_706 {offsets = [11], sizes = [1], strides = [1]} : vector<16xi32> to vector<1xi32>
        %squeeze3A_939 = vector.extract %slice3A_938[0] : i32 from vector<1xi32>
        %shift_right_arithmetic3A_940 = arith.constant 3 : i32
        %shift_right_arithmetic3A_941 = arith.shrsi %squeeze3A_939, %shift_right_arithmetic3A_940 : i32
        %and3A_942 = arith.constant 7 : i32
        %and3A_943 = arith.andi %squeeze3A_939, %and3A_942 : i32
        %mul3A_944 = arith.constant 16 : i32
        %mul3A_945 = arith.muli %and3A_943, %mul3A_944 : i32
        %multiple_of3A_946 = tpu.assume_multiple %mul3A_945, 16 : i32
        %get3A_947 = arith.index_cast %shift_right_arithmetic3A_941 : i32 to index
        %get3A_948 = arith.index_cast %multiple_of3A_946 : i32 to index
        %get3A_949 = tpu.vector_load %arg10[%get3A_947, %get3A_948] {strides = array<i32>} : memref<128x128xi32, #tpu.memory_space<vmem>>, vector<1x16xi32>,
        %get3A_950 = vector.shape_cast %get3A_949 : vector<1x16xi32> to vector<16xi32>
        %add3A_951 = arith.constant 1 : i32
        %add3A_952 = vector.broadcast %add3A_951 : i32 to vector<16xi32>
        %add3A_953 = arith.addi %get3A_950, %add3A_952 : vector<16xi32>
        %swap3A_954 = arith.index_cast %shift_right_arithmetic3A_941 : i32 to index
        %swap3A_955 = arith.index_cast %multiple_of3A_946 : i32 to index
        %swap3A_956 = tpu.vector_load %arg10[%swap3A_954, %swap3A_955] {strides = array<i32>} : memref<128x128xi32, #tpu.memory_space<vmem>>, vector<1x16xi32>,
        %swap3A_957 = vector.shape_cast %swap3A_956 : vector<1x16xi32> to vector<16xi32>
        %swap3A_958 = vector.shape_cast %add3A_953 : vector<16xi32> to vector<1x16xi32>
        tpu.vector_store %arg10[%swap3A_954, %swap3A_955], %swap3A_958 {strides = array<i32>} : memref<128x128xi32, #tpu.memory_space<vmem>>, vector<1x16xi32>,
        %slice3A_959 = vector.extract_strided_slice %get3A_706 {offsets = [12], sizes = [1], strides = [1]} : vector<16xi32> to vector<1xi32>
        %squeeze3A_960 = vector.extract %slice3A_959[0] : i32 from vector<1xi32>
        %shift_right_arithmetic3A_961 = arith.constant 3 : i32
        %shift_right_arithmetic3A_962 = arith.shrsi %squeeze3A_960, %shift_right_arithmetic3A_961 : i32
        %and3A_963 = arith.constant 7 : i32
        %and3A_964 = arith.andi %squeeze3A_960, %and3A_963 : i32
        %mul3A_965 = arith.constant 16 : i32
        %mul3A_966 = arith.muli %and3A_964, %mul3A_965 : i32
        %multiple_of3A_967 = tpu.assume_multiple %mul3A_966, 16 : i32
        %get3A_968 = arith.index_cast %shift_right_arithmetic3A_962 : i32 to index
        %get3A_969 = arith.index_cast %multiple_of3A_967 : i32 to index
        %get3A_970 = tpu.vector_load %arg10[%get3A_968, %get3A_969] {strides = array<i32>} : memref<128x128xi32, #tpu.memory_space<vmem>>, vector<1x16xi32>,
        %get3A_971 = vector.shape_cast %get3A_970 : vector<1x16xi32> to vector<16xi32>
        %add3A_972 = arith.constant 1 : i32
        %add3A_973 = vector.broadcast %add3A_972 : i32 to vector<16xi32>
        %add3A_974 = arith.addi %get3A_971, %add3A_973 : vector<16xi32>
        %swap3A_975 = arith.index_cast %shift_right_arithmetic3A_962 : i32 to index
        %swap3A_976 = arith.index_cast %multiple_of3A_967 : i32 to index
        %swap3A_977 = tpu.vector_load %arg10[%swap3A_975, %swap3A_976] {strides = array<i32>} : memref<128x128xi32, #tpu.memory_space<vmem>>, vector<1x16xi32>,
        %swap3A_978 = vector.shape_cast %swap3A_977 : vector<1x16xi32> to vector<16xi32>
        %swap3A_979 = vector.shape_cast %add3A_974 : vector<16xi32> to vector<1x16xi32>
        tpu.vector_store %arg10[%swap3A_975, %swap3A_976], %swap3A_979 {strides = array<i32>} : memref<128x128xi32, #tpu.memory_space<vmem>>, vector<1x16xi32>,
        %slice3A_980 = vector.extract_strided_slice %get3A_706 {offsets = [13], sizes = [1], strides = [1]} : vector<16xi32> to vector<1xi32>
        %squeeze3A_981 = vector.extract %slice3A_980[0] : i32 from vector<1xi32>
        %shift_right_arithmetic3A_982 = arith.constant 3 : i32
        %shift_right_arithmetic3A_983 = arith.shrsi %squeeze3A_981, %shift_right_arithmetic3A_982 : i32
        %and3A_984 = arith.constant 7 : i32
        %and3A_985 = arith.andi %squeeze3A_981, %and3A_984 : i32
        %mul3A_986 = arith.constant 16 : i32
        %mul3A_987 = arith.muli %and3A_985, %mul3A_986 : i32
        %multiple_of3A_988 = tpu.assume_multiple %mul3A_987, 16 : i32
        %get3A_989 = arith.index_cast %shift_right_arithmetic3A_983 : i32 to index
        %get3A_990 = arith.index_cast %multiple_of3A_988 : i32 to index
        %get3A_991 = tpu.vector_load %arg10[%get3A_989, %get3A_990] {strides = array<i32>} : memref<128x128xi32, #tpu.memory_space<vmem>>, vector<1x16xi32>,
        %get3A_992 = vector.shape_cast %get3A_991 : vector<1x16xi32> to vector<16xi32>
        %add3A_993 = arith.constant 1 : i32
        %add3A_994 = vector.broadcast %add3A_993 : i32 to vector<16xi32>
        %add3A_995 = arith.addi %get3A_992, %add3A_994 : vector<16xi32>
        %swap3A_996 = arith.index_cast %shift_right_arithmetic3A_983 : i32 to index
        %swap3A_997 = arith.index_cast %multiple_of3A_988 : i32 to index
        %swap3A_998 = tpu.vector_load %arg10[%swap3A_996, %swap3A_997] {strides = array<i32>} : memref<128x128xi32, #tpu.memory_space<vmem>>, vector<1x16xi32>,
        %swap3A_999 = vector.shape_cast %swap3A_998 : vector<1x16xi32> to vector<16xi32>
        %swap3A_1000 = vector.shape_cast %add3A_995 : vector<16xi32> to vector<1x16xi32>
        tpu.vector_store %arg10[%swap3A_996, %swap3A_997], %swap3A_1000 {strides = array<i32>} : memref<128x128xi32, #tpu.memory_space<vmem>>, vector<1x16xi32>,
        %slice3A_1001 = vector.extract_strided_slice %get3A_706 {offsets = [14], sizes = [1], strides = [1]} : vector<16xi32> to vector<1xi32>
        %squeeze3A_1002 = vector.extract %slice3A_1001[0] : i32 from vector<1xi32>
        %shift_right_arithmetic3A_1003 = arith.constant 3 : i32
        %shift_right_arithmetic3A_1004 = arith.shrsi %squeeze3A_1002, %shift_right_arithmetic3A_1003 : i32
        %and3A_1005 = arith.constant 7 : i32
        %and3A_1006 = arith.andi %squeeze3A_1002, %and3A_1005 : i32
        %mul3A_1007 = arith.constant 16 : i32
        %mul3A_1008 = arith.muli %and3A_1006, %mul3A_1007 : i32
        %multiple_of3A_1009 = tpu.assume_multiple %mul3A_1008, 16 : i32
        %get3A_1010 = arith.index_cast %shift_right_arithmetic3A_1004 : i32 to index
        %get3A_1011 = arith.index_cast %multiple_of3A_1009 : i32 to index
        %get3A_1012 = tpu.vector_load %arg10[%get3A_1010, %get3A_1011] {strides = array<i32>} : memref<128x128xi32, #tpu.memory_space<vmem>>, vector<1x16xi32>,
        %get3A_1013 = vector.shape_cast %get3A_1012 : vector<1x16xi32> to vector<16xi32>
        %add3A_1014 = arith.constant 1 : i32
        %add3A_1015 = vector.broadcast %add3A_1014 : i32 to vector<16xi32>
        %add3A_1016 = arith.addi %get3A_1013, %add3A_1015 : vector<16xi32>
        %swap3A_1017 = arith.index_cast %shift_right_arithmetic3A_1004 : i32 to index
        %swap3A_1018 = arith.index_cast %multiple_of3A_1009 : i32 to index
        %swap3A_1019 = tpu.vector_load %arg10[%swap3A_1017, %swap3A_1018] {strides = array<i32>} : memref<128x128xi32, #tpu.memory_space<vmem>>, vector<1x16xi32>,
        %swap3A_1020 = vector.shape_cast %swap3A_1019 : vector<1x16xi32> to vector<16xi32>
        %swap3A_1021 = vector.shape_cast %add3A_1016 : vector<16xi32> to vector<1x16xi32>
        tpu.vector_store %arg10[%swap3A_1017, %swap3A_1018], %swap3A_1021 {strides = array<i32>} : memref<128x128xi32, #tpu.memory_space<vmem>>, vector<1x16xi32>,
        %slice3A_1022 = vector.extract_strided_slice %get3A_706 {offsets = [15], sizes = [1], strides = [1]} : vector<16xi32> to vector<1xi32>
        %squeeze3A_1023 = vector.extract %slice3A_1022[0] : i32 from vector<1xi32>
        %shift_right_arithmetic3A_1024 = arith.constant 3 : i32
        %shift_right_arithmetic3A_1025 = arith.shrsi %squeeze3A_1023, %shift_right_arithmetic3A_1024 : i32
        %and3A_1026 = arith.constant 7 : i32
        %and3A_1027 = arith.andi %squeeze3A_1023, %and3A_1026 : i32
        %mul3A_1028 = arith.constant 16 : i32
        %mul3A_1029 = arith.muli %and3A_1027, %mul3A_1028 : i32
        %multiple_of3A_1030 = tpu.assume_multiple %mul3A_1029, 16 : i32
        %get3A_1031 = arith.index_cast %shift_right_arithmetic3A_1025 : i32 to index
        %get3A_1032 = arith.index_cast %multiple_of3A_1030 : i32 to index
        %get3A_1033 = tpu.vector_load %arg10[%get3A_1031, %get3A_1032] {strides = array<i32>} : memref<128x128xi32, #tpu.memory_space<vmem>>, vector<1x16xi32>,
        %get3A_1034 = vector.shape_cast %get3A_1033 : vector<1x16xi32> to vector<16xi32>
        %add3A_1035 = arith.constant 1 : i32
        %add3A_1036 = vector.broadcast %add3A_1035 : i32 to vector<16xi32>
        %add3A_1037 = arith.addi %get3A_1034, %add3A_1036 : vector<16xi32>
        %swap3A_1038 = arith.index_cast %shift_right_arithmetic3A_1025 : i32 to index
        %swap3A_1039 = arith.index_cast %multiple_of3A_1030 : i32 to index
        %swap3A_1040 = tpu.vector_load %arg10[%swap3A_1038, %swap3A_1039] {strides = array<i32>} : memref<128x128xi32, #tpu.memory_space<vmem>>, vector<1x16xi32>,
        %swap3A_1041 = vector.shape_cast %swap3A_1040 : vector<1x16xi32> to vector<16xi32>
        %swap3A_1042 = vector.shape_cast %add3A_1037 : vector<16xi32> to vector<1x16xi32>
        tpu.vector_store %arg10[%swap3A_1038, %swap3A_1039], %swap3A_1042 {strides = array<i32>} : memref<128x128xi32, #tpu.memory_space<vmem>>, vector<1x16xi32>,
      }
      %scan3A_208 = arith.constant 8 : i32
      %dma_wait3A_209 = arith.constant 0 : i32
      %dma_wait3A_210 = arith.constant 0 : i32
      %dma_wait3A_211 = tpu.memref_slice %arg2[%dma_wait3A_209, %dma_wait3A_210] : memref<320000x128xf32, #tpu.memory_space<hbm>> -> memref<256x128xf32, #tpu.memory_space<hbm>>
      %dma_wait3A_212 = arith.constant 0 : i32
      %dma_wait3A_213 = arith.constant 0 : i32
      %dma_wait3A_214 = tpu.memref_slice %arg2[%dma_wait3A_212, %dma_wait3A_213] : memref<320000x128xf32, #tpu.memory_space<hbm>> -> memref<256x128xf32, #tpu.memory_space<hbm>>
      tpu.wait_dma2 semaphore(%arg13 : memref<!tpu.dma_semaphore, #tpu.memory_space<semaphore_mem>>) src(%dma_wait3A_214 : memref<256x128xf32, #tpu.memory_space<hbm>>) dst(%arg7 : memref<256x128xf32, #tpu.memory_space<vmem>>)
      %dma_wait3A_215 = arith.constant 0 : i32
      %dma_wait3A_216 = arith.constant 0 : i32
      %dma_wait3A_217 = tpu.memref_slice %arg9[%dma_wait3A_215, %dma_wait3A_216] : memref<2x128xi32, #tpu.memory_space<vmem>> -> memref<1x128xi32, #tpu.memory_space<vmem>>
      %dma_wait3A_218 = tpu.memref_squeeze %dma_wait3A_217 : memref<1x128xi32, #tpu.memory_space<vmem>> -> memref<128xi32, #tpu.memory_space<vmem>>
      %dma_wait3A_219 = arith.constant 0 : i32
      %dma_wait3A_220 = tpu.memref_slice %arg3[%dma_wait3A_219] : memref<320000xi32, #tpu.memory_space<hbm>> -> memref<128xi32, #tpu.memory_space<hbm>>
      %dma_wait3A_221 = arith.constant 0 : i32
      %dma_wait3A_222 = tpu.memref_slice %arg9[%dma_wait3A_215, %dma_wait3A_221] : memref<2x128xi32, #tpu.memory_space<vmem>> -> memref<1x128xi32, #tpu.memory_space<vmem>>
      %dma_wait3A_223 = tpu.memref_squeeze %dma_wait3A_222 : memref<1x128xi32, #tpu.memory_space<vmem>> -> memref<128xi32, #tpu.memory_space<vmem>>
      %dma_wait3A_224 = arith.constant 0 : i32
      %dma_wait3A_225 = tpu.memref_slice %arg3[%dma_wait3A_224] : memref<320000xi32, #tpu.memory_space<hbm>> -> memref<128xi32, #tpu.memory_space<hbm>>
      tpu.wait_dma2 semaphore(%arg13 : memref<!tpu.dma_semaphore, #tpu.memory_space<semaphore_mem>>) src(%dma_wait3A_225 : memref<128xi32, #tpu.memory_space<hbm>>) dst(%dma_wait3A_223 : memref<128xi32, #tpu.memory_space<vmem>>)
      %dma_wait3A_226 = arith.constant 1 : i32
      %dma_wait3A_227 = arith.constant 0 : i32
      %dma_wait3A_228 = tpu.memref_slice %arg9[%dma_wait3A_226, %dma_wait3A_227] : memref<2x128xi32, #tpu.memory_space<vmem>> -> memref<1x128xi32, #tpu.memory_space<vmem>>
      %dma_wait3A_229 = tpu.memref_squeeze %dma_wait3A_228 : memref<1x128xi32, #tpu.memory_space<vmem>> -> memref<128xi32, #tpu.memory_space<vmem>>
      %dma_wait3A_230 = arith.constant 0 : i32
      %dma_wait3A_231 = tpu.memref_slice %arg3[%dma_wait3A_230] : memref<320000xi32, #tpu.memory_space<hbm>> -> memref<128xi32, #tpu.memory_space<hbm>>
      %dma_wait3A_232 = arith.constant 0 : i32
      %dma_wait3A_233 = tpu.memref_slice %arg9[%dma_wait3A_226, %dma_wait3A_232] : memref<2x128xi32, #tpu.memory_space<vmem>> -> memref<1x128xi32, #tpu.memory_space<vmem>>
      %dma_wait3A_234 = tpu.memref_squeeze %dma_wait3A_233 : memref<1x128xi32, #tpu.memory_space<vmem>> -> memref<128xi32, #tpu.memory_space<vmem>>
      %dma_wait3A_235 = arith.constant 0 : i32
      %dma_wait3A_236 = tpu.memref_slice %arg3[%dma_wait3A_235] : memref<320000xi32, #tpu.memory_space<hbm>> -> memref<128xi32, #tpu.memory_space<hbm>>
      tpu.wait_dma2 semaphore(%arg13 : memref<!tpu.dma_semaphore, #tpu.memory_space<semaphore_mem>>) src(%dma_wait3A_236 : memref<128xi32, #tpu.memory_space<hbm>>) dst(%dma_wait3A_234 : memref<128xi32, #tpu.memory_space<vmem>>)
      %dma_start3A_237 = arith.constant 0 : i32
      %dma_start3A_238 = arith.constant 0 : i32
      %dma_start3A_239 = arith.constant 0 : i32
      %dma_start3A_240 = tpu.memref_slice %arg7[%dma_start3A_238, %dma_start3A_239] : memref<256x128xf32, #tpu.memory_space<vmem>> -> memref<128x128xf32, #tpu.memory_space<vmem>>
      %dma_start3A_241 = arith.constant 0 : i32
      %dma_start3A_242 = tpu.memref_slice %arg9[%dma_start3A_237, %dma_start3A_241] : memref<2x128xi32, #tpu.memory_space<vmem>> -> memref<1x128xi32, #tpu.memory_space<vmem>>
      %dma_start3A_243 = tpu.memref_squeeze %dma_start3A_242 : memref<1x128xi32, #tpu.memory_space<vmem>> -> memref<128xi32, #tpu.memory_space<vmem>>
      %dma_start3A_244 = arith.constant 0 : i32
      %dma_start3A_245 = arith.constant 0 : i32
      %dma_start3A_246 = tpu.memref_slice %arg11[%dma_start3A_244, %dma_start3A_245] : memref<1024x128xf32, #tpu.memory_space<vmem_shared>> -> memref<1024x128xf32, #tpu.memory_space<vmem_shared>>
      tpu.enqueue_indirect_dma source(%dma_start3A_240 : memref<128x128xf32, #tpu.memory_space<vmem>>) target(%dma_start3A_246 : memref<1024x128xf32, #tpu.memory_space<vmem_shared>>) offsets(%dma_start3A_243 : memref<128xi32, #tpu.memory_space<vmem>>) semaphore(%arg15 : memref<!tpu.dma_semaphore, #tpu.memory_space<semaphore_mem>>) {add = true}
      %dma_start3A_247 = arith.constant 1 : i32
      %dma_start3A_248 = arith.constant 128 : i32
      %dma_start3A_249 = arith.constant 0 : i32
      %dma_start3A_250 = tpu.memref_slice %arg7[%dma_start3A_248, %dma_start3A_249] : memref<256x128xf32, #tpu.memory_space<vmem>> -> memref<128x128xf32, #tpu.memory_space<vmem>>
      %dma_start3A_251 = arith.constant 0 : i32
      %dma_start3A_252 = tpu.memref_slice %arg9[%dma_start3A_247, %dma_start3A_251] : memref<2x128xi32, #tpu.memory_space<vmem>> -> memref<1x128xi32, #tpu.memory_space<vmem>>
      %dma_start3A_253 = tpu.memref_squeeze %dma_start3A_252 : memref<1x128xi32, #tpu.memory_space<vmem>> -> memref<128xi32, #tpu.memory_space<vmem>>
      %dma_start3A_254 = arith.constant 0 : i32
      %dma_start3A_255 = arith.constant 0 : i32
      %dma_start3A_256 = tpu.memref_slice %arg11[%dma_start3A_254, %dma_start3A_255] : memref<1024x128xf32, #tpu.memory_space<vmem_shared>> -> memref<1024x128xf32, #tpu.memory_space<vmem_shared>>
      tpu.enqueue_indirect_dma source(%dma_start3A_250 : memref<128x128xf32, #tpu.memory_space<vmem>>) target(%dma_start3A_256 : memref<1024x128xf32, #tpu.memory_space<vmem_shared>>) offsets(%dma_start3A_253 : memref<128xi32, #tpu.memory_space<vmem>>) semaphore(%arg15 : memref<!tpu.dma_semaphore, #tpu.memory_space<semaphore_mem>>) {add = true}
      %scan3A_257 = arith.constant 0 : i32
      %scan3A_258 = arith.constant 0 : i32
      %scan3A_259 = arith.constant 8 : i32
      %scan3A_260 = arith.addi %scan3A_258, %scan3A_259 : i32
      %scan3A_261 = arith.constant 1 : i32
      scf.for %scan3A_361 = %scan3A_258 to %scan3A_260 step %scan3A_261  : i32 {
        %mul3A_362 = arith.constant 16 : i32
        %mul3A_363 = arith.muli %scan3A_361, %mul3A_362 : i32
        %multiple_of3A = tpu.assume_multiple %mul3A_363, 16 : i32
        %get3A = arith.constant 0 : i32
        %get3A_364 = arith.index_cast %get3A : i32 to index
        %get3A_365 = arith.index_cast %multiple_of3A : i32 to index
        %get3A_366 = tpu.vector_load %arg9[%get3A_364, %get3A_365] {strides = array<i32>} : memref<2x128xi32, #tpu.memory_space<vmem>>, vector<1x16xi32>,
        %get3A_367 = vector.shape_cast %get3A_366 : vector<1x16xi32> to vector<16xi32>
        %slice3A = vector.extract_strided_slice %get3A_367 {offsets = [0], sizes = [1], strides = [1]} : vector<16xi32> to vector<1xi32>
        %squeeze3A = vector.extract %slice3A[0] : i32 from vector<1xi32>
        %shift_right_arithmetic3A = arith.constant 3 : i32
        %shift_right_arithmetic3A_368 = arith.shrsi %squeeze3A, %shift_right_arithmetic3A : i32
        %and3A = arith.constant 7 : i32
        %and3A_369 = arith.andi %squeeze3A, %and3A : i32
        %mul3A_370 = arith.constant 16 : i32
        %mul3A_371 = arith.muli %and3A_369, %mul3A_370 : i32
        %multiple_of3A_372 = tpu.assume_multiple %mul3A_371, 16 : i32
        %get3A_373 = arith.index_cast %shift_right_arithmetic3A_368 : i32 to index
        %get3A_374 = arith.index_cast %multiple_of3A_372 : i32 to index
        %get3A_375 = tpu.vector_load %arg10[%get3A_373, %get3A_374] {strides = array<i32>} : memref<128x128xi32, #tpu.memory_space<vmem>>, vector<1x16xi32>,
        %get3A_376 = vector.shape_cast %get3A_375 : vector<1x16xi32> to vector<16xi32>
        %add3A_377 = arith.constant 1 : i32
        %add3A_378 = vector.broadcast %add3A_377 : i32 to vector<16xi32>
        %add3A_379 = arith.addi %get3A_376, %add3A_378 : vector<16xi32>
        %swap3A = arith.index_cast %shift_right_arithmetic3A_368 : i32 to index
        %swap3A_380 = arith.index_cast %multiple_of3A_372 : i32 to index
        %swap3A_381 = tpu.vector_load %arg10[%swap3A, %swap3A_380] {strides = array<i32>} : memref<128x128xi32, #tpu.memory_space<vmem>>, vector<1x16xi32>,
        %swap3A_382 = vector.shape_cast %swap3A_381 : vector<1x16xi32> to vector<16xi32>
        %swap3A_383 = vector.shape_cast %add3A_379 : vector<16xi32> to vector<1x16xi32>
        tpu.vector_store %arg10[%swap3A, %swap3A_380], %swap3A_383 {strides = array<i32>} : memref<128x128xi32, #tpu.memory_space<vmem>>, vector<1x16xi32>,
        %slice3A_384 = vector.extract_strided_slice %get3A_367 {offsets = [1], sizes = [1], strides = [1]} : vector<16xi32> to vector<1xi32>
        %squeeze3A_385 = vector.extract %slice3A_384[0] : i32 from vector<1xi32>
        %shift_right_arithmetic3A_386 = arith.constant 3 : i32
        %shift_right_arithmetic3A_387 = arith.shrsi %squeeze3A_385, %shift_right_arithmetic3A_386 : i32
        %and3A_388 = arith.constant 7 : i32
        %and3A_389 = arith.andi %squeeze3A_385, %and3A_388 : i32
        %mul3A_390 = arith.constant 16 : i32
        %mul3A_391 = arith.muli %and3A_389, %mul3A_390 : i32
        %multiple_of3A_392 = tpu.assume_multiple %mul3A_391, 16 : i32
        %get3A_393 = arith.index_cast %shift_right_arithmetic3A_387 : i32 to index
        %get3A_394 = arith.index_cast %multiple_of3A_392 : i32 to index
        %get3A_395 = tpu.vector_load %arg10[%get3A_393, %get3A_394] {strides = array<i32>} : memref<128x128xi32, #tpu.memory_space<vmem>>, vector<1x16xi32>,
        %get3A_396 = vector.shape_cast %get3A_395 : vector<1x16xi32> to vector<16xi32>
        %add3A_397 = arith.constant 1 : i32
        %add3A_398 = vector.broadcast %add3A_397 : i32 to vector<16xi32>
        %add3A_399 = arith.addi %get3A_396, %add3A_398 : vector<16xi32>
        %swap3A_400 = arith.index_cast %shift_right_arithmetic3A_387 : i32 to index
        %swap3A_401 = arith.index_cast %multiple_of3A_392 : i32 to index
        %swap3A_402 = tpu.vector_load %arg10[%swap3A_400, %swap3A_401] {strides = array<i32>} : memref<128x128xi32, #tpu.memory_space<vmem>>, vector<1x16xi32>,
        %swap3A_403 = vector.shape_cast %swap3A_402 : vector<1x16xi32> to vector<16xi32>
        %swap3A_404 = vector.shape_cast %add3A_399 : vector<16xi32> to vector<1x16xi32>
        tpu.vector_store %arg10[%swap3A_400, %swap3A_401], %swap3A_404 {strides = array<i32>} : memref<128x128xi32, #tpu.memory_space<vmem>>, vector<1x16xi32>,
        %slice3A_405 = vector.extract_strided_slice %get3A_367 {offsets = [2], sizes = [1], strides = [1]} : vector<16xi32> to vector<1xi32>
        %squeeze3A_406 = vector.extract %slice3A_405[0] : i32 from vector<1xi32>
        %shift_right_arithmetic3A_407 = arith.constant 3 : i32
        %shift_right_arithmetic3A_408 = arith.shrsi %squeeze3A_406, %shift_right_arithmetic3A_407 : i32
        %and3A_409 = arith.constant 7 : i32
        %and3A_410 = arith.andi %squeeze3A_406, %and3A_409 : i32
        %mul3A_411 = arith.constant 16 : i32
        %mul3A_412 = arith.muli %and3A_410, %mul3A_411 : i32
        %multiple_of3A_413 = tpu.assume_multiple %mul3A_412, 16 : i32
        %get3A_414 = arith.index_cast %shift_right_arithmetic3A_408 : i32 to index
        %get3A_415 = arith.index_cast %multiple_of3A_413 : i32 to index
        %get3A_416 = tpu.vector_load %arg10[%get3A_414, %get3A_415] {strides = array<i32>} : memref<128x128xi32, #tpu.memory_space<vmem>>, vector<1x16xi32>,
        %get3A_417 = vector.shape_cast %get3A_416 : vector<1x16xi32> to vector<16xi32>
        %add3A_418 = arith.constant 1 : i32
        %add3A_419 = vector.broadcast %add3A_418 : i32 to vector<16xi32>
        %add3A_420 = arith.addi %get3A_417, %add3A_419 : vector<16xi32>
        %swap3A_421 = arith.index_cast %shift_right_arithmetic3A_408 : i32 to index
        %swap3A_422 = arith.index_cast %multiple_of3A_413 : i32 to index
        %swap3A_423 = tpu.vector_load %arg10[%swap3A_421, %swap3A_422] {strides = array<i32>} : memref<128x128xi32, #tpu.memory_space<vmem>>, vector<1x16xi32>,
        %swap3A_424 = vector.shape_cast %swap3A_423 : vector<1x16xi32> to vector<16xi32>
        %swap3A_425 = vector.shape_cast %add3A_420 : vector<16xi32> to vector<1x16xi32>
        tpu.vector_store %arg10[%swap3A_421, %swap3A_422], %swap3A_425 {strides = array<i32>} : memref<128x128xi32, #tpu.memory_space<vmem>>, vector<1x16xi32>,
        %slice3A_426 = vector.extract_strided_slice %get3A_367 {offsets = [3], sizes = [1], strides = [1]} : vector<16xi32> to vector<1xi32>
        %squeeze3A_427 = vector.extract %slice3A_426[0] : i32 from vector<1xi32>
        %shift_right_arithmetic3A_428 = arith.constant 3 : i32
        %shift_right_arithmetic3A_429 = arith.shrsi %squeeze3A_427, %shift_right_arithmetic3A_428 : i32
        %and3A_430 = arith.constant 7 : i32
        %and3A_431 = arith.andi %squeeze3A_427, %and3A_430 : i32
        %mul3A_432 = arith.constant 16 : i32
        %mul3A_433 = arith.muli %and3A_431, %mul3A_432 : i32
        %multiple_of3A_434 = tpu.assume_multiple %mul3A_433, 16 : i32
        %get3A_435 = arith.index_cast %shift_right_arithmetic3A_429 : i32 to index
        %get3A_436 = arith.index_cast %multiple_of3A_434 : i32 to index
        %get3A_437 = tpu.vector_load %arg10[%get3A_435, %get3A_436] {strides = array<i32>} : memref<128x128xi32, #tpu.memory_space<vmem>>, vector<1x16xi32>,
        %get3A_438 = vector.shape_cast %get3A_437 : vector<1x16xi32> to vector<16xi32>
        %add3A_439 = arith.constant 1 : i32
        %add3A_440 = vector.broadcast %add3A_439 : i32 to vector<16xi32>
        %add3A_441 = arith.addi %get3A_438, %add3A_440 : vector<16xi32>
        %swap3A_442 = arith.index_cast %shift_right_arithmetic3A_429 : i32 to index
        %swap3A_443 = arith.index_cast %multiple_of3A_434 : i32 to index
        %swap3A_444 = tpu.vector_load %arg10[%swap3A_442, %swap3A_443] {strides = array<i32>} : memref<128x128xi32, #tpu.memory_space<vmem>>, vector<1x16xi32>,
        %swap3A_445 = vector.shape_cast %swap3A_444 : vector<1x16xi32> to vector<16xi32>
        %swap3A_446 = vector.shape_cast %add3A_441 : vector<16xi32> to vector<1x16xi32>
        tpu.vector_store %arg10[%swap3A_442, %swap3A_443], %swap3A_446 {strides = array<i32>} : memref<128x128xi32, #tpu.memory_space<vmem>>, vector<1x16xi32>,
        %slice3A_447 = vector.extract_strided_slice %get3A_367 {offsets = [4], sizes = [1], strides = [1]} : vector<16xi32> to vector<1xi32>
        %squeeze3A_448 = vector.extract %slice3A_447[0] : i32 from vector<1xi32>
        %shift_right_arithmetic3A_449 = arith.constant 3 : i32
        %shift_right_arithmetic3A_450 = arith.shrsi %squeeze3A_448, %shift_right_arithmetic3A_449 : i32
        %and3A_451 = arith.constant 7 : i32
        %and3A_452 = arith.andi %squeeze3A_448, %and3A_451 : i32
        %mul3A_453 = arith.constant 16 : i32
        %mul3A_454 = arith.muli %and3A_452, %mul3A_453 : i32
        %multiple_of3A_455 = tpu.assume_multiple %mul3A_454, 16 : i32
        %get3A_456 = arith.index_cast %shift_right_arithmetic3A_450 : i32 to index
        %get3A_457 = arith.index_cast %multiple_of3A_455 : i32 to index
        %get3A_458 = tpu.vector_load %arg10[%get3A_456, %get3A_457] {strides = array<i32>} : memref<128x128xi32, #tpu.memory_space<vmem>>, vector<1x16xi32>,
        %get3A_459 = vector.shape_cast %get3A_458 : vector<1x16xi32> to vector<16xi32>
        %add3A_460 = arith.constant 1 : i32
        %add3A_461 = vector.broadcast %add3A_460 : i32 to vector<16xi32>
        %add3A_462 = arith.addi %get3A_459, %add3A_461 : vector<16xi32>
        %swap3A_463 = arith.index_cast %shift_right_arithmetic3A_450 : i32 to index
        %swap3A_464 = arith.index_cast %multiple_of3A_455 : i32 to index
        %swap3A_465 = tpu.vector_load %arg10[%swap3A_463, %swap3A_464] {strides = array<i32>} : memref<128x128xi32, #tpu.memory_space<vmem>>, vector<1x16xi32>,
        %swap3A_466 = vector.shape_cast %swap3A_465 : vector<1x16xi32> to vector<16xi32>
        %swap3A_467 = vector.shape_cast %add3A_462 : vector<16xi32> to vector<1x16xi32>
        tpu.vector_store %arg10[%swap3A_463, %swap3A_464], %swap3A_467 {strides = array<i32>} : memref<128x128xi32, #tpu.memory_space<vmem>>, vector<1x16xi32>,
        %slice3A_468 = vector.extract_strided_slice %get3A_367 {offsets = [5], sizes = [1], strides = [1]} : vector<16xi32> to vector<1xi32>
        %squeeze3A_469 = vector.extract %slice3A_468[0] : i32 from vector<1xi32>
        %shift_right_arithmetic3A_470 = arith.constant 3 : i32
        %shift_right_arithmetic3A_471 = arith.shrsi %squeeze3A_469, %shift_right_arithmetic3A_470 : i32
        %and3A_472 = arith.constant 7 : i32
        %and3A_473 = arith.andi %squeeze3A_469, %and3A_472 : i32
        %mul3A_474 = arith.constant 16 : i32
        %mul3A_475 = arith.muli %and3A_473, %mul3A_474 : i32
        %multiple_of3A_476 = tpu.assume_multiple %mul3A_475, 16 : i32
        %get3A_477 = arith.index_cast %shift_right_arithmetic3A_471 : i32 to index
        %get3A_478 = arith.index_cast %multiple_of3A_476 : i32 to index
        %get3A_479 = tpu.vector_load %arg10[%get3A_477, %get3A_478] {strides = array<i32>} : memref<128x128xi32, #tpu.memory_space<vmem>>, vector<1x16xi32>,
        %get3A_480 = vector.shape_cast %get3A_479 : vector<1x16xi32> to vector<16xi32>
        %add3A_481 = arith.constant 1 : i32
        %add3A_482 = vector.broadcast %add3A_481 : i32 to vector<16xi32>
        %add3A_483 = arith.addi %get3A_480, %add3A_482 : vector<16xi32>
        %swap3A_484 = arith.index_cast %shift_right_arithmetic3A_471 : i32 to index
        %swap3A_485 = arith.index_cast %multiple_of3A_476 : i32 to index
        %swap3A_486 = tpu.vector_load %arg10[%swap3A_484, %swap3A_485] {strides = array<i32>} : memref<128x128xi32, #tpu.memory_space<vmem>>, vector<1x16xi32>,
        %swap3A_487 = vector.shape_cast %swap3A_486 : vector<1x16xi32> to vector<16xi32>
        %swap3A_488 = vector.shape_cast %add3A_483 : vector<16xi32> to vector<1x16xi32>
        tpu.vector_store %arg10[%swap3A_484, %swap3A_485], %swap3A_488 {strides = array<i32>} : memref<128x128xi32, #tpu.memory_space<vmem>>, vector<1x16xi32>,
        %slice3A_489 = vector.extract_strided_slice %get3A_367 {offsets = [6], sizes = [1], strides = [1]} : vector<16xi32> to vector<1xi32>
        %squeeze3A_490 = vector.extract %slice3A_489[0] : i32 from vector<1xi32>
        %shift_right_arithmetic3A_491 = arith.constant 3 : i32
        %shift_right_arithmetic3A_492 = arith.shrsi %squeeze3A_490, %shift_right_arithmetic3A_491 : i32
        %and3A_493 = arith.constant 7 : i32
        %and3A_494 = arith.andi %squeeze3A_490, %and3A_493 : i32
        %mul3A_495 = arith.constant 16 : i32
        %mul3A_496 = arith.muli %and3A_494, %mul3A_495 : i32
        %multiple_of3A_497 = tpu.assume_multiple %mul3A_496, 16 : i32
        %get3A_498 = arith.index_cast %shift_right_arithmetic3A_492 : i32 to index
        %get3A_499 = arith.index_cast %multiple_of3A_497 : i32 to index
        %get3A_500 = tpu.vector_load %arg10[%get3A_498, %get3A_499] {strides = array<i32>} : memref<128x128xi32, #tpu.memory_space<vmem>>, vector<1x16xi32>,
        %get3A_501 = vector.shape_cast %get3A_500 : vector<1x16xi32> to vector<16xi32>
        %add3A_502 = arith.constant 1 : i32
        %add3A_503 = vector.broadcast %add3A_502 : i32 to vector<16xi32>
        %add3A_504 = arith.addi %get3A_501, %add3A_503 : vector<16xi32>
        %swap3A_505 = arith.index_cast %shift_right_arithmetic3A_492 : i32 to index
        %swap3A_506 = arith.index_cast %multiple_of3A_497 : i32 to index
        %swap3A_507 = tpu.vector_load %arg10[%swap3A_505, %swap3A_506] {strides = array<i32>} : memref<128x128xi32, #tpu.memory_space<vmem>>, vector<1x16xi32>,
        %swap3A_508 = vector.shape_cast %swap3A_507 : vector<1x16xi32> to vector<16xi32>
        %swap3A_509 = vector.shape_cast %add3A_504 : vector<16xi32> to vector<1x16xi32>
        tpu.vector_store %arg10[%swap3A_505, %swap3A_506], %swap3A_509 {strides = array<i32>} : memref<128x128xi32, #tpu.memory_space<vmem>>, vector<1x16xi32>,
        %slice3A_510 = vector.extract_strided_slice %get3A_367 {offsets = [7], sizes = [1], strides = [1]} : vector<16xi32> to vector<1xi32>
        %squeeze3A_511 = vector.extract %slice3A_510[0] : i32 from vector<1xi32>
        %shift_right_arithmetic3A_512 = arith.constant 3 : i32
        %shift_right_arithmetic3A_513 = arith.shrsi %squeeze3A_511, %shift_right_arithmetic3A_512 : i32
        %and3A_514 = arith.constant 7 : i32
        %and3A_515 = arith.andi %squeeze3A_511, %and3A_514 : i32
        %mul3A_516 = arith.constant 16 : i32
        %mul3A_517 = arith.muli %and3A_515, %mul3A_516 : i32
        %multiple_of3A_518 = tpu.assume_multiple %mul3A_517, 16 : i32
        %get3A_519 = arith.index_cast %shift_right_arithmetic3A_513 : i32 to index
        %get3A_520 = arith.index_cast %multiple_of3A_518 : i32 to index
        %get3A_521 = tpu.vector_load %arg10[%get3A_519, %get3A_520] {strides = array<i32>} : memref<128x128xi32, #tpu.memory_space<vmem>>, vector<1x16xi32>,
        %get3A_522 = vector.shape_cast %get3A_521 : vector<1x16xi32> to vector<16xi32>
        %add3A_523 = arith.constant 1 : i32
        %add3A_524 = vector.broadcast %add3A_523 : i32 to vector<16xi32>
        %add3A_525 = arith.addi %get3A_522, %add3A_524 : vector<16xi32>
        %swap3A_526 = arith.index_cast %shift_right_arithmetic3A_513 : i32 to index
        %swap3A_527 = arith.index_cast %multiple_of3A_518 : i32 to index
        %swap3A_528 = tpu.vector_load %arg10[%swap3A_526, %swap3A_527] {strides = array<i32>} : memref<128x128xi32, #tpu.memory_space<vmem>>, vector<1x16xi32>,
        %swap3A_529 = vector.shape_cast %swap3A_528 : vector<1x16xi32> to vector<16xi32>
        %swap3A_530 = vector.shape_cast %add3A_525 : vector<16xi32> to vector<1x16xi32>
        tpu.vector_store %arg10[%swap3A_526, %swap3A_527], %swap3A_530 {strides = array<i32>} : memref<128x128xi32, #tpu.memory_space<vmem>>, vector<1x16xi32>,
        %slice3A_531 = vector.extract_strided_slice %get3A_367 {offsets = [8], sizes = [1], strides = [1]} : vector<16xi32> to vector<1xi32>
        %squeeze3A_532 = vector.extract %slice3A_531[0] : i32 from vector<1xi32>
        %shift_right_arithmetic3A_533 = arith.constant 3 : i32
        %shift_right_arithmetic3A_534 = arith.shrsi %squeeze3A_532, %shift_right_arithmetic3A_533 : i32
        %and3A_535 = arith.constant 7 : i32
        %and3A_536 = arith.andi %squeeze3A_532, %and3A_535 : i32
        %mul3A_537 = arith.constant 16 : i32
        %mul3A_538 = arith.muli %and3A_536, %mul3A_537 : i32
        %multiple_of3A_539 = tpu.assume_multiple %mul3A_538, 16 : i32
        %get3A_540 = arith.index_cast %shift_right_arithmetic3A_534 : i32 to index
        %get3A_541 = arith.index_cast %multiple_of3A_539 : i32 to index
        %get3A_542 = tpu.vector_load %arg10[%get3A_540, %get3A_541] {strides = array<i32>} : memref<128x128xi32, #tpu.memory_space<vmem>>, vector<1x16xi32>,
        %get3A_543 = vector.shape_cast %get3A_542 : vector<1x16xi32> to vector<16xi32>
        %add3A_544 = arith.constant 1 : i32
        %add3A_545 = vector.broadcast %add3A_544 : i32 to vector<16xi32>
        %add3A_546 = arith.addi %get3A_543, %add3A_545 : vector<16xi32>
        %swap3A_547 = arith.index_cast %shift_right_arithmetic3A_534 : i32 to index
        %swap3A_548 = arith.index_cast %multiple_of3A_539 : i32 to index
        %swap3A_549 = tpu.vector_load %arg10[%swap3A_547, %swap3A_548] {strides = array<i32>} : memref<128x128xi32, #tpu.memory_space<vmem>>, vector<1x16xi32>,
        %swap3A_550 = vector.shape_cast %swap3A_549 : vector<1x16xi32> to vector<16xi32>
        %swap3A_551 = vector.shape_cast %add3A_546 : vector<16xi32> to vector<1x16xi32>
        tpu.vector_store %arg10[%swap3A_547, %swap3A_548], %swap3A_551 {strides = array<i32>} : memref<128x128xi32, #tpu.memory_space<vmem>>, vector<1x16xi32>,
        %slice3A_552 = vector.extract_strided_slice %get3A_367 {offsets = [9], sizes = [1], strides = [1]} : vector<16xi32> to vector<1xi32>
        %squeeze3A_553 = vector.extract %slice3A_552[0] : i32 from vector<1xi32>
        %shift_right_arithmetic3A_554 = arith.constant 3 : i32
        %shift_right_arithmetic3A_555 = arith.shrsi %squeeze3A_553, %shift_right_arithmetic3A_554 : i32
        %and3A_556 = arith.constant 7 : i32
        %and3A_557 = arith.andi %squeeze3A_553, %and3A_556 : i32
        %mul3A_558 = arith.constant 16 : i32
        %mul3A_559 = arith.muli %and3A_557, %mul3A_558 : i32
        %multiple_of3A_560 = tpu.assume_multiple %mul3A_559, 16 : i32
        %get3A_561 = arith.index_cast %shift_right_arithmetic3A_555 : i32 to index
        %get3A_562 = arith.index_cast %multiple_of3A_560 : i32 to index
        %get3A_563 = tpu.vector_load %arg10[%get3A_561, %get3A_562] {strides = array<i32>} : memref<128x128xi32, #tpu.memory_space<vmem>>, vector<1x16xi32>,
        %get3A_564 = vector.shape_cast %get3A_563 : vector<1x16xi32> to vector<16xi32>
        %add3A_565 = arith.constant 1 : i32
        %add3A_566 = vector.broadcast %add3A_565 : i32 to vector<16xi32>
        %add3A_567 = arith.addi %get3A_564, %add3A_566 : vector<16xi32>
        %swap3A_568 = arith.index_cast %shift_right_arithmetic3A_555 : i32 to index
        %swap3A_569 = arith.index_cast %multiple_of3A_560 : i32 to index
        %swap3A_570 = tpu.vector_load %arg10[%swap3A_568, %swap3A_569] {strides = array<i32>} : memref<128x128xi32, #tpu.memory_space<vmem>>, vector<1x16xi32>,
        %swap3A_571 = vector.shape_cast %swap3A_570 : vector<1x16xi32> to vector<16xi32>
        %swap3A_572 = vector.shape_cast %add3A_567 : vector<16xi32> to vector<1x16xi32>
        tpu.vector_store %arg10[%swap3A_568, %swap3A_569], %swap3A_572 {strides = array<i32>} : memref<128x128xi32, #tpu.memory_space<vmem>>, vector<1x16xi32>,
        %slice3A_573 = vector.extract_strided_slice %get3A_367 {offsets = [10], sizes = [1], strides = [1]} : vector<16xi32> to vector<1xi32>
        %squeeze3A_574 = vector.extract %slice3A_573[0] : i32 from vector<1xi32>
        %shift_right_arithmetic3A_575 = arith.constant 3 : i32
        %shift_right_arithmetic3A_576 = arith.shrsi %squeeze3A_574, %shift_right_arithmetic3A_575 : i32
        %and3A_577 = arith.constant 7 : i32
        %and3A_578 = arith.andi %squeeze3A_574, %and3A_577 : i32
        %mul3A_579 = arith.constant 16 : i32
        %mul3A_580 = arith.muli %and3A_578, %mul3A_579 : i32
        %multiple_of3A_581 = tpu.assume_multiple %mul3A_580, 16 : i32
        %get3A_582 = arith.index_cast %shift_right_arithmetic3A_576 : i32 to index
        %get3A_583 = arith.index_cast %multiple_of3A_581 : i32 to index
        %get3A_584 = tpu.vector_load %arg10[%get3A_582, %get3A_583] {strides = array<i32>} : memref<128x128xi32, #tpu.memory_space<vmem>>, vector<1x16xi32>,
        %get3A_585 = vector.shape_cast %get3A_584 : vector<1x16xi32> to vector<16xi32>
        %add3A_586 = arith.constant 1 : i32
        %add3A_587 = vector.broadcast %add3A_586 : i32 to vector<16xi32>
        %add3A_588 = arith.addi %get3A_585, %add3A_587 : vector<16xi32>
        %swap3A_589 = arith.index_cast %shift_right_arithmetic3A_576 : i32 to index
        %swap3A_590 = arith.index_cast %multiple_of3A_581 : i32 to index
        %swap3A_591 = tpu.vector_load %arg10[%swap3A_589, %swap3A_590] {strides = array<i32>} : memref<128x128xi32, #tpu.memory_space<vmem>>, vector<1x16xi32>,
        %swap3A_592 = vector.shape_cast %swap3A_591 : vector<1x16xi32> to vector<16xi32>
        %swap3A_593 = vector.shape_cast %add3A_588 : vector<16xi32> to vector<1x16xi32>
        tpu.vector_store %arg10[%swap3A_589, %swap3A_590], %swap3A_593 {strides = array<i32>} : memref<128x128xi32, #tpu.memory_space<vmem>>, vector<1x16xi32>,
        %slice3A_594 = vector.extract_strided_slice %get3A_367 {offsets = [11], sizes = [1], strides = [1]} : vector<16xi32> to vector<1xi32>
        %squeeze3A_595 = vector.extract %slice3A_594[0] : i32 from vector<1xi32>
        %shift_right_arithmetic3A_596 = arith.constant 3 : i32
        %shift_right_arithmetic3A_597 = arith.shrsi %squeeze3A_595, %shift_right_arithmetic3A_596 : i32
        %and3A_598 = arith.constant 7 : i32
        %and3A_599 = arith.andi %squeeze3A_595, %and3A_598 : i32
        %mul3A_600 = arith.constant 16 : i32
        %mul3A_601 = arith.muli %and3A_599, %mul3A_600 : i32
        %multiple_of3A_602 = tpu.assume_multiple %mul3A_601, 16 : i32
        %get3A_603 = arith.index_cast %shift_right_arithmetic3A_597 : i32 to index
        %get3A_604 = arith.index_cast %multiple_of3A_602 : i32 to index
        %get3A_605 = tpu.vector_load %arg10[%get3A_603, %get3A_604] {strides = array<i32>} : memref<128x128xi32, #tpu.memory_space<vmem>>, vector<1x16xi32>,
        %get3A_606 = vector.shape_cast %get3A_605 : vector<1x16xi32> to vector<16xi32>
        %add3A_607 = arith.constant 1 : i32
        %add3A_608 = vector.broadcast %add3A_607 : i32 to vector<16xi32>
        %add3A_609 = arith.addi %get3A_606, %add3A_608 : vector<16xi32>
        %swap3A_610 = arith.index_cast %shift_right_arithmetic3A_597 : i32 to index
        %swap3A_611 = arith.index_cast %multiple_of3A_602 : i32 to index
        %swap3A_612 = tpu.vector_load %arg10[%swap3A_610, %swap3A_611] {strides = array<i32>} : memref<128x128xi32, #tpu.memory_space<vmem>>, vector<1x16xi32>,
        %swap3A_613 = vector.shape_cast %swap3A_612 : vector<1x16xi32> to vector<16xi32>
        %swap3A_614 = vector.shape_cast %add3A_609 : vector<16xi32> to vector<1x16xi32>
        tpu.vector_store %arg10[%swap3A_610, %swap3A_611], %swap3A_614 {strides = array<i32>} : memref<128x128xi32, #tpu.memory_space<vmem>>, vector<1x16xi32>,
        %slice3A_615 = vector.extract_strided_slice %get3A_367 {offsets = [12], sizes = [1], strides = [1]} : vector<16xi32> to vector<1xi32>
        %squeeze3A_616 = vector.extract %slice3A_615[0] : i32 from vector<1xi32>
        %shift_right_arithmetic3A_617 = arith.constant 3 : i32
        %shift_right_arithmetic3A_618 = arith.shrsi %squeeze3A_616, %shift_right_arithmetic3A_617 : i32
        %and3A_619 = arith.constant 7 : i32
        %and3A_620 = arith.andi %squeeze3A_616, %and3A_619 : i32
        %mul3A_621 = arith.constant 16 : i32
        %mul3A_622 = arith.muli %and3A_620, %mul3A_621 : i32
        %multiple_of3A_623 = tpu.assume_multiple %mul3A_622, 16 : i32
        %get3A_624 = arith.index_cast %shift_right_arithmetic3A_618 : i32 to index
        %get3A_625 = arith.index_cast %multiple_of3A_623 : i32 to index
        %get3A_626 = tpu.vector_load %arg10[%get3A_624, %get3A_625] {strides = array<i32>} : memref<128x128xi32, #tpu.memory_space<vmem>>, vector<1x16xi32>,
        %get3A_627 = vector.shape_cast %get3A_626 : vector<1x16xi32> to vector<16xi32>
        %add3A_628 = arith.constant 1 : i32
        %add3A_629 = vector.broadcast %add3A_628 : i32 to vector<16xi32>
        %add3A_630 = arith.addi %get3A_627, %add3A_629 : vector<16xi32>
        %swap3A_631 = arith.index_cast %shift_right_arithmetic3A_618 : i32 to index
        %swap3A_632 = arith.index_cast %multiple_of3A_623 : i32 to index
        %swap3A_633 = tpu.vector_load %arg10[%swap3A_631, %swap3A_632] {strides = array<i32>} : memref<128x128xi32, #tpu.memory_space<vmem>>, vector<1x16xi32>,
        %swap3A_634 = vector.shape_cast %swap3A_633 : vector<1x16xi32> to vector<16xi32>
        %swap3A_635 = vector.shape_cast %add3A_630 : vector<16xi32> to vector<1x16xi32>
        tpu.vector_store %arg10[%swap3A_631, %swap3A_632], %swap3A_635 {strides = array<i32>} : memref<128x128xi32, #tpu.memory_space<vmem>>, vector<1x16xi32>,
        %slice3A_636 = vector.extract_strided_slice %get3A_367 {offsets = [13], sizes = [1], strides = [1]} : vector<16xi32> to vector<1xi32>
        %squeeze3A_637 = vector.extract %slice3A_636[0] : i32 from vector<1xi32>
        %shift_right_arithmetic3A_638 = arith.constant 3 : i32
        %shift_right_arithmetic3A_639 = arith.shrsi %squeeze3A_637, %shift_right_arithmetic3A_638 : i32
        %and3A_640 = arith.constant 7 : i32
        %and3A_641 = arith.andi %squeeze3A_637, %and3A_640 : i32
        %mul3A_642 = arith.constant 16 : i32
        %mul3A_643 = arith.muli %and3A_641, %mul3A_642 : i32
        %multiple_of3A_644 = tpu.assume_multiple %mul3A_643, 16 : i32
        %get3A_645 = arith.index_cast %shift_right_arithmetic3A_639 : i32 to index
        %get3A_646 = arith.index_cast %multiple_of3A_644 : i32 to index
        %get3A_647 = tpu.vector_load %arg10[%get3A_645, %get3A_646] {strides = array<i32>} : memref<128x128xi32, #tpu.memory_space<vmem>>, vector<1x16xi32>,
        %get3A_648 = vector.shape_cast %get3A_647 : vector<1x16xi32> to vector<16xi32>
        %add3A_649 = arith.constant 1 : i32
        %add3A_650 = vector.broadcast %add3A_649 : i32 to vector<16xi32>
        %add3A_651 = arith.addi %get3A_648, %add3A_650 : vector<16xi32>
        %swap3A_652 = arith.index_cast %shift_right_arithmetic3A_639 : i32 to index
        %swap3A_653 = arith.index_cast %multiple_of3A_644 : i32 to index
        %swap3A_654 = tpu.vector_load %arg10[%swap3A_652, %swap3A_653] {strides = array<i32>} : memref<128x128xi32, #tpu.memory_space<vmem>>, vector<1x16xi32>,
        %swap3A_655 = vector.shape_cast %swap3A_654 : vector<1x16xi32> to vector<16xi32>
        %swap3A_656 = vector.shape_cast %add3A_651 : vector<16xi32> to vector<1x16xi32>
        tpu.vector_store %arg10[%swap3A_652, %swap3A_653], %swap3A_656 {strides = array<i32>} : memref<128x128xi32, #tpu.memory_space<vmem>>, vector<1x16xi32>,
        %slice3A_657 = vector.extract_strided_slice %get3A_367 {offsets = [14], sizes = [1], strides = [1]} : vector<16xi32> to vector<1xi32>
        %squeeze3A_658 = vector.extract %slice3A_657[0] : i32 from vector<1xi32>
        %shift_right_arithmetic3A_659 = arith.constant 3 : i32
        %shift_right_arithmetic3A_660 = arith.shrsi %squeeze3A_658, %shift_right_arithmetic3A_659 : i32
        %and3A_661 = arith.constant 7 : i32
        %and3A_662 = arith.andi %squeeze3A_658, %and3A_661 : i32
        %mul3A_663 = arith.constant 16 : i32
        %mul3A_664 = arith.muli %and3A_662, %mul3A_663 : i32
        %multiple_of3A_665 = tpu.assume_multiple %mul3A_664, 16 : i32
        %get3A_666 = arith.index_cast %shift_right_arithmetic3A_660 : i32 to index
        %get3A_667 = arith.index_cast %multiple_of3A_665 : i32 to index
        %get3A_668 = tpu.vector_load %arg10[%get3A_666, %get3A_667] {strides = array<i32>} : memref<128x128xi32, #tpu.memory_space<vmem>>, vector<1x16xi32>,
        %get3A_669 = vector.shape_cast %get3A_668 : vector<1x16xi32> to vector<16xi32>
        %add3A_670 = arith.constant 1 : i32
        %add3A_671 = vector.broadcast %add3A_670 : i32 to vector<16xi32>
        %add3A_672 = arith.addi %get3A_669, %add3A_671 : vector<16xi32>
        %swap3A_673 = arith.index_cast %shift_right_arithmetic3A_660 : i32 to index
        %swap3A_674 = arith.index_cast %multiple_of3A_665 : i32 to index
        %swap3A_675 = tpu.vector_load %arg10[%swap3A_673, %swap3A_674] {strides = array<i32>} : memref<128x128xi32, #tpu.memory_space<vmem>>, vector<1x16xi32>,
        %swap3A_676 = vector.shape_cast %swap3A_675 : vector<1x16xi32> to vector<16xi32>
        %swap3A_677 = vector.shape_cast %add3A_672 : vector<16xi32> to vector<1x16xi32>
        tpu.vector_store %arg10[%swap3A_673, %swap3A_674], %swap3A_677 {strides = array<i32>} : memref<128x128xi32, #tpu.memory_space<vmem>>, vector<1x16xi32>,
        %slice3A_678 = vector.extract_strided_slice %get3A_367 {offsets = [15], sizes = [1], strides = [1]} : vector<16xi32> to vector<1xi32>
        %squeeze3A_679 = vector.extract %slice3A_678[0] : i32 from vector<1xi32>
        %shift_right_arithmetic3A_680 = arith.constant 3 : i32
        %shift_right_arithmetic3A_681 = arith.shrsi %squeeze3A_679, %shift_right_arithmetic3A_680 : i32
        %and3A_682 = arith.constant 7 : i32
        %and3A_683 = arith.andi %squeeze3A_679, %and3A_682 : i32
        %mul3A_684 = arith.constant 16 : i32
        %mul3A_685 = arith.muli %and3A_683, %mul3A_684 : i32
        %multiple_of3A_686 = tpu.assume_multiple %mul3A_685, 16 : i32
        %get3A_687 = arith.index_cast %shift_right_arithmetic3A_681 : i32 to index
        %get3A_688 = arith.index_cast %multiple_of3A_686 : i32 to index
        %get3A_689 = tpu.vector_load %arg10[%get3A_687, %get3A_688] {strides = array<i32>} : memref<128x128xi32, #tpu.memory_space<vmem>>, vector<1x16xi32>,
        %get3A_690 = vector.shape_cast %get3A_689 : vector<1x16xi32> to vector<16xi32>
        %add3A_691 = arith.constant 1 : i32
        %add3A_692 = vector.broadcast %add3A_691 : i32 to vector<16xi32>
        %add3A_693 = arith.addi %get3A_690, %add3A_692 : vector<16xi32>
        %swap3A_694 = arith.index_cast %shift_right_arithmetic3A_681 : i32 to index
        %swap3A_695 = arith.index_cast %multiple_of3A_686 : i32 to index
        %swap3A_696 = tpu.vector_load %arg10[%swap3A_694, %swap3A_695] {strides = array<i32>} : memref<128x128xi32, #tpu.memory_space<vmem>>, vector<1x16xi32>,
        %swap3A_697 = vector.shape_cast %swap3A_696 : vector<1x16xi32> to vector<16xi32>
        %swap3A_698 = vector.shape_cast %add3A_693 : vector<16xi32> to vector<1x16xi32>
        tpu.vector_store %arg10[%swap3A_694, %swap3A_695], %swap3A_698 {strides = array<i32>} : memref<128x128xi32, #tpu.memory_space<vmem>>, vector<1x16xi32>,
        %mul3A_699 = arith.constant 16 : i32
        %mul3A_700 = arith.muli %scan3A_361, %mul3A_699 : i32
        %multiple_of3A_701 = tpu.assume_multiple %mul3A_700, 16 : i32
        %get3A_702 = arith.constant 1 : i32
        %get3A_703 = arith.index_cast %get3A_702 : i32 to index
        %get3A_704 = arith.index_cast %multiple_of3A_701 : i32 to index
        %get3A_705 = tpu.vector_load %arg9[%get3A_703, %get3A_704] {strides = array<i32>} : memref<2x128xi32, #tpu.memory_space<vmem>>, vector<1x16xi32>,
        %get3A_706 = vector.shape_cast %get3A_705 : vector<1x16xi32> to vector<16xi32>
        %slice3A_707 = vector.extract_strided_slice %get3A_706 {offsets = [0], sizes = [1], strides = [1]} : vector<16xi32> to vector<1xi32>
        %squeeze3A_708 = vector.extract %slice3A_707[0] : i32 from vector<1xi32>
        %shift_right_arithmetic3A_709 = arith.constant 3 : i32
        %shift_right_arithmetic3A_710 = arith.shrsi %squeeze3A_708, %shift_right_arithmetic3A_709 : i32
        %and3A_711 = arith.constant 7 : i32
        %and3A_712 = arith.andi %squeeze3A_708, %and3A_711 : i32
        %mul3A_713 = arith.constant 16 : i32
        %mul3A_714 = arith.muli %and3A_712, %mul3A_713 : i32
        %multiple_of3A_715 = tpu.assume_multiple %mul3A_714, 16 : i32
        %get3A_716 = arith.index_cast %shift_right_arithmetic3A_710 : i32 to index
        %get3A_717 = arith.index_cast %multiple_of3A_715 : i32 to index
        %get3A_718 = tpu.vector_load %arg10[%get3A_716, %get3A_717] {strides = array<i32>} : memref<128x128xi32, #tpu.memory_space<vmem>>, vector<1x16xi32>,
        %get3A_719 = vector.shape_cast %get3A_718 : vector<1x16xi32> to vector<16xi32>
        %add3A_720 = arith.constant 1 : i32
        %add3A_721 = vector.broadcast %add3A_720 : i32 to vector<16xi32>
        %add3A_722 = arith.addi %get3A_719, %add3A_721 : vector<16xi32>
        %swap3A_723 = arith.index_cast %shift_right_arithmetic3A_710 : i32 to index
        %swap3A_724 = arith.index_cast %multiple_of3A_715 : i32 to index
        %swap3A_725 = tpu.vector_load %arg10[%swap3A_723, %swap3A_724] {strides = array<i32>} : memref<128x128xi32, #tpu.memory_space<vmem>>, vector<1x16xi32>,
        %swap3A_726 = vector.shape_cast %swap3A_725 : vector<1x16xi32> to vector<16xi32>
        %swap3A_727 = vector.shape_cast %add3A_722 : vector<16xi32> to vector<1x16xi32>
        tpu.vector_store %arg10[%swap3A_723, %swap3A_724], %swap3A_727 {strides = array<i32>} : memref<128x128xi32, #tpu.memory_space<vmem>>, vector<1x16xi32>,
        %slice3A_728 = vector.extract_strided_slice %get3A_706 {offsets = [1], sizes = [1], strides = [1]} : vector<16xi32> to vector<1xi32>
        %squeeze3A_729 = vector.extract %slice3A_728[0] : i32 from vector<1xi32>
        %shift_right_arithmetic3A_730 = arith.constant 3 : i32
        %shift_right_arithmetic3A_731 = arith.shrsi %squeeze3A_729, %shift_right_arithmetic3A_730 : i32
        %and3A_732 = arith.constant 7 : i32
        %and3A_733 = arith.andi %squeeze3A_729, %and3A_732 : i32
        %mul3A_734 = arith.constant 16 : i32
        %mul3A_735 = arith.muli %and3A_733, %mul3A_734 : i32
        %multiple_of3A_736 = tpu.assume_multiple %mul3A_735, 16 : i32
        %get3A_737 = arith.index_cast %shift_right_arithmetic3A_731 : i32 to index
        %get3A_738 = arith.index_cast %multiple_of3A_736 : i32 to index
        %get3A_739 = tpu.vector_load %arg10[%get3A_737, %get3A_738] {strides = array<i32>} : memref<128x128xi32, #tpu.memory_space<vmem>>, vector<1x16xi32>,
        %get3A_740 = vector.shape_cast %get3A_739 : vector<1x16xi32> to vector<16xi32>
        %add3A_741 = arith.constant 1 : i32
        %add3A_742 = vector.broadcast %add3A_741 : i32 to vector<16xi32>
        %add3A_743 = arith.addi %get3A_740, %add3A_742 : vector<16xi32>
        %swap3A_744 = arith.index_cast %shift_right_arithmetic3A_731 : i32 to index
        %swap3A_745 = arith.index_cast %multiple_of3A_736 : i32 to index
        %swap3A_746 = tpu.vector_load %arg10[%swap3A_744, %swap3A_745] {strides = array<i32>} : memref<128x128xi32, #tpu.memory_space<vmem>>, vector<1x16xi32>,
        %swap3A_747 = vector.shape_cast %swap3A_746 : vector<1x16xi32> to vector<16xi32>
        %swap3A_748 = vector.shape_cast %add3A_743 : vector<16xi32> to vector<1x16xi32>
        tpu.vector_store %arg10[%swap3A_744, %swap3A_745], %swap3A_748 {strides = array<i32>} : memref<128x128xi32, #tpu.memory_space<vmem>>, vector<1x16xi32>,
        %slice3A_749 = vector.extract_strided_slice %get3A_706 {offsets = [2], sizes = [1], strides = [1]} : vector<16xi32> to vector<1xi32>
        %squeeze3A_750 = vector.extract %slice3A_749[0] : i32 from vector<1xi32>
        %shift_right_arithmetic3A_751 = arith.constant 3 : i32
        %shift_right_arithmetic3A_752 = arith.shrsi %squeeze3A_750, %shift_right_arithmetic3A_751 : i32
        %and3A_753 = arith.constant 7 : i32
        %and3A_754 = arith.andi %squeeze3A_750, %and3A_753 : i32
        %mul3A_755 = arith.constant 16 : i32
        %mul3A_756 = arith.muli %and3A_754, %mul3A_755 : i32
        %multiple_of3A_757 = tpu.assume_multiple %mul3A_756, 16 : i32
        %get3A_758 = arith.index_cast %shift_right_arithmetic3A_752 : i32 to index
        %get3A_759 = arith.index_cast %multiple_of3A_757 : i32 to index
        %get3A_760 = tpu.vector_load %arg10[%get3A_758, %get3A_759] {strides = array<i32>} : memref<128x128xi32, #tpu.memory_space<vmem>>, vector<1x16xi32>,
        %get3A_761 = vector.shape_cast %get3A_760 : vector<1x16xi32> to vector<16xi32>
        %add3A_762 = arith.constant 1 : i32
        %add3A_763 = vector.broadcast %add3A_762 : i32 to vector<16xi32>
        %add3A_764 = arith.addi %get3A_761, %add3A_763 : vector<16xi32>
        %swap3A_765 = arith.index_cast %shift_right_arithmetic3A_752 : i32 to index
        %swap3A_766 = arith.index_cast %multiple_of3A_757 : i32 to index
        %swap3A_767 = tpu.vector_load %arg10[%swap3A_765, %swap3A_766] {strides = array<i32>} : memref<128x128xi32, #tpu.memory_space<vmem>>, vector<1x16xi32>,
        %swap3A_768 = vector.shape_cast %swap3A_767 : vector<1x16xi32> to vector<16xi32>
        %swap3A_769 = vector.shape_cast %add3A_764 : vector<16xi32> to vector<1x16xi32>
        tpu.vector_store %arg10[%swap3A_765, %swap3A_766], %swap3A_769 {strides = array<i32>} : memref<128x128xi32, #tpu.memory_space<vmem>>, vector<1x16xi32>,
        %slice3A_770 = vector.extract_strided_slice %get3A_706 {offsets = [3], sizes = [1], strides = [1]} : vector<16xi32> to vector<1xi32>
        %squeeze3A_771 = vector.extract %slice3A_770[0] : i32 from vector<1xi32>
        %shift_right_arithmetic3A_772 = arith.constant 3 : i32
        %shift_right_arithmetic3A_773 = arith.shrsi %squeeze3A_771, %shift_right_arithmetic3A_772 : i32
        %and3A_774 = arith.constant 7 : i32
        %and3A_775 = arith.andi %squeeze3A_771, %and3A_774 : i32
        %mul3A_776 = arith.constant 16 : i32
        %mul3A_777 = arith.muli %and3A_775, %mul3A_776 : i32
        %multiple_of3A_778 = tpu.assume_multiple %mul3A_777, 16 : i32
        %get3A_779 = arith.index_cast %shift_right_arithmetic3A_773 : i32 to index
        %get3A_780 = arith.index_cast %multiple_of3A_778 : i32 to index
        %get3A_781 = tpu.vector_load %arg10[%get3A_779, %get3A_780] {strides = array<i32>} : memref<128x128xi32, #tpu.memory_space<vmem>>, vector<1x16xi32>,
        %get3A_782 = vector.shape_cast %get3A_781 : vector<1x16xi32> to vector<16xi32>
        %add3A_783 = arith.constant 1 : i32
        %add3A_784 = vector.broadcast %add3A_783 : i32 to vector<16xi32>
        %add3A_785 = arith.addi %get3A_782, %add3A_784 : vector<16xi32>
        %swap3A_786 = arith.index_cast %shift_right_arithmetic3A_773 : i32 to index
        %swap3A_787 = arith.index_cast %multiple_of3A_778 : i32 to index
        %swap3A_788 = tpu.vector_load %arg10[%swap3A_786, %swap3A_787] {strides = array<i32>} : memref<128x128xi32, #tpu.memory_space<vmem>>, vector<1x16xi32>,
        %swap3A_789 = vector.shape_cast %swap3A_788 : vector<1x16xi32> to vector<16xi32>
        %swap3A_790 = vector.shape_cast %add3A_785 : vector<16xi32> to vector<1x16xi32>
        tpu.vector_store %arg10[%swap3A_786, %swap3A_787], %swap3A_790 {strides = array<i32>} : memref<128x128xi32, #tpu.memory_space<vmem>>, vector<1x16xi32>,
        %slice3A_791 = vector.extract_strided_slice %get3A_706 {offsets = [4], sizes = [1], strides = [1]} : vector<16xi32> to vector<1xi32>
        %squeeze3A_792 = vector.extract %slice3A_791[0] : i32 from vector<1xi32>
        %shift_right_arithmetic3A_793 = arith.constant 3 : i32
        %shift_right_arithmetic3A_794 = arith.shrsi %squeeze3A_792, %shift_right_arithmetic3A_793 : i32
        %and3A_795 = arith.constant 7 : i32
        %and3A_796 = arith.andi %squeeze3A_792, %and3A_795 : i32
        %mul3A_797 = arith.constant 16 : i32
        %mul3A_798 = arith.muli %and3A_796, %mul3A_797 : i32
        %multiple_of3A_799 = tpu.assume_multiple %mul3A_798, 16 : i32
        %get3A_800 = arith.index_cast %shift_right_arithmetic3A_794 : i32 to index
        %get3A_801 = arith.index_cast %multiple_of3A_799 : i32 to index
        %get3A_802 = tpu.vector_load %arg10[%get3A_800, %get3A_801] {strides = array<i32>} : memref<128x128xi32, #tpu.memory_space<vmem>>, vector<1x16xi32>,
        %get3A_803 = vector.shape_cast %get3A_802 : vector<1x16xi32> to vector<16xi32>
        %add3A_804 = arith.constant 1 : i32
        %add3A_805 = vector.broadcast %add3A_804 : i32 to vector<16xi32>
        %add3A_806 = arith.addi %get3A_803, %add3A_805 : vector<16xi32>
        %swap3A_807 = arith.index_cast %shift_right_arithmetic3A_794 : i32 to index
        %swap3A_808 = arith.index_cast %multiple_of3A_799 : i32 to index
        %swap3A_809 = tpu.vector_load %arg10[%swap3A_807, %swap3A_808] {strides = array<i32>} : memref<128x128xi32, #tpu.memory_space<vmem>>, vector<1x16xi32>,
        %swap3A_810 = vector.shape_cast %swap3A_809 : vector<1x16xi32> to vector<16xi32>
        %swap3A_811 = vector.shape_cast %add3A_806 : vector<16xi32> to vector<1x16xi32>
        tpu.vector_store %arg10[%swap3A_807, %swap3A_808], %swap3A_811 {strides = array<i32>} : memref<128x128xi32, #tpu.memory_space<vmem>>, vector<1x16xi32>,
        %slice3A_812 = vector.extract_strided_slice %get3A_706 {offsets = [5], sizes = [1], strides = [1]} : vector<16xi32> to vector<1xi32>
        %squeeze3A_813 = vector.extract %slice3A_812[0] : i32 from vector<1xi32>
        %shift_right_arithmetic3A_814 = arith.constant 3 : i32
        %shift_right_arithmetic3A_815 = arith.shrsi %squeeze3A_813, %shift_right_arithmetic3A_814 : i32
        %and3A_816 = arith.constant 7 : i32
        %and3A_817 = arith.andi %squeeze3A_813, %and3A_816 : i32
        %mul3A_818 = arith.constant 16 : i32
        %mul3A_819 = arith.muli %and3A_817, %mul3A_818 : i32
        %multiple_of3A_820 = tpu.assume_multiple %mul3A_819, 16 : i32
        %get3A_821 = arith.index_cast %shift_right_arithmetic3A_815 : i32 to index
        %get3A_822 = arith.index_cast %multiple_of3A_820 : i32 to index
        %get3A_823 = tpu.vector_load %arg10[%get3A_821, %get3A_822] {strides = array<i32>} : memref<128x128xi32, #tpu.memory_space<vmem>>, vector<1x16xi32>,
        %get3A_824 = vector.shape_cast %get3A_823 : vector<1x16xi32> to vector<16xi32>
        %add3A_825 = arith.constant 1 : i32
        %add3A_826 = vector.broadcast %add3A_825 : i32 to vector<16xi32>
        %add3A_827 = arith.addi %get3A_824, %add3A_826 : vector<16xi32>
        %swap3A_828 = arith.index_cast %shift_right_arithmetic3A_815 : i32 to index
        %swap3A_829 = arith.index_cast %multiple_of3A_820 : i32 to index
        %swap3A_830 = tpu.vector_load %arg10[%swap3A_828, %swap3A_829] {strides = array<i32>} : memref<128x128xi32, #tpu.memory_space<vmem>>, vector<1x16xi32>,
        %swap3A_831 = vector.shape_cast %swap3A_830 : vector<1x16xi32> to vector<16xi32>
        %swap3A_832 = vector.shape_cast %add3A_827 : vector<16xi32> to vector<1x16xi32>
        tpu.vector_store %arg10[%swap3A_828, %swap3A_829], %swap3A_832 {strides = array<i32>} : memref<128x128xi32, #tpu.memory_space<vmem>>, vector<1x16xi32>,
        %slice3A_833 = vector.extract_strided_slice %get3A_706 {offsets = [6], sizes = [1], strides = [1]} : vector<16xi32> to vector<1xi32>
        %squeeze3A_834 = vector.extract %slice3A_833[0] : i32 from vector<1xi32>
        %shift_right_arithmetic3A_835 = arith.constant 3 : i32
        %shift_right_arithmetic3A_836 = arith.shrsi %squeeze3A_834, %shift_right_arithmetic3A_835 : i32
        %and3A_837 = arith.constant 7 : i32
        %and3A_838 = arith.andi %squeeze3A_834, %and3A_837 : i32
        %mul3A_839 = arith.constant 16 : i32
        %mul3A_840 = arith.muli %and3A_838, %mul3A_839 : i32
        %multiple_of3A_841 = tpu.assume_multiple %mul3A_840, 16 : i32
        %get3A_842 = arith.index_cast %shift_right_arithmetic3A_836 : i32 to index
        %get3A_843 = arith.index_cast %multiple_of3A_841 : i32 to index
        %get3A_844 = tpu.vector_load %arg10[%get3A_842, %get3A_843] {strides = array<i32>} : memref<128x128xi32, #tpu.memory_space<vmem>>, vector<1x16xi32>,
        %get3A_845 = vector.shape_cast %get3A_844 : vector<1x16xi32> to vector<16xi32>
        %add3A_846 = arith.constant 1 : i32
        %add3A_847 = vector.broadcast %add3A_846 : i32 to vector<16xi32>
        %add3A_848 = arith.addi %get3A_845, %add3A_847 : vector<16xi32>
        %swap3A_849 = arith.index_cast %shift_right_arithmetic3A_836 : i32 to index
        %swap3A_850 = arith.index_cast %multiple_of3A_841 : i32 to index
        %swap3A_851 = tpu.vector_load %arg10[%swap3A_849, %swap3A_850] {strides = array<i32>} : memref<128x128xi32, #tpu.memory_space<vmem>>, vector<1x16xi32>,
        %swap3A_852 = vector.shape_cast %swap3A_851 : vector<1x16xi32> to vector<16xi32>
        %swap3A_853 = vector.shape_cast %add3A_848 : vector<16xi32> to vector<1x16xi32>
        tpu.vector_store %arg10[%swap3A_849, %swap3A_850], %swap3A_853 {strides = array<i32>} : memref<128x128xi32, #tpu.memory_space<vmem>>, vector<1x16xi32>,
        %slice3A_854 = vector.extract_strided_slice %get3A_706 {offsets = [7], sizes = [1], strides = [1]} : vector<16xi32> to vector<1xi32>
        %squeeze3A_855 = vector.extract %slice3A_854[0] : i32 from vector<1xi32>
        %shift_right_arithmetic3A_856 = arith.constant 3 : i32
        %shift_right_arithmetic3A_857 = arith.shrsi %squeeze3A_855, %shift_right_arithmetic3A_856 : i32
        %and3A_858 = arith.constant 7 : i32
        %and3A_859 = arith.andi %squeeze3A_855, %and3A_858 : i32
        %mul3A_860 = arith.constant 16 : i32
        %mul3A_861 = arith.muli %and3A_859, %mul3A_860 : i32
        %multiple_of3A_862 = tpu.assume_multiple %mul3A_861, 16 : i32
        %get3A_863 = arith.index_cast %shift_right_arithmetic3A_857 : i32 to index
        %get3A_864 = arith.index_cast %multiple_of3A_862 : i32 to index
        %get3A_865 = tpu.vector_load %arg10[%get3A_863, %get3A_864] {strides = array<i32>} : memref<128x128xi32, #tpu.memory_space<vmem>>, vector<1x16xi32>,
        %get3A_866 = vector.shape_cast %get3A_865 : vector<1x16xi32> to vector<16xi32>
        %add3A_867 = arith.constant 1 : i32
        %add3A_868 = vector.broadcast %add3A_867 : i32 to vector<16xi32>
        %add3A_869 = arith.addi %get3A_866, %add3A_868 : vector<16xi32>
        %swap3A_870 = arith.index_cast %shift_right_arithmetic3A_857 : i32 to index
        %swap3A_871 = arith.index_cast %multiple_of3A_862 : i32 to index
        %swap3A_872 = tpu.vector_load %arg10[%swap3A_870, %swap3A_871] {strides = array<i32>} : memref<128x128xi32, #tpu.memory_space<vmem>>, vector<1x16xi32>,
        %swap3A_873 = vector.shape_cast %swap3A_872 : vector<1x16xi32> to vector<16xi32>
        %swap3A_874 = vector.shape_cast %add3A_869 : vector<16xi32> to vector<1x16xi32>
        tpu.vector_store %arg10[%swap3A_870, %swap3A_871], %swap3A_874 {strides = array<i32>} : memref<128x128xi32, #tpu.memory_space<vmem>>, vector<1x16xi32>,
        %slice3A_875 = vector.extract_strided_slice %get3A_706 {offsets = [8], sizes = [1], strides = [1]} : vector<16xi32> to vector<1xi32>
        %squeeze3A_876 = vector.extract %slice3A_875[0] : i32 from vector<1xi32>
        %shift_right_arithmetic3A_877 = arith.constant 3 : i32
        %shift_right_arithmetic3A_878 = arith.shrsi %squeeze3A_876, %shift_right_arithmetic3A_877 : i32
        %and3A_879 = arith.constant 7 : i32
        %and3A_880 = arith.andi %squeeze3A_876, %and3A_879 : i32
        %mul3A_881 = arith.constant 16 : i32
        %mul3A_882 = arith.muli %and3A_880, %mul3A_881 : i32
        %multiple_of3A_883 = tpu.assume_multiple %mul3A_882, 16 : i32
        %get3A_884 = arith.index_cast %shift_right_arithmetic3A_878 : i32 to index
        %get3A_885 = arith.index_cast %multiple_of3A_883 : i32 to index
        %get3A_886 = tpu.vector_load %arg10[%get3A_884, %get3A_885] {strides = array<i32>} : memref<128x128xi32, #tpu.memory_space<vmem>>, vector<1x16xi32>,
        %get3A_887 = vector.shape_cast %get3A_886 : vector<1x16xi32> to vector<16xi32>
        %add3A_888 = arith.constant 1 : i32
        %add3A_889 = vector.broadcast %add3A_888 : i32 to vector<16xi32>
        %add3A_890 = arith.addi %get3A_887, %add3A_889 : vector<16xi32>
        %swap3A_891 = arith.index_cast %shift_right_arithmetic3A_878 : i32 to index
        %swap3A_892 = arith.index_cast %multiple_of3A_883 : i32 to index
        %swap3A_893 = tpu.vector_load %arg10[%swap3A_891, %swap3A_892] {strides = array<i32>} : memref<128x128xi32, #tpu.memory_space<vmem>>, vector<1x16xi32>,
        %swap3A_894 = vector.shape_cast %swap3A_893 : vector<1x16xi32> to vector<16xi32>
        %swap3A_895 = vector.shape_cast %add3A_890 : vector<16xi32> to vector<1x16xi32>
        tpu.vector_store %arg10[%swap3A_891, %swap3A_892], %swap3A_895 {strides = array<i32>} : memref<128x128xi32, #tpu.memory_space<vmem>>, vector<1x16xi32>,
        %slice3A_896 = vector.extract_strided_slice %get3A_706 {offsets = [9], sizes = [1], strides = [1]} : vector<16xi32> to vector<1xi32>
        %squeeze3A_897 = vector.extract %slice3A_896[0] : i32 from vector<1xi32>
        %shift_right_arithmetic3A_898 = arith.constant 3 : i32
        %shift_right_arithmetic3A_899 = arith.shrsi %squeeze3A_897, %shift_right_arithmetic3A_898 : i32
        %and3A_900 = arith.constant 7 : i32
        %and3A_901 = arith.andi %squeeze3A_897, %and3A_900 : i32
        %mul3A_902 = arith.constant 16 : i32
        %mul3A_903 = arith.muli %and3A_901, %mul3A_902 : i32
        %multiple_of3A_904 = tpu.assume_multiple %mul3A_903, 16 : i32
        %get3A_905 = arith.index_cast %shift_right_arithmetic3A_899 : i32 to index
        %get3A_906 = arith.index_cast %multiple_of3A_904 : i32 to index
        %get3A_907 = tpu.vector_load %arg10[%get3A_905, %get3A_906] {strides = array<i32>} : memref<128x128xi32, #tpu.memory_space<vmem>>, vector<1x16xi32>,
        %get3A_908 = vector.shape_cast %get3A_907 : vector<1x16xi32> to vector<16xi32>
        %add3A_909 = arith.constant 1 : i32
        %add3A_910 = vector.broadcast %add3A_909 : i32 to vector<16xi32>
        %add3A_911 = arith.addi %get3A_908, %add3A_910 : vector<16xi32>
        %swap3A_912 = arith.index_cast %shift_right_arithmetic3A_899 : i32 to index
        %swap3A_913 = arith.index_cast %multiple_of3A_904 : i32 to index
        %swap3A_914 = tpu.vector_load %arg10[%swap3A_912, %swap3A_913] {strides = array<i32>} : memref<128x128xi32, #tpu.memory_space<vmem>>, vector<1x16xi32>,
        %swap3A_915 = vector.shape_cast %swap3A_914 : vector<1x16xi32> to vector<16xi32>
        %swap3A_916 = vector.shape_cast %add3A_911 : vector<16xi32> to vector<1x16xi32>
        tpu.vector_store %arg10[%swap3A_912, %swap3A_913], %swap3A_916 {strides = array<i32>} : memref<128x128xi32, #tpu.memory_space<vmem>>, vector<1x16xi32>,
        %slice3A_917 = vector.extract_strided_slice %get3A_706 {offsets = [10], sizes = [1], strides = [1]} : vector<16xi32> to vector<1xi32>
        %squeeze3A_918 = vector.extract %slice3A_917[0] : i32 from vector<1xi32>
        %shift_right_arithmetic3A_919 = arith.constant 3 : i32
        %shift_right_arithmetic3A_920 = arith.shrsi %squeeze3A_918, %shift_right_arithmetic3A_919 : i32
        %and3A_921 = arith.constant 7 : i32
        %and3A_922 = arith.andi %squeeze3A_918, %and3A_921 : i32
        %mul3A_923 = arith.constant 16 : i32
        %mul3A_924 = arith.muli %and3A_922, %mul3A_923 : i32
        %multiple_of3A_925 = tpu.assume_multiple %mul3A_924, 16 : i32
        %get3A_926 = arith.index_cast %shift_right_arithmetic3A_920 : i32 to index
        %get3A_927 = arith.index_cast %multiple_of3A_925 : i32 to index
        %get3A_928 = tpu.vector_load %arg10[%get3A_926, %get3A_927] {strides = array<i32>} : memref<128x128xi32, #tpu.memory_space<vmem>>, vector<1x16xi32>,
        %get3A_929 = vector.shape_cast %get3A_928 : vector<1x16xi32> to vector<16xi32>
        %add3A_930 = arith.constant 1 : i32
        %add3A_931 = vector.broadcast %add3A_930 : i32 to vector<16xi32>
        %add3A_932 = arith.addi %get3A_929, %add3A_931 : vector<16xi32>
        %swap3A_933 = arith.index_cast %shift_right_arithmetic3A_920 : i32 to index
        %swap3A_934 = arith.index_cast %multiple_of3A_925 : i32 to index
        %swap3A_935 = tpu.vector_load %arg10[%swap3A_933, %swap3A_934] {strides = array<i32>} : memref<128x128xi32, #tpu.memory_space<vmem>>, vector<1x16xi32>,
        %swap3A_936 = vector.shape_cast %swap3A_935 : vector<1x16xi32> to vector<16xi32>
        %swap3A_937 = vector.shape_cast %add3A_932 : vector<16xi32> to vector<1x16xi32>
        tpu.vector_store %arg10[%swap3A_933, %swap3A_934], %swap3A_937 {strides = array<i32>} : memref<128x128xi32, #tpu.memory_space<vmem>>, vector<1x16xi32>,
        %slice3A_938 = vector.extract_strided_slice %get3A_706 {offsets = [11], sizes = [1], strides = [1]} : vector<16xi32> to vector<1xi32>
        %squeeze3A_939 = vector.extract %slice3A_938[0] : i32 from vector<1xi32>
        %shift_right_arithmetic3A_940 = arith.constant 3 : i32
        %shift_right_arithmetic3A_941 = arith.shrsi %squeeze3A_939, %shift_right_arithmetic3A_940 : i32
        %and3A_942 = arith.constant 7 : i32
        %and3A_943 = arith.andi %squeeze3A_939, %and3A_942 : i32
        %mul3A_944 = arith.constant 16 : i32
        %mul3A_945 = arith.muli %and3A_943, %mul3A_944 : i32
        %multiple_of3A_946 = tpu.assume_multiple %mul3A_945, 16 : i32
        %get3A_947 = arith.index_cast %shift_right_arithmetic3A_941 : i32 to index
        %get3A_948 = arith.index_cast %multiple_of3A_946 : i32 to index
        %get3A_949 = tpu.vector_load %arg10[%get3A_947, %get3A_948] {strides = array<i32>} : memref<128x128xi32, #tpu.memory_space<vmem>>, vector<1x16xi32>,
        %get3A_950 = vector.shape_cast %get3A_949 : vector<1x16xi32> to vector<16xi32>
        %add3A_951 = arith.constant 1 : i32
        %add3A_952 = vector.broadcast %add3A_951 : i32 to vector<16xi32>
        %add3A_953 = arith.addi %get3A_950, %add3A_952 : vector<16xi32>
        %swap3A_954 = arith.index_cast %shift_right_arithmetic3A_941 : i32 to index
        %swap3A_955 = arith.index_cast %multiple_of3A_946 : i32 to index
        %swap3A_956 = tpu.vector_load %arg10[%swap3A_954, %swap3A_955] {strides = array<i32>} : memref<128x128xi32, #tpu.memory_space<vmem>>, vector<1x16xi32>,
        %swap3A_957 = vector.shape_cast %swap3A_956 : vector<1x16xi32> to vector<16xi32>
        %swap3A_958 = vector.shape_cast %add3A_953 : vector<16xi32> to vector<1x16xi32>
        tpu.vector_store %arg10[%swap3A_954, %swap3A_955], %swap3A_958 {strides = array<i32>} : memref<128x128xi32, #tpu.memory_space<vmem>>, vector<1x16xi32>,
        %slice3A_959 = vector.extract_strided_slice %get3A_706 {offsets = [12], sizes = [1], strides = [1]} : vector<16xi32> to vector<1xi32>
        %squeeze3A_960 = vector.extract %slice3A_959[0] : i32 from vector<1xi32>
        %shift_right_arithmetic3A_961 = arith.constant 3 : i32
        %shift_right_arithmetic3A_962 = arith.shrsi %squeeze3A_960, %shift_right_arithmetic3A_961 : i32
        %and3A_963 = arith.constant 7 : i32
        %and3A_964 = arith.andi %squeeze3A_960, %and3A_963 : i32
        %mul3A_965 = arith.constant 16 : i32
        %mul3A_966 = arith.muli %and3A_964, %mul3A_965 : i32
        %multiple_of3A_967 = tpu.assume_multiple %mul3A_966, 16 : i32
        %get3A_968 = arith.index_cast %shift_right_arithmetic3A_962 : i32 to index
        %get3A_969 = arith.index_cast %multiple_of3A_967 : i32 to index
        %get3A_970 = tpu.vector_load %arg10[%get3A_968, %get3A_969] {strides = array<i32>} : memref<128x128xi32, #tpu.memory_space<vmem>>, vector<1x16xi32>,
        %get3A_971 = vector.shape_cast %get3A_970 : vector<1x16xi32> to vector<16xi32>
        %add3A_972 = arith.constant 1 : i32
        %add3A_973 = vector.broadcast %add3A_972 : i32 to vector<16xi32>
        %add3A_974 = arith.addi %get3A_971, %add3A_973 : vector<16xi32>
        %swap3A_975 = arith.index_cast %shift_right_arithmetic3A_962 : i32 to index
        %swap3A_976 = arith.index_cast %multiple_of3A_967 : i32 to index
        %swap3A_977 = tpu.vector_load %arg10[%swap3A_975, %swap3A_976] {strides = array<i32>} : memref<128x128xi32, #tpu.memory_space<vmem>>, vector<1x16xi32>,
        %swap3A_978 = vector.shape_cast %swap3A_977 : vector<1x16xi32> to vector<16xi32>
        %swap3A_979 = vector.shape_cast %add3A_974 : vector<16xi32> to vector<1x16xi32>
        tpu.vector_store %arg10[%swap3A_975, %swap3A_976], %swap3A_979 {strides = array<i32>} : memref<128x128xi32, #tpu.memory_space<vmem>>, vector<1x16xi32>,
        %slice3A_980 = vector.extract_strided_slice %get3A_706 {offsets = [13], sizes = [1], strides = [1]} : vector<16xi32> to vector<1xi32>
        %squeeze3A_981 = vector.extract %slice3A_980[0] : i32 from vector<1xi32>
        %shift_right_arithmetic3A_982 = arith.constant 3 : i32
        %shift_right_arithmetic3A_983 = arith.shrsi %squeeze3A_981, %shift_right_arithmetic3A_982 : i32
        %and3A_984 = arith.constant 7 : i32
        %and3A_985 = arith.andi %squeeze3A_981, %and3A_984 : i32
        %mul3A_986 = arith.constant 16 : i32
        %mul3A_987 = arith.muli %and3A_985, %mul3A_986 : i32
        %multiple_of3A_988 = tpu.assume_multiple %mul3A_987, 16 : i32
        %get3A_989 = arith.index_cast %shift_right_arithmetic3A_983 : i32 to index
        %get3A_990 = arith.index_cast %multiple_of3A_988 : i32 to index
        %get3A_991 = tpu.vector_load %arg10[%get3A_989, %get3A_990] {strides = array<i32>} : memref<128x128xi32, #tpu.memory_space<vmem>>, vector<1x16xi32>,
        %get3A_992 = vector.shape_cast %get3A_991 : vector<1x16xi32> to vector<16xi32>
        %add3A_993 = arith.constant 1 : i32
        %add3A_994 = vector.broadcast %add3A_993 : i32 to vector<16xi32>
        %add3A_995 = arith.addi %get3A_992, %add3A_994 : vector<16xi32>
        %swap3A_996 = arith.index_cast %shift_right_arithmetic3A_983 : i32 to index
        %swap3A_997 = arith.index_cast %multiple_of3A_988 : i32 to index
        %swap3A_998 = tpu.vector_load %arg10[%swap3A_996, %swap3A_997] {strides = array<i32>} : memref<128x128xi32, #tpu.memory_space<vmem>>, vector<1x16xi32>,
        %swap3A_999 = vector.shape_cast %swap3A_998 : vector<1x16xi32> to vector<16xi32>
        %swap3A_1000 = vector.shape_cast %add3A_995 : vector<16xi32> to vector<1x16xi32>
        tpu.vector_store %arg10[%swap3A_996, %swap3A_997], %swap3A_1000 {strides = array<i32>} : memref<128x128xi32, #tpu.memory_space<vmem>>, vector<1x16xi32>,
        %slice3A_1001 = vector.extract_strided_slice %get3A_706 {offsets = [14], sizes = [1], strides = [1]} : vector<16xi32> to vector<1xi32>
        %squeeze3A_1002 = vector.extract %slice3A_1001[0] : i32 from vector<1xi32>
        %shift_right_arithmetic3A_1003 = arith.constant 3 : i32
        %shift_right_arithmetic3A_1004 = arith.shrsi %squeeze3A_1002, %shift_right_arithmetic3A_1003 : i32
        %and3A_1005 = arith.constant 7 : i32
        %and3A_1006 = arith.andi %squeeze3A_1002, %and3A_1005 : i32
        %mul3A_1007 = arith.constant 16 : i32
        %mul3A_1008 = arith.muli %and3A_1006, %mul3A_1007 : i32
        %multiple_of3A_1009 = tpu.assume_multiple %mul3A_1008, 16 : i32
        %get3A_1010 = arith.index_cast %shift_right_arithmetic3A_1004 : i32 to index
        %get3A_1011 = arith.index_cast %multiple_of3A_1009 : i32 to index
        %get3A_1012 = tpu.vector_load %arg10[%get3A_1010, %get3A_1011] {strides = array<i32>} : memref<128x128xi32, #tpu.memory_space<vmem>>, vector<1x16xi32>,
        %get3A_1013 = vector.shape_cast %get3A_1012 : vector<1x16xi32> to vector<16xi32>
        %add3A_1014 = arith.constant 1 : i32
        %add3A_1015 = vector.broadcast %add3A_1014 : i32 to vector<16xi32>
        %add3A_1016 = arith.addi %get3A_1013, %add3A_1015 : vector<16xi32>
        %swap3A_1017 = arith.index_cast %shift_right_arithmetic3A_1004 : i32 to index
        %swap3A_1018 = arith.index_cast %multiple_of3A_1009 : i32 to index
        %swap3A_1019 = tpu.vector_load %arg10[%swap3A_1017, %swap3A_1018] {strides = array<i32>} : memref<128x128xi32, #tpu.memory_space<vmem>>, vector<1x16xi32>,
        %swap3A_1020 = vector.shape_cast %swap3A_1019 : vector<1x16xi32> to vector<16xi32>
        %swap3A_1021 = vector.shape_cast %add3A_1016 : vector<16xi32> to vector<1x16xi32>
        tpu.vector_store %arg10[%swap3A_1017, %swap3A_1018], %swap3A_1021 {strides = array<i32>} : memref<128x128xi32, #tpu.memory_space<vmem>>, vector<1x16xi32>,
        %slice3A_1022 = vector.extract_strided_slice %get3A_706 {offsets = [15], sizes = [1], strides = [1]} : vector<16xi32> to vector<1xi32>
        %squeeze3A_1023 = vector.extract %slice3A_1022[0] : i32 from vector<1xi32>
        %shift_right_arithmetic3A_1024 = arith.constant 3 : i32
        %shift_right_arithmetic3A_1025 = arith.shrsi %squeeze3A_1023, %shift_right_arithmetic3A_1024 : i32
        %and3A_1026 = arith.constant 7 : i32
        %and3A_1027 = arith.andi %squeeze3A_1023, %and3A_1026 : i32
        %mul3A_1028 = arith.constant 16 : i32
        %mul3A_1029 = arith.muli %and3A_1027, %mul3A_1028 : i32
        %multiple_of3A_1030 = tpu.assume_multiple %mul3A_1029, 16 : i32
        %get3A_1031 = arith.index_cast %shift_right_arithmetic3A_1025 : i32 to index
        %get3A_1032 = arith.index_cast %multiple_of3A_1030 : i32 to index
        %get3A_1033 = tpu.vector_load %arg10[%get3A_1031, %get3A_1032] {strides = array<i32>} : memref<128x128xi32, #tpu.memory_space<vmem>>, vector<1x16xi32>,
        %get3A_1034 = vector.shape_cast %get3A_1033 : vector<1x16xi32> to vector<16xi32>
        %add3A_1035 = arith.constant 1 : i32
        %add3A_1036 = vector.broadcast %add3A_1035 : i32 to vector<16xi32>
        %add3A_1037 = arith.addi %get3A_1034, %add3A_1036 : vector<16xi32>
        %swap3A_1038 = arith.index_cast %shift_right_arithmetic3A_1025 : i32 to index
        %swap3A_1039 = arith.index_cast %multiple_of3A_1030 : i32 to index
        %swap3A_1040 = tpu.vector_load %arg10[%swap3A_1038, %swap3A_1039] {strides = array<i32>} : memref<128x128xi32, #tpu.memory_space<vmem>>, vector<1x16xi32>,
        %swap3A_1041 = vector.shape_cast %swap3A_1040 : vector<1x16xi32> to vector<16xi32>
        %swap3A_1042 = vector.shape_cast %add3A_1037 : vector<16xi32> to vector<1x16xi32>
        tpu.vector_store %arg10[%swap3A_1038, %swap3A_1039], %swap3A_1042 {strides = array<i32>} : memref<128x128xi32, #tpu.memory_space<vmem>>, vector<1x16xi32>,
      }
      %scan3A_262 = arith.constant 8 : i32
      %add3A_263 = arith.constant 2 : i32
      %add3A_264 = arith.addi %add3A_154, %add3A_263 : i32
      %min3A_265 = arith.constant 1248 : i32
      %min3A_266 = arith.minsi %add3A_264, %min3A_265 : i32
      %dma_wait3A_267 = arith.constant 0 : i32
      %dma_wait3A_268 = arith.constant 0 : i32
      %dma_wait3A_269 = arith.constant 0 : i32
      %dma_wait3A_270 = tpu.memref_slice %arg6[%dma_wait3A_268, %dma_wait3A_269] : memref<256x128xf32, #tpu.memory_space<vmem>> -> memref<128x128xf32, #tpu.memory_space<vmem>>
      %dma_wait3A_271 = arith.constant 0 : i32
      %dma_wait3A_272 = tpu.memref_slice %arg8[%dma_wait3A_267, %dma_wait3A_271] : memref<2x128xi32, #tpu.memory_space<vmem>> -> memref<1x128xi32, #tpu.memory_space<vmem>>
      %dma_wait3A_273 = tpu.memref_squeeze %dma_wait3A_272 : memref<1x128xi32, #tpu.memory_space<vmem>> -> memref<128xi32, #tpu.memory_space<vmem>>
      %dma_wait3A_274 = arith.constant 0 : i32
      %dma_wait3A_275 = arith.constant 0 : i32
      %dma_wait3A_276 = tpu.memref_slice %arg11[%dma_wait3A_274, %dma_wait3A_275] : memref<1024x128xf32, #tpu.memory_space<vmem_shared>> -> memref<1024x128xf32, #tpu.memory_space<vmem_shared>>
      tpu.wait_indirect_dma semaphore(%arg14 : memref<!tpu.dma_semaphore, #tpu.memory_space<semaphore_mem>>) src(%dma_wait3A_270 : memref<128x128xf32, #tpu.memory_space<vmem>>) dst(%dma_wait3A_276 : memref<1024x128xf32, #tpu.memory_space<vmem_shared>>)
      %dma_wait3A_277 = arith.constant 1 : i32
      %dma_wait3A_278 = arith.constant 128 : i32
      %dma_wait3A_279 = arith.constant 0 : i32
      %dma_wait3A_280 = tpu.memref_slice %arg6[%dma_wait3A_278, %dma_wait3A_279] : memref<256x128xf32, #tpu.memory_space<vmem>> -> memref<128x128xf32, #tpu.memory_space<vmem>>
      %dma_wait3A_281 = arith.constant 0 : i32
      %dma_wait3A_282 = tpu.memref_slice %arg8[%dma_wait3A_277, %dma_wait3A_281] : memref<2x128xi32, #tpu.memory_space<vmem>> -> memref<1x128xi32, #tpu.memory_space<vmem>>
      %dma_wait3A_283 = tpu.memref_squeeze %dma_wait3A_282 : memref<1x128xi32, #tpu.memory_space<vmem>> -> memref<128xi32, #tpu.memory_space<vmem>>
      %dma_wait3A_284 = arith.constant 0 : i32
      %dma_wait3A_285 = arith.constant 0 : i32
      %dma_wait3A_286 = tpu.memref_slice %arg11[%dma_wait3A_284, %dma_wait3A_285] : memref<1024x128xf32, #tpu.memory_space<vmem_shared>> -> memref<1024x128xf32, #tpu.memory_space<vmem_shared>>
      tpu.wait_indirect_dma semaphore(%arg14 : memref<!tpu.dma_semaphore, #tpu.memory_space<semaphore_mem>>) src(%dma_wait3A_280 : memref<128x128xf32, #tpu.memory_space<vmem>>) dst(%dma_wait3A_286 : memref<1024x128xf32, #tpu.memory_space<vmem_shared>>)
      %mul3A_287 = arith.constant 256 : i32
      %mul3A_288 = arith.muli %min3A_266, %mul3A_287 : i32
      %dma_start3A_289 = arith.constant 0 : i32
      %dma_start3A_290 = tpu.memref_slice %arg2[%mul3A_288, %dma_start3A_289] : memref<320000x128xf32, #tpu.memory_space<hbm>> -> memref<256x128xf32, #tpu.memory_space<hbm>>
      %dma_start3A_291 = arith.constant 0 : i32
      %dma_start3A_292 = tpu.memref_slice %arg2[%mul3A_288, %dma_start3A_291] : memref<320000x128xf32, #tpu.memory_space<hbm>> -> memref<256x128xf32, #tpu.memory_space<hbm>>
      tpu.enqueue_dma source(%dma_start3A_292 : memref<256x128xf32, #tpu.memory_space<hbm>>) target(%arg6 : memref<256x128xf32, #tpu.memory_space<vmem>>) target_semaphore(%arg12 : memref<!tpu.dma_semaphore, #tpu.memory_space<semaphore_mem>>)
      %dma_start3A_293 = arith.constant 0 : i32
      %dma_start3A_294 = arith.constant 0 : i32
      %dma_start3A_295 = tpu.memref_slice %arg8[%dma_start3A_293, %dma_start3A_294] : memref<2x128xi32, #tpu.memory_space<vmem>> -> memref<1x128xi32, #tpu.memory_space<vmem>>
      %dma_start3A_296 = tpu.memref_squeeze %dma_start3A_295 : memref<1x128xi32, #tpu.memory_space<vmem>> -> memref<128xi32, #tpu.memory_space<vmem>>
      %dma_start3A_297 = tpu.memref_slice %arg3[%mul3A_288] : memref<320000xi32, #tpu.memory_space<hbm>> -> memref<128xi32, #tpu.memory_space<hbm>>
      %dma_start3A_298 = arith.constant 0 : i32
      %dma_start3A_299 = tpu.memref_slice %arg8[%dma_start3A_293, %dma_start3A_298] : memref<2x128xi32, #tpu.memory_space<vmem>> -> memref<1x128xi32, #tpu.memory_space<vmem>>
      %dma_start3A_300 = tpu.memref_squeeze %dma_start3A_299 : memref<1x128xi32, #tpu.memory_space<vmem>> -> memref<128xi32, #tpu.memory_space<vmem>>
      %dma_start3A_301 = tpu.memref_slice %arg3[%mul3A_288] : memref<320000xi32, #tpu.memory_space<hbm>> -> memref<128xi32, #tpu.memory_space<hbm>>
      tpu.enqueue_dma source(%dma_start3A_301 : memref<128xi32, #tpu.memory_space<hbm>>) target(%dma_start3A_300 : memref<128xi32, #tpu.memory_space<vmem>>) target_semaphore(%arg12 : memref<!tpu.dma_semaphore, #tpu.memory_space<semaphore_mem>>)
      %add3A_302 = arith.constant 128 : i32
      %add3A_303 = arith.addi %mul3A_288, %add3A_302 : i32
      %dma_start3A_304 = arith.constant 1 : i32
      %dma_start3A_305 = arith.constant 0 : i32
      %dma_start3A_306 = tpu.memref_slice %arg8[%dma_start3A_304, %dma_start3A_305] : memref<2x128xi32, #tpu.memory_space<vmem>> -> memref<1x128xi32, #tpu.memory_space<vmem>>
      %dma_start3A_307 = tpu.memref_squeeze %dma_start3A_306 : memref<1x128xi32, #tpu.memory_space<vmem>> -> memref<128xi32, #tpu.memory_space<vmem>>
      %dma_start3A_308 = tpu.memref_slice %arg3[%add3A_303] : memref<320000xi32, #tpu.memory_space<hbm>> -> memref<128xi32, #tpu.memory_space<hbm>>
      %dma_start3A_309 = arith.constant 0 : i32
      %dma_start3A_310 = tpu.memref_slice %arg8[%dma_start3A_304, %dma_start3A_309] : memref<2x128xi32, #tpu.memory_space<vmem>> -> memref<1x128xi32, #tpu.memory_space<vmem>>
      %dma_start3A_311 = tpu.memref_squeeze %dma_start3A_310 : memref<1x128xi32, #tpu.memory_space<vmem>> -> memref<128xi32, #tpu.memory_space<vmem>>
      %dma_start3A_312 = tpu.memref_slice %arg3[%add3A_303] : memref<320000xi32, #tpu.memory_space<hbm>> -> memref<128xi32, #tpu.memory_space<hbm>>
      tpu.enqueue_dma source(%dma_start3A_312 : memref<128xi32, #tpu.memory_space<hbm>>) target(%dma_start3A_311 : memref<128xi32, #tpu.memory_space<vmem>>) target_semaphore(%arg12 : memref<!tpu.dma_semaphore, #tpu.memory_space<semaphore_mem>>)
      %dma_wait3A_313 = arith.constant 0 : i32
      %dma_wait3A_314 = arith.constant 0 : i32
      %dma_wait3A_315 = arith.constant 0 : i32
      %dma_wait3A_316 = tpu.memref_slice %arg7[%dma_wait3A_314, %dma_wait3A_315] : memref<256x128xf32, #tpu.memory_space<vmem>> -> memref<128x128xf32, #tpu.memory_space<vmem>>
      %dma_wait3A_317 = arith.constant 0 : i32
      %dma_wait3A_318 = tpu.memref_slice %arg9[%dma_wait3A_313, %dma_wait3A_317] : memref<2x128xi32, #tpu.memory_space<vmem>> -> memref<1x128xi32, #tpu.memory_space<vmem>>
      %dma_wait3A_319 = tpu.memref_squeeze %dma_wait3A_318 : memref<1x128xi32, #tpu.memory_space<vmem>> -> memref<128xi32, #tpu.memory_space<vmem>>
      %dma_wait3A_320 = arith.constant 0 : i32
      %dma_wait3A_321 = arith.constant 0 : i32
      %dma_wait3A_322 = tpu.memref_slice %arg11[%dma_wait3A_320, %dma_wait3A_321] : memref<1024x128xf32, #tpu.memory_space<vmem_shared>> -> memref<1024x128xf32, #tpu.memory_space<vmem_shared>>
      tpu.wait_indirect_dma semaphore(%arg15 : memref<!tpu.dma_semaphore, #tpu.memory_space<semaphore_mem>>) src(%dma_wait3A_316 : memref<128x128xf32, #tpu.memory_space<vmem>>) dst(%dma_wait3A_322 : memref<1024x128xf32, #tpu.memory_space<vmem_shared>>)
      %dma_wait3A_323 = arith.constant 1 : i32
      %dma_wait3A_324 = arith.constant 128 : i32
      %dma_wait3A_325 = arith.constant 0 : i32
      %dma_wait3A_326 = tpu.memref_slice %arg7[%dma_wait3A_324, %dma_wait3A_325] : memref<256x128xf32, #tpu.memory_space<vmem>> -> memref<128x128xf32, #tpu.memory_space<vmem>>
      %dma_wait3A_327 = arith.constant 0 : i32
      %dma_wait3A_328 = tpu.memref_slice %arg9[%dma_wait3A_323, %dma_wait3A_327] : memref<2x128xi32, #tpu.memory_space<vmem>> -> memref<1x128xi32, #tpu.memory_space<vmem>>
      %dma_wait3A_329 = tpu.memref_squeeze %dma_wait3A_328 : memref<1x128xi32, #tpu.memory_space<vmem>> -> memref<128xi32, #tpu.memory_space<vmem>>
      %dma_wait3A_330 = arith.constant 0 : i32
      %dma_wait3A_331 = arith.constant 0 : i32
      %dma_wait3A_332 = tpu.memref_slice %arg11[%dma_wait3A_330, %dma_wait3A_331] : memref<1024x128xf32, #tpu.memory_space<vmem_shared>> -> memref<1024x128xf32, #tpu.memory_space<vmem_shared>>
      tpu.wait_indirect_dma semaphore(%arg15 : memref<!tpu.dma_semaphore, #tpu.memory_space<semaphore_mem>>) src(%dma_wait3A_326 : memref<128x128xf32, #tpu.memory_space<vmem>>) dst(%dma_wait3A_332 : memref<1024x128xf32, #tpu.memory_space<vmem_shared>>)
      %add3A_333 = arith.constant 1 : i32
      %add3A_334 = arith.addi %min3A_266, %add3A_333 : i32
      %mul3A_335 = arith.constant 256 : i32
      %mul3A_336 = arith.muli %add3A_334, %mul3A_335 : i32
      %dma_start3A_337 = arith.constant 0 : i32
      %dma_start3A_338 = tpu.memref_slice %arg2[%mul3A_336, %dma_start3A_337] : memref<320000x128xf32, #tpu.memory_space<hbm>> -> memref<256x128xf32, #tpu.memory_space<hbm>>
      %dma_start3A_339 = arith.constant 0 : i32
      %dma_start3A_340 = tpu.memref_slice %arg2[%mul3A_336, %dma_start3A_339] : memref<320000x128xf32, #tpu.memory_space<hbm>> -> memref<256x128xf32, #tpu.memory_space<hbm>>
      tpu.enqueue_dma source(%dma_start3A_340 : memref<256x128xf32, #tpu.memory_space<hbm>>) target(%arg7 : memref<256x128xf32, #tpu.memory_space<vmem>>) target_semaphore(%arg13 : memref<!tpu.dma_semaphore, #tpu.memory_space<semaphore_mem>>)
      %dma_start3A_341 = arith.constant 0 : i32
      %dma_start3A_342 = arith.constant 0 : i32
      %dma_start3A_343 = tpu.memref_slice %arg9[%dma_start3A_341, %dma_start3A_342] : memref<2x128xi32, #tpu.memory_space<vmem>> -> memref<1x128xi32, #tpu.memory_space<vmem>>
      %dma_start3A_344 = tpu.memref_squeeze %dma_start3A_343 : memref<1x128xi32, #tpu.memory_space<vmem>> -> memref<128xi32, #tpu.memory_space<vmem>>
      %dma_start3A_345 = tpu.memref_slice %arg3[%mul3A_336] : memref<320000xi32, #tpu.memory_space<hbm>> -> memref<128xi32, #tpu.memory_space<hbm>>
      %dma_start3A_346 = arith.constant 0 : i32
      %dma_start3A_347 = tpu.memref_slice %arg9[%dma_start3A_341, %dma_start3A_346] : memref<2x128xi32, #tpu.memory_space<vmem>> -> memref<1x128xi32, #tpu.memory_space<vmem>>
      %dma_start3A_348 = tpu.memref_squeeze %dma_start3A_347 : memref<1x128xi32, #tpu.memory_space<vmem>> -> memref<128xi32, #tpu.memory_space<vmem>>
      %dma_start3A_349 = tpu.memref_slice %arg3[%mul3A_336] : memref<320000xi32, #tpu.memory_space<hbm>> -> memref<128xi32, #tpu.memory_space<hbm>>
      tpu.enqueue_dma source(%dma_start3A_349 : memref<128xi32, #tpu.memory_space<hbm>>) target(%dma_start3A_348 : memref<128xi32, #tpu.memory_space<vmem>>) target_semaphore(%arg13 : memref<!tpu.dma_semaphore, #tpu.memory_space<semaphore_mem>>)
      %add3A_350 = arith.constant 128 : i32
      %add3A_351 = arith.addi %mul3A_336, %add3A_350 : i32
      %dma_start3A_352 = arith.constant 1 : i32
      %dma_start3A_353 = arith.constant 0 : i32
      %dma_start3A_354 = tpu.memref_slice %arg9[%dma_start3A_352, %dma_start3A_353] : memref<2x128xi32, #tpu.memory_space<vmem>> -> memref<1x128xi32, #tpu.memory_space<vmem>>
      %dma_start3A_355 = tpu.memref_squeeze %dma_start3A_354 : memref<1x128xi32, #tpu.memory_space<vmem>> -> memref<128xi32, #tpu.memory_space<vmem>>
      %dma_start3A_356 = tpu.memref_slice %arg3[%add3A_351] : memref<320000xi32, #tpu.memory_space<hbm>> -> memref<128xi32, #tpu.memory_space<hbm>>
      %dma_start3A_357 = arith.constant 0 : i32
      %dma_start3A_358 = tpu.memref_slice %arg9[%dma_start3A_352, %dma_start3A_357] : memref<2x128xi32, #tpu.memory_space<vmem>> -> memref<1x128xi32, #tpu.memory_space<vmem>>
      %dma_start3A_359 = tpu.memref_squeeze %dma_start3A_358 : memref<1x128xi32, #tpu.memory_space<vmem>> -> memref<128xi32, #tpu.memory_space<vmem>>
      %dma_start3A_360 = tpu.memref_slice %arg3[%add3A_351] : memref<320000xi32, #tpu.memory_space<hbm>> -> memref<128xi32, #tpu.memory_space<hbm>>
      tpu.enqueue_dma source(%dma_start3A_360 : memref<128xi32, #tpu.memory_space<hbm>>) target(%dma_start3A_359 : memref<128xi32, #tpu.memory_space<vmem>>) target_semaphore(%arg13 : memref<!tpu.dma_semaphore, #tpu.memory_space<semaphore_mem>>)
    }
    %while3A_85 = arith.constant 1 : i32
    scf.for %while3A_151 = %while3A_83 to %while3A_79 step %while3A_85  : i32 {
      %mul3A_152 = arith.constant 2 : i32
      %mul3A_153 = arith.muli %mul3A_152, %while3A_151 : i32
      %add3A_154 = arith.addi %mul3A_19, %mul3A_153 : i32
      %dma_wait3A_155 = arith.constant 0 : i32
      %dma_wait3A_156 = arith.constant 0 : i32
      %dma_wait3A_157 = tpu.memref_slice %arg2[%dma_wait3A_155, %dma_wait3A_156] : memref<320000x128xf32, #tpu.memory_space<hbm>> -> memref<256x128xf32, #tpu.memory_space<hbm>>
      %dma_wait3A_158 = arith.constant 0 : i32
      %dma_wait3A_159 = arith.constant 0 : i32
      %dma_wait3A_160 = tpu.memref_slice %arg2[%dma_wait3A_158, %dma_wait3A_159] : memref<320000x128xf32, #tpu.memory_space<hbm>> -> memref<256x128xf32, #tpu.memory_space<hbm>>
      tpu.wait_dma2 semaphore(%arg12 : memref<!tpu.dma_semaphore, #tpu.memory_space<semaphore_mem>>) src(%dma_wait3A_160 : memref<256x128xf32, #tpu.memory_space<hbm>>) dst(%arg6 : memref<256x128xf32, #tpu.memory_space<vmem>>)
      %dma_wait3A_161 = arith.constant 0 : i32
      %dma_wait3A_162 = arith.constant 0 : i32
      %dma_wait3A_163 = tpu.memref_slice %arg8[%dma_wait3A_161, %dma_wait3A_162] : memref<2x128xi32, #tpu.memory_space<vmem>> -> memref<1x128xi32, #tpu.memory_space<vmem>>
      %dma_wait3A_164 = tpu.memref_squeeze %dma_wait3A_163 : memref<1x128xi32, #tpu.memory_space<vmem>> -> memref<128xi32, #tpu.memory_space<vmem>>
      %dma_wait3A_165 = arith.constant 0 : i32
      %dma_wait3A_166 = tpu.memref_slice %arg3[%dma_wait3A_165] : memref<320000xi32, #tpu.memory_space<hbm>> -> memref<128xi32, #tpu.memory_space<hbm>>
      %dma_wait3A_167 = arith.constant 0 : i32
      %dma_wait3A_168 = tpu.memref_slice %arg8[%dma_wait3A_161, %dma_wait3A_167] : memref<2x128xi32, #tpu.memory_space<vmem>> -> memref<1x128xi32, #tpu.memory_space<vmem>>
      %dma_wait3A_169 = tpu.memref_squeeze %dma_wait3A_168 : memref<1x128xi32, #tpu.memory_space<vmem>> -> memref<128xi32, #tpu.memory_space<vmem>>
      %dma_wait3A_170 = arith.constant 0 : i32
      %dma_wait3A_171 = tpu.memref_slice %arg3[%dma_wait3A_170] : memref<320000xi32, #tpu.memory_space<hbm>> -> memref<128xi32, #tpu.memory_space<hbm>>
      tpu.wait_dma2 semaphore(%arg12 : memref<!tpu.dma_semaphore, #tpu.memory_space<semaphore_mem>>) src(%dma_wait3A_171 : memref<128xi32, #tpu.memory_space<hbm>>) dst(%dma_wait3A_169 : memref<128xi32, #tpu.memory_space<vmem>>)
      %dma_wait3A_172 = arith.constant 1 : i32
      %dma_wait3A_173 = arith.constant 0 : i32
      %dma_wait3A_174 = tpu.memref_slice %arg8[%dma_wait3A_172, %dma_wait3A_173] : memref<2x128xi32, #tpu.memory_space<vmem>> -> memref<1x128xi32, #tpu.memory_space<vmem>>
      %dma_wait3A_175 = tpu.memref_squeeze %dma_wait3A_174 : memref<1x128xi32, #tpu.memory_space<vmem>> -> memref<128xi32, #tpu.memory_space<vmem>>
      %dma_wait3A_176 = arith.constant 0 : i32
      %dma_wait3A_177 = tpu.memref_slice %arg3[%dma_wait3A_176] : memref<320000xi32, #tpu.memory_space<hbm>> -> memref<128xi32, #tpu.memory_space<hbm>>
      %dma_wait3A_178 = arith.constant 0 : i32
      %dma_wait3A_179 = tpu.memref_slice %arg8[%dma_wait3A_172, %dma_wait3A_178] : memref<2x128xi32, #tpu.memory_space<vmem>> -> memref<1x128xi32, #tpu.memory_space<vmem>>
      %dma_wait3A_180 = tpu.memref_squeeze %dma_wait3A_179 : memref<1x128xi32, #tpu.memory_space<vmem>> -> memref<128xi32, #tpu.memory_space<vmem>>
      %dma_wait3A_181 = arith.constant 0 : i32
      %dma_wait3A_182 = tpu.memref_slice %arg3[%dma_wait3A_181] : memref<320000xi32, #tpu.memory_space<hbm>> -> memref<128xi32, #tpu.memory_space<hbm>>
      tpu.wait_dma2 semaphore(%arg12 : memref<!tpu.dma_semaphore, #tpu.memory_space<semaphore_mem>>) src(%dma_wait3A_182 : memref<128xi32, #tpu.memory_space<hbm>>) dst(%dma_wait3A_180 : memref<128xi32, #tpu.memory_space<vmem>>)
      %dma_start3A_183 = arith.constant 0 : i32
      %dma_start3A_184 = arith.constant 0 : i32
      %dma_start3A_185 = arith.constant 0 : i32
      %dma_start3A_186 = tpu.memref_slice %arg6[%dma_start3A_184, %dma_start3A_185] : memref<256x128xf32, #tpu.memory_space<vmem>> -> memref<128x128xf32, #tpu.memory_space<vmem>>
      %dma_start3A_187 = arith.constant 0 : i32
      %dma_start3A_188 = tpu.memref_slice %arg8[%dma_start3A_183, %dma_start3A_187] : memref<2x128xi32, #tpu.memory_space<vmem>> -> memref<1x128xi32, #tpu.memory_space<vmem>>
      %dma_start3A_189 = tpu.memref_squeeze %dma_start3A_188 : memref<1x128xi32, #tpu.memory_space<vmem>> -> memref<128xi32, #tpu.memory_space<vmem>>
      %dma_start3A_190 = arith.constant 0 : i32
      %dma_start3A_191 = arith.constant 0 : i32
      %dma_start3A_192 = tpu.memref_slice %arg11[%dma_start3A_190, %dma_start3A_191] : memref<1024x128xf32, #tpu.memory_space<vmem_shared>> -> memref<1024x128xf32, #tpu.memory_space<vmem_shared>>
      tpu.enqueue_indirect_dma source(%dma_start3A_186 : memref<128x128xf32, #tpu.memory_space<vmem>>) target(%dma_start3A_192 : memref<1024x128xf32, #tpu.memory_space<vmem_shared>>) offsets(%dma_start3A_189 : memref<128xi32, #tpu.memory_space<vmem>>) semaphore(%arg14 : memref<!tpu.dma_semaphore, #tpu.memory_space<semaphore_mem>>) {add = true}
      %dma_start3A_193 = arith.constant 1 : i32
      %dma_start3A_194 = arith.constant 128 : i32
      %dma_start3A_195 = arith.constant 0 : i32
      %dma_start3A_196 = tpu.memref_slice %arg6[%dma_start3A_194, %dma_start3A_195] : memref<256x128xf32, #tpu.memory_space<vmem>> -> memref<128x128xf32, #tpu.memory_space<vmem>>
      %dma_start3A_197 = arith.constant 0 : i32
      %dma_start3A_198 = tpu.memref_slice %arg8[%dma_start3A_193, %dma_start3A_197] : memref<2x128xi32, #tpu.memory_space<vmem>> -> memref<1x128xi32, #tpu.memory_space<vmem>>
      %dma_start3A_199 = tpu.memref_squeeze %dma_start3A_198 : memref<1x128xi32, #tpu.memory_space<vmem>> -> memref<128xi32, #tpu.memory_space<vmem>>
      %dma_start3A_200 = arith.constant 0 : i32
      %dma_start3A_201 = arith.constant 0 : i32
      %dma_start3A_202 = tpu.memref_slice %arg11[%dma_start3A_200, %dma_start3A_201] : memref<1024x128xf32, #tpu.memory_space<vmem_shared>> -> memref<1024x128xf32, #tpu.memory_space<vmem_shared>>
      tpu.enqueue_indirect_dma source(%dma_start3A_196 : memref<128x128xf32, #tpu.memory_space<vmem>>) target(%dma_start3A_202 : memref<1024x128xf32, #tpu.memory_space<vmem_shared>>) offsets(%dma_start3A_199 : memref<128xi32, #tpu.memory_space<vmem>>) semaphore(%arg14 : memref<!tpu.dma_semaphore, #tpu.memory_space<semaphore_mem>>) {add = true}
      %scan3A_203 = arith.constant 0 : i32
      %scan3A_204 = arith.constant 0 : i32
      %scan3A_205 = arith.constant 8 : i32
      %scan3A_206 = arith.addi %scan3A_204, %scan3A_205 : i32
      %scan3A_207 = arith.constant 1 : i32
      scf.for %scan3A_361 = %scan3A_204 to %scan3A_206 step %scan3A_207  : i32 {
        %mul3A_362 = arith.constant 16 : i32
        %mul3A_363 = arith.muli %scan3A_361, %mul3A_362 : i32
        %multiple_of3A = tpu.assume_multiple %mul3A_363, 16 : i32
        %get3A = arith.constant 0 : i32
        %get3A_364 = arith.index_cast %get3A : i32 to index
        %get3A_365 = arith.index_cast %multiple_of3A : i32 to index
        %get3A_366 = tpu.vector_load %arg8[%get3A_364, %get3A_365] {strides = array<i32>} : memref<2x128xi32, #tpu.memory_space<vmem>>, vector<1x16xi32>,
        %get3A_367 = vector.shape_cast %get3A_366 : vector<1x16xi32> to vector<16xi32>
        %slice3A = vector.extract_strided_slice %get3A_367 {offsets = [0], sizes = [1], strides = [1]} : vector<16xi32> to vector<1xi32>
        %squeeze3A = vector.extract %slice3A[0] : i32 from vector<1xi32>
        %shift_right_arithmetic3A = arith.constant 3 : i32
        %shift_right_arithmetic3A_368 = arith.shrsi %squeeze3A, %shift_right_arithmetic3A : i32
        %and3A = arith.constant 7 : i32
        %and3A_369 = arith.andi %squeeze3A, %and3A : i32
        %mul3A_370 = arith.constant 16 : i32
        %mul3A_371 = arith.muli %and3A_369, %mul3A_370 : i32
        %multiple_of3A_372 = tpu.assume_multiple %mul3A_371, 16 : i32
        %get3A_373 = arith.index_cast %shift_right_arithmetic3A_368 : i32 to index
        %get3A_374 = arith.index_cast %multiple_of3A_372 : i32 to index
        %get3A_375 = tpu.vector_load %arg10[%get3A_373, %get3A_374] {strides = array<i32>} : memref<128x128xi32, #tpu.memory_space<vmem>>, vector<1x16xi32>,
        %get3A_376 = vector.shape_cast %get3A_375 : vector<1x16xi32> to vector<16xi32>
        %add3A_377 = arith.constant 1 : i32
        %add3A_378 = vector.broadcast %add3A_377 : i32 to vector<16xi32>
        %add3A_379 = arith.addi %get3A_376, %add3A_378 : vector<16xi32>
        %swap3A = arith.index_cast %shift_right_arithmetic3A_368 : i32 to index
        %swap3A_380 = arith.index_cast %multiple_of3A_372 : i32 to index
        %swap3A_381 = tpu.vector_load %arg10[%swap3A, %swap3A_380] {strides = array<i32>} : memref<128x128xi32, #tpu.memory_space<vmem>>, vector<1x16xi32>,
        %swap3A_382 = vector.shape_cast %swap3A_381 : vector<1x16xi32> to vector<16xi32>
        %swap3A_383 = vector.shape_cast %add3A_379 : vector<16xi32> to vector<1x16xi32>
        tpu.vector_store %arg10[%swap3A, %swap3A_380], %swap3A_383 {strides = array<i32>} : memref<128x128xi32, #tpu.memory_space<vmem>>, vector<1x16xi32>,
        %slice3A_384 = vector.extract_strided_slice %get3A_367 {offsets = [1], sizes = [1], strides = [1]} : vector<16xi32> to vector<1xi32>
        %squeeze3A_385 = vector.extract %slice3A_384[0] : i32 from vector<1xi32>
        %shift_right_arithmetic3A_386 = arith.constant 3 : i32
        %shift_right_arithmetic3A_387 = arith.shrsi %squeeze3A_385, %shift_right_arithmetic3A_386 : i32
        %and3A_388 = arith.constant 7 : i32
        %and3A_389 = arith.andi %squeeze3A_385, %and3A_388 : i32
        %mul3A_390 = arith.constant 16 : i32
        %mul3A_391 = arith.muli %and3A_389, %mul3A_390 : i32
        %multiple_of3A_392 = tpu.assume_multiple %mul3A_391, 16 : i32
        %get3A_393 = arith.index_cast %shift_right_arithmetic3A_387 : i32 to index
        %get3A_394 = arith.index_cast %multiple_of3A_392 : i32 to index
        %get3A_395 = tpu.vector_load %arg10[%get3A_393, %get3A_394] {strides = array<i32>} : memref<128x128xi32, #tpu.memory_space<vmem>>, vector<1x16xi32>,
        %get3A_396 = vector.shape_cast %get3A_395 : vector<1x16xi32> to vector<16xi32>
        %add3A_397 = arith.constant 1 : i32
        %add3A_398 = vector.broadcast %add3A_397 : i32 to vector<16xi32>
        %add3A_399 = arith.addi %get3A_396, %add3A_398 : vector<16xi32>
        %swap3A_400 = arith.index_cast %shift_right_arithmetic3A_387 : i32 to index
        %swap3A_401 = arith.index_cast %multiple_of3A_392 : i32 to index
        %swap3A_402 = tpu.vector_load %arg10[%swap3A_400, %swap3A_401] {strides = array<i32>} : memref<128x128xi32, #tpu.memory_space<vmem>>, vector<1x16xi32>,
        %swap3A_403 = vector.shape_cast %swap3A_402 : vector<1x16xi32> to vector<16xi32>
        %swap3A_404 = vector.shape_cast %add3A_399 : vector<16xi32> to vector<1x16xi32>
        tpu.vector_store %arg10[%swap3A_400, %swap3A_401], %swap3A_404 {strides = array<i32>} : memref<128x128xi32, #tpu.memory_space<vmem>>, vector<1x16xi32>,
        %slice3A_405 = vector.extract_strided_slice %get3A_367 {offsets = [2], sizes = [1], strides = [1]} : vector<16xi32> to vector<1xi32>
        %squeeze3A_406 = vector.extract %slice3A_405[0] : i32 from vector<1xi32>
        %shift_right_arithmetic3A_407 = arith.constant 3 : i32
        %shift_right_arithmetic3A_408 = arith.shrsi %squeeze3A_406, %shift_right_arithmetic3A_407 : i32
        %and3A_409 = arith.constant 7 : i32
        %and3A_410 = arith.andi %squeeze3A_406, %and3A_409 : i32
        %mul3A_411 = arith.constant 16 : i32
        %mul3A_412 = arith.muli %and3A_410, %mul3A_411 : i32
        %multiple_of3A_413 = tpu.assume_multiple %mul3A_412, 16 : i32
        %get3A_414 = arith.index_cast %shift_right_arithmetic3A_408 : i32 to index
        %get3A_415 = arith.index_cast %multiple_of3A_413 : i32 to index
        %get3A_416 = tpu.vector_load %arg10[%get3A_414, %get3A_415] {strides = array<i32>} : memref<128x128xi32, #tpu.memory_space<vmem>>, vector<1x16xi32>,
        %get3A_417 = vector.shape_cast %get3A_416 : vector<1x16xi32> to vector<16xi32>
        %add3A_418 = arith.constant 1 : i32
        %add3A_419 = vector.broadcast %add3A_418 : i32 to vector<16xi32>
        %add3A_420 = arith.addi %get3A_417, %add3A_419 : vector<16xi32>
        %swap3A_421 = arith.index_cast %shift_right_arithmetic3A_408 : i32 to index
        %swap3A_422 = arith.index_cast %multiple_of3A_413 : i32 to index
        %swap3A_423 = tpu.vector_load %arg10[%swap3A_421, %swap3A_422] {strides = array<i32>} : memref<128x128xi32, #tpu.memory_space<vmem>>, vector<1x16xi32>,
        %swap3A_424 = vector.shape_cast %swap3A_423 : vector<1x16xi32> to vector<16xi32>
        %swap3A_425 = vector.shape_cast %add3A_420 : vector<16xi32> to vector<1x16xi32>
        tpu.vector_store %arg10[%swap3A_421, %swap3A_422], %swap3A_425 {strides = array<i32>} : memref<128x128xi32, #tpu.memory_space<vmem>>, vector<1x16xi32>,
        %slice3A_426 = vector.extract_strided_slice %get3A_367 {offsets = [3], sizes = [1], strides = [1]} : vector<16xi32> to vector<1xi32>
        %squeeze3A_427 = vector.extract %slice3A_426[0] : i32 from vector<1xi32>
        %shift_right_arithmetic3A_428 = arith.constant 3 : i32
        %shift_right_arithmetic3A_429 = arith.shrsi %squeeze3A_427, %shift_right_arithmetic3A_428 : i32
        %and3A_430 = arith.constant 7 : i32
        %and3A_431 = arith.andi %squeeze3A_427, %and3A_430 : i32
        %mul3A_432 = arith.constant 16 : i32
        %mul3A_433 = arith.muli %and3A_431, %mul3A_432 : i32
        %multiple_of3A_434 = tpu.assume_multiple %mul3A_433, 16 : i32
        %get3A_435 = arith.index_cast %shift_right_arithmetic3A_429 : i32 to index
        %get3A_436 = arith.index_cast %multiple_of3A_434 : i32 to index
        %get3A_437 = tpu.vector_load %arg10[%get3A_435, %get3A_436] {strides = array<i32>} : memref<128x128xi32, #tpu.memory_space<vmem>>, vector<1x16xi32>,
        %get3A_438 = vector.shape_cast %get3A_437 : vector<1x16xi32> to vector<16xi32>
        %add3A_439 = arith.constant 1 : i32
        %add3A_440 = vector.broadcast %add3A_439 : i32 to vector<16xi32>
        %add3A_441 = arith.addi %get3A_438, %add3A_440 : vector<16xi32>
        %swap3A_442 = arith.index_cast %shift_right_arithmetic3A_429 : i32 to index
        %swap3A_443 = arith.index_cast %multiple_of3A_434 : i32 to index
        %swap3A_444 = tpu.vector_load %arg10[%swap3A_442, %swap3A_443] {strides = array<i32>} : memref<128x128xi32, #tpu.memory_space<vmem>>, vector<1x16xi32>,
        %swap3A_445 = vector.shape_cast %swap3A_444 : vector<1x16xi32> to vector<16xi32>
        %swap3A_446 = vector.shape_cast %add3A_441 : vector<16xi32> to vector<1x16xi32>
        tpu.vector_store %arg10[%swap3A_442, %swap3A_443], %swap3A_446 {strides = array<i32>} : memref<128x128xi32, #tpu.memory_space<vmem>>, vector<1x16xi32>,
        %slice3A_447 = vector.extract_strided_slice %get3A_367 {offsets = [4], sizes = [1], strides = [1]} : vector<16xi32> to vector<1xi32>
        %squeeze3A_448 = vector.extract %slice3A_447[0] : i32 from vector<1xi32>
        %shift_right_arithmetic3A_449 = arith.constant 3 : i32
        %shift_right_arithmetic3A_450 = arith.shrsi %squeeze3A_448, %shift_right_arithmetic3A_449 : i32
        %and3A_451 = arith.constant 7 : i32
        %and3A_452 = arith.andi %squeeze3A_448, %and3A_451 : i32
        %mul3A_453 = arith.constant 16 : i32
        %mul3A_454 = arith.muli %and3A_452, %mul3A_453 : i32
        %multiple_of3A_455 = tpu.assume_multiple %mul3A_454, 16 : i32
        %get3A_456 = arith.index_cast %shift_right_arithmetic3A_450 : i32 to index
        %get3A_457 = arith.index_cast %multiple_of3A_455 : i32 to index
        %get3A_458 = tpu.vector_load %arg10[%get3A_456, %get3A_457] {strides = array<i32>} : memref<128x128xi32, #tpu.memory_space<vmem>>, vector<1x16xi32>,
        %get3A_459 = vector.shape_cast %get3A_458 : vector<1x16xi32> to vector<16xi32>
        %add3A_460 = arith.constant 1 : i32
        %add3A_461 = vector.broadcast %add3A_460 : i32 to vector<16xi32>
        %add3A_462 = arith.addi %get3A_459, %add3A_461 : vector<16xi32>
        %swap3A_463 = arith.index_cast %shift_right_arithmetic3A_450 : i32 to index
        %swap3A_464 = arith.index_cast %multiple_of3A_455 : i32 to index
        %swap3A_465 = tpu.vector_load %arg10[%swap3A_463, %swap3A_464] {strides = array<i32>} : memref<128x128xi32, #tpu.memory_space<vmem>>, vector<1x16xi32>,
        %swap3A_466 = vector.shape_cast %swap3A_465 : vector<1x16xi32> to vector<16xi32>
        %swap3A_467 = vector.shape_cast %add3A_462 : vector<16xi32> to vector<1x16xi32>
        tpu.vector_store %arg10[%swap3A_463, %swap3A_464], %swap3A_467 {strides = array<i32>} : memref<128x128xi32, #tpu.memory_space<vmem>>, vector<1x16xi32>,
        %slice3A_468 = vector.extract_strided_slice %get3A_367 {offsets = [5], sizes = [1], strides = [1]} : vector<16xi32> to vector<1xi32>
        %squeeze3A_469 = vector.extract %slice3A_468[0] : i32 from vector<1xi32>
        %shift_right_arithmetic3A_470 = arith.constant 3 : i32
        %shift_right_arithmetic3A_471 = arith.shrsi %squeeze3A_469, %shift_right_arithmetic3A_470 : i32
        %and3A_472 = arith.constant 7 : i32
        %and3A_473 = arith.andi %squeeze3A_469, %and3A_472 : i32
        %mul3A_474 = arith.constant 16 : i32
        %mul3A_475 = arith.muli %and3A_473, %mul3A_474 : i32
        %multiple_of3A_476 = tpu.assume_multiple %mul3A_475, 16 : i32
        %get3A_477 = arith.index_cast %shift_right_arithmetic3A_471 : i32 to index
        %get3A_478 = arith.index_cast %multiple_of3A_476 : i32 to index
        %get3A_479 = tpu.vector_load %arg10[%get3A_477, %get3A_478] {strides = array<i32>} : memref<128x128xi32, #tpu.memory_space<vmem>>, vector<1x16xi32>,
        %get3A_480 = vector.shape_cast %get3A_479 : vector<1x16xi32> to vector<16xi32>
        %add3A_481 = arith.constant 1 : i32
        %add3A_482 = vector.broadcast %add3A_481 : i32 to vector<16xi32>
        %add3A_483 = arith.addi %get3A_480, %add3A_482 : vector<16xi32>
        %swap3A_484 = arith.index_cast %shift_right_arithmetic3A_471 : i32 to index
        %swap3A_485 = arith.index_cast %multiple_of3A_476 : i32 to index
        %swap3A_486 = tpu.vector_load %arg10[%swap3A_484, %swap3A_485] {strides = array<i32>} : memref<128x128xi32, #tpu.memory_space<vmem>>, vector<1x16xi32>,
        %swap3A_487 = vector.shape_cast %swap3A_486 : vector<1x16xi32> to vector<16xi32>
        %swap3A_488 = vector.shape_cast %add3A_483 : vector<16xi32> to vector<1x16xi32>
        tpu.vector_store %arg10[%swap3A_484, %swap3A_485], %swap3A_488 {strides = array<i32>} : memref<128x128xi32, #tpu.memory_space<vmem>>, vector<1x16xi32>,
        %slice3A_489 = vector.extract_strided_slice %get3A_367 {offsets = [6], sizes = [1], strides = [1]} : vector<16xi32> to vector<1xi32>
        %squeeze3A_490 = vector.extract %slice3A_489[0] : i32 from vector<1xi32>
        %shift_right_arithmetic3A_491 = arith.constant 3 : i32
        %shift_right_arithmetic3A_492 = arith.shrsi %squeeze3A_490, %shift_right_arithmetic3A_491 : i32
        %and3A_493 = arith.constant 7 : i32
        %and3A_494 = arith.andi %squeeze3A_490, %and3A_493 : i32
        %mul3A_495 = arith.constant 16 : i32
        %mul3A_496 = arith.muli %and3A_494, %mul3A_495 : i32
        %multiple_of3A_497 = tpu.assume_multiple %mul3A_496, 16 : i32
        %get3A_498 = arith.index_cast %shift_right_arithmetic3A_492 : i32 to index
        %get3A_499 = arith.index_cast %multiple_of3A_497 : i32 to index
        %get3A_500 = tpu.vector_load %arg10[%get3A_498, %get3A_499] {strides = array<i32>} : memref<128x128xi32, #tpu.memory_space<vmem>>, vector<1x16xi32>,
        %get3A_501 = vector.shape_cast %get3A_500 : vector<1x16xi32> to vector<16xi32>
        %add3A_502 = arith.constant 1 : i32
        %add3A_503 = vector.broadcast %add3A_502 : i32 to vector<16xi32>
        %add3A_504 = arith.addi %get3A_501, %add3A_503 : vector<16xi32>
        %swap3A_505 = arith.index_cast %shift_right_arithmetic3A_492 : i32 to index
        %swap3A_506 = arith.index_cast %multiple_of3A_497 : i32 to index
        %swap3A_507 = tpu.vector_load %arg10[%swap3A_505, %swap3A_506] {strides = array<i32>} : memref<128x128xi32, #tpu.memory_space<vmem>>, vector<1x16xi32>,
        %swap3A_508 = vector.shape_cast %swap3A_507 : vector<1x16xi32> to vector<16xi32>
        %swap3A_509 = vector.shape_cast %add3A_504 : vector<16xi32> to vector<1x16xi32>
        tpu.vector_store %arg10[%swap3A_505, %swap3A_506], %swap3A_509 {strides = array<i32>} : memref<128x128xi32, #tpu.memory_space<vmem>>, vector<1x16xi32>,
        %slice3A_510 = vector.extract_strided_slice %get3A_367 {offsets = [7], sizes = [1], strides = [1]} : vector<16xi32> to vector<1xi32>
        %squeeze3A_511 = vector.extract %slice3A_510[0] : i32 from vector<1xi32>
        %shift_right_arithmetic3A_512 = arith.constant 3 : i32
        %shift_right_arithmetic3A_513 = arith.shrsi %squeeze3A_511, %shift_right_arithmetic3A_512 : i32
        %and3A_514 = arith.constant 7 : i32
        %and3A_515 = arith.andi %squeeze3A_511, %and3A_514 : i32
        %mul3A_516 = arith.constant 16 : i32
        %mul3A_517 = arith.muli %and3A_515, %mul3A_516 : i32
        %multiple_of3A_518 = tpu.assume_multiple %mul3A_517, 16 : i32
        %get3A_519 = arith.index_cast %shift_right_arithmetic3A_513 : i32 to index
        %get3A_520 = arith.index_cast %multiple_of3A_518 : i32 to index
        %get3A_521 = tpu.vector_load %arg10[%get3A_519, %get3A_520] {strides = array<i32>} : memref<128x128xi32, #tpu.memory_space<vmem>>, vector<1x16xi32>,
        %get3A_522 = vector.shape_cast %get3A_521 : vector<1x16xi32> to vector<16xi32>
        %add3A_523 = arith.constant 1 : i32
        %add3A_524 = vector.broadcast %add3A_523 : i32 to vector<16xi32>
        %add3A_525 = arith.addi %get3A_522, %add3A_524 : vector<16xi32>
        %swap3A_526 = arith.index_cast %shift_right_arithmetic3A_513 : i32 to index
        %swap3A_527 = arith.index_cast %multiple_of3A_518 : i32 to index
        %swap3A_528 = tpu.vector_load %arg10[%swap3A_526, %swap3A_527] {strides = array<i32>} : memref<128x128xi32, #tpu.memory_space<vmem>>, vector<1x16xi32>,
        %swap3A_529 = vector.shape_cast %swap3A_528 : vector<1x16xi32> to vector<16xi32>
        %swap3A_530 = vector.shape_cast %add3A_525 : vector<16xi32> to vector<1x16xi32>
        tpu.vector_store %arg10[%swap3A_526, %swap3A_527], %swap3A_530 {strides = array<i32>} : memref<128x128xi32, #tpu.memory_space<vmem>>, vector<1x16xi32>,
        %slice3A_531 = vector.extract_strided_slice %get3A_367 {offsets = [8], sizes = [1], strides = [1]} : vector<16xi32> to vector<1xi32>
        %squeeze3A_532 = vector.extract %slice3A_531[0] : i32 from vector<1xi32>
        %shift_right_arithmetic3A_533 = arith.constant 3 : i32
        %shift_right_arithmetic3A_534 = arith.shrsi %squeeze3A_532, %shift_right_arithmetic3A_533 : i32
        %and3A_535 = arith.constant 7 : i32
        %and3A_536 = arith.andi %squeeze3A_532, %and3A_535 : i32
        %mul3A_537 = arith.constant 16 : i32
        %mul3A_538 = arith.muli %and3A_536, %mul3A_537 : i32
        %multiple_of3A_539 = tpu.assume_multiple %mul3A_538, 16 : i32
        %get3A_540 = arith.index_cast %shift_right_arithmetic3A_534 : i32 to index
        %get3A_541 = arith.index_cast %multiple_of3A_539 : i32 to index
        %get3A_542 = tpu.vector_load %arg10[%get3A_540, %get3A_541] {strides = array<i32>} : memref<128x128xi32, #tpu.memory_space<vmem>>, vector<1x16xi32>,
        %get3A_543 = vector.shape_cast %get3A_542 : vector<1x16xi32> to vector<16xi32>
        %add3A_544 = arith.constant 1 : i32
        %add3A_545 = vector.broadcast %add3A_544 : i32 to vector<16xi32>
        %add3A_546 = arith.addi %get3A_543, %add3A_545 : vector<16xi32>
        %swap3A_547 = arith.index_cast %shift_right_arithmetic3A_534 : i32 to index
        %swap3A_548 = arith.index_cast %multiple_of3A_539 : i32 to index
        %swap3A_549 = tpu.vector_load %arg10[%swap3A_547, %swap3A_548] {strides = array<i32>} : memref<128x128xi32, #tpu.memory_space<vmem>>, vector<1x16xi32>,
        %swap3A_550 = vector.shape_cast %swap3A_549 : vector<1x16xi32> to vector<16xi32>
        %swap3A_551 = vector.shape_cast %add3A_546 : vector<16xi32> to vector<1x16xi32>
        tpu.vector_store %arg10[%swap3A_547, %swap3A_548], %swap3A_551 {strides = array<i32>} : memref<128x128xi32, #tpu.memory_space<vmem>>, vector<1x16xi32>,
        %slice3A_552 = vector.extract_strided_slice %get3A_367 {offsets = [9], sizes = [1], strides = [1]} : vector<16xi32> to vector<1xi32>
        %squeeze3A_553 = vector.extract %slice3A_552[0] : i32 from vector<1xi32>
        %shift_right_arithmetic3A_554 = arith.constant 3 : i32
        %shift_right_arithmetic3A_555 = arith.shrsi %squeeze3A_553, %shift_right_arithmetic3A_554 : i32
        %and3A_556 = arith.constant 7 : i32
        %and3A_557 = arith.andi %squeeze3A_553, %and3A_556 : i32
        %mul3A_558 = arith.constant 16 : i32
        %mul3A_559 = arith.muli %and3A_557, %mul3A_558 : i32
        %multiple_of3A_560 = tpu.assume_multiple %mul3A_559, 16 : i32
        %get3A_561 = arith.index_cast %shift_right_arithmetic3A_555 : i32 to index
        %get3A_562 = arith.index_cast %multiple_of3A_560 : i32 to index
        %get3A_563 = tpu.vector_load %arg10[%get3A_561, %get3A_562] {strides = array<i32>} : memref<128x128xi32, #tpu.memory_space<vmem>>, vector<1x16xi32>,
        %get3A_564 = vector.shape_cast %get3A_563 : vector<1x16xi32> to vector<16xi32>
        %add3A_565 = arith.constant 1 : i32
        %add3A_566 = vector.broadcast %add3A_565 : i32 to vector<16xi32>
        %add3A_567 = arith.addi %get3A_564, %add3A_566 : vector<16xi32>
        %swap3A_568 = arith.index_cast %shift_right_arithmetic3A_555 : i32 to index
        %swap3A_569 = arith.index_cast %multiple_of3A_560 : i32 to index
        %swap3A_570 = tpu.vector_load %arg10[%swap3A_568, %swap3A_569] {strides = array<i32>} : memref<128x128xi32, #tpu.memory_space<vmem>>, vector<1x16xi32>,
        %swap3A_571 = vector.shape_cast %swap3A_570 : vector<1x16xi32> to vector<16xi32>
        %swap3A_572 = vector.shape_cast %add3A_567 : vector<16xi32> to vector<1x16xi32>
        tpu.vector_store %arg10[%swap3A_568, %swap3A_569], %swap3A_572 {strides = array<i32>} : memref<128x128xi32, #tpu.memory_space<vmem>>, vector<1x16xi32>,
        %slice3A_573 = vector.extract_strided_slice %get3A_367 {offsets = [10], sizes = [1], strides = [1]} : vector<16xi32> to vector<1xi32>
        %squeeze3A_574 = vector.extract %slice3A_573[0] : i32 from vector<1xi32>
        %shift_right_arithmetic3A_575 = arith.constant 3 : i32
        %shift_right_arithmetic3A_576 = arith.shrsi %squeeze3A_574, %shift_right_arithmetic3A_575 : i32
        %and3A_577 = arith.constant 7 : i32
        %and3A_578 = arith.andi %squeeze3A_574, %and3A_577 : i32
        %mul3A_579 = arith.constant 16 : i32
        %mul3A_580 = arith.muli %and3A_578, %mul3A_579 : i32
        %multiple_of3A_581 = tpu.assume_multiple %mul3A_580, 16 : i32
        %get3A_582 = arith.index_cast %shift_right_arithmetic3A_576 : i32 to index
        %get3A_583 = arith.index_cast %multiple_of3A_581 : i32 to index
        %get3A_584 = tpu.vector_load %arg10[%get3A_582, %get3A_583] {strides = array<i32>} : memref<128x128xi32, #tpu.memory_space<vmem>>, vector<1x16xi32>,
        %get3A_585 = vector.shape_cast %get3A_584 : vector<1x16xi32> to vector<16xi32>
        %add3A_586 = arith.constant 1 : i32
        %add3A_587 = vector.broadcast %add3A_586 : i32 to vector<16xi32>
        %add3A_588 = arith.addi %get3A_585, %add3A_587 : vector<16xi32>
        %swap3A_589 = arith.index_cast %shift_right_arithmetic3A_576 : i32 to index
        %swap3A_590 = arith.index_cast %multiple_of3A_581 : i32 to index
        %swap3A_591 = tpu.vector_load %arg10[%swap3A_589, %swap3A_590] {strides = array<i32>} : memref<128x128xi32, #tpu.memory_space<vmem>>, vector<1x16xi32>,
        %swap3A_592 = vector.shape_cast %swap3A_591 : vector<1x16xi32> to vector<16xi32>
        %swap3A_593 = vector.shape_cast %add3A_588 : vector<16xi32> to vector<1x16xi32>
        tpu.vector_store %arg10[%swap3A_589, %swap3A_590], %swap3A_593 {strides = array<i32>} : memref<128x128xi32, #tpu.memory_space<vmem>>, vector<1x16xi32>,
        %slice3A_594 = vector.extract_strided_slice %get3A_367 {offsets = [11], sizes = [1], strides = [1]} : vector<16xi32> to vector<1xi32>
        %squeeze3A_595 = vector.extract %slice3A_594[0] : i32 from vector<1xi32>
        %shift_right_arithmetic3A_596 = arith.constant 3 : i32
        %shift_right_arithmetic3A_597 = arith.shrsi %squeeze3A_595, %shift_right_arithmetic3A_596 : i32
        %and3A_598 = arith.constant 7 : i32
        %and3A_599 = arith.andi %squeeze3A_595, %and3A_598 : i32
        %mul3A_600 = arith.constant 16 : i32
        %mul3A_601 = arith.muli %and3A_599, %mul3A_600 : i32
        %multiple_of3A_602 = tpu.assume_multiple %mul3A_601, 16 : i32
        %get3A_603 = arith.index_cast %shift_right_arithmetic3A_597 : i32 to index
        %get3A_604 = arith.index_cast %multiple_of3A_602 : i32 to index
        %get3A_605 = tpu.vector_load %arg10[%get3A_603, %get3A_604] {strides = array<i32>} : memref<128x128xi32, #tpu.memory_space<vmem>>, vector<1x16xi32>,
        %get3A_606 = vector.shape_cast %get3A_605 : vector<1x16xi32> to vector<16xi32>
        %add3A_607 = arith.constant 1 : i32
        %add3A_608 = vector.broadcast %add3A_607 : i32 to vector<16xi32>
        %add3A_609 = arith.addi %get3A_606, %add3A_608 : vector<16xi32>
        %swap3A_610 = arith.index_cast %shift_right_arithmetic3A_597 : i32 to index
        %swap3A_611 = arith.index_cast %multiple_of3A_602 : i32 to index
        %swap3A_612 = tpu.vector_load %arg10[%swap3A_610, %swap3A_611] {strides = array<i32>} : memref<128x128xi32, #tpu.memory_space<vmem>>, vector<1x16xi32>,
        %swap3A_613 = vector.shape_cast %swap3A_612 : vector<1x16xi32> to vector<16xi32>
        %swap3A_614 = vector.shape_cast %add3A_609 : vector<16xi32> to vector<1x16xi32>
        tpu.vector_store %arg10[%swap3A_610, %swap3A_611], %swap3A_614 {strides = array<i32>} : memref<128x128xi32, #tpu.memory_space<vmem>>, vector<1x16xi32>,
        %slice3A_615 = vector.extract_strided_slice %get3A_367 {offsets = [12], sizes = [1], strides = [1]} : vector<16xi32> to vector<1xi32>
        %squeeze3A_616 = vector.extract %slice3A_615[0] : i32 from vector<1xi32>
        %shift_right_arithmetic3A_617 = arith.constant 3 : i32
        %shift_right_arithmetic3A_618 = arith.shrsi %squeeze3A_616, %shift_right_arithmetic3A_617 : i32
        %and3A_619 = arith.constant 7 : i32
        %and3A_620 = arith.andi %squeeze3A_616, %and3A_619 : i32
        %mul3A_621 = arith.constant 16 : i32
        %mul3A_622 = arith.muli %and3A_620, %mul3A_621 : i32
        %multiple_of3A_623 = tpu.assume_multiple %mul3A_622, 16 : i32
        %get3A_624 = arith.index_cast %shift_right_arithmetic3A_618 : i32 to index
        %get3A_625 = arith.index_cast %multiple_of3A_623 : i32 to index
        %get3A_626 = tpu.vector_load %arg10[%get3A_624, %get3A_625] {strides = array<i32>} : memref<128x128xi32, #tpu.memory_space<vmem>>, vector<1x16xi32>,
        %get3A_627 = vector.shape_cast %get3A_626 : vector<1x16xi32> to vector<16xi32>
        %add3A_628 = arith.constant 1 : i32
        %add3A_629 = vector.broadcast %add3A_628 : i32 to vector<16xi32>
        %add3A_630 = arith.addi %get3A_627, %add3A_629 : vector<16xi32>
        %swap3A_631 = arith.index_cast %shift_right_arithmetic3A_618 : i32 to index
        %swap3A_632 = arith.index_cast %multiple_of3A_623 : i32 to index
        %swap3A_633 = tpu.vector_load %arg10[%swap3A_631, %swap3A_632] {strides = array<i32>} : memref<128x128xi32, #tpu.memory_space<vmem>>, vector<1x16xi32>,
        %swap3A_634 = vector.shape_cast %swap3A_633 : vector<1x16xi32> to vector<16xi32>
        %swap3A_635 = vector.shape_cast %add3A_630 : vector<16xi32> to vector<1x16xi32>
        tpu.vector_store %arg10[%swap3A_631, %swap3A_632], %swap3A_635 {strides = array<i32>} : memref<128x128xi32, #tpu.memory_space<vmem>>, vector<1x16xi32>,
        %slice3A_636 = vector.extract_strided_slice %get3A_367 {offsets = [13], sizes = [1], strides = [1]} : vector<16xi32> to vector<1xi32>
        %squeeze3A_637 = vector.extract %slice3A_636[0] : i32 from vector<1xi32>
        %shift_right_arithmetic3A_638 = arith.constant 3 : i32
        %shift_right_arithmetic3A_639 = arith.shrsi %squeeze3A_637, %shift_right_arithmetic3A_638 : i32
        %and3A_640 = arith.constant 7 : i32
        %and3A_641 = arith.andi %squeeze3A_637, %and3A_640 : i32
        %mul3A_642 = arith.constant 16 : i32
        %mul3A_643 = arith.muli %and3A_641, %mul3A_642 : i32
        %multiple_of3A_644 = tpu.assume_multiple %mul3A_643, 16 : i32
        %get3A_645 = arith.index_cast %shift_right_arithmetic3A_639 : i32 to index
        %get3A_646 = arith.index_cast %multiple_of3A_644 : i32 to index
        %get3A_647 = tpu.vector_load %arg10[%get3A_645, %get3A_646] {strides = array<i32>} : memref<128x128xi32, #tpu.memory_space<vmem>>, vector<1x16xi32>,
        %get3A_648 = vector.shape_cast %get3A_647 : vector<1x16xi32> to vector<16xi32>
        %add3A_649 = arith.constant 1 : i32
        %add3A_650 = vector.broadcast %add3A_649 : i32 to vector<16xi32>
        %add3A_651 = arith.addi %get3A_648, %add3A_650 : vector<16xi32>
        %swap3A_652 = arith.index_cast %shift_right_arithmetic3A_639 : i32 to index
        %swap3A_653 = arith.index_cast %multiple_of3A_644 : i32 to index
        %swap3A_654 = tpu.vector_load %arg10[%swap3A_652, %swap3A_653] {strides = array<i32>} : memref<128x128xi32, #tpu.memory_space<vmem>>, vector<1x16xi32>,
        %swap3A_655 = vector.shape_cast %swap3A_654 : vector<1x16xi32> to vector<16xi32>
        %swap3A_656 = vector.shape_cast %add3A_651 : vector<16xi32> to vector<1x16xi32>
        tpu.vector_store %arg10[%swap3A_652, %swap3A_653], %swap3A_656 {strides = array<i32>} : memref<128x128xi32, #tpu.memory_space<vmem>>, vector<1x16xi32>,
        %slice3A_657 = vector.extract_strided_slice %get3A_367 {offsets = [14], sizes = [1], strides = [1]} : vector<16xi32> to vector<1xi32>
        %squeeze3A_658 = vector.extract %slice3A_657[0] : i32 from vector<1xi32>
        %shift_right_arithmetic3A_659 = arith.constant 3 : i32
        %shift_right_arithmetic3A_660 = arith.shrsi %squeeze3A_658, %shift_right_arithmetic3A_659 : i32
        %and3A_661 = arith.constant 7 : i32
        %and3A_662 = arith.andi %squeeze3A_658, %and3A_661 : i32
        %mul3A_663 = arith.constant 16 : i32
        %mul3A_664 = arith.muli %and3A_662, %mul3A_663 : i32
        %multiple_of3A_665 = tpu.assume_multiple %mul3A_664, 16 : i32
        %get3A_666 = arith.index_cast %shift_right_arithmetic3A_660 : i32 to index
        %get3A_667 = arith.index_cast %multiple_of3A_665 : i32 to index
        %get3A_668 = tpu.vector_load %arg10[%get3A_666, %get3A_667] {strides = array<i32>} : memref<128x128xi32, #tpu.memory_space<vmem>>, vector<1x16xi32>,
        %get3A_669 = vector.shape_cast %get3A_668 : vector<1x16xi32> to vector<16xi32>
        %add3A_670 = arith.constant 1 : i32
        %add3A_671 = vector.broadcast %add3A_670 : i32 to vector<16xi32>
        %add3A_672 = arith.addi %get3A_669, %add3A_671 : vector<16xi32>
        %swap3A_673 = arith.index_cast %shift_right_arithmetic3A_660 : i32 to index
        %swap3A_674 = arith.index_cast %multiple_of3A_665 : i32 to index
        %swap3A_675 = tpu.vector_load %arg10[%swap3A_673, %swap3A_674] {strides = array<i32>} : memref<128x128xi32, #tpu.memory_space<vmem>>, vector<1x16xi32>,
        %swap3A_676 = vector.shape_cast %swap3A_675 : vector<1x16xi32> to vector<16xi32>
        %swap3A_677 = vector.shape_cast %add3A_672 : vector<16xi32> to vector<1x16xi32>
        tpu.vector_store %arg10[%swap3A_673, %swap3A_674], %swap3A_677 {strides = array<i32>} : memref<128x128xi32, #tpu.memory_space<vmem>>, vector<1x16xi32>,
        %slice3A_678 = vector.extract_strided_slice %get3A_367 {offsets = [15], sizes = [1], strides = [1]} : vector<16xi32> to vector<1xi32>
        %squeeze3A_679 = vector.extract %slice3A_678[0] : i32 from vector<1xi32>
        %shift_right_arithmetic3A_680 = arith.constant 3 : i32
        %shift_right_arithmetic3A_681 = arith.shrsi %squeeze3A_679, %shift_right_arithmetic3A_680 : i32
        %and3A_682 = arith.constant 7 : i32
        %and3A_683 = arith.andi %squeeze3A_679, %and3A_682 : i32
        %mul3A_684 = arith.constant 16 : i32
        %mul3A_685 = arith.muli %and3A_683, %mul3A_684 : i32
        %multiple_of3A_686 = tpu.assume_multiple %mul3A_685, 16 : i32
        %get3A_687 = arith.index_cast %shift_right_arithmetic3A_681 : i32 to index
        %get3A_688 = arith.index_cast %multiple_of3A_686 : i32 to index
        %get3A_689 = tpu.vector_load %arg10[%get3A_687, %get3A_688] {strides = array<i32>} : memref<128x128xi32, #tpu.memory_space<vmem>>, vector<1x16xi32>,
        %get3A_690 = vector.shape_cast %get3A_689 : vector<1x16xi32> to vector<16xi32>
        %add3A_691 = arith.constant 1 : i32
        %add3A_692 = vector.broadcast %add3A_691 : i32 to vector<16xi32>
        %add3A_693 = arith.addi %get3A_690, %add3A_692 : vector<16xi32>
        %swap3A_694 = arith.index_cast %shift_right_arithmetic3A_681 : i32 to index
        %swap3A_695 = arith.index_cast %multiple_of3A_686 : i32 to index
        %swap3A_696 = tpu.vector_load %arg10[%swap3A_694, %swap3A_695] {strides = array<i32>} : memref<128x128xi32, #tpu.memory_space<vmem>>, vector<1x16xi32>,
        %swap3A_697 = vector.shape_cast %swap3A_696 : vector<1x16xi32> to vector<16xi32>
        %swap3A_698 = vector.shape_cast %add3A_693 : vector<16xi32> to vector<1x16xi32>
        tpu.vector_store %arg10[%swap3A_694, %swap3A_695], %swap3A_698 {strides = array<i32>} : memref<128x128xi32, #tpu.memory_space<vmem>>, vector<1x16xi32>,
        %mul3A_699 = arith.constant 16 : i32
        %mul3A_700 = arith.muli %scan3A_361, %mul3A_699 : i32
        %multiple_of3A_701 = tpu.assume_multiple %mul3A_700, 16 : i32
        %get3A_702 = arith.constant 1 : i32
        %get3A_703 = arith.index_cast %get3A_702 : i32 to index
        %get3A_704 = arith.index_cast %multiple_of3A_701 : i32 to index
        %get3A_705 = tpu.vector_load %arg8[%get3A_703, %get3A_704] {strides = array<i32>} : memref<2x128xi32, #tpu.memory_space<vmem>>, vector<1x16xi32>,
        %get3A_706 = vector.shape_cast %get3A_705 : vector<1x16xi32> to vector<16xi32>
        %slice3A_707 = vector.extract_strided_slice %get3A_706 {offsets = [0], sizes = [1], strides = [1]} : vector<16xi32> to vector<1xi32>
        %squeeze3A_708 = vector.extract %slice3A_707[0] : i32 from vector<1xi32>
        %shift_right_arithmetic3A_709 = arith.constant 3 : i32
        %shift_right_arithmetic3A_710 = arith.shrsi %squeeze3A_708, %shift_right_arithmetic3A_709 : i32
        %and3A_711 = arith.constant 7 : i32
        %and3A_712 = arith.andi %squeeze3A_708, %and3A_711 : i32
        %mul3A_713 = arith.constant 16 : i32
        %mul3A_714 = arith.muli %and3A_712, %mul3A_713 : i32
        %multiple_of3A_715 = tpu.assume_multiple %mul3A_714, 16 : i32
        %get3A_716 = arith.index_cast %shift_right_arithmetic3A_710 : i32 to index
        %get3A_717 = arith.index_cast %multiple_of3A_715 : i32 to index
        %get3A_718 = tpu.vector_load %arg10[%get3A_716, %get3A_717] {strides = array<i32>} : memref<128x128xi32, #tpu.memory_space<vmem>>, vector<1x16xi32>,
        %get3A_719 = vector.shape_cast %get3A_718 : vector<1x16xi32> to vector<16xi32>
        %add3A_720 = arith.constant 1 : i32
        %add3A_721 = vector.broadcast %add3A_720 : i32 to vector<16xi32>
        %add3A_722 = arith.addi %get3A_719, %add3A_721 : vector<16xi32>
        %swap3A_723 = arith.index_cast %shift_right_arithmetic3A_710 : i32 to index
        %swap3A_724 = arith.index_cast %multiple_of3A_715 : i32 to index
        %swap3A_725 = tpu.vector_load %arg10[%swap3A_723, %swap3A_724] {strides = array<i32>} : memref<128x128xi32, #tpu.memory_space<vmem>>, vector<1x16xi32>,
        %swap3A_726 = vector.shape_cast %swap3A_725 : vector<1x16xi32> to vector<16xi32>
        %swap3A_727 = vector.shape_cast %add3A_722 : vector<16xi32> to vector<1x16xi32>
        tpu.vector_store %arg10[%swap3A_723, %swap3A_724], %swap3A_727 {strides = array<i32>} : memref<128x128xi32, #tpu.memory_space<vmem>>, vector<1x16xi32>,
        %slice3A_728 = vector.extract_strided_slice %get3A_706 {offsets = [1], sizes = [1], strides = [1]} : vector<16xi32> to vector<1xi32>
        %squeeze3A_729 = vector.extract %slice3A_728[0] : i32 from vector<1xi32>
        %shift_right_arithmetic3A_730 = arith.constant 3 : i32
        %shift_right_arithmetic3A_731 = arith.shrsi %squeeze3A_729, %shift_right_arithmetic3A_730 : i32
        %and3A_732 = arith.constant 7 : i32
        %and3A_733 = arith.andi %squeeze3A_729, %and3A_732 : i32
        %mul3A_734 = arith.constant 16 : i32
        %mul3A_735 = arith.muli %and3A_733, %mul3A_734 : i32
        %multiple_of3A_736 = tpu.assume_multiple %mul3A_735, 16 : i32
        %get3A_737 = arith.index_cast %shift_right_arithmetic3A_731 : i32 to index
        %get3A_738 = arith.index_cast %multiple_of3A_736 : i32 to index
        %get3A_739 = tpu.vector_load %arg10[%get3A_737, %get3A_738] {strides = array<i32>} : memref<128x128xi32, #tpu.memory_space<vmem>>, vector<1x16xi32>,
        %get3A_740 = vector.shape_cast %get3A_739 : vector<1x16xi32> to vector<16xi32>
        %add3A_741 = arith.constant 1 : i32
        %add3A_742 = vector.broadcast %add3A_741 : i32 to vector<16xi32>
        %add3A_743 = arith.addi %get3A_740, %add3A_742 : vector<16xi32>
        %swap3A_744 = arith.index_cast %shift_right_arithmetic3A_731 : i32 to index
        %swap3A_745 = arith.index_cast %multiple_of3A_736 : i32 to index
        %swap3A_746 = tpu.vector_load %arg10[%swap3A_744, %swap3A_745] {strides = array<i32>} : memref<128x128xi32, #tpu.memory_space<vmem>>, vector<1x16xi32>,
        %swap3A_747 = vector.shape_cast %swap3A_746 : vector<1x16xi32> to vector<16xi32>
        %swap3A_748 = vector.shape_cast %add3A_743 : vector<16xi32> to vector<1x16xi32>
        tpu.vector_store %arg10[%swap3A_744, %swap3A_745], %swap3A_748 {strides = array<i32>} : memref<128x128xi32, #tpu.memory_space<vmem>>, vector<1x16xi32>,
        %slice3A_749 = vector.extract_strided_slice %get3A_706 {offsets = [2], sizes = [1], strides = [1]} : vector<16xi32> to vector<1xi32>
        %squeeze3A_750 = vector.extract %slice3A_749[0] : i32 from vector<1xi32>
        %shift_right_arithmetic3A_751 = arith.constant 3 : i32
        %shift_right_arithmetic3A_752 = arith.shrsi %squeeze3A_750, %shift_right_arithmetic3A_751 : i32
        %and3A_753 = arith.constant 7 : i32
        %and3A_754 = arith.andi %squeeze3A_750, %and3A_753 : i32
        %mul3A_755 = arith.constant 16 : i32
        %mul3A_756 = arith.muli %and3A_754, %mul3A_755 : i32
        %multiple_of3A_757 = tpu.assume_multiple %mul3A_756, 16 : i32
        %get3A_758 = arith.index_cast %shift_right_arithmetic3A_752 : i32 to index
        %get3A_759 = arith.index_cast %multiple_of3A_757 : i32 to index
        %get3A_760 = tpu.vector_load %arg10[%get3A_758, %get3A_759] {strides = array<i32>} : memref<128x128xi32, #tpu.memory_space<vmem>>, vector<1x16xi32>,
        %get3A_761 = vector.shape_cast %get3A_760 : vector<1x16xi32> to vector<16xi32>
        %add3A_762 = arith.constant 1 : i32
        %add3A_763 = vector.broadcast %add3A_762 : i32 to vector<16xi32>
        %add3A_764 = arith.addi %get3A_761, %add3A_763 : vector<16xi32>
        %swap3A_765 = arith.index_cast %shift_right_arithmetic3A_752 : i32 to index
        %swap3A_766 = arith.index_cast %multiple_of3A_757 : i32 to index
        %swap3A_767 = tpu.vector_load %arg10[%swap3A_765, %swap3A_766] {strides = array<i32>} : memref<128x128xi32, #tpu.memory_space<vmem>>, vector<1x16xi32>,
        %swap3A_768 = vector.shape_cast %swap3A_767 : vector<1x16xi32> to vector<16xi32>
        %swap3A_769 = vector.shape_cast %add3A_764 : vector<16xi32> to vector<1x16xi32>
        tpu.vector_store %arg10[%swap3A_765, %swap3A_766], %swap3A_769 {strides = array<i32>} : memref<128x128xi32, #tpu.memory_space<vmem>>, vector<1x16xi32>,
        %slice3A_770 = vector.extract_strided_slice %get3A_706 {offsets = [3], sizes = [1], strides = [1]} : vector<16xi32> to vector<1xi32>
        %squeeze3A_771 = vector.extract %slice3A_770[0] : i32 from vector<1xi32>
        %shift_right_arithmetic3A_772 = arith.constant 3 : i32
        %shift_right_arithmetic3A_773 = arith.shrsi %squeeze3A_771, %shift_right_arithmetic3A_772 : i32
        %and3A_774 = arith.constant 7 : i32
        %and3A_775 = arith.andi %squeeze3A_771, %and3A_774 : i32
        %mul3A_776 = arith.constant 16 : i32
        %mul3A_777 = arith.muli %and3A_775, %mul3A_776 : i32
        %multiple_of3A_778 = tpu.assume_multiple %mul3A_777, 16 : i32
        %get3A_779 = arith.index_cast %shift_right_arithmetic3A_773 : i32 to index
        %get3A_780 = arith.index_cast %multiple_of3A_778 : i32 to index
        %get3A_781 = tpu.vector_load %arg10[%get3A_779, %get3A_780] {strides = array<i32>} : memref<128x128xi32, #tpu.memory_space<vmem>>, vector<1x16xi32>,
        %get3A_782 = vector.shape_cast %get3A_781 : vector<1x16xi32> to vector<16xi32>
        %add3A_783 = arith.constant 1 : i32
        %add3A_784 = vector.broadcast %add3A_783 : i32 to vector<16xi32>
        %add3A_785 = arith.addi %get3A_782, %add3A_784 : vector<16xi32>
        %swap3A_786 = arith.index_cast %shift_right_arithmetic3A_773 : i32 to index
        %swap3A_787 = arith.index_cast %multiple_of3A_778 : i32 to index
        %swap3A_788 = tpu.vector_load %arg10[%swap3A_786, %swap3A_787] {strides = array<i32>} : memref<128x128xi32, #tpu.memory_space<vmem>>, vector<1x16xi32>,
        %swap3A_789 = vector.shape_cast %swap3A_788 : vector<1x16xi32> to vector<16xi32>
        %swap3A_790 = vector.shape_cast %add3A_785 : vector<16xi32> to vector<1x16xi32>
        tpu.vector_store %arg10[%swap3A_786, %swap3A_787], %swap3A_790 {strides = array<i32>} : memref<128x128xi32, #tpu.memory_space<vmem>>, vector<1x16xi32>,
        %slice3A_791 = vector.extract_strided_slice %get3A_706 {offsets = [4], sizes = [1], strides = [1]} : vector<16xi32> to vector<1xi32>
        %squeeze3A_792 = vector.extract %slice3A_791[0] : i32 from vector<1xi32>
        %shift_right_arithmetic3A_793 = arith.constant 3 : i32
        %shift_right_arithmetic3A_794 = arith.shrsi %squeeze3A_792, %shift_right_arithmetic3A_793 : i32
        %and3A_795 = arith.constant 7 : i32
        %and3A_796 = arith.andi %squeeze3A_792, %and3A_795 : i32
        %mul3A_797 = arith.constant 16 : i32
        %mul3A_798 = arith.muli %and3A_796, %mul3A_797 : i32
        %multiple_of3A_799 = tpu.assume_multiple %mul3A_798, 16 : i32
        %get3A_800 = arith.index_cast %shift_right_arithmetic3A_794 : i32 to index
        %get3A_801 = arith.index_cast %multiple_of3A_799 : i32 to index
        %get3A_802 = tpu.vector_load %arg10[%get3A_800, %get3A_801] {strides = array<i32>} : memref<128x128xi32, #tpu.memory_space<vmem>>, vector<1x16xi32>,
        %get3A_803 = vector.shape_cast %get3A_802 : vector<1x16xi32> to vector<16xi32>
        %add3A_804 = arith.constant 1 : i32
        %add3A_805 = vector.broadcast %add3A_804 : i32 to vector<16xi32>
        %add3A_806 = arith.addi %get3A_803, %add3A_805 : vector<16xi32>
        %swap3A_807 = arith.index_cast %shift_right_arithmetic3A_794 : i32 to index
        %swap3A_808 = arith.index_cast %multiple_of3A_799 : i32 to index
        %swap3A_809 = tpu.vector_load %arg10[%swap3A_807, %swap3A_808] {strides = array<i32>} : memref<128x128xi32, #tpu.memory_space<vmem>>, vector<1x16xi32>,
        %swap3A_810 = vector.shape_cast %swap3A_809 : vector<1x16xi32> to vector<16xi32>
        %swap3A_811 = vector.shape_cast %add3A_806 : vector<16xi32> to vector<1x16xi32>
        tpu.vector_store %arg10[%swap3A_807, %swap3A_808], %swap3A_811 {strides = array<i32>} : memref<128x128xi32, #tpu.memory_space<vmem>>, vector<1x16xi32>,
        %slice3A_812 = vector.extract_strided_slice %get3A_706 {offsets = [5], sizes = [1], strides = [1]} : vector<16xi32> to vector<1xi32>
        %squeeze3A_813 = vector.extract %slice3A_812[0] : i32 from vector<1xi32>
        %shift_right_arithmetic3A_814 = arith.constant 3 : i32
        %shift_right_arithmetic3A_815 = arith.shrsi %squeeze3A_813, %shift_right_arithmetic3A_814 : i32
        %and3A_816 = arith.constant 7 : i32
        %and3A_817 = arith.andi %squeeze3A_813, %and3A_816 : i32
        %mul3A_818 = arith.constant 16 : i32
        %mul3A_819 = arith.muli %and3A_817, %mul3A_818 : i32
        %multiple_of3A_820 = tpu.assume_multiple %mul3A_819, 16 : i32
        %get3A_821 = arith.index_cast %shift_right_arithmetic3A_815 : i32 to index
        %get3A_822 = arith.index_cast %multiple_of3A_820 : i32 to index
        %get3A_823 = tpu.vector_load %arg10[%get3A_821, %get3A_822] {strides = array<i32>} : memref<128x128xi32, #tpu.memory_space<vmem>>, vector<1x16xi32>,
        %get3A_824 = vector.shape_cast %get3A_823 : vector<1x16xi32> to vector<16xi32>
        %add3A_825 = arith.constant 1 : i32
        %add3A_826 = vector.broadcast %add3A_825 : i32 to vector<16xi32>
        %add3A_827 = arith.addi %get3A_824, %add3A_826 : vector<16xi32>
        %swap3A_828 = arith.index_cast %shift_right_arithmetic3A_815 : i32 to index
        %swap3A_829 = arith.index_cast %multiple_of3A_820 : i32 to index
        %swap3A_830 = tpu.vector_load %arg10[%swap3A_828, %swap3A_829] {strides = array<i32>} : memref<128x128xi32, #tpu.memory_space<vmem>>, vector<1x16xi32>,
        %swap3A_831 = vector.shape_cast %swap3A_830 : vector<1x16xi32> to vector<16xi32>
        %swap3A_832 = vector.shape_cast %add3A_827 : vector<16xi32> to vector<1x16xi32>
        tpu.vector_store %arg10[%swap3A_828, %swap3A_829], %swap3A_832 {strides = array<i32>} : memref<128x128xi32, #tpu.memory_space<vmem>>, vector<1x16xi32>,
        %slice3A_833 = vector.extract_strided_slice %get3A_706 {offsets = [6], sizes = [1], strides = [1]} : vector<16xi32> to vector<1xi32>
        %squeeze3A_834 = vector.extract %slice3A_833[0] : i32 from vector<1xi32>
        %shift_right_arithmetic3A_835 = arith.constant 3 : i32
        %shift_right_arithmetic3A_836 = arith.shrsi %squeeze3A_834, %shift_right_arithmetic3A_835 : i32
        %and3A_837 = arith.constant 7 : i32
        %and3A_838 = arith.andi %squeeze3A_834, %and3A_837 : i32
        %mul3A_839 = arith.constant 16 : i32
        %mul3A_840 = arith.muli %and3A_838, %mul3A_839 : i32
        %multiple_of3A_841 = tpu.assume_multiple %mul3A_840, 16 : i32
        %get3A_842 = arith.index_cast %shift_right_arithmetic3A_836 : i32 to index
        %get3A_843 = arith.index_cast %multiple_of3A_841 : i32 to index
        %get3A_844 = tpu.vector_load %arg10[%get3A_842, %get3A_843] {strides = array<i32>} : memref<128x128xi32, #tpu.memory_space<vmem>>, vector<1x16xi32>,
        %get3A_845 = vector.shape_cast %get3A_844 : vector<1x16xi32> to vector<16xi32>
        %add3A_846 = arith.constant 1 : i32
        %add3A_847 = vector.broadcast %add3A_846 : i32 to vector<16xi32>
        %add3A_848 = arith.addi %get3A_845, %add3A_847 : vector<16xi32>
        %swap3A_849 = arith.index_cast %shift_right_arithmetic3A_836 : i32 to index
        %swap3A_850 = arith.index_cast %multiple_of3A_841 : i32 to index
        %swap3A_851 = tpu.vector_load %arg10[%swap3A_849, %swap3A_850] {strides = array<i32>} : memref<128x128xi32, #tpu.memory_space<vmem>>, vector<1x16xi32>,
        %swap3A_852 = vector.shape_cast %swap3A_851 : vector<1x16xi32> to vector<16xi32>
        %swap3A_853 = vector.shape_cast %add3A_848 : vector<16xi32> to vector<1x16xi32>
        tpu.vector_store %arg10[%swap3A_849, %swap3A_850], %swap3A_853 {strides = array<i32>} : memref<128x128xi32, #tpu.memory_space<vmem>>, vector<1x16xi32>,
        %slice3A_854 = vector.extract_strided_slice %get3A_706 {offsets = [7], sizes = [1], strides = [1]} : vector<16xi32> to vector<1xi32>
        %squeeze3A_855 = vector.extract %slice3A_854[0] : i32 from vector<1xi32>
        %shift_right_arithmetic3A_856 = arith.constant 3 : i32
        %shift_right_arithmetic3A_857 = arith.shrsi %squeeze3A_855, %shift_right_arithmetic3A_856 : i32
        %and3A_858 = arith.constant 7 : i32
        %and3A_859 = arith.andi %squeeze3A_855, %and3A_858 : i32
        %mul3A_860 = arith.constant 16 : i32
        %mul3A_861 = arith.muli %and3A_859, %mul3A_860 : i32
        %multiple_of3A_862 = tpu.assume_multiple %mul3A_861, 16 : i32
        %get3A_863 = arith.index_cast %shift_right_arithmetic3A_857 : i32 to index
        %get3A_864 = arith.index_cast %multiple_of3A_862 : i32 to index
        %get3A_865 = tpu.vector_load %arg10[%get3A_863, %get3A_864] {strides = array<i32>} : memref<128x128xi32, #tpu.memory_space<vmem>>, vector<1x16xi32>,
        %get3A_866 = vector.shape_cast %get3A_865 : vector<1x16xi32> to vector<16xi32>
        %add3A_867 = arith.constant 1 : i32
        %add3A_868 = vector.broadcast %add3A_867 : i32 to vector<16xi32>
        %add3A_869 = arith.addi %get3A_866, %add3A_868 : vector<16xi32>
        %swap3A_870 = arith.index_cast %shift_right_arithmetic3A_857 : i32 to index
        %swap3A_871 = arith.index_cast %multiple_of3A_862 : i32 to index
        %swap3A_872 = tpu.vector_load %arg10[%swap3A_870, %swap3A_871] {strides = array<i32>} : memref<128x128xi32, #tpu.memory_space<vmem>>, vector<1x16xi32>,
        %swap3A_873 = vector.shape_cast %swap3A_872 : vector<1x16xi32> to vector<16xi32>
        %swap3A_874 = vector.shape_cast %add3A_869 : vector<16xi32> to vector<1x16xi32>
        tpu.vector_store %arg10[%swap3A_870, %swap3A_871], %swap3A_874 {strides = array<i32>} : memref<128x128xi32, #tpu.memory_space<vmem>>, vector<1x16xi32>,
        %slice3A_875 = vector.extract_strided_slice %get3A_706 {offsets = [8], sizes = [1], strides = [1]} : vector<16xi32> to vector<1xi32>
        %squeeze3A_876 = vector.extract %slice3A_875[0] : i32 from vector<1xi32>
        %shift_right_arithmetic3A_877 = arith.constant 3 : i32
        %shift_right_arithmetic3A_878 = arith.shrsi %squeeze3A_876, %shift_right_arithmetic3A_877 : i32
        %and3A_879 = arith.constant 7 : i32
        %and3A_880 = arith.andi %squeeze3A_876, %and3A_879 : i32
        %mul3A_881 = arith.constant 16 : i32
        %mul3A_882 = arith.muli %and3A_880, %mul3A_881 : i32
        %multiple_of3A_883 = tpu.assume_multiple %mul3A_882, 16 : i32
        %get3A_884 = arith.index_cast %shift_right_arithmetic3A_878 : i32 to index
        %get3A_885 = arith.index_cast %multiple_of3A_883 : i32 to index
        %get3A_886 = tpu.vector_load %arg10[%get3A_884, %get3A_885] {strides = array<i32>} : memref<128x128xi32, #tpu.memory_space<vmem>>, vector<1x16xi32>,
        %get3A_887 = vector.shape_cast %get3A_886 : vector<1x16xi32> to vector<16xi32>
        %add3A_888 = arith.constant 1 : i32
        %add3A_889 = vector.broadcast %add3A_888 : i32 to vector<16xi32>
        %add3A_890 = arith.addi %get3A_887, %add3A_889 : vector<16xi32>
        %swap3A_891 = arith.index_cast %shift_right_arithmetic3A_878 : i32 to index
        %swap3A_892 = arith.index_cast %multiple_of3A_883 : i32 to index
        %swap3A_893 = tpu.vector_load %arg10[%swap3A_891, %swap3A_892] {strides = array<i32>} : memref<128x128xi32, #tpu.memory_space<vmem>>, vector<1x16xi32>,
        %swap3A_894 = vector.shape_cast %swap3A_893 : vector<1x16xi32> to vector<16xi32>
        %swap3A_895 = vector.shape_cast %add3A_890 : vector<16xi32> to vector<1x16xi32>
        tpu.vector_store %arg10[%swap3A_891, %swap3A_892], %swap3A_895 {strides = array<i32>} : memref<128x128xi32, #tpu.memory_space<vmem>>, vector<1x16xi32>,
        %slice3A_896 = vector.extract_strided_slice %get3A_706 {offsets = [9], sizes = [1], strides = [1]} : vector<16xi32> to vector<1xi32>
        %squeeze3A_897 = vector.extract %slice3A_896[0] : i32 from vector<1xi32>
        %shift_right_arithmetic3A_898 = arith.constant 3 : i32
        %shift_right_arithmetic3A_899 = arith.shrsi %squeeze3A_897, %shift_right_arithmetic3A_898 : i32
        %and3A_900 = arith.constant 7 : i32
        %and3A_901 = arith.andi %squeeze3A_897, %and3A_900 : i32
        %mul3A_902 = arith.constant 16 : i32
        %mul3A_903 = arith.muli %and3A_901, %mul3A_902 : i32
        %multiple_of3A_904 = tpu.assume_multiple %mul3A_903, 16 : i32
        %get3A_905 = arith.index_cast %shift_right_arithmetic3A_899 : i32 to index
        %get3A_906 = arith.index_cast %multiple_of3A_904 : i32 to index
        %get3A_907 = tpu.vector_load %arg10[%get3A_905, %get3A_906] {strides = array<i32>} : memref<128x128xi32, #tpu.memory_space<vmem>>, vector<1x16xi32>,
        %get3A_908 = vector.shape_cast %get3A_907 : vector<1x16xi32> to vector<16xi32>
        %add3A_909 = arith.constant 1 : i32
        %add3A_910 = vector.broadcast %add3A_909 : i32 to vector<16xi32>
        %add3A_911 = arith.addi %get3A_908, %add3A_910 : vector<16xi32>
        %swap3A_912 = arith.index_cast %shift_right_arithmetic3A_899 : i32 to index
        %swap3A_913 = arith.index_cast %multiple_of3A_904 : i32 to index
        %swap3A_914 = tpu.vector_load %arg10[%swap3A_912, %swap3A_913] {strides = array<i32>} : memref<128x128xi32, #tpu.memory_space<vmem>>, vector<1x16xi32>,
        %swap3A_915 = vector.shape_cast %swap3A_914 : vector<1x16xi32> to vector<16xi32>
        %swap3A_916 = vector.shape_cast %add3A_911 : vector<16xi32> to vector<1x16xi32>
        tpu.vector_store %arg10[%swap3A_912, %swap3A_913], %swap3A_916 {strides = array<i32>} : memref<128x128xi32, #tpu.memory_space<vmem>>, vector<1x16xi32>,
        %slice3A_917 = vector.extract_strided_slice %get3A_706 {offsets = [10], sizes = [1], strides = [1]} : vector<16xi32> to vector<1xi32>
        %squeeze3A_918 = vector.extract %slice3A_917[0] : i32 from vector<1xi32>
        %shift_right_arithmetic3A_919 = arith.constant 3 : i32
        %shift_right_arithmetic3A_920 = arith.shrsi %squeeze3A_918, %shift_right_arithmetic3A_919 : i32
        %and3A_921 = arith.constant 7 : i32
        %and3A_922 = arith.andi %squeeze3A_918, %and3A_921 : i32
        %mul3A_923 = arith.constant 16 : i32
        %mul3A_924 = arith.muli %and3A_922, %mul3A_923 : i32
        %multiple_of3A_925 = tpu.assume_multiple %mul3A_924, 16 : i32
        %get3A_926 = arith.index_cast %shift_right_arithmetic3A_920 : i32 to index
        %get3A_927 = arith.index_cast %multiple_of3A_925 : i32 to index
        %get3A_928 = tpu.vector_load %arg10[%get3A_926, %get3A_927] {strides = array<i32>} : memref<128x128xi32, #tpu.memory_space<vmem>>, vector<1x16xi32>,
        %get3A_929 = vector.shape_cast %get3A_928 : vector<1x16xi32> to vector<16xi32>
        %add3A_930 = arith.constant 1 : i32
        %add3A_931 = vector.broadcast %add3A_930 : i32 to vector<16xi32>
        %add3A_932 = arith.addi %get3A_929, %add3A_931 : vector<16xi32>
        %swap3A_933 = arith.index_cast %shift_right_arithmetic3A_920 : i32 to index
        %swap3A_934 = arith.index_cast %multiple_of3A_925 : i32 to index
        %swap3A_935 = tpu.vector_load %arg10[%swap3A_933, %swap3A_934] {strides = array<i32>} : memref<128x128xi32, #tpu.memory_space<vmem>>, vector<1x16xi32>,
        %swap3A_936 = vector.shape_cast %swap3A_935 : vector<1x16xi32> to vector<16xi32>
        %swap3A_937 = vector.shape_cast %add3A_932 : vector<16xi32> to vector<1x16xi32>
        tpu.vector_store %arg10[%swap3A_933, %swap3A_934], %swap3A_937 {strides = array<i32>} : memref<128x128xi32, #tpu.memory_space<vmem>>, vector<1x16xi32>,
        %slice3A_938 = vector.extract_strided_slice %get3A_706 {offsets = [11], sizes = [1], strides = [1]} : vector<16xi32> to vector<1xi32>
        %squeeze3A_939 = vector.extract %slice3A_938[0] : i32 from vector<1xi32>
        %shift_right_arithmetic3A_940 = arith.constant 3 : i32
        %shift_right_arithmetic3A_941 = arith.shrsi %squeeze3A_939, %shift_right_arithmetic3A_940 : i32
        %and3A_942 = arith.constant 7 : i32
        %and3A_943 = arith.andi %squeeze3A_939, %and3A_942 : i32
        %mul3A_944 = arith.constant 16 : i32
        %mul3A_945 = arith.muli %and3A_943, %mul3A_944 : i32
        %multiple_of3A_946 = tpu.assume_multiple %mul3A_945, 16 : i32
        %get3A_947 = arith.index_cast %shift_right_arithmetic3A_941 : i32 to index
        %get3A_948 = arith.index_cast %multiple_of3A_946 : i32 to index
        %get3A_949 = tpu.vector_load %arg10[%get3A_947, %get3A_948] {strides = array<i32>} : memref<128x128xi32, #tpu.memory_space<vmem>>, vector<1x16xi32>,
        %get3A_950 = vector.shape_cast %get3A_949 : vector<1x16xi32> to vector<16xi32>
        %add3A_951 = arith.constant 1 : i32
        %add3A_952 = vector.broadcast %add3A_951 : i32 to vector<16xi32>
        %add3A_953 = arith.addi %get3A_950, %add3A_952 : vector<16xi32>
        %swap3A_954 = arith.index_cast %shift_right_arithmetic3A_941 : i32 to index
        %swap3A_955 = arith.index_cast %multiple_of3A_946 : i32 to index
        %swap3A_956 = tpu.vector_load %arg10[%swap3A_954, %swap3A_955] {strides = array<i32>} : memref<128x128xi32, #tpu.memory_space<vmem>>, vector<1x16xi32>,
        %swap3A_957 = vector.shape_cast %swap3A_956 : vector<1x16xi32> to vector<16xi32>
        %swap3A_958 = vector.shape_cast %add3A_953 : vector<16xi32> to vector<1x16xi32>
        tpu.vector_store %arg10[%swap3A_954, %swap3A_955], %swap3A_958 {strides = array<i32>} : memref<128x128xi32, #tpu.memory_space<vmem>>, vector<1x16xi32>,
        %slice3A_959 = vector.extract_strided_slice %get3A_706 {offsets = [12], sizes = [1], strides = [1]} : vector<16xi32> to vector<1xi32>
        %squeeze3A_960 = vector.extract %slice3A_959[0] : i32 from vector<1xi32>
        %shift_right_arithmetic3A_961 = arith.constant 3 : i32
        %shift_right_arithmetic3A_962 = arith.shrsi %squeeze3A_960, %shift_right_arithmetic3A_961 : i32
        %and3A_963 = arith.constant 7 : i32
        %and3A_964 = arith.andi %squeeze3A_960, %and3A_963 : i32
        %mul3A_965 = arith.constant 16 : i32
        %mul3A_966 = arith.muli %and3A_964, %mul3A_965 : i32
        %multiple_of3A_967 = tpu.assume_multiple %mul3A_966, 16 : i32
        %get3A_968 = arith.index_cast %shift_right_arithmetic3A_962 : i32 to index
        %get3A_969 = arith.index_cast %multiple_of3A_967 : i32 to index
        %get3A_970 = tpu.vector_load %arg10[%get3A_968, %get3A_969] {strides = array<i32>} : memref<128x128xi32, #tpu.memory_space<vmem>>, vector<1x16xi32>,
        %get3A_971 = vector.shape_cast %get3A_970 : vector<1x16xi32> to vector<16xi32>
        %add3A_972 = arith.constant 1 : i32
        %add3A_973 = vector.broadcast %add3A_972 : i32 to vector<16xi32>
        %add3A_974 = arith.addi %get3A_971, %add3A_973 : vector<16xi32>
        %swap3A_975 = arith.index_cast %shift_right_arithmetic3A_962 : i32 to index
        %swap3A_976 = arith.index_cast %multiple_of3A_967 : i32 to index
        %swap3A_977 = tpu.vector_load %arg10[%swap3A_975, %swap3A_976] {strides = array<i32>} : memref<128x128xi32, #tpu.memory_space<vmem>>, vector<1x16xi32>,
        %swap3A_978 = vector.shape_cast %swap3A_977 : vector<1x16xi32> to vector<16xi32>
        %swap3A_979 = vector.shape_cast %add3A_974 : vector<16xi32> to vector<1x16xi32>
        tpu.vector_store %arg10[%swap3A_975, %swap3A_976], %swap3A_979 {strides = array<i32>} : memref<128x128xi32, #tpu.memory_space<vmem>>, vector<1x16xi32>,
        %slice3A_980 = vector.extract_strided_slice %get3A_706 {offsets = [13], sizes = [1], strides = [1]} : vector<16xi32> to vector<1xi32>
        %squeeze3A_981 = vector.extract %slice3A_980[0] : i32 from vector<1xi32>
        %shift_right_arithmetic3A_982 = arith.constant 3 : i32
        %shift_right_arithmetic3A_983 = arith.shrsi %squeeze3A_981, %shift_right_arithmetic3A_982 : i32
        %and3A_984 = arith.constant 7 : i32
        %and3A_985 = arith.andi %squeeze3A_981, %and3A_984 : i32
        %mul3A_986 = arith.constant 16 : i32
        %mul3A_987 = arith.muli %and3A_985, %mul3A_986 : i32
        %multiple_of3A_988 = tpu.assume_multiple %mul3A_987, 16 : i32
        %get3A_989 = arith.index_cast %shift_right_arithmetic3A_983 : i32 to index
        %get3A_990 = arith.index_cast %multiple_of3A_988 : i32 to index
        %get3A_991 = tpu.vector_load %arg10[%get3A_989, %get3A_990] {strides = array<i32>} : memref<128x128xi32, #tpu.memory_space<vmem>>, vector<1x16xi32>,
        %get3A_992 = vector.shape_cast %get3A_991 : vector<1x16xi32> to vector<16xi32>
        %add3A_993 = arith.constant 1 : i32
        %add3A_994 = vector.broadcast %add3A_993 : i32 to vector<16xi32>
        %add3A_995 = arith.addi %get3A_992, %add3A_994 : vector<16xi32>
        %swap3A_996 = arith.index_cast %shift_right_arithmetic3A_983 : i32 to index
        %swap3A_997 = arith.index_cast %multiple_of3A_988 : i32 to index
        %swap3A_998 = tpu.vector_load %arg10[%swap3A_996, %swap3A_997] {strides = array<i32>} : memref<128x128xi32, #tpu.memory_space<vmem>>, vector<1x16xi32>,
        %swap3A_999 = vector.shape_cast %swap3A_998 : vector<1x16xi32> to vector<16xi32>
        %swap3A_1000 = vector.shape_cast %add3A_995 : vector<16xi32> to vector<1x16xi32>
        tpu.vector_store %arg10[%swap3A_996, %swap3A_997], %swap3A_1000 {strides = array<i32>} : memref<128x128xi32, #tpu.memory_space<vmem>>, vector<1x16xi32>,
        %slice3A_1001 = vector.extract_strided_slice %get3A_706 {offsets = [14], sizes = [1], strides = [1]} : vector<16xi32> to vector<1xi32>
        %squeeze3A_1002 = vector.extract %slice3A_1001[0] : i32 from vector<1xi32>
        %shift_right_arithmetic3A_1003 = arith.constant 3 : i32
        %shift_right_arithmetic3A_1004 = arith.shrsi %squeeze3A_1002, %shift_right_arithmetic3A_1003 : i32
        %and3A_1005 = arith.constant 7 : i32
        %and3A_1006 = arith.andi %squeeze3A_1002, %and3A_1005 : i32
        %mul3A_1007 = arith.constant 16 : i32
        %mul3A_1008 = arith.muli %and3A_1006, %mul3A_1007 : i32
        %multiple_of3A_1009 = tpu.assume_multiple %mul3A_1008, 16 : i32
        %get3A_1010 = arith.index_cast %shift_right_arithmetic3A_1004 : i32 to index
        %get3A_1011 = arith.index_cast %multiple_of3A_1009 : i32 to index
        %get3A_1012 = tpu.vector_load %arg10[%get3A_1010, %get3A_1011] {strides = array<i32>} : memref<128x128xi32, #tpu.memory_space<vmem>>, vector<1x16xi32>,
        %get3A_1013 = vector.shape_cast %get3A_1012 : vector<1x16xi32> to vector<16xi32>
        %add3A_1014 = arith.constant 1 : i32
        %add3A_1015 = vector.broadcast %add3A_1014 : i32 to vector<16xi32>
        %add3A_1016 = arith.addi %get3A_1013, %add3A_1015 : vector<16xi32>
        %swap3A_1017 = arith.index_cast %shift_right_arithmetic3A_1004 : i32 to index
        %swap3A_1018 = arith.index_cast %multiple_of3A_1009 : i32 to index
        %swap3A_1019 = tpu.vector_load %arg10[%swap3A_1017, %swap3A_1018] {strides = array<i32>} : memref<128x128xi32, #tpu.memory_space<vmem>>, vector<1x16xi32>,
        %swap3A_1020 = vector.shape_cast %swap3A_1019 : vector<1x16xi32> to vector<16xi32>
        %swap3A_1021 = vector.shape_cast %add3A_1016 : vector<16xi32> to vector<1x16xi32>
        tpu.vector_store %arg10[%swap3A_1017, %swap3A_1018], %swap3A_1021 {strides = array<i32>} : memref<128x128xi32, #tpu.memory_space<vmem>>, vector<1x16xi32>,
        %slice3A_1022 = vector.extract_strided_slice %get3A_706 {offsets = [15], sizes = [1], strides = [1]} : vector<16xi32> to vector<1xi32>
        %squeeze3A_1023 = vector.extract %slice3A_1022[0] : i32 from vector<1xi32>
        %shift_right_arithmetic3A_1024 = arith.constant 3 : i32
        %shift_right_arithmetic3A_1025 = arith.shrsi %squeeze3A_1023, %shift_right_arithmetic3A_1024 : i32
        %and3A_1026 = arith.constant 7 : i32
        %and3A_1027 = arith.andi %squeeze3A_1023, %and3A_1026 : i32
        %mul3A_1028 = arith.constant 16 : i32
        %mul3A_1029 = arith.muli %and3A_1027, %mul3A_1028 : i32
        %multiple_of3A_1030 = tpu.assume_multiple %mul3A_1029, 16 : i32
        %get3A_1031 = arith.index_cast %shift_right_arithmetic3A_1025 : i32 to index
        %get3A_1032 = arith.index_cast %multiple_of3A_1030 : i32 to index
        %get3A_1033 = tpu.vector_load %arg10[%get3A_1031, %get3A_1032] {strides = array<i32>} : memref<128x128xi32, #tpu.memory_space<vmem>>, vector<1x16xi32>,
        %get3A_1034 = vector.shape_cast %get3A_1033 : vector<1x16xi32> to vector<16xi32>
        %add3A_1035 = arith.constant 1 : i32
        %add3A_1036 = vector.broadcast %add3A_1035 : i32 to vector<16xi32>
        %add3A_1037 = arith.addi %get3A_1034, %add3A_1036 : vector<16xi32>
        %swap3A_1038 = arith.index_cast %shift_right_arithmetic3A_1025 : i32 to index
        %swap3A_1039 = arith.index_cast %multiple_of3A_1030 : i32 to index
        %swap3A_1040 = tpu.vector_load %arg10[%swap3A_1038, %swap3A_1039] {strides = array<i32>} : memref<128x128xi32, #tpu.memory_space<vmem>>, vector<1x16xi32>,
        %swap3A_1041 = vector.shape_cast %swap3A_1040 : vector<1x16xi32> to vector<16xi32>
        %swap3A_1042 = vector.shape_cast %add3A_1037 : vector<16xi32> to vector<1x16xi32>
        tpu.vector_store %arg10[%swap3A_1038, %swap3A_1039], %swap3A_1042 {strides = array<i32>} : memref<128x128xi32, #tpu.memory_space<vmem>>, vector<1x16xi32>,
      }
      %scan3A_208 = arith.constant 8 : i32
      %dma_wait3A_209 = arith.constant 0 : i32
      %dma_wait3A_210 = arith.constant 0 : i32
      %dma_wait3A_211 = tpu.memref_slice %arg2[%dma_wait3A_209, %dma_wait3A_210] : memref<320000x128xf32, #tpu.memory_space<hbm>> -> memref<256x128xf32, #tpu.memory_space<hbm>>
      %dma_wait3A_212 = arith.constant 0 : i32
      %dma_wait3A_213 = arith.constant 0 : i32
      %dma_wait3A_214 = tpu.memref_slice %arg2[%dma_wait3A_212, %dma_wait3A_213] : memref<320000x128xf32, #tpu.memory_space<hbm>> -> memref<256x128xf32, #tpu.memory_space<hbm>>
      tpu.wait_dma2 semaphore(%arg13 : memref<!tpu.dma_semaphore, #tpu.memory_space<semaphore_mem>>) src(%dma_wait3A_214 : memref<256x128xf32, #tpu.memory_space<hbm>>) dst(%arg7 : memref<256x128xf32, #tpu.memory_space<vmem>>)
      %dma_wait3A_215 = arith.constant 0 : i32
      %dma_wait3A_216 = arith.constant 0 : i32
      %dma_wait3A_217 = tpu.memref_slice %arg9[%dma_wait3A_215, %dma_wait3A_216] : memref<2x128xi32, #tpu.memory_space<vmem>> -> memref<1x128xi32, #tpu.memory_space<vmem>>
      %dma_wait3A_218 = tpu.memref_squeeze %dma_wait3A_217 : memref<1x128xi32, #tpu.memory_space<vmem>> -> memref<128xi32, #tpu.memory_space<vmem>>
      %dma_wait3A_219 = arith.constant 0 : i32
      %dma_wait3A_220 = tpu.memref_slice %arg3[%dma_wait3A_219] : memref<320000xi32, #tpu.memory_space<hbm>> -> memref<128xi32, #tpu.memory_space<hbm>>
      %dma_wait3A_221 = arith.constant 0 : i32
      %dma_wait3A_222 = tpu.memref_slice %arg9[%dma_wait3A_215, %dma_wait3A_221] : memref<2x128xi32, #tpu.memory_space<vmem>> -> memref<1x128xi32, #tpu.memory_space<vmem>>
      %dma_wait3A_223 = tpu.memref_squeeze %dma_wait3A_222 : memref<1x128xi32, #tpu.memory_space<vmem>> -> memref<128xi32, #tpu.memory_space<vmem>>
      %dma_wait3A_224 = arith.constant 0 : i32
      %dma_wait3A_225 = tpu.memref_slice %arg3[%dma_wait3A_224] : memref<320000xi32, #tpu.memory_space<hbm>> -> memref<128xi32, #tpu.memory_space<hbm>>
      tpu.wait_dma2 semaphore(%arg13 : memref<!tpu.dma_semaphore, #tpu.memory_space<semaphore_mem>>) src(%dma_wait3A_225 : memref<128xi32, #tpu.memory_space<hbm>>) dst(%dma_wait3A_223 : memref<128xi32, #tpu.memory_space<vmem>>)
      %dma_wait3A_226 = arith.constant 1 : i32
      %dma_wait3A_227 = arith.constant 0 : i32
      %dma_wait3A_228 = tpu.memref_slice %arg9[%dma_wait3A_226, %dma_wait3A_227] : memref<2x128xi32, #tpu.memory_space<vmem>> -> memref<1x128xi32, #tpu.memory_space<vmem>>
      %dma_wait3A_229 = tpu.memref_squeeze %dma_wait3A_228 : memref<1x128xi32, #tpu.memory_space<vmem>> -> memref<128xi32, #tpu.memory_space<vmem>>
      %dma_wait3A_230 = arith.constant 0 : i32
      %dma_wait3A_231 = tpu.memref_slice %arg3[%dma_wait3A_230] : memref<320000xi32, #tpu.memory_space<hbm>> -> memref<128xi32, #tpu.memory_space<hbm>>
      %dma_wait3A_232 = arith.constant 0 : i32
      %dma_wait3A_233 = tpu.memref_slice %arg9[%dma_wait3A_226, %dma_wait3A_232] : memref<2x128xi32, #tpu.memory_space<vmem>> -> memref<1x128xi32, #tpu.memory_space<vmem>>
      %dma_wait3A_234 = tpu.memref_squeeze %dma_wait3A_233 : memref<1x128xi32, #tpu.memory_space<vmem>> -> memref<128xi32, #tpu.memory_space<vmem>>
      %dma_wait3A_235 = arith.constant 0 : i32
      %dma_wait3A_236 = tpu.memref_slice %arg3[%dma_wait3A_235] : memref<320000xi32, #tpu.memory_space<hbm>> -> memref<128xi32, #tpu.memory_space<hbm>>
      tpu.wait_dma2 semaphore(%arg13 : memref<!tpu.dma_semaphore, #tpu.memory_space<semaphore_mem>>) src(%dma_wait3A_236 : memref<128xi32, #tpu.memory_space<hbm>>) dst(%dma_wait3A_234 : memref<128xi32, #tpu.memory_space<vmem>>)
      %dma_start3A_237 = arith.constant 0 : i32
      %dma_start3A_238 = arith.constant 0 : i32
      %dma_start3A_239 = arith.constant 0 : i32
      %dma_start3A_240 = tpu.memref_slice %arg7[%dma_start3A_238, %dma_start3A_239] : memref<256x128xf32, #tpu.memory_space<vmem>> -> memref<128x128xf32, #tpu.memory_space<vmem>>
      %dma_start3A_241 = arith.constant 0 : i32
      %dma_start3A_242 = tpu.memref_slice %arg9[%dma_start3A_237, %dma_start3A_241] : memref<2x128xi32, #tpu.memory_space<vmem>> -> memref<1x128xi32, #tpu.memory_space<vmem>>
      %dma_start3A_243 = tpu.memref_squeeze %dma_start3A_242 : memref<1x128xi32, #tpu.memory_space<vmem>> -> memref<128xi32, #tpu.memory_space<vmem>>
      %dma_start3A_244 = arith.constant 0 : i32
      %dma_start3A_245 = arith.constant 0 : i32
      %dma_start3A_246 = tpu.memref_slice %arg11[%dma_start3A_244, %dma_start3A_245] : memref<1024x128xf32, #tpu.memory_space<vmem_shared>> -> memref<1024x128xf32, #tpu.memory_space<vmem_shared>>
      tpu.enqueue_indirect_dma source(%dma_start3A_240 : memref<128x128xf32, #tpu.memory_space<vmem>>) target(%dma_start3A_246 : memref<1024x128xf32, #tpu.memory_space<vmem_shared>>) offsets(%dma_start3A_243 : memref<128xi32, #tpu.memory_space<vmem>>) semaphore(%arg15 : memref<!tpu.dma_semaphore, #tpu.memory_space<semaphore_mem>>) {add = true}
      %dma_start3A_247 = arith.constant 1 : i32
      %dma_start3A_248 = arith.constant 128 : i32
      %dma_start3A_249 = arith.constant 0 : i32
      %dma_start3A_250 = tpu.memref_slice %arg7[%dma_start3A_248, %dma_start3A_249] : memref<256x128xf32, #tpu.memory_space<vmem>> -> memref<128x128xf32, #tpu.memory_space<vmem>>
      %dma_start3A_251 = arith.constant 0 : i32
      %dma_start3A_252 = tpu.memref_slice %arg9[%dma_start3A_247, %dma_start3A_251] : memref<2x128xi32, #tpu.memory_space<vmem>> -> memref<1x128xi32, #tpu.memory_space<vmem>>
      %dma_start3A_253 = tpu.memref_squeeze %dma_start3A_252 : memref<1x128xi32, #tpu.memory_space<vmem>> -> memref<128xi32, #tpu.memory_space<vmem>>
      %dma_start3A_254 = arith.constant 0 : i32
      %dma_start3A_255 = arith.constant 0 : i32
      %dma_start3A_256 = tpu.memref_slice %arg11[%dma_start3A_254, %dma_start3A_255] : memref<1024x128xf32, #tpu.memory_space<vmem_shared>> -> memref<1024x128xf32, #tpu.memory_space<vmem_shared>>
      tpu.enqueue_indirect_dma source(%dma_start3A_250 : memref<128x128xf32, #tpu.memory_space<vmem>>) target(%dma_start3A_256 : memref<1024x128xf32, #tpu.memory_space<vmem_shared>>) offsets(%dma_start3A_253 : memref<128xi32, #tpu.memory_space<vmem>>) semaphore(%arg15 : memref<!tpu.dma_semaphore, #tpu.memory_space<semaphore_mem>>) {add = true}
      %scan3A_257 = arith.constant 0 : i32
      %scan3A_258 = arith.constant 0 : i32
      %scan3A_259 = arith.constant 8 : i32
      %scan3A_260 = arith.addi %scan3A_258, %scan3A_259 : i32
      %scan3A_261 = arith.constant 1 : i32
      scf.for %scan3A_361 = %scan3A_258 to %scan3A_260 step %scan3A_261  : i32 {
        %mul3A_362 = arith.constant 16 : i32
        %mul3A_363 = arith.muli %scan3A_361, %mul3A_362 : i32
        %multiple_of3A = tpu.assume_multiple %mul3A_363, 16 : i32
        %get3A = arith.constant 0 : i32
        %get3A_364 = arith.index_cast %get3A : i32 to index
        %get3A_365 = arith.index_cast %multiple_of3A : i32 to index
        %get3A_366 = tpu.vector_load %arg9[%get3A_364, %get3A_365] {strides = array<i32>} : memref<2x128xi32, #tpu.memory_space<vmem>>, vector<1x16xi32>,
        %get3A_367 = vector.shape_cast %get3A_366 : vector<1x16xi32> to vector<16xi32>
        %slice3A = vector.extract_strided_slice %get3A_367 {offsets = [0], sizes = [1], strides = [1]} : vector<16xi32> to vector<1xi32>
        %squeeze3A = vector.extract %slice3A[0] : i32 from vector<1xi32>
        %shift_right_arithmetic3A = arith.constant 3 : i32
        %shift_right_arithmetic3A_368 = arith.shrsi %squeeze3A, %shift_right_arithmetic3A : i32
        %and3A = arith.constant 7 : i32
        %and3A_369 = arith.andi %squeeze3A, %and3A : i32
        %mul3A_370 = arith.constant 16 : i32
        %mul3A_371 = arith.muli %and3A_369, %mul3A_370 : i32
        %multiple_of3A_372 = tpu.assume_multiple %mul3A_371, 16 : i32
        %get3A_373 = arith.index_cast %shift_right_arithmetic3A_368 : i32 to index
        %get3A_374 = arith.index_cast %multiple_of3A_372 : i32 to index
        %get3A_375 = tpu.vector_load %arg10[%get3A_373, %get3A_374] {strides = array<i32>} : memref<128x128xi32, #tpu.memory_space<vmem>>, vector<1x16xi32>,
        %get3A_376 = vector.shape_cast %get3A_375 : vector<1x16xi32> to vector<16xi32>
        %add3A_377 = arith.constant 1 : i32
        %add3A_378 = vector.broadcast %add3A_377 : i32 to vector<16xi32>
        %add3A_379 = arith.addi %get3A_376, %add3A_378 : vector<16xi32>
        %swap3A = arith.index_cast %shift_right_arithmetic3A_368 : i32 to index
        %swap3A_380 = arith.index_cast %multiple_of3A_372 : i32 to index
        %swap3A_381 = tpu.vector_load %arg10[%swap3A, %swap3A_380] {strides = array<i32>} : memref<128x128xi32, #tpu.memory_space<vmem>>, vector<1x16xi32>,
        %swap3A_382 = vector.shape_cast %swap3A_381 : vector<1x16xi32> to vector<16xi32>
        %swap3A_383 = vector.shape_cast %add3A_379 : vector<16xi32> to vector<1x16xi32>
        tpu.vector_store %arg10[%swap3A, %swap3A_380], %swap3A_383 {strides = array<i32>} : memref<128x128xi32, #tpu.memory_space<vmem>>, vector<1x16xi32>,
        %slice3A_384 = vector.extract_strided_slice %get3A_367 {offsets = [1], sizes = [1], strides = [1]} : vector<16xi32> to vector<1xi32>
        %squeeze3A_385 = vector.extract %slice3A_384[0] : i32 from vector<1xi32>
        %shift_right_arithmetic3A_386 = arith.constant 3 : i32
        %shift_right_arithmetic3A_387 = arith.shrsi %squeeze3A_385, %shift_right_arithmetic3A_386 : i32
        %and3A_388 = arith.constant 7 : i32
        %and3A_389 = arith.andi %squeeze3A_385, %and3A_388 : i32
        %mul3A_390 = arith.constant 16 : i32
        %mul3A_391 = arith.muli %and3A_389, %mul3A_390 : i32
        %multiple_of3A_392 = tpu.assume_multiple %mul3A_391, 16 : i32
        %get3A_393 = arith.index_cast %shift_right_arithmetic3A_387 : i32 to index
        %get3A_394 = arith.index_cast %multiple_of3A_392 : i32 to index
        %get3A_395 = tpu.vector_load %arg10[%get3A_393, %get3A_394] {strides = array<i32>} : memref<128x128xi32, #tpu.memory_space<vmem>>, vector<1x16xi32>,
        %get3A_396 = vector.shape_cast %get3A_395 : vector<1x16xi32> to vector<16xi32>
        %add3A_397 = arith.constant 1 : i32
        %add3A_398 = vector.broadcast %add3A_397 : i32 to vector<16xi32>
        %add3A_399 = arith.addi %get3A_396, %add3A_398 : vector<16xi32>
        %swap3A_400 = arith.index_cast %shift_right_arithmetic3A_387 : i32 to index
        %swap3A_401 = arith.index_cast %multiple_of3A_392 : i32 to index
        %swap3A_402 = tpu.vector_load %arg10[%swap3A_400, %swap3A_401] {strides = array<i32>} : memref<128x128xi32, #tpu.memory_space<vmem>>, vector<1x16xi32>,
        %swap3A_403 = vector.shape_cast %swap3A_402 : vector<1x16xi32> to vector<16xi32>
        %swap3A_404 = vector.shape_cast %add3A_399 : vector<16xi32> to vector<1x16xi32>
        tpu.vector_store %arg10[%swap3A_400, %swap3A_401], %swap3A_404 {strides = array<i32>} : memref<128x128xi32, #tpu.memory_space<vmem>>, vector<1x16xi32>,
        %slice3A_405 = vector.extract_strided_slice %get3A_367 {offsets = [2], sizes = [1], strides = [1]} : vector<16xi32> to vector<1xi32>
        %squeeze3A_406 = vector.extract %slice3A_405[0] : i32 from vector<1xi32>
        %shift_right_arithmetic3A_407 = arith.constant 3 : i32
        %shift_right_arithmetic3A_408 = arith.shrsi %squeeze3A_406, %shift_right_arithmetic3A_407 : i32
        %and3A_409 = arith.constant 7 : i32
        %and3A_410 = arith.andi %squeeze3A_406, %and3A_409 : i32
        %mul3A_411 = arith.constant 16 : i32
        %mul3A_412 = arith.muli %and3A_410, %mul3A_411 : i32
        %multiple_of3A_413 = tpu.assume_multiple %mul3A_412, 16 : i32
        %get3A_414 = arith.index_cast %shift_right_arithmetic3A_408 : i32 to index
        %get3A_415 = arith.index_cast %multiple_of3A_413 : i32 to index
        %get3A_416 = tpu.vector_load %arg10[%get3A_414, %get3A_415] {strides = array<i32>} : memref<128x128xi32, #tpu.memory_space<vmem>>, vector<1x16xi32>,
        %get3A_417 = vector.shape_cast %get3A_416 : vector<1x16xi32> to vector<16xi32>
        %add3A_418 = arith.constant 1 : i32
        %add3A_419 = vector.broadcast %add3A_418 : i32 to vector<16xi32>
        %add3A_420 = arith.addi %get3A_417, %add3A_419 : vector<16xi32>
        %swap3A_421 = arith.index_cast %shift_right_arithmetic3A_408 : i32 to index
        %swap3A_422 = arith.index_cast %multiple_of3A_413 : i32 to index
        %swap3A_423 = tpu.vector_load %arg10[%swap3A_421, %swap3A_422] {strides = array<i32>} : memref<128x128xi32, #tpu.memory_space<vmem>>, vector<1x16xi32>,
        %swap3A_424 = vector.shape_cast %swap3A_423 : vector<1x16xi32> to vector<16xi32>
        %swap3A_425 = vector.shape_cast %add3A_420 : vector<16xi32> to vector<1x16xi32>
        tpu.vector_store %arg10[%swap3A_421, %swap3A_422], %swap3A_425 {strides = array<i32>} : memref<128x128xi32, #tpu.memory_space<vmem>>, vector<1x16xi32>,
        %slice3A_426 = vector.extract_strided_slice %get3A_367 {offsets = [3], sizes = [1], strides = [1]} : vector<16xi32> to vector<1xi32>
        %squeeze3A_427 = vector.extract %slice3A_426[0] : i32 from vector<1xi32>
        %shift_right_arithmetic3A_428 = arith.constant 3 : i32
        %shift_right_arithmetic3A_429 = arith.shrsi %squeeze3A_427, %shift_right_arithmetic3A_428 : i32
        %and3A_430 = arith.constant 7 : i32
        %and3A_431 = arith.andi %squeeze3A_427, %and3A_430 : i32
        %mul3A_432 = arith.constant 16 : i32
        %mul3A_433 = arith.muli %and3A_431, %mul3A_432 : i32
        %multiple_of3A_434 = tpu.assume_multiple %mul3A_433, 16 : i32
        %get3A_435 = arith.index_cast %shift_right_arithmetic3A_429 : i32 to index
        %get3A_436 = arith.index_cast %multiple_of3A_434 : i32 to index
        %get3A_437 = tpu.vector_load %arg10[%get3A_435, %get3A_436] {strides = array<i32>} : memref<128x128xi32, #tpu.memory_space<vmem>>, vector<1x16xi32>,
        %get3A_438 = vector.shape_cast %get3A_437 : vector<1x16xi32> to vector<16xi32>
        %add3A_439 = arith.constant 1 : i32
        %add3A_440 = vector.broadcast %add3A_439 : i32 to vector<16xi32>
        %add3A_441 = arith.addi %get3A_438, %add3A_440 : vector<16xi32>
        %swap3A_442 = arith.index_cast %shift_right_arithmetic3A_429 : i32 to index
        %swap3A_443 = arith.index_cast %multiple_of3A_434 : i32 to index
        %swap3A_444 = tpu.vector_load %arg10[%swap3A_442, %swap3A_443] {strides = array<i32>} : memref<128x128xi32, #tpu.memory_space<vmem>>, vector<1x16xi32>,
        %swap3A_445 = vector.shape_cast %swap3A_444 : vector<1x16xi32> to vector<16xi32>
        %swap3A_446 = vector.shape_cast %add3A_441 : vector<16xi32> to vector<1x16xi32>
        tpu.vector_store %arg10[%swap3A_442, %swap3A_443], %swap3A_446 {strides = array<i32>} : memref<128x128xi32, #tpu.memory_space<vmem>>, vector<1x16xi32>,
        %slice3A_447 = vector.extract_strided_slice %get3A_367 {offsets = [4], sizes = [1], strides = [1]} : vector<16xi32> to vector<1xi32>
        %squeeze3A_448 = vector.extract %slice3A_447[0] : i32 from vector<1xi32>
        %shift_right_arithmetic3A_449 = arith.constant 3 : i32
        %shift_right_arithmetic3A_450 = arith.shrsi %squeeze3A_448, %shift_right_arithmetic3A_449 : i32
        %and3A_451 = arith.constant 7 : i32
        %and3A_452 = arith.andi %squeeze3A_448, %and3A_451 : i32
        %mul3A_453 = arith.constant 16 : i32
        %mul3A_454 = arith.muli %and3A_452, %mul3A_453 : i32
        %multiple_of3A_455 = tpu.assume_multiple %mul3A_454, 16 : i32
        %get3A_456 = arith.index_cast %shift_right_arithmetic3A_450 : i32 to index
        %get3A_457 = arith.index_cast %multiple_of3A_455 : i32 to index
        %get3A_458 = tpu.vector_load %arg10[%get3A_456, %get3A_457] {strides = array<i32>} : memref<128x128xi32, #tpu.memory_space<vmem>>, vector<1x16xi32>,
        %get3A_459 = vector.shape_cast %get3A_458 : vector<1x16xi32> to vector<16xi32>
        %add3A_460 = arith.constant 1 : i32
        %add3A_461 = vector.broadcast %add3A_460 : i32 to vector<16xi32>
        %add3A_462 = arith.addi %get3A_459, %add3A_461 : vector<16xi32>
        %swap3A_463 = arith.index_cast %shift_right_arithmetic3A_450 : i32 to index
        %swap3A_464 = arith.index_cast %multiple_of3A_455 : i32 to index
        %swap3A_465 = tpu.vector_load %arg10[%swap3A_463, %swap3A_464] {strides = array<i32>} : memref<128x128xi32, #tpu.memory_space<vmem>>, vector<1x16xi32>,
        %swap3A_466 = vector.shape_cast %swap3A_465 : vector<1x16xi32> to vector<16xi32>
        %swap3A_467 = vector.shape_cast %add3A_462 : vector<16xi32> to vector<1x16xi32>
        tpu.vector_store %arg10[%swap3A_463, %swap3A_464], %swap3A_467 {strides = array<i32>} : memref<128x128xi32, #tpu.memory_space<vmem>>, vector<1x16xi32>,
        %slice3A_468 = vector.extract_strided_slice %get3A_367 {offsets = [5], sizes = [1], strides = [1]} : vector<16xi32> to vector<1xi32>
        %squeeze3A_469 = vector.extract %slice3A_468[0] : i32 from vector<1xi32>
        %shift_right_arithmetic3A_470 = arith.constant 3 : i32
        %shift_right_arithmetic3A_471 = arith.shrsi %squeeze3A_469, %shift_right_arithmetic3A_470 : i32
        %and3A_472 = arith.constant 7 : i32
        %and3A_473 = arith.andi %squeeze3A_469, %and3A_472 : i32
        %mul3A_474 = arith.constant 16 : i32
        %mul3A_475 = arith.muli %and3A_473, %mul3A_474 : i32
        %multiple_of3A_476 = tpu.assume_multiple %mul3A_475, 16 : i32
        %get3A_477 = arith.index_cast %shift_right_arithmetic3A_471 : i32 to index
        %get3A_478 = arith.index_cast %multiple_of3A_476 : i32 to index
        %get3A_479 = tpu.vector_load %arg10[%get3A_477, %get3A_478] {strides = array<i32>} : memref<128x128xi32, #tpu.memory_space<vmem>>, vector<1x16xi32>,
        %get3A_480 = vector.shape_cast %get3A_479 : vector<1x16xi32> to vector<16xi32>
        %add3A_481 = arith.constant 1 : i32
        %add3A_482 = vector.broadcast %add3A_481 : i32 to vector<16xi32>
        %add3A_483 = arith.addi %get3A_480, %add3A_482 : vector<16xi32>
        %swap3A_484 = arith.index_cast %shift_right_arithmetic3A_471 : i32 to index
        %swap3A_485 = arith.index_cast %multiple_of3A_476 : i32 to index
        %swap3A_486 = tpu.vector_load %arg10[%swap3A_484, %swap3A_485] {strides = array<i32>} : memref<128x128xi32, #tpu.memory_space<vmem>>, vector<1x16xi32>,
        %swap3A_487 = vector.shape_cast %swap3A_486 : vector<1x16xi32> to vector<16xi32>
        %swap3A_488 = vector.shape_cast %add3A_483 : vector<16xi32> to vector<1x16xi32>
        tpu.vector_store %arg10[%swap3A_484, %swap3A_485], %swap3A_488 {strides = array<i32>} : memref<128x128xi32, #tpu.memory_space<vmem>>, vector<1x16xi32>,
        %slice3A_489 = vector.extract_strided_slice %get3A_367 {offsets = [6], sizes = [1], strides = [1]} : vector<16xi32> to vector<1xi32>
        %squeeze3A_490 = vector.extract %slice3A_489[0] : i32 from vector<1xi32>
        %shift_right_arithmetic3A_491 = arith.constant 3 : i32
        %shift_right_arithmetic3A_492 = arith.shrsi %squeeze3A_490, %shift_right_arithmetic3A_491 : i32
        %and3A_493 = arith.constant 7 : i32
        %and3A_494 = arith.andi %squeeze3A_490, %and3A_493 : i32
        %mul3A_495 = arith.constant 16 : i32
        %mul3A_496 = arith.muli %and3A_494, %mul3A_495 : i32
        %multiple_of3A_497 = tpu.assume_multiple %mul3A_496, 16 : i32
        %get3A_498 = arith.index_cast %shift_right_arithmetic3A_492 : i32 to index
        %get3A_499 = arith.index_cast %multiple_of3A_497 : i32 to index
        %get3A_500 = tpu.vector_load %arg10[%get3A_498, %get3A_499] {strides = array<i32>} : memref<128x128xi32, #tpu.memory_space<vmem>>, vector<1x16xi32>,
        %get3A_501 = vector.shape_cast %get3A_500 : vector<1x16xi32> to vector<16xi32>
        %add3A_502 = arith.constant 1 : i32
        %add3A_503 = vector.broadcast %add3A_502 : i32 to vector<16xi32>
        %add3A_504 = arith.addi %get3A_501, %add3A_503 : vector<16xi32>
        %swap3A_505 = arith.index_cast %shift_right_arithmetic3A_492 : i32 to index
        %swap3A_506 = arith.index_cast %multiple_of3A_497 : i32 to index
        %swap3A_507 = tpu.vector_load %arg10[%swap3A_505, %swap3A_506] {strides = array<i32>} : memref<128x128xi32, #tpu.memory_space<vmem>>, vector<1x16xi32>,
        %swap3A_508 = vector.shape_cast %swap3A_507 : vector<1x16xi32> to vector<16xi32>
        %swap3A_509 = vector.shape_cast %add3A_504 : vector<16xi32> to vector<1x16xi32>
        tpu.vector_store %arg10[%swap3A_505, %swap3A_506], %swap3A_509 {strides = array<i32>} : memref<128x128xi32, #tpu.memory_space<vmem>>, vector<1x16xi32>,
        %slice3A_510 = vector.extract_strided_slice %get3A_367 {offsets = [7], sizes = [1], strides = [1]} : vector<16xi32> to vector<1xi32>
        %squeeze3A_511 = vector.extract %slice3A_510[0] : i32 from vector<1xi32>
        %shift_right_arithmetic3A_512 = arith.constant 3 : i32
        %shift_right_arithmetic3A_513 = arith.shrsi %squeeze3A_511, %shift_right_arithmetic3A_512 : i32
        %and3A_514 = arith.constant 7 : i32
        %and3A_515 = arith.andi %squeeze3A_511, %and3A_514 : i32
        %mul3A_516 = arith.constant 16 : i32
        %mul3A_517 = arith.muli %and3A_515, %mul3A_516 : i32
        %multiple_of3A_518 = tpu.assume_multiple %mul3A_517, 16 : i32
        %get3A_519 = arith.index_cast %shift_right_arithmetic3A_513 : i32 to index
        %get3A_520 = arith.index_cast %multiple_of3A_518 : i32 to index
        %get3A_521 = tpu.vector_load %arg10[%get3A_519, %get3A_520] {strides = array<i32>} : memref<128x128xi32, #tpu.memory_space<vmem>>, vector<1x16xi32>,
        %get3A_522 = vector.shape_cast %get3A_521 : vector<1x16xi32> to vector<16xi32>
        %add3A_523 = arith.constant 1 : i32
        %add3A_524 = vector.broadcast %add3A_523 : i32 to vector<16xi32>
        %add3A_525 = arith.addi %get3A_522, %add3A_524 : vector<16xi32>
        %swap3A_526 = arith.index_cast %shift_right_arithmetic3A_513 : i32 to index
        %swap3A_527 = arith.index_cast %multiple_of3A_518 : i32 to index
        %swap3A_528 = tpu.vector_load %arg10[%swap3A_526, %swap3A_527] {strides = array<i32>} : memref<128x128xi32, #tpu.memory_space<vmem>>, vector<1x16xi32>,
        %swap3A_529 = vector.shape_cast %swap3A_528 : vector<1x16xi32> to vector<16xi32>
        %swap3A_530 = vector.shape_cast %add3A_525 : vector<16xi32> to vector<1x16xi32>
        tpu.vector_store %arg10[%swap3A_526, %swap3A_527], %swap3A_530 {strides = array<i32>} : memref<128x128xi32, #tpu.memory_space<vmem>>, vector<1x16xi32>,
        %slice3A_531 = vector.extract_strided_slice %get3A_367 {offsets = [8], sizes = [1], strides = [1]} : vector<16xi32> to vector<1xi32>
        %squeeze3A_532 = vector.extract %slice3A_531[0] : i32 from vector<1xi32>
        %shift_right_arithmetic3A_533 = arith.constant 3 : i32
        %shift_right_arithmetic3A_534 = arith.shrsi %squeeze3A_532, %shift_right_arithmetic3A_533 : i32
        %and3A_535 = arith.constant 7 : i32
        %and3A_536 = arith.andi %squeeze3A_532, %and3A_535 : i32
        %mul3A_537 = arith.constant 16 : i32
        %mul3A_538 = arith.muli %and3A_536, %mul3A_537 : i32
        %multiple_of3A_539 = tpu.assume_multiple %mul3A_538, 16 : i32
        %get3A_540 = arith.index_cast %shift_right_arithmetic3A_534 : i32 to index
        %get3A_541 = arith.index_cast %multiple_of3A_539 : i32 to index
        %get3A_542 = tpu.vector_load %arg10[%get3A_540, %get3A_541] {strides = array<i32>} : memref<128x128xi32, #tpu.memory_space<vmem>>, vector<1x16xi32>,
        %get3A_543 = vector.shape_cast %get3A_542 : vector<1x16xi32> to vector<16xi32>
        %add3A_544 = arith.constant 1 : i32
        %add3A_545 = vector.broadcast %add3A_544 : i32 to vector<16xi32>
        %add3A_546 = arith.addi %get3A_543, %add3A_545 : vector<16xi32>
        %swap3A_547 = arith.index_cast %shift_right_arithmetic3A_534 : i32 to index
        %swap3A_548 = arith.index_cast %multiple_of3A_539 : i32 to index
        %swap3A_549 = tpu.vector_load %arg10[%swap3A_547, %swap3A_548] {strides = array<i32>} : memref<128x128xi32, #tpu.memory_space<vmem>>, vector<1x16xi32>,
        %swap3A_550 = vector.shape_cast %swap3A_549 : vector<1x16xi32> to vector<16xi32>
        %swap3A_551 = vector.shape_cast %add3A_546 : vector<16xi32> to vector<1x16xi32>
        tpu.vector_store %arg10[%swap3A_547, %swap3A_548], %swap3A_551 {strides = array<i32>} : memref<128x128xi32, #tpu.memory_space<vmem>>, vector<1x16xi32>,
        %slice3A_552 = vector.extract_strided_slice %get3A_367 {offsets = [9], sizes = [1], strides = [1]} : vector<16xi32> to vector<1xi32>
        %squeeze3A_553 = vector.extract %slice3A_552[0] : i32 from vector<1xi32>
        %shift_right_arithmetic3A_554 = arith.constant 3 : i32
        %shift_right_arithmetic3A_555 = arith.shrsi %squeeze3A_553, %shift_right_arithmetic3A_554 : i32
        %and3A_556 = arith.constant 7 : i32
        %and3A_557 = arith.andi %squeeze3A_553, %and3A_556 : i32
        %mul3A_558 = arith.constant 16 : i32
        %mul3A_559 = arith.muli %and3A_557, %mul3A_558 : i32
        %multiple_of3A_560 = tpu.assume_multiple %mul3A_559, 16 : i32
        %get3A_561 = arith.index_cast %shift_right_arithmetic3A_555 : i32 to index
        %get3A_562 = arith.index_cast %multiple_of3A_560 : i32 to index
        %get3A_563 = tpu.vector_load %arg10[%get3A_561, %get3A_562] {strides = array<i32>} : memref<128x128xi32, #tpu.memory_space<vmem>>, vector<1x16xi32>,
        %get3A_564 = vector.shape_cast %get3A_563 : vector<1x16xi32> to vector<16xi32>
        %add3A_565 = arith.constant 1 : i32
        %add3A_566 = vector.broadcast %add3A_565 : i32 to vector<16xi32>
        %add3A_567 = arith.addi %get3A_564, %add3A_566 : vector<16xi32>
        %swap3A_568 = arith.index_cast %shift_right_arithmetic3A_555 : i32 to index
        %swap3A_569 = arith.index_cast %multiple_of3A_560 : i32 to index
        %swap3A_570 = tpu.vector_load %arg10[%swap3A_568, %swap3A_569] {strides = array<i32>} : memref<128x128xi32, #tpu.memory_space<vmem>>, vector<1x16xi32>,
        %swap3A_571 = vector.shape_cast %swap3A_570 : vector<1x16xi32> to vector<16xi32>
        %swap3A_572 = vector.shape_cast %add3A_567 : vector<16xi32> to vector<1x16xi32>
        tpu.vector_store %arg10[%swap3A_568, %swap3A_569], %swap3A_572 {strides = array<i32>} : memref<128x128xi32, #tpu.memory_space<vmem>>, vector<1x16xi32>,
        %slice3A_573 = vector.extract_strided_slice %get3A_367 {offsets = [10], sizes = [1], strides = [1]} : vector<16xi32> to vector<1xi32>
        %squeeze3A_574 = vector.extract %slice3A_573[0] : i32 from vector<1xi32>
        %shift_right_arithmetic3A_575 = arith.constant 3 : i32
        %shift_right_arithmetic3A_576 = arith.shrsi %squeeze3A_574, %shift_right_arithmetic3A_575 : i32
        %and3A_577 = arith.constant 7 : i32
        %and3A_578 = arith.andi %squeeze3A_574, %and3A_577 : i32
        %mul3A_579 = arith.constant 16 : i32
        %mul3A_580 = arith.muli %and3A_578, %mul3A_579 : i32
        %multiple_of3A_581 = tpu.assume_multiple %mul3A_580, 16 : i32
        %get3A_582 = arith.index_cast %shift_right_arithmetic3A_576 : i32 to index
        %get3A_583 = arith.index_cast %multiple_of3A_581 : i32 to index
        %get3A_584 = tpu.vector_load %arg10[%get3A_582, %get3A_583] {strides = array<i32>} : memref<128x128xi32, #tpu.memory_space<vmem>>, vector<1x16xi32>,
        %get3A_585 = vector.shape_cast %get3A_584 : vector<1x16xi32> to vector<16xi32>
        %add3A_586 = arith.constant 1 : i32
        %add3A_587 = vector.broadcast %add3A_586 : i32 to vector<16xi32>
        %add3A_588 = arith.addi %get3A_585, %add3A_587 : vector<16xi32>
        %swap3A_589 = arith.index_cast %shift_right_arithmetic3A_576 : i32 to index
        %swap3A_590 = arith.index_cast %multiple_of3A_581 : i32 to index
        %swap3A_591 = tpu.vector_load %arg10[%swap3A_589, %swap3A_590] {strides = array<i32>} : memref<128x128xi32, #tpu.memory_space<vmem>>, vector<1x16xi32>,
        %swap3A_592 = vector.shape_cast %swap3A_591 : vector<1x16xi32> to vector<16xi32>
        %swap3A_593 = vector.shape_cast %add3A_588 : vector<16xi32> to vector<1x16xi32>
        tpu.vector_store %arg10[%swap3A_589, %swap3A_590], %swap3A_593 {strides = array<i32>} : memref<128x128xi32, #tpu.memory_space<vmem>>, vector<1x16xi32>,
        %slice3A_594 = vector.extract_strided_slice %get3A_367 {offsets = [11], sizes = [1], strides = [1]} : vector<16xi32> to vector<1xi32>
        %squeeze3A_595 = vector.extract %slice3A_594[0] : i32 from vector<1xi32>
        %shift_right_arithmetic3A_596 = arith.constant 3 : i32
        %shift_right_arithmetic3A_597 = arith.shrsi %squeeze3A_595, %shift_right_arithmetic3A_596 : i32
        %and3A_598 = arith.constant 7 : i32
        %and3A_599 = arith.andi %squeeze3A_595, %and3A_598 : i32
        %mul3A_600 = arith.constant 16 : i32
        %mul3A_601 = arith.muli %and3A_599, %mul3A_600 : i32
        %multiple_of3A_602 = tpu.assume_multiple %mul3A_601, 16 : i32
        %get3A_603 = arith.index_cast %shift_right_arithmetic3A_597 : i32 to index
        %get3A_604 = arith.index_cast %multiple_of3A_602 : i32 to index
        %get3A_605 = tpu.vector_load %arg10[%get3A_603, %get3A_604] {strides = array<i32>} : memref<128x128xi32, #tpu.memory_space<vmem>>, vector<1x16xi32>,
        %get3A_606 = vector.shape_cast %get3A_605 : vector<1x16xi32> to vector<16xi32>
        %add3A_607 = arith.constant 1 : i32
        %add3A_608 = vector.broadcast %add3A_607 : i32 to vector<16xi32>
        %add3A_609 = arith.addi %get3A_606, %add3A_608 : vector<16xi32>
        %swap3A_610 = arith.index_cast %shift_right_arithmetic3A_597 : i32 to index
        %swap3A_611 = arith.index_cast %multiple_of3A_602 : i32 to index
        %swap3A_612 = tpu.vector_load %arg10[%swap3A_610, %swap3A_611] {strides = array<i32>} : memref<128x128xi32, #tpu.memory_space<vmem>>, vector<1x16xi32>,
        %swap3A_613 = vector.shape_cast %swap3A_612 : vector<1x16xi32> to vector<16xi32>
        %swap3A_614 = vector.shape_cast %add3A_609 : vector<16xi32> to vector<1x16xi32>
        tpu.vector_store %arg10[%swap3A_610, %swap3A_611], %swap3A_614 {strides = array<i32>} : memref<128x128xi32, #tpu.memory_space<vmem>>, vector<1x16xi32>,
        %slice3A_615 = vector.extract_strided_slice %get3A_367 {offsets = [12], sizes = [1], strides = [1]} : vector<16xi32> to vector<1xi32>
        %squeeze3A_616 = vector.extract %slice3A_615[0] : i32 from vector<1xi32>
        %shift_right_arithmetic3A_617 = arith.constant 3 : i32
        %shift_right_arithmetic3A_618 = arith.shrsi %squeeze3A_616, %shift_right_arithmetic3A_617 : i32
        %and3A_619 = arith.constant 7 : i32
        %and3A_620 = arith.andi %squeeze3A_616, %and3A_619 : i32
        %mul3A_621 = arith.constant 16 : i32
        %mul3A_622 = arith.muli %and3A_620, %mul3A_621 : i32
        %multiple_of3A_623 = tpu.assume_multiple %mul3A_622, 16 : i32
        %get3A_624 = arith.index_cast %shift_right_arithmetic3A_618 : i32 to index
        %get3A_625 = arith.index_cast %multiple_of3A_623 : i32 to index
        %get3A_626 = tpu.vector_load %arg10[%get3A_624, %get3A_625] {strides = array<i32>} : memref<128x128xi32, #tpu.memory_space<vmem>>, vector<1x16xi32>,
        %get3A_627 = vector.shape_cast %get3A_626 : vector<1x16xi32> to vector<16xi32>
        %add3A_628 = arith.constant 1 : i32
        %add3A_629 = vector.broadcast %add3A_628 : i32 to vector<16xi32>
        %add3A_630 = arith.addi %get3A_627, %add3A_629 : vector<16xi32>
        %swap3A_631 = arith.index_cast %shift_right_arithmetic3A_618 : i32 to index
        %swap3A_632 = arith.index_cast %multiple_of3A_623 : i32 to index
        %swap3A_633 = tpu.vector_load %arg10[%swap3A_631, %swap3A_632] {strides = array<i32>} : memref<128x128xi32, #tpu.memory_space<vmem>>, vector<1x16xi32>,
        %swap3A_634 = vector.shape_cast %swap3A_633 : vector<1x16xi32> to vector<16xi32>
        %swap3A_635 = vector.shape_cast %add3A_630 : vector<16xi32> to vector<1x16xi32>
        tpu.vector_store %arg10[%swap3A_631, %swap3A_632], %swap3A_635 {strides = array<i32>} : memref<128x128xi32, #tpu.memory_space<vmem>>, vector<1x16xi32>,
        %slice3A_636 = vector.extract_strided_slice %get3A_367 {offsets = [13], sizes = [1], strides = [1]} : vector<16xi32> to vector<1xi32>
        %squeeze3A_637 = vector.extract %slice3A_636[0] : i32 from vector<1xi32>
        %shift_right_arithmetic3A_638 = arith.constant 3 : i32
        %shift_right_arithmetic3A_639 = arith.shrsi %squeeze3A_637, %shift_right_arithmetic3A_638 : i32
        %and3A_640 = arith.constant 7 : i32
        %and3A_641 = arith.andi %squeeze3A_637, %and3A_640 : i32
        %mul3A_642 = arith.constant 16 : i32
        %mul3A_643 = arith.muli %and3A_641, %mul3A_642 : i32
        %multiple_of3A_644 = tpu.assume_multiple %mul3A_643, 16 : i32
        %get3A_645 = arith.index_cast %shift_right_arithmetic3A_639 : i32 to index
        %get3A_646 = arith.index_cast %multiple_of3A_644 : i32 to index
        %get3A_647 = tpu.vector_load %arg10[%get3A_645, %get3A_646] {strides = array<i32>} : memref<128x128xi32, #tpu.memory_space<vmem>>, vector<1x16xi32>,
        %get3A_648 = vector.shape_cast %get3A_647 : vector<1x16xi32> to vector<16xi32>
        %add3A_649 = arith.constant 1 : i32
        %add3A_650 = vector.broadcast %add3A_649 : i32 to vector<16xi32>
        %add3A_651 = arith.addi %get3A_648, %add3A_650 : vector<16xi32>
        %swap3A_652 = arith.index_cast %shift_right_arithmetic3A_639 : i32 to index
        %swap3A_653 = arith.index_cast %multiple_of3A_644 : i32 to index
        %swap3A_654 = tpu.vector_load %arg10[%swap3A_652, %swap3A_653] {strides = array<i32>} : memref<128x128xi32, #tpu.memory_space<vmem>>, vector<1x16xi32>,
        %swap3A_655 = vector.shape_cast %swap3A_654 : vector<1x16xi32> to vector<16xi32>
        %swap3A_656 = vector.shape_cast %add3A_651 : vector<16xi32> to vector<1x16xi32>
        tpu.vector_store %arg10[%swap3A_652, %swap3A_653], %swap3A_656 {strides = array<i32>} : memref<128x128xi32, #tpu.memory_space<vmem>>, vector<1x16xi32>,
        %slice3A_657 = vector.extract_strided_slice %get3A_367 {offsets = [14], sizes = [1], strides = [1]} : vector<16xi32> to vector<1xi32>
        %squeeze3A_658 = vector.extract %slice3A_657[0] : i32 from vector<1xi32>
        %shift_right_arithmetic3A_659 = arith.constant 3 : i32
        %shift_right_arithmetic3A_660 = arith.shrsi %squeeze3A_658, %shift_right_arithmetic3A_659 : i32
        %and3A_661 = arith.constant 7 : i32
        %and3A_662 = arith.andi %squeeze3A_658, %and3A_661 : i32
        %mul3A_663 = arith.constant 16 : i32
        %mul3A_664 = arith.muli %and3A_662, %mul3A_663 : i32
        %multiple_of3A_665 = tpu.assume_multiple %mul3A_664, 16 : i32
        %get3A_666 = arith.index_cast %shift_right_arithmetic3A_660 : i32 to index
        %get3A_667 = arith.index_cast %multiple_of3A_665 : i32 to index
        %get3A_668 = tpu.vector_load %arg10[%get3A_666, %get3A_667] {strides = array<i32>} : memref<128x128xi32, #tpu.memory_space<vmem>>, vector<1x16xi32>,
        %get3A_669 = vector.shape_cast %get3A_668 : vector<1x16xi32> to vector<16xi32>
        %add3A_670 = arith.constant 1 : i32
        %add3A_671 = vector.broadcast %add3A_670 : i32 to vector<16xi32>
        %add3A_672 = arith.addi %get3A_669, %add3A_671 : vector<16xi32>
        %swap3A_673 = arith.index_cast %shift_right_arithmetic3A_660 : i32 to index
        %swap3A_674 = arith.index_cast %multiple_of3A_665 : i32 to index
        %swap3A_675 = tpu.vector_load %arg10[%swap3A_673, %swap3A_674] {strides = array<i32>} : memref<128x128xi32, #tpu.memory_space<vmem>>, vector<1x16xi32>,
        %swap3A_676 = vector.shape_cast %swap3A_675 : vector<1x16xi32> to vector<16xi32>
        %swap3A_677 = vector.shape_cast %add3A_672 : vector<16xi32> to vector<1x16xi32>
        tpu.vector_store %arg10[%swap3A_673, %swap3A_674], %swap3A_677 {strides = array<i32>} : memref<128x128xi32, #tpu.memory_space<vmem>>, vector<1x16xi32>,
        %slice3A_678 = vector.extract_strided_slice %get3A_367 {offsets = [15], sizes = [1], strides = [1]} : vector<16xi32> to vector<1xi32>
        %squeeze3A_679 = vector.extract %slice3A_678[0] : i32 from vector<1xi32>
        %shift_right_arithmetic3A_680 = arith.constant 3 : i32
        %shift_right_arithmetic3A_681 = arith.shrsi %squeeze3A_679, %shift_right_arithmetic3A_680 : i32
        %and3A_682 = arith.constant 7 : i32
        %and3A_683 = arith.andi %squeeze3A_679, %and3A_682 : i32
        %mul3A_684 = arith.constant 16 : i32
        %mul3A_685 = arith.muli %and3A_683, %mul3A_684 : i32
        %multiple_of3A_686 = tpu.assume_multiple %mul3A_685, 16 : i32
        %get3A_687 = arith.index_cast %shift_right_arithmetic3A_681 : i32 to index
        %get3A_688 = arith.index_cast %multiple_of3A_686 : i32 to index
        %get3A_689 = tpu.vector_load %arg10[%get3A_687, %get3A_688] {strides = array<i32>} : memref<128x128xi32, #tpu.memory_space<vmem>>, vector<1x16xi32>,
        %get3A_690 = vector.shape_cast %get3A_689 : vector<1x16xi32> to vector<16xi32>
        %add3A_691 = arith.constant 1 : i32
        %add3A_692 = vector.broadcast %add3A_691 : i32 to vector<16xi32>
        %add3A_693 = arith.addi %get3A_690, %add3A_692 : vector<16xi32>
        %swap3A_694 = arith.index_cast %shift_right_arithmetic3A_681 : i32 to index
        %swap3A_695 = arith.index_cast %multiple_of3A_686 : i32 to index
        %swap3A_696 = tpu.vector_load %arg10[%swap3A_694, %swap3A_695] {strides = array<i32>} : memref<128x128xi32, #tpu.memory_space<vmem>>, vector<1x16xi32>,
        %swap3A_697 = vector.shape_cast %swap3A_696 : vector<1x16xi32> to vector<16xi32>
        %swap3A_698 = vector.shape_cast %add3A_693 : vector<16xi32> to vector<1x16xi32>
        tpu.vector_store %arg10[%swap3A_694, %swap3A_695], %swap3A_698 {strides = array<i32>} : memref<128x128xi32, #tpu.memory_space<vmem>>, vector<1x16xi32>,
        %mul3A_699 = arith.constant 16 : i32
        %mul3A_700 = arith.muli %scan3A_361, %mul3A_699 : i32
        %multiple_of3A_701 = tpu.assume_multiple %mul3A_700, 16 : i32
        %get3A_702 = arith.constant 1 : i32
        %get3A_703 = arith.index_cast %get3A_702 : i32 to index
        %get3A_704 = arith.index_cast %multiple_of3A_701 : i32 to index
        %get3A_705 = tpu.vector_load %arg9[%get3A_703, %get3A_704] {strides = array<i32>} : memref<2x128xi32, #tpu.memory_space<vmem>>, vector<1x16xi32>,
        %get3A_706 = vector.shape_cast %get3A_705 : vector<1x16xi32> to vector<16xi32>
        %slice3A_707 = vector.extract_strided_slice %get3A_706 {offsets = [0], sizes = [1], strides = [1]} : vector<16xi32> to vector<1xi32>
        %squeeze3A_708 = vector.extract %slice3A_707[0] : i32 from vector<1xi32>
        %shift_right_arithmetic3A_709 = arith.constant 3 : i32
        %shift_right_arithmetic3A_710 = arith.shrsi %squeeze3A_708, %shift_right_arithmetic3A_709 : i32
        %and3A_711 = arith.constant 7 : i32
        %and3A_712 = arith.andi %squeeze3A_708, %and3A_711 : i32
        %mul3A_713 = arith.constant 16 : i32
        %mul3A_714 = arith.muli %and3A_712, %mul3A_713 : i32
        %multiple_of3A_715 = tpu.assume_multiple %mul3A_714, 16 : i32
        %get3A_716 = arith.index_cast %shift_right_arithmetic3A_710 : i32 to index
        %get3A_717 = arith.index_cast %multiple_of3A_715 : i32 to index
        %get3A_718 = tpu.vector_load %arg10[%get3A_716, %get3A_717] {strides = array<i32>} : memref<128x128xi32, #tpu.memory_space<vmem>>, vector<1x16xi32>,
        %get3A_719 = vector.shape_cast %get3A_718 : vector<1x16xi32> to vector<16xi32>
        %add3A_720 = arith.constant 1 : i32
        %add3A_721 = vector.broadcast %add3A_720 : i32 to vector<16xi32>
        %add3A_722 = arith.addi %get3A_719, %add3A_721 : vector<16xi32>
        %swap3A_723 = arith.index_cast %shift_right_arithmetic3A_710 : i32 to index
        %swap3A_724 = arith.index_cast %multiple_of3A_715 : i32 to index
        %swap3A_725 = tpu.vector_load %arg10[%swap3A_723, %swap3A_724] {strides = array<i32>} : memref<128x128xi32, #tpu.memory_space<vmem>>, vector<1x16xi32>,
        %swap3A_726 = vector.shape_cast %swap3A_725 : vector<1x16xi32> to vector<16xi32>
        %swap3A_727 = vector.shape_cast %add3A_722 : vector<16xi32> to vector<1x16xi32>
        tpu.vector_store %arg10[%swap3A_723, %swap3A_724], %swap3A_727 {strides = array<i32>} : memref<128x128xi32, #tpu.memory_space<vmem>>, vector<1x16xi32>,
        %slice3A_728 = vector.extract_strided_slice %get3A_706 {offsets = [1], sizes = [1], strides = [1]} : vector<16xi32> to vector<1xi32>
        %squeeze3A_729 = vector.extract %slice3A_728[0] : i32 from vector<1xi32>
        %shift_right_arithmetic3A_730 = arith.constant 3 : i32
        %shift_right_arithmetic3A_731 = arith.shrsi %squeeze3A_729, %shift_right_arithmetic3A_730 : i32
        %and3A_732 = arith.constant 7 : i32
        %and3A_733 = arith.andi %squeeze3A_729, %and3A_732 : i32
        %mul3A_734 = arith.constant 16 : i32
        %mul3A_735 = arith.muli %and3A_733, %mul3A_734 : i32
        %multiple_of3A_736 = tpu.assume_multiple %mul3A_735, 16 : i32
        %get3A_737 = arith.index_cast %shift_right_arithmetic3A_731 : i32 to index
        %get3A_738 = arith.index_cast %multiple_of3A_736 : i32 to index
        %get3A_739 = tpu.vector_load %arg10[%get3A_737, %get3A_738] {strides = array<i32>} : memref<128x128xi32, #tpu.memory_space<vmem>>, vector<1x16xi32>,
        %get3A_740 = vector.shape_cast %get3A_739 : vector<1x16xi32> to vector<16xi32>
        %add3A_741 = arith.constant 1 : i32
        %add3A_742 = vector.broadcast %add3A_741 : i32 to vector<16xi32>
        %add3A_743 = arith.addi %get3A_740, %add3A_742 : vector<16xi32>
        %swap3A_744 = arith.index_cast %shift_right_arithmetic3A_731 : i32 to index
        %swap3A_745 = arith.index_cast %multiple_of3A_736 : i32 to index
        %swap3A_746 = tpu.vector_load %arg10[%swap3A_744, %swap3A_745] {strides = array<i32>} : memref<128x128xi32, #tpu.memory_space<vmem>>, vector<1x16xi32>,
        %swap3A_747 = vector.shape_cast %swap3A_746 : vector<1x16xi32> to vector<16xi32>
        %swap3A_748 = vector.shape_cast %add3A_743 : vector<16xi32> to vector<1x16xi32>
        tpu.vector_store %arg10[%swap3A_744, %swap3A_745], %swap3A_748 {strides = array<i32>} : memref<128x128xi32, #tpu.memory_space<vmem>>, vector<1x16xi32>,
        %slice3A_749 = vector.extract_strided_slice %get3A_706 {offsets = [2], sizes = [1], strides = [1]} : vector<16xi32> to vector<1xi32>
        %squeeze3A_750 = vector.extract %slice3A_749[0] : i32 from vector<1xi32>
        %shift_right_arithmetic3A_751 = arith.constant 3 : i32
        %shift_right_arithmetic3A_752 = arith.shrsi %squeeze3A_750, %shift_right_arithmetic3A_751 : i32
        %and3A_753 = arith.constant 7 : i32
        %and3A_754 = arith.andi %squeeze3A_750, %and3A_753 : i32
        %mul3A_755 = arith.constant 16 : i32
        %mul3A_756 = arith.muli %and3A_754, %mul3A_755 : i32
        %multiple_of3A_757 = tpu.assume_multiple %mul3A_756, 16 : i32
        %get3A_758 = arith.index_cast %shift_right_arithmetic3A_752 : i32 to index
        %get3A_759 = arith.index_cast %multiple_of3A_757 : i32 to index
        %get3A_760 = tpu.vector_load %arg10[%get3A_758, %get3A_759] {strides = array<i32>} : memref<128x128xi32, #tpu.memory_space<vmem>>, vector<1x16xi32>,
        %get3A_761 = vector.shape_cast %get3A_760 : vector<1x16xi32> to vector<16xi32>
        %add3A_762 = arith.constant 1 : i32
        %add3A_763 = vector.broadcast %add3A_762 : i32 to vector<16xi32>
        %add3A_764 = arith.addi %get3A_761, %add3A_763 : vector<16xi32>
        %swap3A_765 = arith.index_cast %shift_right_arithmetic3A_752 : i32 to index
        %swap3A_766 = arith.index_cast %multiple_of3A_757 : i32 to index
        %swap3A_767 = tpu.vector_load %arg10[%swap3A_765, %swap3A_766] {strides = array<i32>} : memref<128x128xi32, #tpu.memory_space<vmem>>, vector<1x16xi32>,
        %swap3A_768 = vector.shape_cast %swap3A_767 : vector<1x16xi32> to vector<16xi32>
        %swap3A_769 = vector.shape_cast %add3A_764 : vector<16xi32> to vector<1x16xi32>
        tpu.vector_store %arg10[%swap3A_765, %swap3A_766], %swap3A_769 {strides = array<i32>} : memref<128x128xi32, #tpu.memory_space<vmem>>, vector<1x16xi32>,
        %slice3A_770 = vector.extract_strided_slice %get3A_706 {offsets = [3], sizes = [1], strides = [1]} : vector<16xi32> to vector<1xi32>
        %squeeze3A_771 = vector.extract %slice3A_770[0] : i32 from vector<1xi32>
        %shift_right_arithmetic3A_772 = arith.constant 3 : i32
        %shift_right_arithmetic3A_773 = arith.shrsi %squeeze3A_771, %shift_right_arithmetic3A_772 : i32
        %and3A_774 = arith.constant 7 : i32
        %and3A_775 = arith.andi %squeeze3A_771, %and3A_774 : i32
        %mul3A_776 = arith.constant 16 : i32
        %mul3A_777 = arith.muli %and3A_775, %mul3A_776 : i32
        %multiple_of3A_778 = tpu.assume_multiple %mul3A_777, 16 : i32
        %get3A_779 = arith.index_cast %shift_right_arithmetic3A_773 : i32 to index
        %get3A_780 = arith.index_cast %multiple_of3A_778 : i32 to index
        %get3A_781 = tpu.vector_load %arg10[%get3A_779, %get3A_780] {strides = array<i32>} : memref<128x128xi32, #tpu.memory_space<vmem>>, vector<1x16xi32>,
        %get3A_782 = vector.shape_cast %get3A_781 : vector<1x16xi32> to vector<16xi32>
        %add3A_783 = arith.constant 1 : i32
        %add3A_784 = vector.broadcast %add3A_783 : i32 to vector<16xi32>
        %add3A_785 = arith.addi %get3A_782, %add3A_784 : vector<16xi32>
        %swap3A_786 = arith.index_cast %shift_right_arithmetic3A_773 : i32 to index
        %swap3A_787 = arith.index_cast %multiple_of3A_778 : i32 to index
        %swap3A_788 = tpu.vector_load %arg10[%swap3A_786, %swap3A_787] {strides = array<i32>} : memref<128x128xi32, #tpu.memory_space<vmem>>, vector<1x16xi32>,
        %swap3A_789 = vector.shape_cast %swap3A_788 : vector<1x16xi32> to vector<16xi32>
        %swap3A_790 = vector.shape_cast %add3A_785 : vector<16xi32> to vector<1x16xi32>
        tpu.vector_store %arg10[%swap3A_786, %swap3A_787], %swap3A_790 {strides = array<i32>} : memref<128x128xi32, #tpu.memory_space<vmem>>, vector<1x16xi32>,
        %slice3A_791 = vector.extract_strided_slice %get3A_706 {offsets = [4], sizes = [1], strides = [1]} : vector<16xi32> to vector<1xi32>
        %squeeze3A_792 = vector.extract %slice3A_791[0] : i32 from vector<1xi32>
        %shift_right_arithmetic3A_793 = arith.constant 3 : i32
        %shift_right_arithmetic3A_794 = arith.shrsi %squeeze3A_792, %shift_right_arithmetic3A_793 : i32
        %and3A_795 = arith.constant 7 : i32
        %and3A_796 = arith.andi %squeeze3A_792, %and3A_795 : i32
        %mul3A_797 = arith.constant 16 : i32
        %mul3A_798 = arith.muli %and3A_796, %mul3A_797 : i32
        %multiple_of3A_799 = tpu.assume_multiple %mul3A_798, 16 : i32
        %get3A_800 = arith.index_cast %shift_right_arithmetic3A_794 : i32 to index
        %get3A_801 = arith.index_cast %multiple_of3A_799 : i32 to index
        %get3A_802 = tpu.vector_load %arg10[%get3A_800, %get3A_801] {strides = array<i32>} : memref<128x128xi32, #tpu.memory_space<vmem>>, vector<1x16xi32>,
        %get3A_803 = vector.shape_cast %get3A_802 : vector<1x16xi32> to vector<16xi32>
        %add3A_804 = arith.constant 1 : i32
        %add3A_805 = vector.broadcast %add3A_804 : i32 to vector<16xi32>
        %add3A_806 = arith.addi %get3A_803, %add3A_805 : vector<16xi32>
        %swap3A_807 = arith.index_cast %shift_right_arithmetic3A_794 : i32 to index
        %swap3A_808 = arith.index_cast %multiple_of3A_799 : i32 to index
        %swap3A_809 = tpu.vector_load %arg10[%swap3A_807, %swap3A_808] {strides = array<i32>} : memref<128x128xi32, #tpu.memory_space<vmem>>, vector<1x16xi32>,
        %swap3A_810 = vector.shape_cast %swap3A_809 : vector<1x16xi32> to vector<16xi32>
        %swap3A_811 = vector.shape_cast %add3A_806 : vector<16xi32> to vector<1x16xi32>
        tpu.vector_store %arg10[%swap3A_807, %swap3A_808], %swap3A_811 {strides = array<i32>} : memref<128x128xi32, #tpu.memory_space<vmem>>, vector<1x16xi32>,
        %slice3A_812 = vector.extract_strided_slice %get3A_706 {offsets = [5], sizes = [1], strides = [1]} : vector<16xi32> to vector<1xi32>
        %squeeze3A_813 = vector.extract %slice3A_812[0] : i32 from vector<1xi32>
        %shift_right_arithmetic3A_814 = arith.constant 3 : i32
        %shift_right_arithmetic3A_815 = arith.shrsi %squeeze3A_813, %shift_right_arithmetic3A_814 : i32
        %and3A_816 = arith.constant 7 : i32
        %and3A_817 = arith.andi %squeeze3A_813, %and3A_816 : i32
        %mul3A_818 = arith.constant 16 : i32
        %mul3A_819 = arith.muli %and3A_817, %mul3A_818 : i32
        %multiple_of3A_820 = tpu.assume_multiple %mul3A_819, 16 : i32
        %get3A_821 = arith.index_cast %shift_right_arithmetic3A_815 : i32 to index
        %get3A_822 = arith.index_cast %multiple_of3A_820 : i32 to index
        %get3A_823 = tpu.vector_load %arg10[%get3A_821, %get3A_822] {strides = array<i32>} : memref<128x128xi32, #tpu.memory_space<vmem>>, vector<1x16xi32>,
        %get3A_824 = vector.shape_cast %get3A_823 : vector<1x16xi32> to vector<16xi32>
        %add3A_825 = arith.constant 1 : i32
        %add3A_826 = vector.broadcast %add3A_825 : i32 to vector<16xi32>
        %add3A_827 = arith.addi %get3A_824, %add3A_826 : vector<16xi32>
        %swap3A_828 = arith.index_cast %shift_right_arithmetic3A_815 : i32 to index
        %swap3A_829 = arith.index_cast %multiple_of3A_820 : i32 to index
        %swap3A_830 = tpu.vector_load %arg10[%swap3A_828, %swap3A_829] {strides = array<i32>} : memref<128x128xi32, #tpu.memory_space<vmem>>, vector<1x16xi32>,
        %swap3A_831 = vector.shape_cast %swap3A_830 : vector<1x16xi32> to vector<16xi32>
        %swap3A_832 = vector.shape_cast %add3A_827 : vector<16xi32> to vector<1x16xi32>
        tpu.vector_store %arg10[%swap3A_828, %swap3A_829], %swap3A_832 {strides = array<i32>} : memref<128x128xi32, #tpu.memory_space<vmem>>, vector<1x16xi32>,
        %slice3A_833 = vector.extract_strided_slice %get3A_706 {offsets = [6], sizes = [1], strides = [1]} : vector<16xi32> to vector<1xi32>
        %squeeze3A_834 = vector.extract %slice3A_833[0] : i32 from vector<1xi32>
        %shift_right_arithmetic3A_835 = arith.constant 3 : i32
        %shift_right_arithmetic3A_836 = arith.shrsi %squeeze3A_834, %shift_right_arithmetic3A_835 : i32
        %and3A_837 = arith.constant 7 : i32
        %and3A_838 = arith.andi %squeeze3A_834, %and3A_837 : i32
        %mul3A_839 = arith.constant 16 : i32
        %mul3A_840 = arith.muli %and3A_838, %mul3A_839 : i32
        %multiple_of3A_841 = tpu.assume_multiple %mul3A_840, 16 : i32
        %get3A_842 = arith.index_cast %shift_right_arithmetic3A_836 : i32 to index
        %get3A_843 = arith.index_cast %multiple_of3A_841 : i32 to index
        %get3A_844 = tpu.vector_load %arg10[%get3A_842, %get3A_843] {strides = array<i32>} : memref<128x128xi32, #tpu.memory_space<vmem>>, vector<1x16xi32>,
        %get3A_845 = vector.shape_cast %get3A_844 : vector<1x16xi32> to vector<16xi32>
        %add3A_846 = arith.constant 1 : i32
        %add3A_847 = vector.broadcast %add3A_846 : i32 to vector<16xi32>
        %add3A_848 = arith.addi %get3A_845, %add3A_847 : vector<16xi32>
        %swap3A_849 = arith.index_cast %shift_right_arithmetic3A_836 : i32 to index
        %swap3A_850 = arith.index_cast %multiple_of3A_841 : i32 to index
        %swap3A_851 = tpu.vector_load %arg10[%swap3A_849, %swap3A_850] {strides = array<i32>} : memref<128x128xi32, #tpu.memory_space<vmem>>, vector<1x16xi32>,
        %swap3A_852 = vector.shape_cast %swap3A_851 : vector<1x16xi32> to vector<16xi32>
        %swap3A_853 = vector.shape_cast %add3A_848 : vector<16xi32> to vector<1x16xi32>
        tpu.vector_store %arg10[%swap3A_849, %swap3A_850], %swap3A_853 {strides = array<i32>} : memref<128x128xi32, #tpu.memory_space<vmem>>, vector<1x16xi32>,
        %slice3A_854 = vector.extract_strided_slice %get3A_706 {offsets = [7], sizes = [1], strides = [1]} : vector<16xi32> to vector<1xi32>
        %squeeze3A_855 = vector.extract %slice3A_854[0] : i32 from vector<1xi32>
        %shift_right_arithmetic3A_856 = arith.constant 3 : i32
        %shift_right_arithmetic3A_857 = arith.shrsi %squeeze3A_855, %shift_right_arithmetic3A_856 : i32
        %and3A_858 = arith.constant 7 : i32
        %and3A_859 = arith.andi %squeeze3A_855, %and3A_858 : i32
        %mul3A_860 = arith.constant 16 : i32
        %mul3A_861 = arith.muli %and3A_859, %mul3A_860 : i32
        %multiple_of3A_862 = tpu.assume_multiple %mul3A_861, 16 : i32
        %get3A_863 = arith.index_cast %shift_right_arithmetic3A_857 : i32 to index
        %get3A_864 = arith.index_cast %multiple_of3A_862 : i32 to index
        %get3A_865 = tpu.vector_load %arg10[%get3A_863, %get3A_864] {strides = array<i32>} : memref<128x128xi32, #tpu.memory_space<vmem>>, vector<1x16xi32>,
        %get3A_866 = vector.shape_cast %get3A_865 : vector<1x16xi32> to vector<16xi32>
        %add3A_867 = arith.constant 1 : i32
        %add3A_868 = vector.broadcast %add3A_867 : i32 to vector<16xi32>
        %add3A_869 = arith.addi %get3A_866, %add3A_868 : vector<16xi32>
        %swap3A_870 = arith.index_cast %shift_right_arithmetic3A_857 : i32 to index
        %swap3A_871 = arith.index_cast %multiple_of3A_862 : i32 to index
        %swap3A_872 = tpu.vector_load %arg10[%swap3A_870, %swap3A_871] {strides = array<i32>} : memref<128x128xi32, #tpu.memory_space<vmem>>, vector<1x16xi32>,
        %swap3A_873 = vector.shape_cast %swap3A_872 : vector<1x16xi32> to vector<16xi32>
        %swap3A_874 = vector.shape_cast %add3A_869 : vector<16xi32> to vector<1x16xi32>
        tpu.vector_store %arg10[%swap3A_870, %swap3A_871], %swap3A_874 {strides = array<i32>} : memref<128x128xi32, #tpu.memory_space<vmem>>, vector<1x16xi32>,
        %slice3A_875 = vector.extract_strided_slice %get3A_706 {offsets = [8], sizes = [1], strides = [1]} : vector<16xi32> to vector<1xi32>
        %squeeze3A_876 = vector.extract %slice3A_875[0] : i32 from vector<1xi32>
        %shift_right_arithmetic3A_877 = arith.constant 3 : i32
        %shift_right_arithmetic3A_878 = arith.shrsi %squeeze3A_876, %shift_right_arithmetic3A_877 : i32
        %and3A_879 = arith.constant 7 : i32
        %and3A_880 = arith.andi %squeeze3A_876, %and3A_879 : i32
        %mul3A_881 = arith.constant 16 : i32
        %mul3A_882 = arith.muli %and3A_880, %mul3A_881 : i32
        %multiple_of3A_883 = tpu.assume_multiple %mul3A_882, 16 : i32
        %get3A_884 = arith.index_cast %shift_right_arithmetic3A_878 : i32 to index
        %get3A_885 = arith.index_cast %multiple_of3A_883 : i32 to index
        %get3A_886 = tpu.vector_load %arg10[%get3A_884, %get3A_885] {strides = array<i32>} : memref<128x128xi32, #tpu.memory_space<vmem>>, vector<1x16xi32>,
        %get3A_887 = vector.shape_cast %get3A_886 : vector<1x16xi32> to vector<16xi32>
        %add3A_888 = arith.constant 1 : i32
        %add3A_889 = vector.broadcast %add3A_888 : i32 to vector<16xi32>
        %add3A_890 = arith.addi %get3A_887, %add3A_889 : vector<16xi32>
        %swap3A_891 = arith.index_cast %shift_right_arithmetic3A_878 : i32 to index
        %swap3A_892 = arith.index_cast %multiple_of3A_883 : i32 to index
        %swap3A_893 = tpu.vector_load %arg10[%swap3A_891, %swap3A_892] {strides = array<i32>} : memref<128x128xi32, #tpu.memory_space<vmem>>, vector<1x16xi32>,
        %swap3A_894 = vector.shape_cast %swap3A_893 : vector<1x16xi32> to vector<16xi32>
        %swap3A_895 = vector.shape_cast %add3A_890 : vector<16xi32> to vector<1x16xi32>
        tpu.vector_store %arg10[%swap3A_891, %swap3A_892], %swap3A_895 {strides = array<i32>} : memref<128x128xi32, #tpu.memory_space<vmem>>, vector<1x16xi32>,
        %slice3A_896 = vector.extract_strided_slice %get3A_706 {offsets = [9], sizes = [1], strides = [1]} : vector<16xi32> to vector<1xi32>
        %squeeze3A_897 = vector.extract %slice3A_896[0] : i32 from vector<1xi32>
        %shift_right_arithmetic3A_898 = arith.constant 3 : i32
        %shift_right_arithmetic3A_899 = arith.shrsi %squeeze3A_897, %shift_right_arithmetic3A_898 : i32
        %and3A_900 = arith.constant 7 : i32
        %and3A_901 = arith.andi %squeeze3A_897, %and3A_900 : i32
        %mul3A_902 = arith.constant 16 : i32
        %mul3A_903 = arith.muli %and3A_901, %mul3A_902 : i32
        %multiple_of3A_904 = tpu.assume_multiple %mul3A_903, 16 : i32
        %get3A_905 = arith.index_cast %shift_right_arithmetic3A_899 : i32 to index
        %get3A_906 = arith.index_cast %multiple_of3A_904 : i32 to index
        %get3A_907 = tpu.vector_load %arg10[%get3A_905, %get3A_906] {strides = array<i32>} : memref<128x128xi32, #tpu.memory_space<vmem>>, vector<1x16xi32>,
        %get3A_908 = vector.shape_cast %get3A_907 : vector<1x16xi32> to vector<16xi32>
        %add3A_909 = arith.constant 1 : i32
        %add3A_910 = vector.broadcast %add3A_909 : i32 to vector<16xi32>
        %add3A_911 = arith.addi %get3A_908, %add3A_910 : vector<16xi32>
        %swap3A_912 = arith.index_cast %shift_right_arithmetic3A_899 : i32 to index
        %swap3A_913 = arith.index_cast %multiple_of3A_904 : i32 to index
        %swap3A_914 = tpu.vector_load %arg10[%swap3A_912, %swap3A_913] {strides = array<i32>} : memref<128x128xi32, #tpu.memory_space<vmem>>, vector<1x16xi32>,
        %swap3A_915 = vector.shape_cast %swap3A_914 : vector<1x16xi32> to vector<16xi32>
        %swap3A_916 = vector.shape_cast %add3A_911 : vector<16xi32> to vector<1x16xi32>
        tpu.vector_store %arg10[%swap3A_912, %swap3A_913], %swap3A_916 {strides = array<i32>} : memref<128x128xi32, #tpu.memory_space<vmem>>, vector<1x16xi32>,
        %slice3A_917 = vector.extract_strided_slice %get3A_706 {offsets = [10], sizes = [1], strides = [1]} : vector<16xi32> to vector<1xi32>
        %squeeze3A_918 = vector.extract %slice3A_917[0] : i32 from vector<1xi32>
        %shift_right_arithmetic3A_919 = arith.constant 3 : i32
        %shift_right_arithmetic3A_920 = arith.shrsi %squeeze3A_918, %shift_right_arithmetic3A_919 : i32
        %and3A_921 = arith.constant 7 : i32
        %and3A_922 = arith.andi %squeeze3A_918, %and3A_921 : i32
        %mul3A_923 = arith.constant 16 : i32
        %mul3A_924 = arith.muli %and3A_922, %mul3A_923 : i32
        %multiple_of3A_925 = tpu.assume_multiple %mul3A_924, 16 : i32
        %get3A_926 = arith.index_cast %shift_right_arithmetic3A_920 : i32 to index
        %get3A_927 = arith.index_cast %multiple_of3A_925 : i32 to index
        %get3A_928 = tpu.vector_load %arg10[%get3A_926, %get3A_927] {strides = array<i32>} : memref<128x128xi32, #tpu.memory_space<vmem>>, vector<1x16xi32>,
        %get3A_929 = vector.shape_cast %get3A_928 : vector<1x16xi32> to vector<16xi32>
        %add3A_930 = arith.constant 1 : i32
        %add3A_931 = vector.broadcast %add3A_930 : i32 to vector<16xi32>
        %add3A_932 = arith.addi %get3A_929, %add3A_931 : vector<16xi32>
        %swap3A_933 = arith.index_cast %shift_right_arithmetic3A_920 : i32 to index
        %swap3A_934 = arith.index_cast %multiple_of3A_925 : i32 to index
        %swap3A_935 = tpu.vector_load %arg10[%swap3A_933, %swap3A_934] {strides = array<i32>} : memref<128x128xi32, #tpu.memory_space<vmem>>, vector<1x16xi32>,
        %swap3A_936 = vector.shape_cast %swap3A_935 : vector<1x16xi32> to vector<16xi32>
        %swap3A_937 = vector.shape_cast %add3A_932 : vector<16xi32> to vector<1x16xi32>
        tpu.vector_store %arg10[%swap3A_933, %swap3A_934], %swap3A_937 {strides = array<i32>} : memref<128x128xi32, #tpu.memory_space<vmem>>, vector<1x16xi32>,
        %slice3A_938 = vector.extract_strided_slice %get3A_706 {offsets = [11], sizes = [1], strides = [1]} : vector<16xi32> to vector<1xi32>
        %squeeze3A_939 = vector.extract %slice3A_938[0] : i32 from vector<1xi32>
        %shift_right_arithmetic3A_940 = arith.constant 3 : i32
        %shift_right_arithmetic3A_941 = arith.shrsi %squeeze3A_939, %shift_right_arithmetic3A_940 : i32
        %and3A_942 = arith.constant 7 : i32
        %and3A_943 = arith.andi %squeeze3A_939, %and3A_942 : i32
        %mul3A_944 = arith.constant 16 : i32
        %mul3A_945 = arith.muli %and3A_943, %mul3A_944 : i32
        %multiple_of3A_946 = tpu.assume_multiple %mul3A_945, 16 : i32
        %get3A_947 = arith.index_cast %shift_right_arithmetic3A_941 : i32 to index
        %get3A_948 = arith.index_cast %multiple_of3A_946 : i32 to index
        %get3A_949 = tpu.vector_load %arg10[%get3A_947, %get3A_948] {strides = array<i32>} : memref<128x128xi32, #tpu.memory_space<vmem>>, vector<1x16xi32>,
        %get3A_950 = vector.shape_cast %get3A_949 : vector<1x16xi32> to vector<16xi32>
        %add3A_951 = arith.constant 1 : i32
        %add3A_952 = vector.broadcast %add3A_951 : i32 to vector<16xi32>
        %add3A_953 = arith.addi %get3A_950, %add3A_952 : vector<16xi32>
        %swap3A_954 = arith.index_cast %shift_right_arithmetic3A_941 : i32 to index
        %swap3A_955 = arith.index_cast %multiple_of3A_946 : i32 to index
        %swap3A_956 = tpu.vector_load %arg10[%swap3A_954, %swap3A_955] {strides = array<i32>} : memref<128x128xi32, #tpu.memory_space<vmem>>, vector<1x16xi32>,
        %swap3A_957 = vector.shape_cast %swap3A_956 : vector<1x16xi32> to vector<16xi32>
        %swap3A_958 = vector.shape_cast %add3A_953 : vector<16xi32> to vector<1x16xi32>
        tpu.vector_store %arg10[%swap3A_954, %swap3A_955], %swap3A_958 {strides = array<i32>} : memref<128x128xi32, #tpu.memory_space<vmem>>, vector<1x16xi32>,
        %slice3A_959 = vector.extract_strided_slice %get3A_706 {offsets = [12], sizes = [1], strides = [1]} : vector<16xi32> to vector<1xi32>
        %squeeze3A_960 = vector.extract %slice3A_959[0] : i32 from vector<1xi32>
        %shift_right_arithmetic3A_961 = arith.constant 3 : i32
        %shift_right_arithmetic3A_962 = arith.shrsi %squeeze3A_960, %shift_right_arithmetic3A_961 : i32
        %and3A_963 = arith.constant 7 : i32
        %and3A_964 = arith.andi %squeeze3A_960, %and3A_963 : i32
        %mul3A_965 = arith.constant 16 : i32
        %mul3A_966 = arith.muli %and3A_964, %mul3A_965 : i32
        %multiple_of3A_967 = tpu.assume_multiple %mul3A_966, 16 : i32
        %get3A_968 = arith.index_cast %shift_right_arithmetic3A_962 : i32 to index
        %get3A_969 = arith.index_cast %multiple_of3A_967 : i32 to index
        %get3A_970 = tpu.vector_load %arg10[%get3A_968, %get3A_969] {strides = array<i32>} : memref<128x128xi32, #tpu.memory_space<vmem>>, vector<1x16xi32>,
        %get3A_971 = vector.shape_cast %get3A_970 : vector<1x16xi32> to vector<16xi32>
        %add3A_972 = arith.constant 1 : i32
        %add3A_973 = vector.broadcast %add3A_972 : i32 to vector<16xi32>
        %add3A_974 = arith.addi %get3A_971, %add3A_973 : vector<16xi32>
        %swap3A_975 = arith.index_cast %shift_right_arithmetic3A_962 : i32 to index
        %swap3A_976 = arith.index_cast %multiple_of3A_967 : i32 to index
        %swap3A_977 = tpu.vector_load %arg10[%swap3A_975, %swap3A_976] {strides = array<i32>} : memref<128x128xi32, #tpu.memory_space<vmem>>, vector<1x16xi32>,
        %swap3A_978 = vector.shape_cast %swap3A_977 : vector<1x16xi32> to vector<16xi32>
        %swap3A_979 = vector.shape_cast %add3A_974 : vector<16xi32> to vector<1x16xi32>
        tpu.vector_store %arg10[%swap3A_975, %swap3A_976], %swap3A_979 {strides = array<i32>} : memref<128x128xi32, #tpu.memory_space<vmem>>, vector<1x16xi32>,
        %slice3A_980 = vector.extract_strided_slice %get3A_706 {offsets = [13], sizes = [1], strides = [1]} : vector<16xi32> to vector<1xi32>
        %squeeze3A_981 = vector.extract %slice3A_980[0] : i32 from vector<1xi32>
        %shift_right_arithmetic3A_982 = arith.constant 3 : i32
        %shift_right_arithmetic3A_983 = arith.shrsi %squeeze3A_981, %shift_right_arithmetic3A_982 : i32
        %and3A_984 = arith.constant 7 : i32
        %and3A_985 = arith.andi %squeeze3A_981, %and3A_984 : i32
        %mul3A_986 = arith.constant 16 : i32
        %mul3A_987 = arith.muli %and3A_985, %mul3A_986 : i32
        %multiple_of3A_988 = tpu.assume_multiple %mul3A_987, 16 : i32
        %get3A_989 = arith.index_cast %shift_right_arithmetic3A_983 : i32 to index
        %get3A_990 = arith.index_cast %multiple_of3A_988 : i32 to index
        %get3A_991 = tpu.vector_load %arg10[%get3A_989, %get3A_990] {strides = array<i32>} : memref<128x128xi32, #tpu.memory_space<vmem>>, vector<1x16xi32>,
        %get3A_992 = vector.shape_cast %get3A_991 : vector<1x16xi32> to vector<16xi32>
        %add3A_993 = arith.constant 1 : i32
        %add3A_994 = vector.broadcast %add3A_993 : i32 to vector<16xi32>
        %add3A_995 = arith.addi %get3A_992, %add3A_994 : vector<16xi32>
        %swap3A_996 = arith.index_cast %shift_right_arithmetic3A_983 : i32 to index
        %swap3A_997 = arith.index_cast %multiple_of3A_988 : i32 to index
        %swap3A_998 = tpu.vector_load %arg10[%swap3A_996, %swap3A_997] {strides = array<i32>} : memref<128x128xi32, #tpu.memory_space<vmem>>, vector<1x16xi32>,
        %swap3A_999 = vector.shape_cast %swap3A_998 : vector<1x16xi32> to vector<16xi32>
        %swap3A_1000 = vector.shape_cast %add3A_995 : vector<16xi32> to vector<1x16xi32>
        tpu.vector_store %arg10[%swap3A_996, %swap3A_997], %swap3A_1000 {strides = array<i32>} : memref<128x128xi32, #tpu.memory_space<vmem>>, vector<1x16xi32>,
        %slice3A_1001 = vector.extract_strided_slice %get3A_706 {offsets = [14], sizes = [1], strides = [1]} : vector<16xi32> to vector<1xi32>
        %squeeze3A_1002 = vector.extract %slice3A_1001[0] : i32 from vector<1xi32>
        %shift_right_arithmetic3A_1003 = arith.constant 3 : i32
        %shift_right_arithmetic3A_1004 = arith.shrsi %squeeze3A_1002, %shift_right_arithmetic3A_1003 : i32
        %and3A_1005 = arith.constant 7 : i32
        %and3A_1006 = arith.andi %squeeze3A_1002, %and3A_1005 : i32
        %mul3A_1007 = arith.constant 16 : i32
        %mul3A_1008 = arith.muli %and3A_1006, %mul3A_1007 : i32
        %multiple_of3A_1009 = tpu.assume_multiple %mul3A_1008, 16 : i32
        %get3A_1010 = arith.index_cast %shift_right_arithmetic3A_1004 : i32 to index
        %get3A_1011 = arith.index_cast %multiple_of3A_1009 : i32 to index
        %get3A_1012 = tpu.vector_load %arg10[%get3A_1010, %get3A_1011] {strides = array<i32>} : memref<128x128xi32, #tpu.memory_space<vmem>>, vector<1x16xi32>,
        %get3A_1013 = vector.shape_cast %get3A_1012 : vector<1x16xi32> to vector<16xi32>
        %add3A_1014 = arith.constant 1 : i32
        %add3A_1015 = vector.broadcast %add3A_1014 : i32 to vector<16xi32>
        %add3A_1016 = arith.addi %get3A_1013, %add3A_1015 : vector<16xi32>
        %swap3A_1017 = arith.index_cast %shift_right_arithmetic3A_1004 : i32 to index
        %swap3A_1018 = arith.index_cast %multiple_of3A_1009 : i32 to index
        %swap3A_1019 = tpu.vector_load %arg10[%swap3A_1017, %swap3A_1018] {strides = array<i32>} : memref<128x128xi32, #tpu.memory_space<vmem>>, vector<1x16xi32>,
        %swap3A_1020 = vector.shape_cast %swap3A_1019 : vector<1x16xi32> to vector<16xi32>
        %swap3A_1021 = vector.shape_cast %add3A_1016 : vector<16xi32> to vector<1x16xi32>
        tpu.vector_store %arg10[%swap3A_1017, %swap3A_1018], %swap3A_1021 {strides = array<i32>} : memref<128x128xi32, #tpu.memory_space<vmem>>, vector<1x16xi32>,
        %slice3A_1022 = vector.extract_strided_slice %get3A_706 {offsets = [15], sizes = [1], strides = [1]} : vector<16xi32> to vector<1xi32>
        %squeeze3A_1023 = vector.extract %slice3A_1022[0] : i32 from vector<1xi32>
        %shift_right_arithmetic3A_1024 = arith.constant 3 : i32
        %shift_right_arithmetic3A_1025 = arith.shrsi %squeeze3A_1023, %shift_right_arithmetic3A_1024 : i32
        %and3A_1026 = arith.constant 7 : i32
        %and3A_1027 = arith.andi %squeeze3A_1023, %and3A_1026 : i32
        %mul3A_1028 = arith.constant 16 : i32
        %mul3A_1029 = arith.muli %and3A_1027, %mul3A_1028 : i32
        %multiple_of3A_1030 = tpu.assume_multiple %mul3A_1029, 16 : i32
        %get3A_1031 = arith.index_cast %shift_right_arithmetic3A_1025 : i32 to index
        %get3A_1032 = arith.index_cast %multiple_of3A_1030 : i32 to index
        %get3A_1033 = tpu.vector_load %arg10[%get3A_1031, %get3A_1032] {strides = array<i32>} : memref<128x128xi32, #tpu.memory_space<vmem>>, vector<1x16xi32>,
        %get3A_1034 = vector.shape_cast %get3A_1033 : vector<1x16xi32> to vector<16xi32>
        %add3A_1035 = arith.constant 1 : i32
        %add3A_1036 = vector.broadcast %add3A_1035 : i32 to vector<16xi32>
        %add3A_1037 = arith.addi %get3A_1034, %add3A_1036 : vector<16xi32>
        %swap3A_1038 = arith.index_cast %shift_right_arithmetic3A_1025 : i32 to index
        %swap3A_1039 = arith.index_cast %multiple_of3A_1030 : i32 to index
        %swap3A_1040 = tpu.vector_load %arg10[%swap3A_1038, %swap3A_1039] {strides = array<i32>} : memref<128x128xi32, #tpu.memory_space<vmem>>, vector<1x16xi32>,
        %swap3A_1041 = vector.shape_cast %swap3A_1040 : vector<1x16xi32> to vector<16xi32>
        %swap3A_1042 = vector.shape_cast %add3A_1037 : vector<16xi32> to vector<1x16xi32>
        tpu.vector_store %arg10[%swap3A_1038, %swap3A_1039], %swap3A_1042 {strides = array<i32>} : memref<128x128xi32, #tpu.memory_space<vmem>>, vector<1x16xi32>,
      }
      %scan3A_262 = arith.constant 8 : i32
      %add3A_263 = arith.constant 2 : i32
      %add3A_264 = arith.addi %add3A_154, %add3A_263 : i32
      %min3A_265 = arith.constant 1248 : i32
      %min3A_266 = arith.minsi %add3A_264, %min3A_265 : i32
      %dma_wait3A_267 = arith.constant 0 : i32
      %dma_wait3A_268 = arith.constant 0 : i32
      %dma_wait3A_269 = arith.constant 0 : i32
      %dma_wait3A_270 = tpu.memref_slice %arg6[%dma_wait3A_268, %dma_wait3A_269] : memref<256x128xf32, #tpu.memory_space<vmem>> -> memref<128x128xf32, #tpu.memory_space<vmem>>
      %dma_wait3A_271 = arith.constant 0 : i32
      %dma_wait3A_272 = tpu.memref_slice %arg8[%dma_wait3A_267, %dma_wait3A_271] : memref<2x128xi32, #tpu.memory_space<vmem>> -> memref<1x128xi32, #tpu.memory_space<vmem>>
      %dma_wait3A_273 = tpu.memref_squeeze %dma_wait3A_272 : memref<1x128xi32, #tpu.memory_space<vmem>> -> memref<128xi32, #tpu.memory_space<vmem>>
      %dma_wait3A_274 = arith.constant 0 : i32
      %dma_wait3A_275 = arith.constant 0 : i32
      %dma_wait3A_276 = tpu.memref_slice %arg11[%dma_wait3A_274, %dma_wait3A_275] : memref<1024x128xf32, #tpu.memory_space<vmem_shared>> -> memref<1024x128xf32, #tpu.memory_space<vmem_shared>>
      tpu.wait_indirect_dma semaphore(%arg14 : memref<!tpu.dma_semaphore, #tpu.memory_space<semaphore_mem>>) src(%dma_wait3A_270 : memref<128x128xf32, #tpu.memory_space<vmem>>) dst(%dma_wait3A_276 : memref<1024x128xf32, #tpu.memory_space<vmem_shared>>)
      %dma_wait3A_277 = arith.constant 1 : i32
      %dma_wait3A_278 = arith.constant 128 : i32
      %dma_wait3A_279 = arith.constant 0 : i32
      %dma_wait3A_280 = tpu.memref_slice %arg6[%dma_wait3A_278, %dma_wait3A_279] : memref<256x128xf32, #tpu.memory_space<vmem>> -> memref<128x128xf32, #tpu.memory_space<vmem>>
      %dma_wait3A_281 = arith.constant 0 : i32
      %dma_wait3A_282 = tpu.memref_slice %arg8[%dma_wait3A_277, %dma_wait3A_281] : memref<2x128xi32, #tpu.memory_space<vmem>> -> memref<1x128xi32, #tpu.memory_space<vmem>>
      %dma_wait3A_283 = tpu.memref_squeeze %dma_wait3A_282 : memref<1x128xi32, #tpu.memory_space<vmem>> -> memref<128xi32, #tpu.memory_space<vmem>>
      %dma_wait3A_284 = arith.constant 0 : i32
      %dma_wait3A_285 = arith.constant 0 : i32
      %dma_wait3A_286 = tpu.memref_slice %arg11[%dma_wait3A_284, %dma_wait3A_285] : memref<1024x128xf32, #tpu.memory_space<vmem_shared>> -> memref<1024x128xf32, #tpu.memory_space<vmem_shared>>
      tpu.wait_indirect_dma semaphore(%arg14 : memref<!tpu.dma_semaphore, #tpu.memory_space<semaphore_mem>>) src(%dma_wait3A_280 : memref<128x128xf32, #tpu.memory_space<vmem>>) dst(%dma_wait3A_286 : memref<1024x128xf32, #tpu.memory_space<vmem_shared>>)
      %mul3A_287 = arith.constant 256 : i32
      %mul3A_288 = arith.muli %min3A_266, %mul3A_287 : i32
      %dma_start3A_289 = arith.constant 0 : i32
      %dma_start3A_290 = tpu.memref_slice %arg2[%mul3A_288, %dma_start3A_289] : memref<320000x128xf32, #tpu.memory_space<hbm>> -> memref<256x128xf32, #tpu.memory_space<hbm>>
      %dma_start3A_291 = arith.constant 0 : i32
      %dma_start3A_292 = tpu.memref_slice %arg2[%mul3A_288, %dma_start3A_291] : memref<320000x128xf32, #tpu.memory_space<hbm>> -> memref<256x128xf32, #tpu.memory_space<hbm>>
      tpu.enqueue_dma source(%dma_start3A_292 : memref<256x128xf32, #tpu.memory_space<hbm>>) target(%arg6 : memref<256x128xf32, #tpu.memory_space<vmem>>) target_semaphore(%arg12 : memref<!tpu.dma_semaphore, #tpu.memory_space<semaphore_mem>>)
      %dma_start3A_293 = arith.constant 0 : i32
      %dma_start3A_294 = arith.constant 0 : i32
      %dma_start3A_295 = tpu.memref_slice %arg8[%dma_start3A_293, %dma_start3A_294] : memref<2x128xi32, #tpu.memory_space<vmem>> -> memref<1x128xi32, #tpu.memory_space<vmem>>
      %dma_start3A_296 = tpu.memref_squeeze %dma_start3A_295 : memref<1x128xi32, #tpu.memory_space<vmem>> -> memref<128xi32, #tpu.memory_space<vmem>>
      %dma_start3A_297 = tpu.memref_slice %arg3[%mul3A_288] : memref<320000xi32, #tpu.memory_space<hbm>> -> memref<128xi32, #tpu.memory_space<hbm>>
      %dma_start3A_298 = arith.constant 0 : i32
      %dma_start3A_299 = tpu.memref_slice %arg8[%dma_start3A_293, %dma_start3A_298] : memref<2x128xi32, #tpu.memory_space<vmem>> -> memref<1x128xi32, #tpu.memory_space<vmem>>
      %dma_start3A_300 = tpu.memref_squeeze %dma_start3A_299 : memref<1x128xi32, #tpu.memory_space<vmem>> -> memref<128xi32, #tpu.memory_space<vmem>>
      %dma_start3A_301 = tpu.memref_slice %arg3[%mul3A_288] : memref<320000xi32, #tpu.memory_space<hbm>> -> memref<128xi32, #tpu.memory_space<hbm>>
      tpu.enqueue_dma source(%dma_start3A_301 : memref<128xi32, #tpu.memory_space<hbm>>) target(%dma_start3A_300 : memref<128xi32, #tpu.memory_space<vmem>>) target_semaphore(%arg12 : memref<!tpu.dma_semaphore, #tpu.memory_space<semaphore_mem>>)
      %add3A_302 = arith.constant 128 : i32
      %add3A_303 = arith.addi %mul3A_288, %add3A_302 : i32
      %dma_start3A_304 = arith.constant 1 : i32
      %dma_start3A_305 = arith.constant 0 : i32
      %dma_start3A_306 = tpu.memref_slice %arg8[%dma_start3A_304, %dma_start3A_305] : memref<2x128xi32, #tpu.memory_space<vmem>> -> memref<1x128xi32, #tpu.memory_space<vmem>>
      %dma_start3A_307 = tpu.memref_squeeze %dma_start3A_306 : memref<1x128xi32, #tpu.memory_space<vmem>> -> memref<128xi32, #tpu.memory_space<vmem>>
      %dma_start3A_308 = tpu.memref_slice %arg3[%add3A_303] : memref<320000xi32, #tpu.memory_space<hbm>> -> memref<128xi32, #tpu.memory_space<hbm>>
      %dma_start3A_309 = arith.constant 0 : i32
      %dma_start3A_310 = tpu.memref_slice %arg8[%dma_start3A_304, %dma_start3A_309] : memref<2x128xi32, #tpu.memory_space<vmem>> -> memref<1x128xi32, #tpu.memory_space<vmem>>
      %dma_start3A_311 = tpu.memref_squeeze %dma_start3A_310 : memref<1x128xi32, #tpu.memory_space<vmem>> -> memref<128xi32, #tpu.memory_space<vmem>>
      %dma_start3A_312 = tpu.memref_slice %arg3[%add3A_303] : memref<320000xi32, #tpu.memory_space<hbm>> -> memref<128xi32, #tpu.memory_space<hbm>>
      tpu.enqueue_dma source(%dma_start3A_312 : memref<128xi32, #tpu.memory_space<hbm>>) target(%dma_start3A_311 : memref<128xi32, #tpu.memory_space<vmem>>) target_semaphore(%arg12 : memref<!tpu.dma_semaphore, #tpu.memory_space<semaphore_mem>>)
      %dma_wait3A_313 = arith.constant 0 : i32
      %dma_wait3A_314 = arith.constant 0 : i32
      %dma_wait3A_315 = arith.constant 0 : i32
      %dma_wait3A_316 = tpu.memref_slice %arg7[%dma_wait3A_314, %dma_wait3A_315] : memref<256x128xf32, #tpu.memory_space<vmem>> -> memref<128x128xf32, #tpu.memory_space<vmem>>
      %dma_wait3A_317 = arith.constant 0 : i32
      %dma_wait3A_318 = tpu.memref_slice %arg9[%dma_wait3A_313, %dma_wait3A_317] : memref<2x128xi32, #tpu.memory_space<vmem>> -> memref<1x128xi32, #tpu.memory_space<vmem>>
      %dma_wait3A_319 = tpu.memref_squeeze %dma_wait3A_318 : memref<1x128xi32, #tpu.memory_space<vmem>> -> memref<128xi32, #tpu.memory_space<vmem>>
      %dma_wait3A_320 = arith.constant 0 : i32
      %dma_wait3A_321 = arith.constant 0 : i32
      %dma_wait3A_322 = tpu.memref_slice %arg11[%dma_wait3A_320, %dma_wait3A_321] : memref<1024x128xf32, #tpu.memory_space<vmem_shared>> -> memref<1024x128xf32, #tpu.memory_space<vmem_shared>>
      tpu.wait_indirect_dma semaphore(%arg15 : memref<!tpu.dma_semaphore, #tpu.memory_space<semaphore_mem>>) src(%dma_wait3A_316 : memref<128x128xf32, #tpu.memory_space<vmem>>) dst(%dma_wait3A_322 : memref<1024x128xf32, #tpu.memory_space<vmem_shared>>)
      %dma_wait3A_323 = arith.constant 1 : i32
      %dma_wait3A_324 = arith.constant 128 : i32
      %dma_wait3A_325 = arith.constant 0 : i32
      %dma_wait3A_326 = tpu.memref_slice %arg7[%dma_wait3A_324, %dma_wait3A_325] : memref<256x128xf32, #tpu.memory_space<vmem>> -> memref<128x128xf32, #tpu.memory_space<vmem>>
      %dma_wait3A_327 = arith.constant 0 : i32
      %dma_wait3A_328 = tpu.memref_slice %arg9[%dma_wait3A_323, %dma_wait3A_327] : memref<2x128xi32, #tpu.memory_space<vmem>> -> memref<1x128xi32, #tpu.memory_space<vmem>>
      %dma_wait3A_329 = tpu.memref_squeeze %dma_wait3A_328 : memref<1x128xi32, #tpu.memory_space<vmem>> -> memref<128xi32, #tpu.memory_space<vmem>>
      %dma_wait3A_330 = arith.constant 0 : i32
      %dma_wait3A_331 = arith.constant 0 : i32
      %dma_wait3A_332 = tpu.memref_slice %arg11[%dma_wait3A_330, %dma_wait3A_331] : memref<1024x128xf32, #tpu.memory_space<vmem_shared>> -> memref<1024x128xf32, #tpu.memory_space<vmem_shared>>
      tpu.wait_indirect_dma semaphore(%arg15 : memref<!tpu.dma_semaphore, #tpu.memory_space<semaphore_mem>>) src(%dma_wait3A_326 : memref<128x128xf32, #tpu.memory_space<vmem>>) dst(%dma_wait3A_332 : memref<1024x128xf32, #tpu.memory_space<vmem_shared>>)
      %add3A_333 = arith.constant 1 : i32
      %add3A_334 = arith.addi %min3A_266, %add3A_333 : i32
      %mul3A_335 = arith.constant 256 : i32
      %mul3A_336 = arith.muli %add3A_334, %mul3A_335 : i32
      %dma_start3A_337 = arith.constant 0 : i32
      %dma_start3A_338 = tpu.memref_slice %arg2[%mul3A_336, %dma_start3A_337] : memref<320000x128xf32, #tpu.memory_space<hbm>> -> memref<256x128xf32, #tpu.memory_space<hbm>>
      %dma_start3A_339 = arith.constant 0 : i32
      %dma_start3A_340 = tpu.memref_slice %arg2[%mul3A_336, %dma_start3A_339] : memref<320000x128xf32, #tpu.memory_space<hbm>> -> memref<256x128xf32, #tpu.memory_space<hbm>>
      tpu.enqueue_dma source(%dma_start3A_340 : memref<256x128xf32, #tpu.memory_space<hbm>>) target(%arg7 : memref<256x128xf32, #tpu.memory_space<vmem>>) target_semaphore(%arg13 : memref<!tpu.dma_semaphore, #tpu.memory_space<semaphore_mem>>)
      %dma_start3A_341 = arith.constant 0 : i32
      %dma_start3A_342 = arith.constant 0 : i32
      %dma_start3A_343 = tpu.memref_slice %arg9[%dma_start3A_341, %dma_start3A_342] : memref<2x128xi32, #tpu.memory_space<vmem>> -> memref<1x128xi32, #tpu.memory_space<vmem>>
      %dma_start3A_344 = tpu.memref_squeeze %dma_start3A_343 : memref<1x128xi32, #tpu.memory_space<vmem>> -> memref<128xi32, #tpu.memory_space<vmem>>
      %dma_start3A_345 = tpu.memref_slice %arg3[%mul3A_336] : memref<320000xi32, #tpu.memory_space<hbm>> -> memref<128xi32, #tpu.memory_space<hbm>>
      %dma_start3A_346 = arith.constant 0 : i32
      %dma_start3A_347 = tpu.memref_slice %arg9[%dma_start3A_341, %dma_start3A_346] : memref<2x128xi32, #tpu.memory_space<vmem>> -> memref<1x128xi32, #tpu.memory_space<vmem>>
      %dma_start3A_348 = tpu.memref_squeeze %dma_start3A_347 : memref<1x128xi32, #tpu.memory_space<vmem>> -> memref<128xi32, #tpu.memory_space<vmem>>
      %dma_start3A_349 = tpu.memref_slice %arg3[%mul3A_336] : memref<320000xi32, #tpu.memory_space<hbm>> -> memref<128xi32, #tpu.memory_space<hbm>>
      tpu.enqueue_dma source(%dma_start3A_349 : memref<128xi32, #tpu.memory_space<hbm>>) target(%dma_start3A_348 : memref<128xi32, #tpu.memory_space<vmem>>) target_semaphore(%arg13 : memref<!tpu.dma_semaphore, #tpu.memory_space<semaphore_mem>>)
      %add3A_350 = arith.constant 128 : i32
      %add3A_351 = arith.addi %mul3A_336, %add3A_350 : i32
      %dma_start3A_352 = arith.constant 1 : i32
      %dma_start3A_353 = arith.constant 0 : i32
      %dma_start3A_354 = tpu.memref_slice %arg9[%dma_start3A_352, %dma_start3A_353] : memref<2x128xi32, #tpu.memory_space<vmem>> -> memref<1x128xi32, #tpu.memory_space<vmem>>
      %dma_start3A_355 = tpu.memref_squeeze %dma_start3A_354 : memref<1x128xi32, #tpu.memory_space<vmem>> -> memref<128xi32, #tpu.memory_space<vmem>>
      %dma_start3A_356 = tpu.memref_slice %arg3[%add3A_351] : memref<320000xi32, #tpu.memory_space<hbm>> -> memref<128xi32, #tpu.memory_space<hbm>>
      %dma_start3A_357 = arith.constant 0 : i32
      %dma_start3A_358 = tpu.memref_slice %arg9[%dma_start3A_352, %dma_start3A_357] : memref<2x128xi32, #tpu.memory_space<vmem>> -> memref<1x128xi32, #tpu.memory_space<vmem>>
      %dma_start3A_359 = tpu.memref_squeeze %dma_start3A_358 : memref<1x128xi32, #tpu.memory_space<vmem>> -> memref<128xi32, #tpu.memory_space<vmem>>
      %dma_start3A_360 = tpu.memref_slice %arg3[%add3A_351] : memref<320000xi32, #tpu.memory_space<hbm>> -> memref<128xi32, #tpu.memory_space<hbm>>
      tpu.enqueue_dma source(%dma_start3A_360 : memref<128xi32, #tpu.memory_space<hbm>>) target(%dma_start3A_359 : memref<128xi32, #tpu.memory_space<vmem>>) target_semaphore(%arg13 : memref<!tpu.dma_semaphore, #tpu.memory_space<semaphore_mem>>)
    }
    %dma_wait3A = arith.constant 0 : i32
    %dma_wait3A_86 = arith.constant 0 : i32
    %dma_wait3A_87 = tpu.memref_slice %arg2[%dma_wait3A, %dma_wait3A_86] : memref<320000x128xf32, #tpu.memory_space<hbm>> -> memref<256x128xf32, #tpu.memory_space<hbm>>
    %dma_wait3A_88 = arith.constant 0 : i32
    %dma_wait3A_89 = arith.constant 0 : i32
    %dma_wait3A_90 = tpu.memref_slice %arg2[%dma_wait3A_88, %dma_wait3A_89] : memref<320000x128xf32, #tpu.memory_space<hbm>> -> memref<256x128xf32, #tpu.memory_space<hbm>>
    tpu.wait_dma2 semaphore(%arg12 : memref<!tpu.dma_semaphore, #tpu.memory_space<semaphore_mem>>) src(%dma_wait3A_90 : memref<256x128xf32, #tpu.memory_space<hbm>>) dst(%arg6 : memref<256x128xf32, #tpu.memory_space<vmem>>)
    %dma_wait3A_91 = arith.constant 0 : i32
    %dma_wait3A_92 = arith.constant 0 : i32
    %dma_wait3A_93 = tpu.memref_slice %arg8[%dma_wait3A_91, %dma_wait3A_92] : memref<2x128xi32, #tpu.memory_space<vmem>> -> memref<1x128xi32, #tpu.memory_space<vmem>>
    %dma_wait3A_94 = tpu.memref_squeeze %dma_wait3A_93 : memref<1x128xi32, #tpu.memory_space<vmem>> -> memref<128xi32, #tpu.memory_space<vmem>>
    %dma_wait3A_95 = arith.constant 0 : i32
    %dma_wait3A_96 = tpu.memref_slice %arg3[%dma_wait3A_95] : memref<320000xi32, #tpu.memory_space<hbm>> -> memref<128xi32, #tpu.memory_space<hbm>>
    %dma_wait3A_97 = arith.constant 0 : i32
    %dma_wait3A_98 = tpu.memref_slice %arg8[%dma_wait3A_91, %dma_wait3A_97] : memref<2x128xi32, #tpu.memory_space<vmem>> -> memref<1x128xi32, #tpu.memory_space<vmem>>
    %dma_wait3A_99 = tpu.memref_squeeze %dma_wait3A_98 : memref<1x128xi32, #tpu.memory_space<vmem>> -> memref<128xi32, #tpu.memory_space<vmem>>
    %dma_wait3A_100 = arith.constant 0 : i32
    %dma_wait3A_101 = tpu.memref_slice %arg3[%dma_wait3A_100] : memref<320000xi32, #tpu.memory_space<hbm>> -> memref<128xi32, #tpu.memory_space<hbm>>
    tpu.wait_dma2 semaphore(%arg12 : memref<!tpu.dma_semaphore, #tpu.memory_space<semaphore_mem>>) src(%dma_wait3A_101 : memref<128xi32, #tpu.memory_space<hbm>>) dst(%dma_wait3A_99 : memref<128xi32, #tpu.memory_space<vmem>>)
    %dma_wait3A_102 = arith.constant 1 : i32
    %dma_wait3A_103 = arith.constant 0 : i32
    %dma_wait3A_104 = tpu.memref_slice %arg8[%dma_wait3A_102, %dma_wait3A_103] : memref<2x128xi32, #tpu.memory_space<vmem>> -> memref<1x128xi32, #tpu.memory_space<vmem>>
    %dma_wait3A_105 = tpu.memref_squeeze %dma_wait3A_104 : memref<1x128xi32, #tpu.memory_space<vmem>> -> memref<128xi32, #tpu.memory_space<vmem>>
    %dma_wait3A_106 = arith.constant 0 : i32
    %dma_wait3A_107 = tpu.memref_slice %arg3[%dma_wait3A_106] : memref<320000xi32, #tpu.memory_space<hbm>> -> memref<128xi32, #tpu.memory_space<hbm>>
    %dma_wait3A_108 = arith.constant 0 : i32
    %dma_wait3A_109 = tpu.memref_slice %arg8[%dma_wait3A_102, %dma_wait3A_108] : memref<2x128xi32, #tpu.memory_space<vmem>> -> memref<1x128xi32, #tpu.memory_space<vmem>>
    %dma_wait3A_110 = tpu.memref_squeeze %dma_wait3A_109 : memref<1x128xi32, #tpu.memory_space<vmem>> -> memref<128xi32, #tpu.memory_space<vmem>>
    %dma_wait3A_111 = arith.constant 0 : i32
    %dma_wait3A_112 = tpu.memref_slice %arg3[%dma_wait3A_111] : memref<320000xi32, #tpu.memory_space<hbm>> -> memref<128xi32, #tpu.memory_space<hbm>>
    tpu.wait_dma2 semaphore(%arg12 : memref<!tpu.dma_semaphore, #tpu.memory_space<semaphore_mem>>) src(%dma_wait3A_112 : memref<128xi32, #tpu.memory_space<hbm>>) dst(%dma_wait3A_110 : memref<128xi32, #tpu.memory_space<vmem>>)
    %dma_wait3A_113 = arith.constant 0 : i32
    %dma_wait3A_114 = arith.constant 0 : i32
    %dma_wait3A_115 = tpu.memref_slice %arg2[%dma_wait3A_113, %dma_wait3A_114] : memref<320000x128xf32, #tpu.memory_space<hbm>> -> memref<256x128xf32, #tpu.memory_space<hbm>>
    %dma_wait3A_116 = arith.constant 0 : i32
    %dma_wait3A_117 = arith.constant 0 : i32
    %dma_wait3A_118 = tpu.memref_slice %arg2[%dma_wait3A_116, %dma_wait3A_117] : memref<320000x128xf32, #tpu.memory_space<hbm>> -> memref<256x128xf32, #tpu.memory_space<hbm>>
    tpu.wait_dma2 semaphore(%arg13 : memref<!tpu.dma_semaphore, #tpu.memory_space<semaphore_mem>>) src(%dma_wait3A_118 : memref<256x128xf32, #tpu.memory_space<hbm>>) dst(%arg7 : memref<256x128xf32, #tpu.memory_space<vmem>>)
    %dma_wait3A_119 = arith.constant 0 : i32
    %dma_wait3A_120 = arith.constant 0 : i32
    %dma_wait3A_121 = tpu.memref_slice %arg9[%dma_wait3A_119, %dma_wait3A_120] : memref<2x128xi32, #tpu.memory_space<vmem>> -> memref<1x128xi32, #tpu.memory_space<vmem>>
    %dma_wait3A_122 = tpu.memref_squeeze %dma_wait3A_121 : memref<1x128xi32, #tpu.memory_space<vmem>> -> memref<128xi32, #tpu.memory_space<vmem>>
    %dma_wait3A_123 = arith.constant 0 : i32
    %dma_wait3A_124 = tpu.memref_slice %arg3[%dma_wait3A_123] : memref<320000xi32, #tpu.memory_space<hbm>> -> memref<128xi32, #tpu.memory_space<hbm>>
    %dma_wait3A_125 = arith.constant 0 : i32
    %dma_wait3A_126 = tpu.memref_slice %arg9[%dma_wait3A_119, %dma_wait3A_125] : memref<2x128xi32, #tpu.memory_space<vmem>> -> memref<1x128xi32, #tpu.memory_space<vmem>>
    %dma_wait3A_127 = tpu.memref_squeeze %dma_wait3A_126 : memref<1x128xi32, #tpu.memory_space<vmem>> -> memref<128xi32, #tpu.memory_space<vmem>>
    %dma_wait3A_128 = arith.constant 0 : i32
    %dma_wait3A_129 = tpu.memref_slice %arg3[%dma_wait3A_128] : memref<320000xi32, #tpu.memory_space<hbm>> -> memref<128xi32, #tpu.memory_space<hbm>>
    tpu.wait_dma2 semaphore(%arg13 : memref<!tpu.dma_semaphore, #tpu.memory_space<semaphore_mem>>) src(%dma_wait3A_129 : memref<128xi32, #tpu.memory_space<hbm>>) dst(%dma_wait3A_127 : memref<128xi32, #tpu.memory_space<vmem>>)
    %dma_wait3A_130 = arith.constant 1 : i32
    %dma_wait3A_131 = arith.constant 0 : i32
    %dma_wait3A_132 = tpu.memref_slice %arg9[%dma_wait3A_130, %dma_wait3A_131] : memref<2x128xi32, #tpu.memory_space<vmem>> -> memref<1x128xi32, #tpu.memory_space<vmem>>
    %dma_wait3A_133 = tpu.memref_squeeze %dma_wait3A_132 : memref<1x128xi32, #tpu.memory_space<vmem>> -> memref<128xi32, #tpu.memory_space<vmem>>
    %dma_wait3A_134 = arith.constant 0 : i32
    %dma_wait3A_135 = tpu.memref_slice %arg3[%dma_wait3A_134] : memref<320000xi32, #tpu.memory_space<hbm>> -> memref<128xi32, #tpu.memory_space<hbm>>
    %dma_wait3A_136 = arith.constant 0 : i32
    %dma_wait3A_137 = tpu.memref_slice %arg9[%dma_wait3A_130, %dma_wait3A_136] : memref<2x128xi32, #tpu.memory_space<vmem>> -> memref<1x128xi32, #tpu.memory_space<vmem>>
    %dma_wait3A_138 = tpu.memref_squeeze %dma_wait3A_137 : memref<1x128xi32, #tpu.memory_space<vmem>> -> memref<128xi32, #tpu.memory_space<vmem>>
    %dma_wait3A_139 = arith.constant 0 : i32
    %dma_wait3A_140 = tpu.memref_slice %arg3[%dma_wait3A_139] : memref<320000xi32, #tpu.memory_space<hbm>> -> memref<128xi32, #tpu.memory_space<hbm>>
    tpu.wait_dma2 semaphore(%arg13 : memref<!tpu.dma_semaphore, #tpu.memory_space<semaphore_mem>>) src(%dma_wait3A_140 : memref<128xi32, #tpu.memory_space<hbm>>) dst(%dma_wait3A_138 : memref<128xi32, #tpu.memory_space<vmem>>)
    %barrier3A_141 = arith.constant 0 : index
    tpu.barrier barrier_id(%barrier3A_141)
    %mul3A_142 = arith.constant 64 : i32
    %mul3A_143 = arith.muli %arg1, %mul3A_142 : i32
    "tpu.region"() ({
      %run_scoped3A = tpu.sem_alloc : memref<!tpu.dma_semaphore, #tpu.memory_space<semaphore_mem>>
      %dma_start3A_151 = arith.constant 0 : i32
      %dma_start3A_152 = arith.constant 0 : i32
      %dma_start3A_153 = tpu.memref_slice %arg6[%dma_start3A_151, %dma_start3A_152] : memref<256x128xf32, #tpu.memory_space<vmem>> -> memref<64x128xf32, #tpu.memory_space<vmem>>
      %dma_start3A_154 = arith.constant 0 : i32
      %dma_start3A_155 = tpu.memref_slice %arg11[%mul3A_143, %dma_start3A_154] : memref<1024x128xf32, #tpu.memory_space<vmem_shared>> -> memref<64x128xf32, #tpu.memory_space<vmem_shared>>
      %dma_start3A_156 = arith.constant 0 : i32
      %dma_start3A_157 = arith.constant 0 : i32
      %dma_start3A_158 = tpu.memref_slice %arg6[%dma_start3A_156, %dma_start3A_157] : memref<256x128xf32, #tpu.memory_space<vmem>> -> memref<64x128xf32, #tpu.memory_space<vmem>>
      %dma_start3A_159 = arith.constant 0 : i32
      %dma_start3A_160 = tpu.memref_slice %arg11[%mul3A_143, %dma_start3A_159] : memref<1024x128xf32, #tpu.memory_space<vmem_shared>> -> memref<64x128xf32, #tpu.memory_space<vmem_shared>>
      tpu.enqueue_dma source(%dma_start3A_160 : memref<64x128xf32, #tpu.memory_space<vmem_shared>>) target(%dma_start3A_158 : memref<64x128xf32, #tpu.memory_space<vmem>>) target_semaphore(%run_scoped3A : memref<!tpu.dma_semaphore, #tpu.memory_space<semaphore_mem>>)
      %dma_wait3A_161 = arith.constant 0 : i32
      %dma_wait3A_162 = arith.constant 0 : i32
      %dma_wait3A_163 = tpu.memref_slice %arg6[%dma_wait3A_161, %dma_wait3A_162] : memref<256x128xf32, #tpu.memory_space<vmem>> -> memref<64x128xf32, #tpu.memory_space<vmem>>
      %dma_wait3A_164 = arith.constant 0 : i32
      %dma_wait3A_165 = tpu.memref_slice %arg11[%mul3A_143, %dma_wait3A_164] : memref<1024x128xf32, #tpu.memory_space<vmem_shared>> -> memref<64x128xf32, #tpu.memory_space<vmem_shared>>
      %dma_wait3A_166 = arith.constant 0 : i32
      %dma_wait3A_167 = arith.constant 0 : i32
      %dma_wait3A_168 = tpu.memref_slice %arg6[%dma_wait3A_166, %dma_wait3A_167] : memref<256x128xf32, #tpu.memory_space<vmem>> -> memref<64x128xf32, #tpu.memory_space<vmem>>
      %dma_wait3A_169 = arith.constant 0 : i32
      %dma_wait3A_170 = tpu.memref_slice %arg11[%mul3A_143, %dma_wait3A_169] : memref<1024x128xf32, #tpu.memory_space<vmem_shared>> -> memref<64x128xf32, #tpu.memory_space<vmem_shared>>
      tpu.wait_dma2 semaphore(%run_scoped3A : memref<!tpu.dma_semaphore, #tpu.memory_space<semaphore_mem>>) src(%dma_wait3A_170 : memref<64x128xf32, #tpu.memory_space<vmem_shared>>) dst(%dma_wait3A_168 : memref<64x128xf32, #tpu.memory_space<vmem>>)
      tpu.yield
    }) : () -> ()
    %mul3A_144 = arith.constant 1024 : i32
    %mul3A_145 = arith.muli %arg0, %mul3A_144 : i32
    %mul3A_146 = arith.constant 64 : i32
    %mul3A_147 = arith.muli %arg1, %mul3A_146 : i32
    %add3A_148 = arith.addi %mul3A_145, %mul3A_147 : i32
    "tpu.region"() ({
      %run_scoped3A = tpu.sem_alloc : memref<!tpu.dma_semaphore, #tpu.memory_space<semaphore_mem>>
      %dma_start3A_151 = arith.constant 0 : i32
      %dma_start3A_152 = arith.constant 0 : i32
      %dma_start3A_153 = tpu.memref_slice %arg6[%dma_start3A_151, %dma_start3A_152] : memref<256x128xf32, #tpu.memory_space<vmem>> -> memref<64x128xf32, #tpu.memory_space<vmem>>
      %dma_start3A_154 = arith.constant 0 : i32
      %dma_start3A_155 = tpu.memref_slice %arg4[%add3A_148, %dma_start3A_154] : memref<2048x128xf32, #tpu.memory_space<hbm>> -> memref<64x128xf32, #tpu.memory_space<hbm>>
      %dma_start3A_156 = arith.constant 0 : i32
      %dma_start3A_157 = tpu.memref_slice %arg4[%add3A_148, %dma_start3A_156] : memref<2048x128xf32, #tpu.memory_space<hbm>> -> memref<64x128xf32, #tpu.memory_space<hbm>>
      %dma_start3A_158 = arith.constant 0 : i32
      %dma_start3A_159 = arith.constant 0 : i32
      %dma_start3A_160 = tpu.memref_slice %arg6[%dma_start3A_158, %dma_start3A_159] : memref<256x128xf32, #tpu.memory_space<vmem>> -> memref<64x128xf32, #tpu.memory_space<vmem>>
      tpu.enqueue_dma source(%dma_start3A_160 : memref<64x128xf32, #tpu.memory_space<vmem>>) target(%dma_start3A_157 : memref<64x128xf32, #tpu.memory_space<hbm>>) target_semaphore(%run_scoped3A : memref<!tpu.dma_semaphore, #tpu.memory_space<semaphore_mem>>)
      %dma_wait3A_161 = arith.constant 0 : i32
      %dma_wait3A_162 = arith.constant 0 : i32
      %dma_wait3A_163 = tpu.memref_slice %arg6[%dma_wait3A_161, %dma_wait3A_162] : memref<256x128xf32, #tpu.memory_space<vmem>> -> memref<64x128xf32, #tpu.memory_space<vmem>>
      %dma_wait3A_164 = arith.constant 0 : i32
      %dma_wait3A_165 = tpu.memref_slice %arg4[%add3A_148, %dma_wait3A_164] : memref<2048x128xf32, #tpu.memory_space<hbm>> -> memref<64x128xf32, #tpu.memory_space<hbm>>
      %dma_wait3A_166 = arith.constant 0 : i32
      %dma_wait3A_167 = tpu.memref_slice %arg4[%add3A_148, %dma_wait3A_166] : memref<2048x128xf32, #tpu.memory_space<hbm>> -> memref<64x128xf32, #tpu.memory_space<hbm>>
      %dma_wait3A_168 = arith.constant 0 : i32
      %dma_wait3A_169 = arith.constant 0 : i32
      %dma_wait3A_170 = tpu.memref_slice %arg6[%dma_wait3A_168, %dma_wait3A_169] : memref<256x128xf32, #tpu.memory_space<vmem>> -> memref<64x128xf32, #tpu.memory_space<vmem>>
      tpu.wait_dma2 semaphore(%run_scoped3A : memref<!tpu.dma_semaphore, #tpu.memory_space<semaphore_mem>>) src(%dma_wait3A_170 : memref<64x128xf32, #tpu.memory_space<vmem>>) dst(%dma_wait3A_167 : memref<64x128xf32, #tpu.memory_space<hbm>>)
      tpu.yield
    }) : () -> ()
    %mul3A_149 = arith.constant 128 : i32
    %mul3A_150 = arith.muli %add3A, %mul3A_149 : i32
    "tpu.region"() ({
      %run_scoped3A = tpu.sem_alloc : memref<!tpu.dma_semaphore, #tpu.memory_space<semaphore_mem>>
      %dma_start3A_151 = arith.constant 0 : i32
      %dma_start3A_152 = tpu.memref_slice %arg5[%mul3A_150, %dma_start3A_151] : memref<4096x128xi32, #tpu.memory_space<hbm>> -> memref<128x128xi32, #tpu.memory_space<hbm>>
      %dma_start3A_153 = arith.constant 0 : i32
      %dma_start3A_154 = tpu.memref_slice %arg5[%mul3A_150, %dma_start3A_153] : memref<4096x128xi32, #tpu.memory_space<hbm>> -> memref<128x128xi32, #tpu.memory_space<hbm>>
      tpu.enqueue_dma source(%arg10 : memref<128x128xi32, #tpu.memory_space<vmem>>) target(%dma_start3A_154 : memref<128x128xi32, #tpu.memory_space<hbm>>) target_semaphore(%run_scoped3A : memref<!tpu.dma_semaphore, #tpu.memory_space<semaphore_mem>>)
      %dma_wait3A_155 = arith.constant 0 : i32
      %dma_wait3A_156 = tpu.memref_slice %arg5[%mul3A_150, %dma_wait3A_155] : memref<4096x128xi32, #tpu.memory_space<hbm>> -> memref<128x128xi32, #tpu.memory_space<hbm>>
      %dma_wait3A_157 = arith.constant 0 : i32
      %dma_wait3A_158 = tpu.memref_slice %arg5[%mul3A_150, %dma_wait3A_157] : memref<4096x128xi32, #tpu.memory_space<hbm>> -> memref<128x128xi32, #tpu.memory_space<hbm>>
      tpu.wait_dma2 semaphore(%run_scoped3A : memref<!tpu.dma_semaphore, #tpu.memory_space<semaphore_mem>>) src(%arg10 : memref<128x128xi32, #tpu.memory_space<vmem>>) dst(%dma_wait3A_158 : memref<128x128xi32, #tpu.memory_space<hbm>>)
      tpu.yield
    }) : () -> ()
    return
  }
}

module attributes {stable_mosaic.version = 14 : i64} {
  func.func @_tc_body(%arg0: memref<2048x128xf32, #tpu.memory_space<vmem>>, %arg1: memref<4096x128xi32, #tpu.memory_space<vmem>>, %arg2: memref<1000x128xf32, #tpu.memory_space<vmem>>, %arg3: memref<1000x128xf32, #tpu.memory_space<vmem>>, %arg4: memref<1x1xf32, #tpu.memory_space<vmem>>, %arg5: memref<1x1xf32, #tpu.memory_space<vmem>>) attributes {dimension_semantics = [], scalar_prefetch = 0 : i64, scratch_operands = 0 : i64, tpu.core_type = #tpu.core_type<tc>} {
    %get3A = arith.constant 0 : index
    %get3A_0 = arith.constant 0 : index
    %get3A_1 = vector.load %arg0[%get3A, %get3A_0] : memref<2048x128xf32, #tpu.memory_space<vmem>>, vector<2048x128xf32>
    %reshape3A = vector.shape_cast %get3A_1 : vector<2048x128xf32> to vector<2x1024x128xf32>
    %reduce_sum3A = arith.constant dense<0.000000e+00> : vector<1024x128xf32>
    %reduce_sum3A_2 = vector.multi_reduction <add>, %reshape3A, %reduce_sum3A [0] : vector<2x1024x128xf32> to vector<1024x128xf32>
    %slice3A = vector.extract_strided_slice %reduce_sum3A_2 {offsets = [0, 0], sizes = [1000, 128], strides = [1, 1]} : vector<1024x128xf32> to vector<1000x128xf32>
    %get3A_3 = arith.constant 0 : index
    %get3A_4 = arith.constant 0 : index
    %get3A_5 = vector.load %arg1[%get3A_3, %get3A_4] : memref<4096x128xi32, #tpu.memory_space<vmem>>, vector<4096x128xi32>
    %reshape3A_6 = vector.shape_cast %get3A_5 : vector<4096x128xi32> to vector<32x128x128xi32>
    %reduce_sum3A_7 = arith.constant dense<0> : vector<128x128xi32>
    %reduce_sum3A_8 = vector.multi_reduction <add>, %reshape3A_6, %reduce_sum3A_7 [0] : vector<32x128x128xi32> to vector<128x128xi32>
    %reshape3A_9 = vector.shape_cast %reduce_sum3A_8 : vector<128x128xi32> to vector<128x8x16xi32>
    %reduce_sum3A_10 = arith.constant dense<0> : vector<128x8xi32>
    %reduce_sum3A_11 = vector.multi_reduction <add>, %reshape3A_9, %reduce_sum3A_10 [2] : vector<128x8x16xi32> to vector<128x8xi32>
    %reshape3A_12 = vector.shape_cast %reduce_sum3A_11 : vector<128x8xi32> to vector<1024xi32>
    %convert_element_type3A = arith.sitofp %reshape3A_12 : vector<1024xi32> to vector<1024xf32>
    %div3A = arith.constant 1.600000e+01 : f32
    %div3A_13 = vector.broadcast %div3A : f32 to vector<1024xf32>
    %div3A_14 = arith.divf %convert_element_type3A, %div3A_13 : vector<1024xf32>
    %slice3A_15 = vector.extract_strided_slice %div3A_14 {offsets = [0], sizes = [1000], strides = [1]} : vector<1024xf32> to vector<1000xf32>
    %broadcast_in_dim3A = vector.shape_cast %slice3A_15 : vector<1000xf32> to vector<1000x1xf32>
    %div3A_16 = vector.broadcast %broadcast_in_dim3A : vector<1000x1xf32> to vector<1000x128xf32>
    %div3A_17 = arith.divf %slice3A, %div3A_16 : vector<1000x128xf32>
    %swap3A = arith.constant 0 : index
    %swap3A_18 = arith.constant 0 : index
    %swap3A_19 = vector.load %arg3[%swap3A, %swap3A_18] : memref<1000x128xf32, #tpu.memory_space<vmem>>, vector<1000x128xf32>
    tpu.vector_store %arg3[%swap3A, %swap3A_18], %div3A_17 {strides = array<i32>} : memref<1000x128xf32, #tpu.memory_space<vmem>>, vector<1000x128xf32>,
    %gt3A = arith.constant 0.000000e+00 : f32
    %gt3A_20 = vector.broadcast %gt3A : f32 to vector<1000x1xf32>
    %gt3A_21 = arith.cmpf ogt, %broadcast_in_dim3A, %gt3A_20 : vector<1000x1xf32>
    %get3A_22 = arith.constant 0 : index
    %get3A_23 = arith.constant 0 : index
    %get3A_24 = vector.load %arg2[%get3A_22, %get3A_23] : memref<1000x128xf32, #tpu.memory_space<vmem>>, vector<1000x128xf32>
    %sub3A = arith.subf %div3A_17, %get3A_24 : vector<1000x128xf32>
    %mul3A = arith.mulf %sub3A, %sub3A : vector<1000x128xf32>
    %broadcast_in_dim3A_25 = arith.constant 0.000000e+00 : f32
    %broadcast_in_dim3A_26 = vector.broadcast %broadcast_in_dim3A_25 : f32 to vector<1000x128xf32>
    %broadcast_in_dim3A_27 = vector.shape_cast %gt3A_21 : vector<1000x1xi1> to vector<1000x1xi1>
    %broadcast_in_dim3A_28 = vector.broadcast %broadcast_in_dim3A_27 : vector<1000x1xi1> to vector<1000x128xi1>
    %select_n3A = arith.select %broadcast_in_dim3A_28, %mul3A, %broadcast_in_dim3A_26 : vector<1000x128xi1>, vector<1000x128xf32>
    %convert_element_type3A_29 = arith.extui %gt3A_21 : vector<1000x1xi1> to vector<1000x1xi32>
    %convert_element_type3A_30 = arith.sitofp %convert_element_type3A_29 : vector<1000x1xi32> to vector<1000x1xf32>
    %reduce_sum3A_31 = vector.shape_cast %convert_element_type3A_30 : vector<1000x1xf32> to vector<1x1000x1xf32>
    %reduce_sum3A_32 = arith.constant dense<0.000000e+00> : vector<1xf32>
    %reduce_sum3A_33 = vector.multi_reduction <add>, %reduce_sum3A_31, %reduce_sum3A_32 [1, 2] : vector<1x1000x1xf32> to vector<1xf32>
    %reduce_sum3A_34 = vector.shape_cast %reduce_sum3A_33 : vector<1xf32> to vector<1x1x1xf32>
    %reduce_sum3A_35 = vector.extract %reduce_sum3A_34[0, 0, 0] : f32 from vector<1x1x1xf32>
    %mul3A_36 = arith.constant 1.280000e+02 : f32
    %mul3A_37 = arith.mulf %reduce_sum3A_35, %mul3A_36 : f32
    %reduce_sum3A_38 = vector.shape_cast %select_n3A : vector<1000x128xf32> to vector<1x1000x128xf32>
    %reduce_sum3A_39 = arith.constant dense<0.000000e+00> : vector<1xf32>
    %reduce_sum3A_40 = vector.multi_reduction <add>, %reduce_sum3A_38, %reduce_sum3A_39 [1, 2] : vector<1x1000x128xf32> to vector<1xf32>
    %reduce_sum3A_41 = vector.shape_cast %reduce_sum3A_40 : vector<1xf32> to vector<1x1x1xf32>
    %reduce_sum3A_42 = vector.extract %reduce_sum3A_41[0, 0, 0] : f32 from vector<1x1x1xf32>
    %div3A_43 = arith.divf %reduce_sum3A_42, %mul3A_37 : f32
    %reshape3A_44 = vector.broadcast %div3A_43 : f32 to vector<1x1xf32>
    %swap3A_45 = arith.constant 0 : index
    %swap3A_46 = arith.constant 0 : index
    %swap3A_47 = vector.load %arg4[%swap3A_45, %swap3A_46] : memref<1x1xf32, #tpu.memory_space<vmem>>, vector<1x1xf32>
    tpu.vector_store %arg4[%swap3A_45, %swap3A_46], %reshape3A_44 {strides = array<i32>} : memref<1x1xf32, #tpu.memory_space<vmem>>, vector<1x1xf32>,
    %reduce_sum3A_48 = arith.constant dense<0.000000e+00> : vector<128xf32>
    %reduce_sum3A_49 = vector.multi_reduction <add>, %slice3A, %reduce_sum3A_48 [0] : vector<1000x128xf32> to vector<128xf32>
    %mul3A_50 = arith.constant 3.125000e-06 : f32
    %mul3A_51 = vector.broadcast %mul3A_50 : f32 to vector<128xf32>
    %mul3A_52 = arith.mulf %reduce_sum3A_49, %mul3A_51 : vector<128xf32>
    %mul3A_53 = arith.mulf %mul3A_52, %mul3A_52 : vector<128xf32>
    %reduce_sum3A_54 = vector.shape_cast %mul3A_53 : vector<128xf32> to vector<1x128xf32>
    %reduce_sum3A_55 = arith.constant dense<0.000000e+00> : vector<1xf32>
    %reduce_sum3A_56 = vector.multi_reduction <add>, %reduce_sum3A_54, %reduce_sum3A_55 [1] : vector<1x128xf32> to vector<1xf32>
    %reduce_sum3A_57 = vector.shape_cast %reduce_sum3A_56 : vector<1xf32> to vector<1x1xf32>
    %reduce_sum3A_58 = vector.extract %reduce_sum3A_57[0, 0] : f32 from vector<1x1xf32>
    %sqrt3A = math.sqrt %reduce_sum3A_58 : f32
    %reshape3A_59 = vector.broadcast %sqrt3A : f32 to vector<1x1xf32>
    %swap3A_60 = arith.constant 0 : index
    %swap3A_61 = arith.constant 0 : index
    %swap3A_62 = vector.load %arg5[%swap3A_60, %swap3A_61] : memref<1x1xf32, #tpu.memory_space<vmem>>, vector<1x1xf32>
    tpu.vector_store %arg5[%swap3A_60, %swap3A_61], %reshape3A_59 {strides = array<i32>} : memref<1x1xf32, #tpu.memory_space<vmem>>, vector<1x1xf32>,
    return
  }
}

</mosaic_0001>

<sc_bundles>
// kernel: kernel.4.cloned.1.call-start
scs
__scs_entry_jumppad:
0x0: {  	(pc) =	sbr.rel $0x88, $3  }
0x1: {  	(tag) =	ssettag $0x0;
	lr =	simm.s32 $0x1  }
0x2: {  	[smem:$0x3F9E] =	sst lr;
	_ =	strace $0xD0000000  }
0x3: {  	_ = 	snop  }
0x4: {  	_ = 	snop  }
0x5: {  	_ = 	snop  }
0x6: {  	_ = 	snop  }
0x7: {  	_ = 	snop  }
__scs_overlays_trampoline_lowered:
0x8: {  	[smem:$0x3FAD] =	sst s0  }
0x9: {  	[smem:$0x3FAE] =	sst s1  }
0xa: {  	[smem:$0x3FAF] =	sst s2  }
0xb: {  	[smem:$0x3FB0] =	sst s3  }
0xc: {  	[smem:$0x3FB1] =	sst s4  }
0xd: {  	[smem:$0x3FB2] =	sst s5  }
0xe: {  	[smem:$0x3FB3] =	sst s6  }
0xf: {  	[smem:$0x3FB4] =	sst s7  }
0x10: {  	[smem:$0x3FB5] =	sst s8  }
0x11: {  	[smem:$0x3FB6] =	sst s9;
	s0 =	simm.s32 @!p0 $0x0  }
0x12: {  	s1 =	sld [smem:$0x3F9C];
	s0 =	simm.s32 @p0 $0x1  }
0x13: {  	[smem:$0x3FB7] =	sst s0;
	s0 =	simm.s32 @!p1 $0x0  }
0x14: {  	s2 =	sld [smem:$0x3F9B];
	s0 =	simm.s32 @p1 $0x1  }
0x15: {  	[smem:$0x3FB8] =	sst s0;
	s0 =	simm.s32 @!p2 $0x0  }
0x16: {  	s3 =	sld [smem:$0x3FDB];
	s0 =	simm.s32 @p2 $0x1  }
0x17: {  	s4 =	simm.s32 $0x1BF5;
	[smem:$0x3FBA] =	sst s0  }
0x18: {  	s0 =	sld [smem:$0x3F9D];
	_ =	swait.ge [sflag:s4], $0x0  }
0x19: {  	s7 =	sld [smem:$0x3F9E]  }
0x1a: {  	s8 =	sadd.s32 $0xFFFFE003, lr  }
0x1b: {  	s9 =	sadd.s32 $0xFFFFFEF7, lr;
	s5 =	simm.s32 $0xFFFFFFFF;
	p2 =	slt.u32 s8, $0xFFFFF086  }
0x1c: {  	p1 =	slt.u32 s9, $0xF7A;
	s5 =	simm.s32 @!p2 $0x0  }
0x1d: {  	s5 =	simm.s32 @p1 $0x1;
	p0 =	seq.s32 s7, s2  }
0x1e: {  	s7 =	smul.u32 @!p0 $0xF7A, s2;
	p2 =	seq.s32 @!p0 s5, $0x0  }
0x1f: {  	s9 =	smul.u32 $0xF7A, s1;
	s8 =	simm.s32 @!p0 $0x1BF5;
	p2 =	por !p2, p0  }
0x20: {  	[sflag:s8] =	ssyncset.s32 @!p0 $0xFFFFF086;
	s6 =	sadd.s32 @!p0 s3, s7;
	s7 =	simm.s32 @!p0 $0x108  }
0x21: {  	s3 =	sadd.s32 s3, s9;
	s6 =	sadd.s32 @!p0 $0x88, s6;
	s7 =	simm.s32 @p2 $0x1082  }
0x22: {  	[simem:s7], [sflag:s8] =	dma.local @!p0 [hbm:s6], $0xF7A  }
0x23: {  	s9 =	sor.u32 $0xD0000000, s2;
	s6 =	simm.s32 $0x108;
	_ =	swait.ge @!p0 [sflag:s8], $0x0  }
0x24: {  	s3 =	sadd.s32 $0x88, s3;
	s6 =	simm.s32 @!p1 $0x1082;
	[sflag:s4] =	ssyncset.s32 $0xFFFFF086  }
0x25: {  	[simem:s6], [sflag:s4] =	dma.local [hbm:s3], $0xF7A  }
0x26: {  	[smem:$0x3F9E] =	sst s1;
	(tag) =	ssettag s2;
	_ =	strace s9  }
0x27: {  	s1 =	sld [smem:$0x3FAE]  }
0x28: {  	s2 =	sld [smem:$0x3FAF]  }
0x29: {  	s4 =	sld [smem:$0x3FB1]  }
0x2a: {  	p0 =	seq.s32 s5, $0x0;
	s5 =	sld [smem:$0x3FB2]  }
0x2b: {  	s6 =	sld [smem:$0x3FB3]  }
0x2c: {  	s7 =	sld [smem:$0x3FB4]  }
0x2d: {  	s3 =	simm.s32 $0x108;
	s8 =	sld [smem:$0x3FB5]  }
0x2e: {  	s3 =	simm.s32 @!p0 $0x1082;
	s9 =	sld [smem:$0x3FB6]  }
0x2f: {  	lr =	sadd.s32 s0, s3;
	s0 =	sld [smem:$0x3FAD]  }
0x30: {  	s3 =	sld [smem:$0x3FB0]  }
0x31: {  	[smem:$0x3FB9] =	sst s10  }
0x32: {  	s10 =	sld [smem:$0x3FB7];
	_ =	sdelay $0x3  }
0x33: {  	p0 =	seq.s32 s10, $0x1;
	s10 =	sld [smem:$0x3FB9];
	_ =	sdelay $0x3  }
0x34: {  	[smem:$0x3FB9] =	sst s10  }
0x35: {  	s10 =	sld [smem:$0x3FB8];
	_ =	sdelay $0x3  }
0x36: {  	p1 =	seq.s32 s10, $0x1;
	s10 =	sld [smem:$0x3FB9];
	_ =	sdelay $0x3  }
0x37: {  	[smem:$0x3FB9] =	sst s10  }
0x38: {  	s10 =	sld [smem:$0x3FBA]  }
0x39: {  	_ = 	snop;
	(pc) =	sbr.ind lr, $3  }
0x3a: {  	_ = 	snop  }
0x3b: {  	_ = 	snop  }
0x3c: {  	p2 =	seq.s32 s10, $0x1;
	s10 =	sld [smem:$0x3FB9]  }
0x3d: {  	_ =	shalt  }
0x3e: {  	_ =	shalt  }
0x3f: {  	_ =	shalt  }
0x40: {  	_ =	shalt  }
0x41: {  	_ =	shalt  }
0x42: {  	_ =	shalt  }
0x43: {  	_ =	shalt  }
0x44: {  	_ =	shalt  }
0x45: {  	_ =	shalt  }
0x46: {  	_ =	shalt  }
0x47: {  	_ =	shalt  }
0x48: {  	_ =	shalt  }
0x49: {  	_ =	shalt  }
0x4a: {  	_ =	shalt  }
0x4b: {  	_ =	shalt  }
0x4c: {  	_ =	shalt  }
0x4d: {  	_ =	shalt  }
0x4e: {  	_ =	shalt  }
0x4f: {  	_ =	shalt  }
0x50: {  	_ =	shalt  }
0x51: {  	_ =	shalt  }
0x52: {  	_ =	shalt  }
0x53: {  	_ =	shalt  }
0x54: {  	_ =	shalt  }
0x55: {  	_ =	shalt  }
0x56: {  	_ =	shalt  }
0x57: {  	_ =	shalt  }
0x58: {  	_ =	shalt  }
0x59: {  	_ =	shalt  }
0x5a: {  	_ =	shalt  }
0x5b: {  	_ =	shalt  }
0x5c: {  	_ =	shalt  }
0x5d: {  	_ =	shalt  }
0x5e: {  	_ =	shalt  }
0x5f: {  	_ =	shalt  }
0x60: {  	_ =	shalt  }
0x61: {  	_ =	shalt  }
0x62: {  	_ =	shalt  }
0x63: {  	_ =	shalt  }
0x64: {  	_ =	shalt  }
0x65: {  	_ =	shalt  }
0x66: {  	_ =	shalt  }
0x67: {  	_ =	shalt  }
0x68: {  	_ =	shalt  }
0x69: {  	_ =	shalt  }
0x6a: {  	_ =	shalt  }
0x6b: {  	_ =	shalt  }
0x6c: {  	_ =	shalt  }
0x6d: {  	_ =	shalt  }
0x6e: {  	_ =	shalt  }
0x6f: {  	_ =	shalt  }
0x70: {  	_ =	shalt  }
0x71: {  	_ =	shalt  }
0x72: {  	_ =	shalt  }
0x73: {  	_ =	shalt  }
0x74: {  	_ =	shalt  }
0x75: {  	_ =	shalt  }
0x76: {  	_ =	shalt  }
0x77: {  	_ =	shalt  }
0x78: {  	_ =	shalt  }
0x79: {  	_ =	shalt  }
0x7a: {  	_ =	shalt  }
0x7b: {  	_ =	shalt  }
0x7c: {  	_ =	shalt  }
0x7d: {  	_ =	shalt  }
0x7e: {  	_ =	shalt  }
0x7f: {  	_ =	shalt  }
0x80: {  	_ =	shalt  }
0x81: {  	_ =	shalt  }
0x82: {  	_ =	shalt  }
0x83: {  	_ =	shalt  }
0x84: {  	_ =	shalt  }
0x85: {  	_ =	shalt  }
0x86: {  	_ =	shalt  }
0x87: {  	_ =	shalt  }
.Lfunc_end0:
.L_simem_size_0:
called_computation_lowered:
.L_overlay_start_0:
0x88: {  	s2 =	sld [smem:$0x3FD9]  }
0x89: {  	s3 =	sld [smem:$0x3FFE];
	_ =	sdelay $0x1  }
0x8a: {  	s1 =	srdreg.scid  }
0x8b: {  	s0 =	sand.u32 $0x1, s1  }
0x8c: {  	s17 =	sshll.u32 s0, $0xA;
	s2 =	sadd.s32 s3, s2  }
0x8d: {  	s2 =	sadd.s32 s2, s17  }
0x8e: {  	[smem:$0x3FC5] =	sst s2  }
0x8f: {  	_ = 	snop  }
0x90: {  	s2 =	sld [smem:$0x3FC9]  }
0x91: {  	s18 =	sld [smem:$0x3FC7];
	(tm) =	ssettm $0x1  }
0x92: {  	s4 =	sld [smem:$0x3FFB];
	_ =	sdelay $0x3  }
0x93: {  	_ =	strace s4  }
0x94: {  	s4 =	sld [smem:$0x3FFC];
	_ =	sdelay $0x3  }
0x95: {  	_ =	strace s4  }
0x96: {  	s4 =	sld [smem:$0x3FFD];
	_ =	sdelay $0x3  }
0x97: {  	_ =	strace s4  }
0x98: {  	_ =	strace $0x8FFFFFFF  }
0x99: {  	s19 =	sld [smem:$0x3FDB];
	_ =	sdelay $0x1  }
0x9a: {  	s5 =	simm.s32 $_scs_section_size  }
0x9b: {  	s6 =	simm.s32 $_size__tile_overlayer_lowered;
	s7 =	simm.s32 $_tile_overlayer_lowered  }
0x9c: {  	s22 =	simm.s32 $0x1BFF;
	s21 =	sshll.u32 s7, $0x1;
	s4 =	sadd.s32 s5, s19  }
0x9d: {  	s8 =	simm.s32 $0x0;
	s20 =	sshll.u32 s6, $0x1;
	s6 =	sadd.s32 s21, s4  }
0x9e: {  	[timem:s8], [sflag:s22] =	dma.local [hbm:s6], s20  }
0x9f: {  	_ =	swait.ge [sflag:s22], s20  }
0xa0: {  	s5 =	ssub.s32 $0x0, s20;
	[sflag:s22] =	ssyncset.done $0x0  }
0xa1: {  	[sflag:s22] =	ssyncadd.s32 s5;
	_ =	sdelay $0x1  }
0xa2: {  	s23 =	simm.s32 $0x1B8B  }
0xa3: {  	_ =	swait.ge [sflag:s23], $0x1  }
0xa4: {  	[sflag:s23] =	ssyncset.done $0x0  }
0xa5: {  	s25 =	simm.s32 $0x1B8E;
	s24 =	sld [smem:$0x3FFE];
	[sflag:s23] =	ssyncadd.s32 $0xFFFFFFFF  }
0xa6: {  	s26 =	simm.s32 $execute0_lowered;
	[smem:$0x3FD2] =	sst s25  }
0xa7: {  	s6 =	sshll.u32 s26, $0x1;
	_ =	strace $0x80000046;
	[dreg:$0x1] =	wrdreg $0xFFFFFFFF  }
0xa8: {  	s28 =	simm.s32 $_size_execute0_lowered;
	s4 =	sadd.s32 s4, s6;
	[dreg:$0x0] =	wrdreg $0x0  }
0xa9: {  	s6 =	sshll.u32 s28, $0x1;
	[dreg:$0x2] =	wrdreg s4  }
0xaa: {  	[dreg:$0x3] =	wrdreg s6  }
0xab: {  	[dreg:$0x4] =	wrdreg $0xC0  }
0xac: {  	_ =	task [dreg:s8], $0x5FFFF  }
0xad: {  	[dreg:$0x1] =	wrdreg $0xFFFFFFFF  }
0xae: {  	[dreg:$0x0] =	wrdreg $0x60  }
0xaf: {  	[dreg:$0x2] =	wrdreg s2  }
0xb0: {  	[dreg:$0x3] =	wrdreg s18  }
0xb1: {  	[dreg:$0x4] =	wrdreg s24  }
0xb2: {  	[dreg:$0x5] =	wrdreg $0x142000  }
0xb3: {  	[dreg:$0x6] =	wrdreg $0x9  }
0xb4: {  	_ =	task.clear_ibuf [dreg:s8], $0x7FFFF;
	_ =	strace $0x90000046  }
0xb5: {  	s29 =	simm.s32 $0x9;
	_ =	strace $0x80000048  }
0xb6: {  	_ =	swait.ge [sflag:s29], $0x1  }
0xb7: {  	[sflag:s29] =	ssyncadd.s32 $0xFFFFFFFF  }
0xb8: {  	_ =	strace $0x90000048  }
0xb9: {  	_ =	sfence  }
0xba: {  	s30 =	sld [smem:$0x0];
	_ =	sdelay $0x2  }
0xbb: {  	s31 =	sshll.u32 s1, $0xD;
	s1 =	sshrl.u32 s1, $0x2  }
0xbc: {  	s3 =	sand.u32 $0x4000, s31;
	s1 =	sadd.s32 s1, s30  }
0xbd: {  	s0 =	sor.u32 s3, s0;
	s1 =	sshll.u32 s1, $0x11  }
0xbe: {  	s0 =	sor.u32 s1, s0  }
0xbf: {  	s0 =	sadd.s32 $0x8F2B, s0  }
0xc0: {  	[sflag:s0] =	ssyncadd.remote.s32 $0x1  }
0xc1: {  	_ =	sfence.sel $0xFFFF  }
0xc2: {  	[dreg:$0x0] =	wrdreg $0xFFFFFFFF;
	(pc) =	sbr.abs _section_cstart, $3  }
0xc3: {  	[dreg:$0x1] =	wrdreg $0xFFFFFFFF  }
0xc4: {  	_ =	task.clear_ibuf [dreg:s8], $0x2FFFF;
	_ =	strace $0x9FFFFFFF  }
0xc5: {  	(tm) =	ssettm $0x7FFFFFFF  }
tec
execute0_lowered:
.L_overlay_start_1:
0x0: {  	(tag) =	ssettag $0x1  }
0x1: {  	s1 =	rddreg [dreg:$0x0]  }
0x2: {  	s2 =	rddreg [dreg:$0x1]  }
0x3: {  	s0 =	rddreg [dreg:$0x2]  }
0x4: {  	s4 =	rddreg [dreg:$0x3]  }
0x5: {  	s5 =	simm.s32 $0x0;
	s12 =	stileid.u32;
	s3 =	srdreg.scid  }
0x6: {  	s28 =	simm.s32 $0x80;
	s29 =	simm.s32 $0x4000;
	s30 =	simm.s32 $0x2  }
0x7: {  	s31 =	simm.s32 $0xC000;
	[smem:$0x7FF] =	sst s5;
	s3 =	sand.u32 $0x1, s3  }
0x8: {  	s6 =	sshll.u32 s12, $0x1;
	s7 =	sshll.u32 s12, $0xA;
	s22 =	sshll.u32 s12, $0xD  }
0x9: {  	_ =	strace $0x80000047;
	s8 =	sor.u32 s3, s6;
	s9 =	sadd.s32 s7, s0  }
0xa: {  	s20 =	ssub.s32 $0x2, s3;
	s3 =	sshll.u32 s3, $0xE;
	s6 =	sshll.u32 s8, $0xB  }
0xb: {  	s21 =	sshrl.u32 s20, $0x1;
	s10 =	smul.u32 $0x13, s8;
	s23 =	smin.u32 s8, $0x11  }
0xc: {  	p0 =	slt.u32 s8, $0x11;
	s8 =	simm.s32 $0x14;
	s3 =	sadd.s32 s3, s9  }
0xd: {  	s9 =	simm.s32 $0x0;
	s0 =	sadd.s32 s6, s0;
	s11 =	ssub.s32 s20, s21  }
0xe: {  	s6 =	sadd.s32 s22, s4;
	s8 =	simm.s32 @!p0 $0x13;
	s3 =	sadd.s32 $0x11000, s3  }
0xf: {  	s20 =	simm.s32 $0x5;
	s21 =	simm.s32 $0x10000;
	s22 =	simm.s32 $0x10080  }
0x10: {  	s7 =	sadd.s32 s23, s10;
	[dreg:$0xb] =	wrdreg s3;
	s18 =	sadd.s32 $0x1000, s0  }
0x11: {  	s19 =	smax.u32 s11, $0x1;
	s23 =	simm.s32 $0x8000;
	s0 =	simm.s32 $0x3  }
0x12: {  	s3 =	simm.s32 $0x4;
	s10 =	sshll.u32 s7, $0xD;
	s24 =	sshll.u32 s7, $0x9  }
0x13: {  	s13 =	sshll.u32 s7, $0x6;
	s10 =	sadd.s32 s1, s10;
	s12 =	sor.u32 $0x100, s24  }
0x14: {  	s15 =	sadd.s32 s2, s13;
	[dreg:$0x5] =	wrdreg s10;
	s10 =	sadd.s32 $0x10, s2  }
0x15: {  	s14 =	sshll.u32 s12, $0x4;
	[dreg:$0x6] =	wrdreg s15;
	s25 =	sadd.s32 s13, s10  }
0x16: {  	s12 =	sshrl.u32 s12, $0x3;
	s14 =	sadd.s32 s1, s14;
	[dreg:$0x7] =	wrdreg s25  }
0x17: {  	s12 =	sadd.s32 s2, s12;
	[dreg:$0x8] =	wrdreg s14;
	s14 =	sadd.s32 $0x30, s2  }
0x18: {  	s24 =	simm.s32 $0x10100;
	[dreg:$0x9] =	wrdreg s12;
	s26 =	sadd.s32 s13, s14  }
0x19: {  	v0 =	vimm.f32 $0.0e+00;
	v1 =	vimm.s32 $0x0;
	s25 =	simm.s32 $0x10180;
	[dreg:$0xa] =	wrdreg s26;
	s26 =	simm.s32 $0x1  }
.LBB2_1:
0x1a: {  	s11 =	simm.s32 $0x0;
	s12 =	simm.s32 $0x200  }
.LBB2_2:
0x1b: {  	p0 =	sne.s32 s12, $0x7E00;
	[tilespmem:s11+$0x70] =	vst v0  }
0x1c: {  	[tilespmem:s11+$0x0] =	vst v0  }
0x1d: {  	[tilespmem:s11+$0x10] =	vst v0  }
.Ltmp0:
0x1e: {  	[tilespmem:s11+$0x20] =	vst v0;
	(pc) =	sbr.rel @p0 .LBB2_2-.Ltmp0, $4  }
0x1f: {  	[tilespmem:s11+$0x30] =	vst v0  }
0x20: {  	[tilespmem:s11+$0x40] =	vst v0  }
0x21: {  	[tilespmem:s11+$0x50] =	vst v0  }
0x22: {  	[tilespmem:s11+$0x60] =	vst v0;
	s11 =	sshra.s32 s12, $0x2;
	s12 =	sadd.s32 $0x200, s12  }
0x23: {  	[tilespmem:s11+$0x70] =	vst v0  }
0x24: {  	[tilespmem:s11+$0x0] =	vst v0  }
0x25: {  	[tilespmem:s11+$0x10] =	vst v0  }
0x26: {  	[tilespmem:s11+$0x20] =	vst v0  }
0x27: {  	[tilespmem:s11+$0x30] =	vst v0  }
0x28: {  	[tilespmem:s11+$0x40] =	vst v0  }
0x29: {  	[tilespmem:s11+$0x50] =	vst v0  }
0x2a: {  	[tilespmem:s11+$0x60] =	vst v0;
	s11 =	simm.s32 $0x0;
	s12 =	simm.s32 $0x200  }
.LBB2_4:
0x2b: {  	p0 =	sne.s32 s12, $0xFE00;
	[tilespmem:s11+$0x10270] =	vst v1  }
0x2c: {  	[tilespmem:s11+$0x10200] =	vst v1  }
0x2d: {  	[tilespmem:s11+$0x10210] =	vst v1  }
.Ltmp1:
0x2e: {  	[tilespmem:s11+$0x10220] =	vst v1;
	(pc) =	sbr.rel @p0 .LBB2_4-.Ltmp1, $4  }
0x2f: {  	[tilespmem:s11+$0x10230] =	vst v1  }
0x30: {  	[tilespmem:s11+$0x10240] =	vst v1  }
0x31: {  	[tilespmem:s11+$0x10250] =	vst v1  }
0x32: {  	[tilespmem:s11+$0x10260] =	vst v1;
	s11 =	sshra.s32 s12, $0x2;
	s12 =	sadd.s32 $0x200, s12  }
0x33: {  	[tilespmem:s11+$0x10270] =	vst v1  }
0x34: {  	[tilespmem:s11+$0x10200] =	vst v1  }
0x35: {  	[tilespmem:s11+$0x10210] =	vst v1  }
0x36: {  	[tilespmem:s11+$0x10220] =	vst v1  }
0x37: {  	[tilespmem:s11+$0x10230] =	vst v1  }
0x38: {  	[tilespmem:s11+$0x10240] =	vst v1  }
0x39: {  	[tilespmem:s11+$0x10250] =	vst v1  }
0x3a: {  	[tilespmem:s11+$0x10260] =	vst v1;
	s11 =	simm.s32 $0x0  }
0x3b: {  	[spmem:s6] =	stream.linear.scatter [tilespmem:s11], [sflag:$0x5], $0x2000, $0x38;
	[tilespmem:$0x16200] =	vst v63  }
0x3c: {  	_ =	swait.ge [sflag:s20], $0x2000  }
0x3d: {  	[sflag:s20] =	ssyncset.done $0x0  }
0x3e: {  	[sflag:s20] =	ssyncadd.s32 $0xFFFFE000  }
0x3f: {  	[bflag:$0x0] =	sbarrier.arrive $0xFFFF  }
0x40: {  	s12 =	rddreg [dreg:$0x5]  }
0x41: {  	[tilespmem:s11], [sflag:$0x1] =	stream.linear.gather [hbm4b:s12+s11], $0x8000, $0x38;
	[tilespmem:$0x16200] =	vst v63  }
0x42: {  	s17 =	rddreg [dreg:$0x6]  }
0x43: {  	[tilespmem:s21], [sflag:$0x1] =	stream.linear.gather [hbm4b:s17+s11], $0x80, $0x38;
	[tilespmem:$0x16200] =	vst v63  }
0x44: {  	s13 =	rddreg [dreg:$0x7]  }
0x45: {  	[tilespmem:s22], [sflag:$0x1] =	stream.linear.gather [hbm4b:s13+s11], $0x80, $0x38;
	[tilespmem:$0x16200] =	vst v63  }
0x46: {  	s15 =	rddreg [dreg:$0x8]  }
0x47: {  	[tilespmem:s23], [sflag:$0x2] =	stream.linear.gather [hbm4b:s15+s11], $0x8000, $0x38;
	[tilespmem:$0x16200] =	vst v63  }
0x48: {  	s16 =	rddreg [dreg:$0x9]  }
0x49: {  	[tilespmem:s24], [sflag:$0x2] =	stream.linear.gather [hbm4b:s16+s11], $0x80, $0x38;
	[tilespmem:$0x16200] =	vst v63  }
0x4a: {  	s12 =	simm.s32 $0x0;
	s17 =	rddreg [dreg:$0xa]  }
0x4b: {  	[tilespmem:s25], [sflag:$0x2] =	stream.linear.gather [hbm4b:s17+s11], $0x80, $0x38;
	[tilespmem:$0x16200] =	vst v63  }
.LBB2_6:
0x4c: {  	_ =	swait.ge [sflag:s26], $0x8000  }
0x4d: {  	[sflag:s26] =	ssyncset.done $0x0  }
0x4e: {  	[sflag:s26] =	ssyncadd.s32 $0xFFFF8000  }
0x4f: {  	_ =	swait.ge [sflag:s26], $0x80  }
0x50: {  	[sflag:s26] =	ssyncset.done $0x0  }
0x51: {  	[sflag:s26] =	ssyncadd.s32 $0xFFFFFF80  }
0x52: {  	_ =	swait.ge [sflag:s26], $0x80  }
0x53: {  	[sflag:s26] =	ssyncset.done $0x0  }
0x54: {  	[sflag:s26] =	ssyncadd.s32 $0xFFFFFF80  }
0x55: {  	[spmem:s4] =	stream.indirect.scatter.add.f32 [tilespmem:s11], [sflag:$0x3], $0x80, s21, s28, $0xb8;
	[tilespmem:$0x16200] =	vst v63  }
0x56: {  	s13 =	simm.s32 $0x0  }
0x57: {  	[spmem:s4] =	stream.indirect.scatter.add.f32 [tilespmem:s29], [sflag:$0x3], $0x80, s22, s28, $0xb8;
	[tilespmem:$0x16200] =	vst v63  }
0x58: {  	v2 =	vld [tilespmem:s13+$0x10000];
	_ =	sdelay $0x4  }
0x59: {  	v2 =	vshll.u32 v2, $0x4  }
0x5a: {  	v2 =	vadd.s32 $0x10200, v2  }
0x5b: {  	(v2sf) =	vpush v2, $0x0;
	_ =	sdelay $0x6  }
0x5c: {  	(v2sf) =	vpush v2, $0x1;
	_ =	sdelay $0x6  }
0x5d: {  	(v2sf) =	vpush v2, $0x2  }
0x5e: {  	s15 =	spop (v2sf)  }
0x5f: {  	v3 =	vld [tilespmem:s15+$0x0];
	_ =	sdelay $0x4  }
0x60: {  	(v2sf) =	vpush v2, $0x3;
	v3 =	vadd.s32 $0x1, v3  }
0x61: {  	s17 =	spop (v2sf);
	[tilespmem:s15+$0x0] =	vst v3  }
0x62: {  	v3 =	vld [tilespmem:s17+$0x0];
	_ =	sdelay $0x4  }
0x63: {  	(v2sf) =	vpush v2, $0x4;
	v3 =	vadd.s32 $0x1, v3  }
0x64: {  	s16 =	spop (v2sf);
	[tilespmem:s17+$0x0] =	vst v3  }
0x65: {  	v3 =	vld [tilespmem:s16+$0x0];
	_ =	sdelay $0x4  }
0x66: {  	(v2sf) =	vpush v2, $0x5;
	v3 =	vadd.s32 $0x1, v3  }
0x67: {  	s17 =	spop (v2sf);
	[tilespmem:s16+$0x0] =	vst v3  }
0x68: {  	v3 =	vld [tilespmem:s17+$0x0];
	_ =	sdelay $0x4  }
0x69: {  	(v2sf) =	vpush v2, $0x6;
	v3 =	vadd.s32 $0x1, v3  }
0x6a: {  	s16 =	spop (v2sf);
	[tilespmem:s17+$0x0] =	vst v3  }
0x6b: {  	v3 =	vld [tilespmem:s16+$0x0];
	_ =	sdelay $0x4  }
0x6c: {  	(v2sf) =	vpush v2, $0x7;
	v3 =	vadd.s32 $0x1, v3  }
0x6d: {  	s17 =	spop (v2sf);
	[tilespmem:s16+$0x0] =	vst v3  }
0x6e: {  	v3 =	vld [tilespmem:s17+$0x0];
	_ =	sdelay $0x4  }
0x6f: {  	(v2sf) =	vpush v2, $0x8;
	v3 =	vadd.s32 $0x1, v3  }
0x70: {  	s16 =	spop (v2sf);
	[tilespmem:s17+$0x0] =	vst v3  }
0x71: {  	v3 =	vld [tilespmem:s16+$0x0];
	_ =	sdelay $0x4  }
0x72: {  	(v2sf) =	vpush v2, $0x9;
	v3 =	vadd.s32 $0x1, v3  }
0x73: {  	s17 =	spop (v2sf);
	[tilespmem:s16+$0x0] =	vst v3  }
0x74: {  	v3 =	vld [tilespmem:s17+$0x0];
	_ =	sdelay $0x4  }
0x75: {  	(v2sf) =	vpush v2, $0xA;
	v3 =	vadd.s32 $0x1, v3  }
0x76: {  	s16 =	spop (v2sf);
	[tilespmem:s17+$0x0] =	vst v3  }
0x77: {  	v3 =	vld [tilespmem:s16+$0x0];
	_ =	sdelay $0x4  }
0x78: {  	(v2sf) =	vpush v2, $0xB;
	v3 =	vadd.s32 $0x1, v3  }
0x79: {  	s17 =	spop (v2sf);
	[tilespmem:s16+$0x0] =	vst v3  }
0x7a: {  	v3 =	vld [tilespmem:s17+$0x0];
	_ =	sdelay $0x4  }
0x7b: {  	(v2sf) =	vpush v2, $0xC;
	v3 =	vadd.s32 $0x1, v3  }
0x7c: {  	s16 =	spop (v2sf);
	[tilespmem:s17+$0x0] =	vst v3  }
0x7d: {  	v3 =	vld [tilespmem:s16+$0x0];
	_ =	sdelay $0x4  }
0x7e: {  	(v2sf) =	vpush v2, $0xD;
	v3 =	vadd.s32 $0x1, v3  }
0x7f: {  	s17 =	spop (v2sf);
	[tilespmem:s16+$0x0] =	vst v3  }
0x80: {  	v3 =	vld [tilespmem:s17+$0x0];
	_ =	sdelay $0x4  }
0x81: {  	(v2sf) =	vpush v2, $0xE;
	v3 =	vadd.s32 $0x1, v3  }
0x82: {  	s16 =	spop (v2sf);
	[tilespmem:s17+$0x0] =	vst v3  }
0x83: {  	v3 =	vld [tilespmem:s16+$0x0];
	_ =	sdelay $0x4  }
0x84: {  	(v2sf) =	vpush v2, $0xF;
	v3 =	vadd.s32 $0x1, v3  }
0x85: {  	s17 =	spop (v2sf);
	[tilespmem:s16+$0x0] =	vst v3  }
0x86: {  	v2 =	vld [tilespmem:s17+$0x0];
	_ =	sdelay $0x4  }
0x87: {  	v2 =	vadd.s32 $0x1, v2  }
0x88: {  	s16 =	spop (v2sf);
	[tilespmem:s17+$0x0] =	vst v2  }
0x89: {  	v2 =	vld [tilespmem:s16+$0x0];
	_ =	sdelay $0x4  }
0x8a: {  	v2 =	vadd.s32 $0x1, v2  }
0x8b: {  	s17 =	spop (v2sf);
	[tilespmem:s16+$0x0] =	vst v2  }
0x8c: {  	v2 =	vld [tilespmem:s17+$0x0];
	_ =	sdelay $0x4  }
0x8d: {  	v2 =	vadd.s32 $0x1, v2  }
0x8e: {  	[tilespmem:s17+$0x0] =	vst v2  }
0x8f: {  	v2 =	vld [tilespmem:s13+$0x10080];
	_ =	sdelay $0x4  }
0x90: {  	v2 =	vshll.u32 v2, $0x4  }
0x91: {  	v2 =	vadd.s32 $0x10200, v2  }
0x92: {  	(v2sf) =	vpush v2, $0x0;
	_ =	sdelay $0x6  }
0x93: {  	(v2sf) =	vpush v2, $0x1;
	_ =	sdelay $0x6  }
0x94: {  	(v2sf) =	vpush v2, $0x2  }
0x95: {  	s15 =	spop (v2sf)  }
0x96: {  	v3 =	vld [tilespmem:s15+$0x0];
	_ =	sdelay $0x4  }
0x97: {  	(v2sf) =	vpush v2, $0x3;
	v3 =	vadd.s32 $0x1, v3  }
0x98: {  	s16 =	spop (v2sf);
	[tilespmem:s15+$0x0] =	vst v3  }
0x99: {  	v3 =	vld [tilespmem:s16+$0x0];
	_ =	sdelay $0x4  }
0x9a: {  	(v2sf) =	vpush v2, $0x4;
	v3 =	vadd.s32 $0x1, v3  }
0x9b: {  	s17 =	spop (v2sf);
	[tilespmem:s16+$0x0] =	vst v3  }
0x9c: {  	v3 =	vld [tilespmem:s17+$0x0];
	_ =	sdelay $0x4  }
0x9d: {  	(v2sf) =	vpush v2, $0x5;
	v3 =	vadd.s32 $0x1, v3  }
0x9e: {  	s15 =	spop (v2sf);
	[tilespmem:s17+$0x0] =	vst v3  }
0x9f: {  	v3 =	vld [tilespmem:s15+$0x0];
	_ =	sdelay $0x4  }
0xa0: {  	(v2sf) =	vpush v2, $0x6;
	v3 =	vadd.s32 $0x1, v3  }
0xa1: {  	s16 =	spop (v2sf);
	[tilespmem:s15+$0x0] =	vst v3  }
0xa2: {  	v3 =	vld [tilespmem:s16+$0x0];
	_ =	sdelay $0x4  }
0xa3: {  	(v2sf) =	vpush v2, $0x7;
	v3 =	vadd.s32 $0x1, v3  }
0xa4: {  	s17 =	spop (v2sf);
	[tilespmem:s16+$0x0] =	vst v3  }
0xa5: {  	v3 =	vld [tilespmem:s17+$0x0];
	_ =	sdelay $0x4  }
0xa6: {  	(v2sf) =	vpush v2, $0x8;
	v3 =	vadd.s32 $0x1, v3  }
0xa7: {  	s15 =	spop (v2sf);
	[tilespmem:s17+$0x0] =	vst v3  }
0xa8: {  	v3 =	vld [tilespmem:s15+$0x0];
	_ =	sdelay $0x4  }
0xa9: {  	(v2sf) =	vpush v2, $0x9;
	v3 =	vadd.s32 $0x1, v3  }
0xaa: {  	s16 =	spop (v2sf);
	[tilespmem:s15+$0x0] =	vst v3  }
0xab: {  	v3 =	vld [tilespmem:s16+$0x0];
	_ =	sdelay $0x4  }
0xac: {  	(v2sf) =	vpush v2, $0xA;
	v3 =	vadd.s32 $0x1, v3  }
0xad: {  	s17 =	spop (v2sf);
	[tilespmem:s16+$0x0] =	vst v3  }
0xae: {  	v3 =	vld [tilespmem:s17+$0x0];
	_ =	sdelay $0x4  }
0xaf: {  	(v2sf) =	vpush v2, $0xB;
	v3 =	vadd.s32 $0x1, v3  }
0xb0: {  	s15 =	spop (v2sf);
	[tilespmem:s17+$0x0] =	vst v3  }
0xb1: {  	v3 =	vld [tilespmem:s15+$0x0];
	_ =	sdelay $0x4  }
0xb2: {  	(v2sf) =	vpush v2, $0xC;
	v3 =	vadd.s32 $0x1, v3  }
0xb3: {  	s16 =	spop (v2sf);
	[tilespmem:s15+$0x0] =	vst v3  }
0xb4: {  	v3 =	vld [tilespmem:s16+$0x0];
	_ =	sdelay $0x4  }
0xb5: {  	(v2sf) =	vpush v2, $0xD;
	v3 =	vadd.s32 $0x1, v3  }
0xb6: {  	s17 =	spop (v2sf);
	[tilespmem:s16+$0x0] =	vst v3  }
0xb7: {  	v3 =	vld [tilespmem:s17+$0x0];
	_ =	sdelay $0x4  }
0xb8: {  	(v2sf) =	vpush v2, $0xE;
	v3 =	vadd.s32 $0x1, v3  }
0xb9: {  	s15 =	spop (v2sf);
	[tilespmem:s17+$0x0] =	vst v3  }
0xba: {  	v3 =	vld [tilespmem:s15+$0x0];
	_ =	sdelay $0x4  }
0xbb: {  	(v2sf) =	vpush v2, $0xF;
	v3 =	vadd.s32 $0x1, v3  }
0xbc: {  	s16 =	spop (v2sf);
	[tilespmem:s15+$0x0] =	vst v3  }
0xbd: {  	v2 =	vld [tilespmem:s16+$0x0];
	_ =	sdelay $0x4  }
0xbe: {  	v2 =	vadd.s32 $0x1, v2  }
0xbf: {  	s17 =	spop (v2sf);
	[tilespmem:s16+$0x0] =	vst v2  }
0xc0: {  	v2 =	vld [tilespmem:s17+$0x0];
	_ =	sdelay $0x4  }
0xc1: {  	v2 =	vadd.s32 $0x1, v2  }
0xc2: {  	[tilespmem:s17+$0x0] =	vst v2;
	s17 =	spop (v2sf)  }
0xc3: {  	v2 =	vld [tilespmem:s17+$0x0];
	_ =	sdelay $0x4  }
0xc4: {  	s13 =	simm.s32 $0x40;
	s15 =	simm.s32 $0x80;
	v2 =	vadd.s32 $0x1, v2  }
.LBB2_7:
0xc5: {  	p0 =	sne.s32 s15, $0x1C0  }
0xc6: {  	s16 =	sshra.s32 s13, $0x2;
	[tilespmem:s17+$0x0] =	vst v2;
	s13 =	smov.u32 s15;
	s15 =	sadd.s32 $0x40, s15  }
0xc7: {  	v2 =	vld [tilespmem:s16+$0x10000];
	_ =	sdelay $0x4  }
0xc8: {  	v2 =	vshll.u32 v2, $0x4  }
0xc9: {  	v2 =	vadd.s32 $0x10200, v2  }
0xca: {  	(v2sf) =	vpush v2, $0x0;
	_ =	sdelay $0x6  }
0xcb: {  	(v2sf) =	vpush v2, $0x1;
	_ =	sdelay $0x6  }
0xcc: {  	(v2sf) =	vpush v2, $0x2  }
0xcd: {  	s17 =	spop (v2sf)  }
0xce: {  	v3 =	vld [tilespmem:s17+$0x0];
	_ =	sdelay $0x4  }
0xcf: {  	v3 =	vadd.s32 $0x1, v3;
	(v2sf) =	vpush v2, $0x3  }
0xd0: {  	[tilespmem:s17+$0x0] =	vst v3;
	s17 =	spop (v2sf)  }
0xd1: {  	v3 =	vld [tilespmem:s17+$0x0];
	_ =	sdelay $0x4  }
0xd2: {  	v3 =	vadd.s32 $0x1, v3;
	(v2sf) =	vpush v2, $0x4  }
0xd3: {  	[tilespmem:s17+$0x0] =	vst v3;
	s17 =	spop (v2sf)  }
0xd4: {  	v3 =	vld [tilespmem:s17+$0x0];
	_ =	sdelay $0x4  }
0xd5: {  	v3 =	vadd.s32 $0x1, v3;
	(v2sf) =	vpush v2, $0x5  }
0xd6: {  	[tilespmem:s17+$0x0] =	vst v3;
	s17 =	spop (v2sf)  }
0xd7: {  	v3 =	vld [tilespmem:s17+$0x0];
	_ =	sdelay $0x4  }
0xd8: {  	v3 =	vadd.s32 $0x1, v3;
	(v2sf) =	vpush v2, $0x6  }
0xd9: {  	[tilespmem:s17+$0x0] =	vst v3;
	s17 =	spop (v2sf)  }
0xda: {  	v3 =	vld [tilespmem:s17+$0x0];
	_ =	sdelay $0x4  }
0xdb: {  	v3 =	vadd.s32 $0x1, v3;
	(v2sf) =	vpush v2, $0x7  }
0xdc: {  	[tilespmem:s17+$0x0] =	vst v3;
	s17 =	spop (v2sf)  }
0xdd: {  	v3 =	vld [tilespmem:s17+$0x0];
	_ =	sdelay $0x4  }
0xde: {  	v3 =	vadd.s32 $0x1, v3;
	(v2sf) =	vpush v2, $0x8  }
0xdf: {  	[tilespmem:s17+$0x0] =	vst v3;
	s17 =	spop (v2sf)  }
0xe0: {  	v3 =	vld [tilespmem:s17+$0x0];
	_ =	sdelay $0x4  }
0xe1: {  	v3 =	vadd.s32 $0x1, v3;
	(v2sf) =	vpush v2, $0x9  }
0xe2: {  	[tilespmem:s17+$0x0] =	vst v3;
	s17 =	spop (v2sf)  }
0xe3: {  	v3 =	vld [tilespmem:s17+$0x0];
	_ =	sdelay $0x4  }
0xe4: {  	v3 =	vadd.s32 $0x1, v3;
	(v2sf) =	vpush v2, $0xA  }
0xe5: {  	[tilespmem:s17+$0x0] =	vst v3;
	s17 =	spop (v2sf)  }
0xe6: {  	v3 =	vld [tilespmem:s17+$0x0];
	_ =	sdelay $0x4  }
0xe7: {  	v3 =	vadd.s32 $0x1, v3;
	(v2sf) =	vpush v2, $0xB  }
0xe8: {  	[tilespmem:s17+$0x0] =	vst v3;
	s17 =	spop (v2sf)  }
0xe9: {  	v3 =	vld [tilespmem:s17+$0x0];
	_ =	sdelay $0x4  }
0xea: {  	v3 =	vadd.s32 $0x1, v3;
	(v2sf) =	vpush v2, $0xC  }
0xeb: {  	[tilespmem:s17+$0x0] =	vst v3;
	s17 =	spop (v2sf)  }
0xec: {  	v3 =	vld [tilespmem:s17+$0x0];
	_ =	sdelay $0x4  }
0xed: {  	v3 =	vadd.s32 $0x1, v3;
	(v2sf) =	vpush v2, $0xD  }
0xee: {  	[tilespmem:s17+$0x0] =	vst v3;
	s17 =	spop (v2sf)  }
0xef: {  	v3 =	vld [tilespmem:s17+$0x0];
	_ =	sdelay $0x4  }
0xf0: {  	v3 =	vadd.s32 $0x1, v3;
	(v2sf) =	vpush v2, $0xE  }
0xf1: {  	[tilespmem:s17+$0x0] =	vst v3;
	s17 =	spop (v2sf)  }
0xf2: {  	v3 =	vld [tilespmem:s17+$0x0];
	_ =	sdelay $0x4  }
0xf3: {  	v3 =	vadd.s32 $0x1, v3;
	(v2sf) =	vpush v2, $0xF  }
0xf4: {  	[tilespmem:s17+$0x0] =	vst v3;
	s17 =	spop (v2sf)  }
0xf5: {  	v2 =	vld [tilespmem:s17+$0x0];
	_ =	sdelay $0x4  }
0xf6: {  	v2 =	vadd.s32 $0x1, v2  }
0xf7: {  	[tilespmem:s17+$0x0] =	vst v2;
	s17 =	spop (v2sf)  }
0xf8: {  	v2 =	vld [tilespmem:s17+$0x0];
	_ =	sdelay $0x4  }
0xf9: {  	v2 =	vadd.s32 $0x1, v2  }
0xfa: {  	[tilespmem:s17+$0x0] =	vst v2;
	s17 =	spop (v2sf)  }
0xfb: {  	v2 =	vld [tilespmem:s17+$0x0];
	_ =	sdelay $0x4  }
0xfc: {  	v2 =	vadd.s32 $0x1, v2  }
0xfd: {  	[tilespmem:s17+$0x0] =	vst v2  }
0xfe: {  	v2 =	vld [tilespmem:s16+$0x10080];
	_ =	sdelay $0x4  }
0xff: {  	v2 =	vshll.u32 v2, $0x4  }
0x100: {  	v2 =	vadd.s32 $0x10200, v2  }
0x101: {  	(v2sf) =	vpush v2, $0x0;
	_ =	sdelay $0x6  }
0x102: {  	(v2sf) =	vpush v2, $0x1;
	_ =	sdelay $0x6  }
0x103: {  	(v2sf) =	vpush v2, $0x2  }
0x104: {  	s16 =	spop (v2sf)  }
0x105: {  	v3 =	vld [tilespmem:s16+$0x0];
	_ =	sdelay $0x4  }
0x106: {  	v3 =	vadd.s32 $0x1, v3;
	(v2sf) =	vpush v2, $0x3  }
0x107: {  	[tilespmem:s16+$0x0] =	vst v3;
	s16 =	spop (v2sf)  }
0x108: {  	v3 =	vld [tilespmem:s16+$0x0];
	_ =	sdelay $0x4  }
0x109: {  	v3 =	vadd.s32 $0x1, v3;
	(v2sf) =	vpush v2, $0x4  }
0x10a: {  	[tilespmem:s16+$0x0] =	vst v3;
	s16 =	spop (v2sf)  }
0x10b: {  	v3 =	vld [tilespmem:s16+$0x0];
	_ =	sdelay $0x4  }
0x10c: {  	v3 =	vadd.s32 $0x1, v3;
	(v2sf) =	vpush v2, $0x5  }
0x10d: {  	[tilespmem:s16+$0x0] =	vst v3;
	s16 =	spop (v2sf)  }
0x10e: {  	v3 =	vld [tilespmem:s16+$0x0];
	_ =	sdelay $0x4  }
0x10f: {  	v3 =	vadd.s32 $0x1, v3;
	(v2sf) =	vpush v2, $0x6  }
0x110: {  	[tilespmem:s16+$0x0] =	vst v3;
	s16 =	spop (v2sf)  }
0x111: {  	v3 =	vld [tilespmem:s16+$0x0];
	_ =	sdelay $0x4  }
0x112: {  	v3 =	vadd.s32 $0x1, v3;
	(v2sf) =	vpush v2, $0x7  }
0x113: {  	[tilespmem:s16+$0x0] =	vst v3;
	s16 =	spop (v2sf)  }
0x114: {  	v3 =	vld [tilespmem:s16+$0x0];
	_ =	sdelay $0x4  }
0x115: {  	v3 =	vadd.s32 $0x1, v3;
	(v2sf) =	vpush v2, $0x8  }
0x116: {  	[tilespmem:s16+$0x0] =	vst v3;
	s16 =	spop (v2sf)  }
0x117: {  	v3 =	vld [tilespmem:s16+$0x0];
	_ =	sdelay $0x4  }
0x118: {  	v3 =	vadd.s32 $0x1, v3;
	(v2sf) =	vpush v2, $0x9  }
0x119: {  	[tilespmem:s16+$0x0] =	vst v3;
	s16 =	spop (v2sf)  }
0x11a: {  	v3 =	vld [tilespmem:s16+$0x0];
	_ =	sdelay $0x4  }
0x11b: {  	v3 =	vadd.s32 $0x1, v3;
	(v2sf) =	vpush v2, $0xA  }
0x11c: {  	[tilespmem:s16+$0x0] =	vst v3;
	s16 =	spop (v2sf)  }
0x11d: {  	v3 =	vld [tilespmem:s16+$0x0];
	_ =	sdelay $0x4  }
0x11e: {  	v3 =	vadd.s32 $0x1, v3;
	(v2sf) =	vpush v2, $0xB  }
0x11f: {  	[tilespmem:s16+$0x0] =	vst v3;
	s16 =	spop (v2sf)  }
0x120: {  	v3 =	vld [tilespmem:s16+$0x0];
	_ =	sdelay $0x4  }
0x121: {  	v3 =	vadd.s32 $0x1, v3;
	(v2sf) =	vpush v2, $0xC  }
0x122: {  	[tilespmem:s16+$0x0] =	vst v3;
	s16 =	spop (v2sf)  }
0x123: {  	v3 =	vld [tilespmem:s16+$0x0];
	_ =	sdelay $0x4  }
0x124: {  	v3 =	vadd.s32 $0x1, v3;
	(v2sf) =	vpush v2, $0xD  }
0x125: {  	[tilespmem:s16+$0x0] =	vst v3;
	s16 =	spop (v2sf)  }
0x126: {  	v3 =	vld [tilespmem:s16+$0x0];
	_ =	sdelay $0x4  }
0x127: {  	v3 =	vadd.s32 $0x1, v3;
	(v2sf) =	vpush v2, $0xE  }
0x128: {  	[tilespmem:s16+$0x0] =	vst v3;
	s16 =	spop (v2sf)  }
0x129: {  	v3 =	vld [tilespmem:s16+$0x0];
	_ =	sdelay $0x4  }
0x12a: {  	v3 =	vadd.s32 $0x1, v3;
	(v2sf) =	vpush v2, $0xF  }
0x12b: {  	[tilespmem:s16+$0x0] =	vst v3;
	s16 =	spop (v2sf)  }
0x12c: {  	v2 =	vld [tilespmem:s16+$0x0];
	_ =	sdelay $0x4  }
0x12d: {  	v2 =	vadd.s32 $0x1, v2  }
0x12e: {  	[tilespmem:s16+$0x0] =	vst v2;
	s16 =	spop (v2sf)  }
0x12f: {  	v2 =	vld [tilespmem:s16+$0x0];
	_ =	sdelay $0x4  }
0x130: {  	v2 =	vadd.s32 $0x1, v2  }
0x131: {  	[tilespmem:s16+$0x0] =	vst v2;
	s17 =	spop (v2sf)  }
0x132: {  	v2 =	vld [tilespmem:s17+$0x0]  }
.Ltmp2:
0x133: {  	(pc) =	sbr.rel @p0 .LBB2_7-.Ltmp2, $2  }
0x134: {  	_ =	sdelay $0x2  }
0x135: {  	v2 =	vadd.s32 $0x1, v2  }
0x136: {  	s13 =	sshra.s32 s13, $0x2;
	[tilespmem:s17+$0x0] =	vst v2  }
0x137: {  	v2 =	vld [tilespmem:s13+$0x10000];
	_ =	sdelay $0x4  }
0x138: {  	v2 =	vshll.u32 v2, $0x4  }
0x139: {  	v2 =	vadd.s32 $0x10200, v2  }
0x13a: {  	(v2sf) =	vpush v2, $0x0;
	_ =	sdelay $0x6  }
0x13b: {  	(v2sf) =	vpush v2, $0x1;
	_ =	sdelay $0x6  }
0x13c: {  	(v2sf) =	vpush v2, $0x2  }
0x13d: {  	s15 =	spop (v2sf)  }
0x13e: {  	v3 =	vld [tilespmem:s15+$0x0];
	_ =	sdelay $0x4  }
0x13f: {  	(v2sf) =	vpush v2, $0x3;
	v3 =	vadd.s32 $0x1, v3  }
0x140: {  	s17 =	spop (v2sf);
	[tilespmem:s15+$0x0] =	vst v3  }
0x141: {  	v3 =	vld [tilespmem:s17+$0x0];
	_ =	sdelay $0x4  }
0x142: {  	(v2sf) =	vpush v2, $0x4;
	v3 =	vadd.s32 $0x1, v3  }
0x143: {  	s16 =	spop (v2sf);
	[tilespmem:s17+$0x0] =	vst v3  }
0x144: {  	v3 =	vld [tilespmem:s16+$0x0];
	_ =	sdelay $0x4  }
0x145: {  	(v2sf) =	vpush v2, $0x5;
	v3 =	vadd.s32 $0x1, v3  }
0x146: {  	s17 =	spop (v2sf);
	[tilespmem:s16+$0x0] =	vst v3  }
0x147: {  	v3 =	vld [tilespmem:s17+$0x0];
	_ =	sdelay $0x4  }
0x148: {  	(v2sf) =	vpush v2, $0x6;
	v3 =	vadd.s32 $0x1, v3  }
0x149: {  	s16 =	spop (v2sf);
	[tilespmem:s17+$0x0] =	vst v3  }
0x14a: {  	v3 =	vld [tilespmem:s16+$0x0];
	_ =	sdelay $0x4  }
0x14b: {  	(v2sf) =	vpush v2, $0x7;
	v3 =	vadd.s32 $0x1, v3  }
0x14c: {  	s17 =	spop (v2sf);
	[tilespmem:s16+$0x0] =	vst v3  }
0x14d: {  	v3 =	vld [tilespmem:s17+$0x0];
	_ =	sdelay $0x4  }
0x14e: {  	(v2sf) =	vpush v2, $0x8;
	v3 =	vadd.s32 $0x1, v3  }
0x14f: {  	s16 =	spop (v2sf);
	[tilespmem:s17+$0x0] =	vst v3  }
0x150: {  	v3 =	vld [tilespmem:s16+$0x0];
	_ =	sdelay $0x4  }
0x151: {  	(v2sf) =	vpush v2, $0x9;
	v3 =	vadd.s32 $0x1, v3  }
0x152: {  	s17 =	spop (v2sf);
	[tilespmem:s16+$0x0] =	vst v3  }
0x153: {  	v3 =	vld [tilespmem:s17+$0x0];
	_ =	sdelay $0x4  }
0x154: {  	(v2sf) =	vpush v2, $0xA;
	v3 =	vadd.s32 $0x1, v3  }
0x155: {  	s16 =	spop (v2sf);
	[tilespmem:s17+$0x0] =	vst v3  }
0x156: {  	v3 =	vld [tilespmem:s16+$0x0];
	_ =	sdelay $0x4  }
0x157: {  	(v2sf) =	vpush v2, $0xB;
	v3 =	vadd.s32 $0x1, v3  }
0x158: {  	s17 =	spop (v2sf);
	[tilespmem:s16+$0x0] =	vst v3  }
0x159: {  	v3 =	vld [tilespmem:s17+$0x0];
	_ =	sdelay $0x4  }
0x15a: {  	(v2sf) =	vpush v2, $0xC;
	v3 =	vadd.s32 $0x1, v3  }
0x15b: {  	s16 =	spop (v2sf);
	[tilespmem:s17+$0x0] =	vst v3  }
0x15c: {  	v3 =	vld [tilespmem:s16+$0x0];
	_ =	sdelay $0x4  }
0x15d: {  	(v2sf) =	vpush v2, $0xD;
	v3 =	vadd.s32 $0x1, v3  }
0x15e: {  	s17 =	spop (v2sf);
	[tilespmem:s16+$0x0] =	vst v3  }
0x15f: {  	v3 =	vld [tilespmem:s17+$0x0];
	_ =	sdelay $0x4  }
0x160: {  	(v2sf) =	vpush v2, $0xE;
	v3 =	vadd.s32 $0x1, v3  }
0x161: {  	s16 =	spop (v2sf);
	[tilespmem:s17+$0x0] =	vst v3  }
0x162: {  	v3 =	vld [tilespmem:s16+$0x0];
	_ =	sdelay $0x4  }
0x163: {  	(v2sf) =	vpush v2, $0xF;
	v3 =	vadd.s32 $0x1, v3  }
0x164: {  	s17 =	spop (v2sf);
	[tilespmem:s16+$0x0] =	vst v3  }
0x165: {  	v2 =	vld [tilespmem:s17+$0x0];
	_ =	sdelay $0x4  }
0x166: {  	v2 =	vadd.s32 $0x1, v2  }
0x167: {  	s16 =	spop (v2sf);
	[tilespmem:s17+$0x0] =	vst v2  }
0x168: {  	v2 =	vld [tilespmem:s16+$0x0];
	_ =	sdelay $0x4  }
0x169: {  	v2 =	vadd.s32 $0x1, v2  }
0x16a: {  	s17 =	spop (v2sf);
	[tilespmem:s16+$0x0] =	vst v2  }
0x16b: {  	v2 =	vld [tilespmem:s17+$0x0];
	_ =	sdelay $0x4  }
0x16c: {  	v2 =	vadd.s32 $0x1, v2  }
0x16d: {  	[tilespmem:s17+$0x0] =	vst v2  }
0x16e: {  	v2 =	vld [tilespmem:s13+$0x10080];
	_ =	sdelay $0x4  }
0x16f: {  	v2 =	vshll.u32 v2, $0x4  }
0x170: {  	v2 =	vadd.s32 $0x10200, v2  }
0x171: {  	(v2sf) =	vpush v2, $0x0;
	_ =	sdelay $0x6  }
0x172: {  	(v2sf) =	vpush v2, $0x1;
	_ =	sdelay $0x6  }
0x173: {  	(v2sf) =	vpush v2, $0x2  }
0x174: {  	s15 =	spop (v2sf)  }
0x175: {  	v3 =	vld [tilespmem:s15+$0x0];
	_ =	sdelay $0x4  }
0x176: {  	(v2sf) =	vpush v2, $0x3;
	v3 =	vadd.s32 $0x1, v3  }
0x177: {  	s16 =	spop (v2sf);
	[tilespmem:s15+$0x0] =	vst v3  }
0x178: {  	v3 =	vld [tilespmem:s16+$0x0];
	_ =	sdelay $0x4  }
0x179: {  	(v2sf) =	vpush v2, $0x4;
	v3 =	vadd.s32 $0x1, v3  }
0x17a: {  	s17 =	spop (v2sf);
	[tilespmem:s16+$0x0] =	vst v3  }
0x17b: {  	v3 =	vld [tilespmem:s17+$0x0];
	_ =	sdelay $0x4  }
0x17c: {  	(v2sf) =	vpush v2, $0x5;
	v3 =	vadd.s32 $0x1, v3  }
0x17d: {  	s15 =	spop (v2sf);
	[tilespmem:s17+$0x0] =	vst v3  }
0x17e: {  	v3 =	vld [tilespmem:s15+$0x0];
	_ =	sdelay $0x4  }
0x17f: {  	(v2sf) =	vpush v2, $0x6;
	v3 =	vadd.s32 $0x1, v3  }
0x180: {  	s16 =	spop (v2sf);
	[tilespmem:s15+$0x0] =	vst v3  }
0x181: {  	v3 =	vld [tilespmem:s16+$0x0];
	_ =	sdelay $0x4  }
0x182: {  	(v2sf) =	vpush v2, $0x7;
	v3 =	vadd.s32 $0x1, v3  }
0x183: {  	s17 =	spop (v2sf);
	[tilespmem:s16+$0x0] =	vst v3  }
0x184: {  	v3 =	vld [tilespmem:s17+$0x0];
	_ =	sdelay $0x4  }
0x185: {  	(v2sf) =	vpush v2, $0x8;
	v3 =	vadd.s32 $0x1, v3  }
0x186: {  	s15 =	spop (v2sf);
	[tilespmem:s17+$0x0] =	vst v3  }
0x187: {  	v3 =	vld [tilespmem:s15+$0x0];
	_ =	sdelay $0x4  }
0x188: {  	(v2sf) =	vpush v2, $0x9;
	v3 =	vadd.s32 $0x1, v3  }
0x189: {  	s16 =	spop (v2sf);
	[tilespmem:s15+$0x0] =	vst v3  }
0x18a: {  	v3 =	vld [tilespmem:s16+$0x0];
	_ =	sdelay $0x4  }
0x18b: {  	(v2sf) =	vpush v2, $0xA;
	v3 =	vadd.s32 $0x1, v3  }
0x18c: {  	s17 =	spop (v2sf);
	[tilespmem:s16+$0x0] =	vst v3  }
0x18d: {  	v3 =	vld [tilespmem:s17+$0x0];
	_ =	sdelay $0x4  }
0x18e: {  	(v2sf) =	vpush v2, $0xB;
	v3 =	vadd.s32 $0x1, v3  }
0x18f: {  	s15 =	spop (v2sf);
	[tilespmem:s17+$0x0] =	vst v3  }
0x190: {  	v3 =	vld [tilespmem:s15+$0x0];
	_ =	sdelay $0x4  }
0x191: {  	(v2sf) =	vpush v2, $0xC;
	v3 =	vadd.s32 $0x1, v3  }
0x192: {  	s16 =	spop (v2sf);
	[tilespmem:s15+$0x0] =	vst v3  }
0x193: {  	v3 =	vld [tilespmem:s16+$0x0];
	_ =	sdelay $0x4  }
0x194: {  	(v2sf) =	vpush v2, $0xD;
	v3 =	vadd.s32 $0x1, v3  }
0x195: {  	s17 =	spop (v2sf);
	[tilespmem:s16+$0x0] =	vst v3  }
0x196: {  	v3 =	vld [tilespmem:s17+$0x0];
	_ =	sdelay $0x4  }
0x197: {  	(v2sf) =	vpush v2, $0xE;
	v3 =	vadd.s32 $0x1, v3  }
0x198: {  	s15 =	spop (v2sf);
	[tilespmem:s17+$0x0] =	vst v3  }
0x199: {  	v3 =	vld [tilespmem:s15+$0x0];
	_ =	sdelay $0x4  }
0x19a: {  	(v2sf) =	vpush v2, $0xF;
	v3 =	vadd.s32 $0x1, v3  }
0x19b: {  	s16 =	spop (v2sf);
	[tilespmem:s15+$0x0] =	vst v3  }
0x19c: {  	v2 =	vld [tilespmem:s16+$0x0];
	_ =	sdelay $0x4  }
0x19d: {  	v2 =	vadd.s32 $0x1, v2  }
0x19e: {  	s17 =	spop (v2sf);
	[tilespmem:s16+$0x0] =	vst v2  }
0x19f: {  	v2 =	vld [tilespmem:s17+$0x0];
	_ =	sdelay $0x4  }
0x1a0: {  	v2 =	vadd.s32 $0x1, v2  }
0x1a1: {  	s15 =	spop (v2sf);
	[tilespmem:s17+$0x0] =	vst v2  }
0x1a2: {  	v2 =	vld [tilespmem:s15+$0x0];
	_ =	sdelay $0x4  }
0x1a3: {  	v2 =	vadd.s32 $0x1, v2  }
0x1a4: {  	[tilespmem:s15+$0x0] =	vst v2  }
0x1a5: {  	_ =	swait.ge [sflag:s30], $0x8000  }
0x1a6: {  	[sflag:s30] =	ssyncset.done $0x0  }
0x1a7: {  	[sflag:s30] =	ssyncadd.s32 $0xFFFF8000  }
0x1a8: {  	_ =	swait.ge [sflag:s30], $0x80  }
0x1a9: {  	[sflag:s30] =	ssyncset.done $0x0  }
0x1aa: {  	[sflag:s30] =	ssyncadd.s32 $0xFFFFFF80  }
0x1ab: {  	_ =	swait.ge [sflag:s30], $0x80  }
0x1ac: {  	[sflag:s30] =	ssyncset.done $0x0  }
0x1ad: {  	[sflag:s30] =	ssyncadd.s32 $0xFFFFFF80  }
0x1ae: {  	[spmem:s4] =	stream.indirect.scatter.add.f32 [tilespmem:s23], [sflag:$0x4], $0x80, s24, s28, $0xb8;
	[tilespmem:$0x16200] =	vst v63  }
0x1af: {  	s13 =	simm.s32 $0x0  }
0x1b0: {  	[spmem:s4] =	stream.indirect.scatter.add.f32 [tilespmem:s31], [sflag:$0x4], $0x80, s25, s28, $0xb8;
	[tilespmem:$0x16200] =	vst v63  }
0x1b1: {  	v2 =	vld [tilespmem:s13+$0x10100];
	_ =	sdelay $0x4  }
0x1b2: {  	v2 =	vshll.u32 v2, $0x4  }
0x1b3: {  	v2 =	vadd.s32 $0x10200, v2  }
0x1b4: {  	(v2sf) =	vpush v2, $0x0;
	_ =	sdelay $0x6  }
0x1b5: {  	(v2sf) =	vpush v2, $0x1;
	_ =	sdelay $0x6  }
0x1b6: {  	(v2sf) =	vpush v2, $0x2  }
0x1b7: {  	s16 =	spop (v2sf)  }
0x1b8: {  	v3 =	vld [tilespmem:s16+$0x0];
	_ =	sdelay $0x4  }
0x1b9: {  	(v2sf) =	vpush v2, $0x3;
	v3 =	vadd.s32 $0x1, v3  }
0x1ba: {  	s17 =	spop (v2sf);
	[tilespmem:s16+$0x0] =	vst v3  }
0x1bb: {  	v3 =	vld [tilespmem:s17+$0x0];
	_ =	sdelay $0x4  }
0x1bc: {  	(v2sf) =	vpush v2, $0x4;
	v3 =	vadd.s32 $0x1, v3  }
0x1bd: {  	s16 =	spop (v2sf);
	[tilespmem:s17+$0x0] =	vst v3  }
0x1be: {  	v3 =	vld [tilespmem:s16+$0x0];
	_ =	sdelay $0x4  }
0x1bf: {  	(v2sf) =	vpush v2, $0x5;
	v3 =	vadd.s32 $0x1, v3  }
0x1c0: {  	s17 =	spop (v2sf);
	[tilespmem:s16+$0x0] =	vst v3  }
0x1c1: {  	v3 =	vld [tilespmem:s17+$0x0];
	_ =	sdelay $0x4  }
0x1c2: {  	(v2sf) =	vpush v2, $0x6;
	v3 =	vadd.s32 $0x1, v3  }
0x1c3: {  	s16 =	spop (v2sf);
	[tilespmem:s17+$0x0] =	vst v3  }
0x1c4: {  	v3 =	vld [tilespmem:s16+$0x0];
	_ =	sdelay $0x4  }
0x1c5: {  	(v2sf) =	vpush v2, $0x7;
	v3 =	vadd.s32 $0x1, v3  }
0x1c6: {  	s17 =	spop (v2sf);
	[tilespmem:s16+$0x0] =	vst v3  }
0x1c7: {  	v3 =	vld [tilespmem:s17+$0x0];
	_ =	sdelay $0x4  }
0x1c8: {  	(v2sf) =	vpush v2, $0x8;
	v3 =	vadd.s32 $0x1, v3  }
0x1c9: {  	s16 =	spop (v2sf);
	[tilespmem:s17+$0x0] =	vst v3  }
0x1ca: {  	v3 =	vld [tilespmem:s16+$0x0];
	_ =	sdelay $0x4  }
0x1cb: {  	(v2sf) =	vpush v2, $0x9;
	v3 =	vadd.s32 $0x1, v3  }
0x1cc: {  	s17 =	spop (v2sf);
	[tilespmem:s16+$0x0] =	vst v3  }
0x1cd: {  	v3 =	vld [tilespmem:s17+$0x0];
	_ =	sdelay $0x4  }
0x1ce: {  	(v2sf) =	vpush v2, $0xA;
	v3 =	vadd.s32 $0x1, v3  }
0x1cf: {  	s16 =	spop (v2sf);
	[tilespmem:s17+$0x0] =	vst v3  }
0x1d0: {  	v3 =	vld [tilespmem:s16+$0x0];
	_ =	sdelay $0x4  }
0x1d1: {  	(v2sf) =	vpush v2, $0xB;
	v3 =	vadd.s32 $0x1, v3  }
0x1d2: {  	s17 =	spop (v2sf);
	[tilespmem:s16+$0x0] =	vst v3  }
0x1d3: {  	v3 =	vld [tilespmem:s17+$0x0];
	_ =	sdelay $0x4  }
0x1d4: {  	(v2sf) =	vpush v2, $0xC;
	v3 =	vadd.s32 $0x1, v3  }
0x1d5: {  	s16 =	spop (v2sf);
	[tilespmem:s17+$0x0] =	vst v3  }
0x1d6: {  	v3 =	vld [tilespmem:s16+$0x0];
	_ =	sdelay $0x4  }
0x1d7: {  	(v2sf) =	vpush v2, $0xD;
	v3 =	vadd.s32 $0x1, v3  }
0x1d8: {  	s17 =	spop (v2sf);
	[tilespmem:s16+$0x0] =	vst v3  }
0x1d9: {  	v3 =	vld [tilespmem:s17+$0x0];
	_ =	sdelay $0x4  }
0x1da: {  	(v2sf) =	vpush v2, $0xE;
	v3 =	vadd.s32 $0x1, v3  }
0x1db: {  	s16 =	spop (v2sf);
	[tilespmem:s17+$0x0] =	vst v3  }
0x1dc: {  	v3 =	vld [tilespmem:s16+$0x0];
	_ =	sdelay $0x4  }
0x1dd: {  	(v2sf) =	vpush v2, $0xF;
	v3 =	vadd.s32 $0x1, v3  }
0x1de: {  	s17 =	spop (v2sf);
	[tilespmem:s16+$0x0] =	vst v3  }
0x1df: {  	v2 =	vld [tilespmem:s17+$0x0];
	_ =	sdelay $0x4  }
0x1e0: {  	v2 =	vadd.s32 $0x1, v2  }
0x1e1: {  	s16 =	spop (v2sf);
	[tilespmem:s17+$0x0] =	vst v2  }
0x1e2: {  	v2 =	vld [tilespmem:s16+$0x0];
	_ =	sdelay $0x4  }
0x1e3: {  	v2 =	vadd.s32 $0x1, v2  }
0x1e4: {  	s17 =	spop (v2sf);
	[tilespmem:s16+$0x0] =	vst v2  }
0x1e5: {  	v2 =	vld [tilespmem:s17+$0x0];
	_ =	sdelay $0x4  }
0x1e6: {  	v2 =	vadd.s32 $0x1, v2  }
0x1e7: {  	[tilespmem:s17+$0x0] =	vst v2  }
0x1e8: {  	v2 =	vld [tilespmem:s13+$0x10180];
	_ =	sdelay $0x4  }
0x1e9: {  	v2 =	vshll.u32 v2, $0x4  }
0x1ea: {  	v2 =	vadd.s32 $0x10200, v2  }
0x1eb: {  	(v2sf) =	vpush v2, $0x0;
	_ =	sdelay $0x6  }
0x1ec: {  	(v2sf) =	vpush v2, $0x1;
	_ =	sdelay $0x6  }
0x1ed: {  	(v2sf) =	vpush v2, $0x2  }
0x1ee: {  	s15 =	spop (v2sf)  }
0x1ef: {  	v3 =	vld [tilespmem:s15+$0x0];
	_ =	sdelay $0x4  }
0x1f0: {  	(v2sf) =	vpush v2, $0x3;
	v3 =	vadd.s32 $0x1, v3  }
0x1f1: {  	s16 =	spop (v2sf);
	[tilespmem:s15+$0x0] =	vst v3  }
0x1f2: {  	v3 =	vld [tilespmem:s16+$0x0];
	_ =	sdelay $0x4  }
0x1f3: {  	(v2sf) =	vpush v2, $0x4;
	v3 =	vadd.s32 $0x1, v3  }
0x1f4: {  	s17 =	spop (v2sf);
	[tilespmem:s16+$0x0] =	vst v3  }
0x1f5: {  	v3 =	vld [tilespmem:s17+$0x0];
	_ =	sdelay $0x4  }
0x1f6: {  	(v2sf) =	vpush v2, $0x5;
	v3 =	vadd.s32 $0x1, v3  }
0x1f7: {  	s15 =	spop (v2sf);
	[tilespmem:s17+$0x0] =	vst v3  }
0x1f8: {  	v3 =	vld [tilespmem:s15+$0x0];
	_ =	sdelay $0x4  }
0x1f9: {  	(v2sf) =	vpush v2, $0x6;
	v3 =	vadd.s32 $0x1, v3  }
0x1fa: {  	s16 =	spop (v2sf);
	[tilespmem:s15+$0x0] =	vst v3  }
0x1fb: {  	v3 =	vld [tilespmem:s16+$0x0];
	_ =	sdelay $0x4  }
0x1fc: {  	(v2sf) =	vpush v2, $0x7;
	v3 =	vadd.s32 $0x1, v3  }
0x1fd: {  	s17 =	spop (v2sf);
	[tilespmem:s16+$0x0] =	vst v3  }
0x1fe: {  	v3 =	vld [tilespmem:s17+$0x0];
	_ =	sdelay $0x4  }
0x1ff: {  	(v2sf) =	vpush v2, $0x8;
	v3 =	vadd.s32 $0x1, v3  }
0x200: {  	s15 =	spop (v2sf);
	[tilespmem:s17+$0x0] =	vst v3  }
0x201: {  	v3 =	vld [tilespmem:s15+$0x0];
	_ =	sdelay $0x4  }
0x202: {  	(v2sf) =	vpush v2, $0x9;
	v3 =	vadd.s32 $0x1, v3  }
0x203: {  	s16 =	spop (v2sf);
	[tilespmem:s15+$0x0] =	vst v3  }
0x204: {  	v3 =	vld [tilespmem:s16+$0x0];
	_ =	sdelay $0x4  }
0x205: {  	(v2sf) =	vpush v2, $0xA;
	v3 =	vadd.s32 $0x1, v3  }
0x206: {  	s17 =	spop (v2sf);
	[tilespmem:s16+$0x0] =	vst v3  }
0x207: {  	v3 =	vld [tilespmem:s17+$0x0];
	_ =	sdelay $0x4  }
0x208: {  	(v2sf) =	vpush v2, $0xB;
	v3 =	vadd.s32 $0x1, v3  }
0x209: {  	s15 =	spop (v2sf);
	[tilespmem:s17+$0x0] =	vst v3  }
0x20a: {  	v3 =	vld [tilespmem:s15+$0x0];
	_ =	sdelay $0x4  }
0x20b: {  	(v2sf) =	vpush v2, $0xC;
	v3 =	vadd.s32 $0x1, v3  }
0x20c: {  	s16 =	spop (v2sf);
	[tilespmem:s15+$0x0] =	vst v3  }
0x20d: {  	v3 =	vld [tilespmem:s16+$0x0];
	_ =	sdelay $0x4  }
0x20e: {  	(v2sf) =	vpush v2, $0xD;
	v3 =	vadd.s32 $0x1, v3  }
0x20f: {  	s17 =	spop (v2sf);
	[tilespmem:s16+$0x0] =	vst v3  }
0x210: {  	v3 =	vld [tilespmem:s17+$0x0];
	_ =	sdelay $0x4  }
0x211: {  	(v2sf) =	vpush v2, $0xE;
	v3 =	vadd.s32 $0x1, v3  }
0x212: {  	s15 =	spop (v2sf);
	[tilespmem:s17+$0x0] =	vst v3  }
0x213: {  	v3 =	vld [tilespmem:s15+$0x0];
	_ =	sdelay $0x4  }
0x214: {  	(v2sf) =	vpush v2, $0xF;
	v3 =	vadd.s32 $0x1, v3  }
0x215: {  	s16 =	spop (v2sf);
	[tilespmem:s15+$0x0] =	vst v3  }
0x216: {  	v2 =	vld [tilespmem:s16+$0x0];
	_ =	sdelay $0x4  }
0x217: {  	v2 =	vadd.s32 $0x1, v2  }
0x218: {  	s17 =	spop (v2sf);
	[tilespmem:s16+$0x0] =	vst v2  }
0x219: {  	v2 =	vld [tilespmem:s17+$0x0];
	_ =	sdelay $0x4  }
0x21a: {  	v2 =	vadd.s32 $0x1, v2  }
0x21b: {  	[tilespmem:s17+$0x0] =	vst v2;
	s17 =	spop (v2sf)  }
0x21c: {  	v2 =	vld [tilespmem:s17+$0x0];
	_ =	sdelay $0x4  }
0x21d: {  	s13 =	simm.s32 $0x40;
	s15 =	simm.s32 $0x80;
	v2 =	vadd.s32 $0x1, v2  }
.LBB2_9:
0x21e: {  	p0 =	sne.s32 s15, $0x1C0  }
0x21f: {  	s16 =	sshra.s32 s13, $0x2;
	[tilespmem:s17+$0x0] =	vst v2;
	s13 =	smov.u32 s15;
	s15 =	sadd.s32 $0x40, s15  }
0x220: {  	v2 =	vld [tilespmem:s16+$0x10100];
	_ =	sdelay $0x4  }
0x221: {  	v2 =	vshll.u32 v2, $0x4  }
0x222: {  	v2 =	vadd.s32 $0x10200, v2  }
0x223: {  	(v2sf) =	vpush v2, $0x0;
	_ =	sdelay $0x6  }
0x224: {  	(v2sf) =	vpush v2, $0x1;
	_ =	sdelay $0x6  }
0x225: {  	(v2sf) =	vpush v2, $0x2  }
0x226: {  	s17 =	spop (v2sf)  }
0x227: {  	v3 =	vld [tilespmem:s17+$0x0];
	_ =	sdelay $0x4  }
0x228: {  	v3 =	vadd.s32 $0x1, v3;
	(v2sf) =	vpush v2, $0x3  }
0x229: {  	[tilespmem:s17+$0x0] =	vst v3;
	s17 =	spop (v2sf)  }
0x22a: {  	v3 =	vld [tilespmem:s17+$0x0];
	_ =	sdelay $0x4  }
0x22b: {  	v3 =	vadd.s32 $0x1, v3;
	(v2sf) =	vpush v2, $0x4  }
0x22c: {  	[tilespmem:s17+$0x0] =	vst v3;
	s17 =	spop (v2sf)  }
0x22d: {  	v3 =	vld [tilespmem:s17+$0x0];
	_ =	sdelay $0x4  }
0x22e: {  	v3 =	vadd.s32 $0x1, v3;
	(v2sf) =	vpush v2, $0x5  }
0x22f: {  	[tilespmem:s17+$0x0] =	vst v3;
	s17 =	spop (v2sf)  }
0x230: {  	v3 =	vld [tilespmem:s17+$0x0];
	_ =	sdelay $0x4  }
0x231: {  	v3 =	vadd.s32 $0x1, v3;
	(v2sf) =	vpush v2, $0x6  }
0x232: {  	[tilespmem:s17+$0x0] =	vst v3;
	s17 =	spop (v2sf)  }
0x233: {  	v3 =	vld [tilespmem:s17+$0x0];
	_ =	sdelay $0x4  }
0x234: {  	v3 =	vadd.s32 $0x1, v3;
	(v2sf) =	vpush v2, $0x7  }
0x235: {  	[tilespmem:s17+$0x0] =	vst v3;
	s17 =	spop (v2sf)  }
0x236: {  	v3 =	vld [tilespmem:s17+$0x0];
	_ =	sdelay $0x4  }
0x237: {  	v3 =	vadd.s32 $0x1, v3;
	(v2sf) =	vpush v2, $0x8  }
0x238: {  	[tilespmem:s17+$0x0] =	vst v3;
	s17 =	spop (v2sf)  }
0x239: {  	v3 =	vld [tilespmem:s17+$0x0];
	_ =	sdelay $0x4  }
0x23a: {  	v3 =	vadd.s32 $0x1, v3;
	(v2sf) =	vpush v2, $0x9  }
0x23b: {  	[tilespmem:s17+$0x0] =	vst v3;
	s17 =	spop (v2sf)  }
0x23c: {  	v3 =	vld [tilespmem:s17+$0x0];
	_ =	sdelay $0x4  }
0x23d: {  	v3 =	vadd.s32 $0x1, v3;
	(v2sf) =	vpush v2, $0xA  }
0x23e: {  	[tilespmem:s17+$0x0] =	vst v3;
	s17 =	spop (v2sf)  }
0x23f: {  	v3 =	vld [tilespmem:s17+$0x0];
	_ =	sdelay $0x4  }
0x240: {  	v3 =	vadd.s32 $0x1, v3;
	(v2sf) =	vpush v2, $0xB  }
0x241: {  	[tilespmem:s17+$0x0] =	vst v3;
	s17 =	spop (v2sf)  }
0x242: {  	v3 =	vld [tilespmem:s17+$0x0];
	_ =	sdelay $0x4  }
0x243: {  	v3 =	vadd.s32 $0x1, v3;
	(v2sf) =	vpush v2, $0xC  }
0x244: {  	[tilespmem:s17+$0x0] =	vst v3;
	s17 =	spop (v2sf)  }
0x245: {  	v3 =	vld [tilespmem:s17+$0x0];
	_ =	sdelay $0x4  }
0x246: {  	v3 =	vadd.s32 $0x1, v3;
	(v2sf) =	vpush v2, $0xD  }
0x247: {  	[tilespmem:s17+$0x0] =	vst v3;
	s17 =	spop (v2sf)  }
0x248: {  	v3 =	vld [tilespmem:s17+$0x0];
	_ =	sdelay $0x4  }
0x249: {  	v3 =	vadd.s32 $0x1, v3;
	(v2sf) =	vpush v2, $0xE  }
0x24a: {  	[tilespmem:s17+$0x0] =	vst v3;
	s17 =	spop (v2sf)  }
0x24b: {  	v3 =	vld [tilespmem:s17+$0x0];
	_ =	sdelay $0x4  }
0x24c: {  	v3 =	vadd.s32 $0x1, v3;
	(v2sf) =	vpush v2, $0xF  }
0x24d: {  	[tilespmem:s17+$0x0] =	vst v3;
	s17 =	spop (v2sf)  }
0x24e: {  	v2 =	vld [tilespmem:s17+$0x0];
	_ =	sdelay $0x4  }
0x24f: {  	v2 =	vadd.s32 $0x1, v2  }
0x250: {  	[tilespmem:s17+$0x0] =	vst v2;
	s17 =	spop (v2sf)  }
0x251: {  	v2 =	vld [tilespmem:s17+$0x0];
	_ =	sdelay $0x4  }
0x252: {  	v2 =	vadd.s32 $0x1, v2  }
0x253: {  	[tilespmem:s17+$0x0] =	vst v2;
	s17 =	spop (v2sf)  }
0x254: {  	v2 =	vld [tilespmem:s17+$0x0];
	_ =	sdelay $0x4  }
0x255: {  	v2 =	vadd.s32 $0x1, v2  }
0x256: {  	[tilespmem:s17+$0x0] =	vst v2  }
0x257: {  	v2 =	vld [tilespmem:s16+$0x10180];
	_ =	sdelay $0x4  }
0x258: {  	v2 =	vshll.u32 v2, $0x4  }
0x259: {  	v2 =	vadd.s32 $0x10200, v2  }
0x25a: {  	(v2sf) =	vpush v2, $0x0;
	_ =	sdelay $0x6  }
0x25b: {  	(v2sf) =	vpush v2, $0x1;
	_ =	sdelay $0x6  }
0x25c: {  	(v2sf) =	vpush v2, $0x2  }
0x25d: {  	s16 =	spop (v2sf)  }
0x25e: {  	v3 =	vld [tilespmem:s16+$0x0];
	_ =	sdelay $0x4  }
0x25f: {  	v3 =	vadd.s32 $0x1, v3;
	(v2sf) =	vpush v2, $0x3  }
0x260: {  	[tilespmem:s16+$0x0] =	vst v3;
	s16 =	spop (v2sf)  }
0x261: {  	v3 =	vld [tilespmem:s16+$0x0];
	_ =	sdelay $0x4  }
0x262: {  	v3 =	vadd.s32 $0x1, v3;
	(v2sf) =	vpush v2, $0x4  }
0x263: {  	[tilespmem:s16+$0x0] =	vst v3;
	s16 =	spop (v2sf)  }
0x264: {  	v3 =	vld [tilespmem:s16+$0x0];
	_ =	sdelay $0x4  }
0x265: {  	v3 =	vadd.s32 $0x1, v3;
	(v2sf) =	vpush v2, $0x5  }
0x266: {  	[tilespmem:s16+$0x0] =	vst v3;
	s16 =	spop (v2sf)  }
0x267: {  	v3 =	vld [tilespmem:s16+$0x0];
	_ =	sdelay $0x4  }
0x268: {  	v3 =	vadd.s32 $0x1, v3;
	(v2sf) =	vpush v2, $0x6  }
0x269: {  	[tilespmem:s16+$0x0] =	vst v3;
	s16 =	spop (v2sf)  }
0x26a: {  	v3 =	vld [tilespmem:s16+$0x0];
	_ =	sdelay $0x4  }
0x26b: {  	v3 =	vadd.s32 $0x1, v3;
	(v2sf) =	vpush v2, $0x7  }
0x26c: {  	[tilespmem:s16+$0x0] =	vst v3;
	s16 =	spop (v2sf)  }
0x26d: {  	v3 =	vld [tilespmem:s16+$0x0];
	_ =	sdelay $0x4  }
0x26e: {  	v3 =	vadd.s32 $0x1, v3;
	(v2sf) =	vpush v2, $0x8  }
0x26f: {  	[tilespmem:s16+$0x0] =	vst v3;
	s16 =	spop (v2sf)  }
0x270: {  	v3 =	vld [tilespmem:s16+$0x0];
	_ =	sdelay $0x4  }
0x271: {  	v3 =	vadd.s32 $0x1, v3;
	(v2sf) =	vpush v2, $0x9  }
0x272: {  	[tilespmem:s16+$0x0] =	vst v3;
	s16 =	spop (v2sf)  }
0x273: {  	v3 =	vld [tilespmem:s16+$0x0];
	_ =	sdelay $0x4  }
0x274: {  	v3 =	vadd.s32 $0x1, v3;
	(v2sf) =	vpush v2, $0xA  }
0x275: {  	[tilespmem:s16+$0x0] =	vst v3;
	s16 =	spop (v2sf)  }
0x276: {  	v3 =	vld [tilespmem:s16+$0x0];
	_ =	sdelay $0x4  }
0x277: {  	v3 =	vadd.s32 $0x1, v3;
	(v2sf) =	vpush v2, $0xB  }
0x278: {  	[tilespmem:s16+$0x0] =	vst v3;
	s16 =	spop (v2sf)  }
0x279: {  	v3 =	vld [tilespmem:s16+$0x0];
	_ =	sdelay $0x4  }
0x27a: {  	v3 =	vadd.s32 $0x1, v3;
	(v2sf) =	vpush v2, $0xC  }
0x27b: {  	[tilespmem:s16+$0x0] =	vst v3;
	s16 =	spop (v2sf)  }
0x27c: {  	v3 =	vld [tilespmem:s16+$0x0];
	_ =	sdelay $0x4  }
0x27d: {  	v3 =	vadd.s32 $0x1, v3;
	(v2sf) =	vpush v2, $0xD  }
0x27e: {  	[tilespmem:s16+$0x0] =	vst v3;
	s16 =	spop (v2sf)  }
0x27f: {  	v3 =	vld [tilespmem:s16+$0x0];
	_ =	sdelay $0x4  }
0x280: {  	v3 =	vadd.s32 $0x1, v3;
	(v2sf) =	vpush v2, $0xE  }
0x281: {  	[tilespmem:s16+$0x0] =	vst v3;
	s16 =	spop (v2sf)  }
0x282: {  	v3 =	vld [tilespmem:s16+$0x0];
	_ =	sdelay $0x4  }
0x283: {  	v3 =	vadd.s32 $0x1, v3;
	(v2sf) =	vpush v2, $0xF  }
0x284: {  	[tilespmem:s16+$0x0] =	vst v3;
	s16 =	spop (v2sf)  }
0x285: {  	v2 =	vld [tilespmem:s16+$0x0];
	_ =	sdelay $0x4  }
0x286: {  	v2 =	vadd.s32 $0x1, v2  }
0x287: {  	[tilespmem:s16+$0x0] =	vst v2;
	s16 =	spop (v2sf)  }
0x288: {  	v2 =	vld [tilespmem:s16+$0x0];
	_ =	sdelay $0x4  }
0x289: {  	v2 =	vadd.s32 $0x1, v2  }
0x28a: {  	[tilespmem:s16+$0x0] =	vst v2;
	s17 =	spop (v2sf)  }
0x28b: {  	v2 =	vld [tilespmem:s17+$0x0]  }
.Ltmp3:
0x28c: {  	(pc) =	sbr.rel @p0 .LBB2_9-.Ltmp3, $2  }
0x28d: {  	_ =	sdelay $0x2  }
0x28e: {  	v2 =	vadd.s32 $0x1, v2  }
0x28f: {  	s13 =	sshra.s32 s13, $0x2;
	[tilespmem:s17+$0x0] =	vst v2  }
0x290: {  	v2 =	vld [tilespmem:s13+$0x10100];
	_ =	sdelay $0x4  }
0x291: {  	v2 =	vshll.u32 v2, $0x4  }
0x292: {  	v2 =	vadd.s32 $0x10200, v2  }
0x293: {  	(v2sf) =	vpush v2, $0x0;
	_ =	sdelay $0x6  }
0x294: {  	(v2sf) =	vpush v2, $0x1;
	_ =	sdelay $0x6  }
0x295: {  	(v2sf) =	vpush v2, $0x2  }
0x296: {  	s15 =	spop (v2sf)  }
0x297: {  	v3 =	vld [tilespmem:s15+$0x0];
	_ =	sdelay $0x4  }
0x298: {  	(v2sf) =	vpush v2, $0x3;
	v3 =	vadd.s32 $0x1, v3  }
0x299: {  	s17 =	spop (v2sf);
	[tilespmem:s15+$0x0] =	vst v3  }
0x29a: {  	v3 =	vld [tilespmem:s17+$0x0];
	_ =	sdelay $0x4  }
0x29b: {  	(v2sf) =	vpush v2, $0x4;
	v3 =	vadd.s32 $0x1, v3  }
0x29c: {  	s16 =	spop (v2sf);
	[tilespmem:s17+$0x0] =	vst v3  }
0x29d: {  	v3 =	vld [tilespmem:s16+$0x0];
	_ =	sdelay $0x4  }
0x29e: {  	(v2sf) =	vpush v2, $0x5;
	v3 =	vadd.s32 $0x1, v3  }
0x29f: {  	s17 =	spop (v2sf);
	[tilespmem:s16+$0x0] =	vst v3  }
0x2a0: {  	v3 =	vld [tilespmem:s17+$0x0];
	_ =	sdelay $0x4  }
0x2a1: {  	(v2sf) =	vpush v2, $0x6;
	v3 =	vadd.s32 $0x1, v3  }
0x2a2: {  	s16 =	spop (v2sf);
	[tilespmem:s17+$0x0] =	vst v3  }
0x2a3: {  	v3 =	vld [tilespmem:s16+$0x0];
	_ =	sdelay $0x4  }
0x2a4: {  	(v2sf) =	vpush v2, $0x7;
	v3 =	vadd.s32 $0x1, v3  }
0x2a5: {  	s17 =	spop (v2sf);
	[tilespmem:s16+$0x0] =	vst v3  }
0x2a6: {  	v3 =	vld [tilespmem:s17+$0x0];
	_ =	sdelay $0x4  }
0x2a7: {  	(v2sf) =	vpush v2, $0x8;
	v3 =	vadd.s32 $0x1, v3  }
0x2a8: {  	s16 =	spop (v2sf);
	[tilespmem:s17+$0x0] =	vst v3  }
0x2a9: {  	v3 =	vld [tilespmem:s16+$0x0];
	_ =	sdelay $0x4  }
0x2aa: {  	(v2sf) =	vpush v2, $0x9;
	v3 =	vadd.s32 $0x1, v3  }
0x2ab: {  	s17 =	spop (v2sf);
	[tilespmem:s16+$0x0] =	vst v3  }
0x2ac: {  	v3 =	vld [tilespmem:s17+$0x0];
	_ =	sdelay $0x4  }
0x2ad: {  	(v2sf) =	vpush v2, $0xA;
	v3 =	vadd.s32 $0x1, v3  }
0x2ae: {  	s16 =	spop (v2sf);
	[tilespmem:s17+$0x0] =	vst v3  }
0x2af: {  	v3 =	vld [tilespmem:s16+$0x0];
	_ =	sdelay $0x4  }
0x2b0: {  	(v2sf) =	vpush v2, $0xB;
	v3 =	vadd.s32 $0x1, v3  }
0x2b1: {  	s17 =	spop (v2sf);
	[tilespmem:s16+$0x0] =	vst v3  }
0x2b2: {  	v3 =	vld [tilespmem:s17+$0x0];
	_ =	sdelay $0x4  }
0x2b3: {  	(v2sf) =	vpush v2, $0xC;
	v3 =	vadd.s32 $0x1, v3  }
0x2b4: {  	s16 =	spop (v2sf);
	[tilespmem:s17+$0x0] =	vst v3  }
0x2b5: {  	v3 =	vld [tilespmem:s16+$0x0];
	_ =	sdelay $0x4  }
0x2b6: {  	(v2sf) =	vpush v2, $0xD;
	v3 =	vadd.s32 $0x1, v3  }
0x2b7: {  	s17 =	spop (v2sf);
	[tilespmem:s16+$0x0] =	vst v3  }
0x2b8: {  	v3 =	vld [tilespmem:s17+$0x0];
	_ =	sdelay $0x4  }
0x2b9: {  	(v2sf) =	vpush v2, $0xE;
	v3 =	vadd.s32 $0x1, v3  }
0x2ba: {  	s16 =	spop (v2sf);
	[tilespmem:s17+$0x0] =	vst v3  }
0x2bb: {  	v3 =	vld [tilespmem:s16+$0x0];
	_ =	sdelay $0x4  }
0x2bc: {  	(v2sf) =	vpush v2, $0xF;
	v3 =	vadd.s32 $0x1, v3  }
0x2bd: {  	s17 =	spop (v2sf);
	[tilespmem:s16+$0x0] =	vst v3  }
0x2be: {  	v2 =	vld [tilespmem:s17+$0x0];
	_ =	sdelay $0x4  }
0x2bf: {  	v2 =	vadd.s32 $0x1, v2  }
0x2c0: {  	s16 =	spop (v2sf);
	[tilespmem:s17+$0x0] =	vst v2  }
0x2c1: {  	v2 =	vld [tilespmem:s16+$0x0];
	_ =	sdelay $0x4  }
0x2c2: {  	v2 =	vadd.s32 $0x1, v2  }
0x2c3: {  	s17 =	spop (v2sf);
	[tilespmem:s16+$0x0] =	vst v2  }
0x2c4: {  	v2 =	vld [tilespmem:s17+$0x0];
	_ =	sdelay $0x4  }
0x2c5: {  	v2 =	vadd.s32 $0x1, v2  }
0x2c6: {  	[tilespmem:s17+$0x0] =	vst v2  }
0x2c7: {  	v2 =	vld [tilespmem:s13+$0x10180];
	_ =	sdelay $0x4  }
0x2c8: {  	v2 =	vshll.u32 v2, $0x4  }
0x2c9: {  	v2 =	vadd.s32 $0x10200, v2  }
0x2ca: {  	(v2sf) =	vpush v2, $0x0;
	_ =	sdelay $0x6  }
0x2cb: {  	(v2sf) =	vpush v2, $0x1;
	_ =	sdelay $0x6  }
0x2cc: {  	(v2sf) =	vpush v2, $0x2  }
0x2cd: {  	s16 =	spop (v2sf)  }
0x2ce: {  	v3 =	vld [tilespmem:s16+$0x0];
	_ =	sdelay $0x4  }
0x2cf: {  	(v2sf) =	vpush v2, $0x3;
	v3 =	vadd.s32 $0x1, v3  }
0x2d0: {  	s17 =	spop (v2sf);
	[tilespmem:s16+$0x0] =	vst v3  }
0x2d1: {  	v3 =	vld [tilespmem:s17+$0x0];
	_ =	sdelay $0x4  }
0x2d2: {  	(v2sf) =	vpush v2, $0x4;
	v3 =	vadd.s32 $0x1, v3  }
0x2d3: {  	s15 =	spop (v2sf);
	[tilespmem:s17+$0x0] =	vst v3  }
0x2d4: {  	v3 =	vld [tilespmem:s15+$0x0];
	_ =	sdelay $0x4  }
0x2d5: {  	(v2sf) =	vpush v2, $0x5;
	v3 =	vadd.s32 $0x1, v3  }
0x2d6: {  	s16 =	spop (v2sf);
	[tilespmem:s15+$0x0] =	vst v3  }
0x2d7: {  	v3 =	vld [tilespmem:s16+$0x0];
	_ =	sdelay $0x4  }
0x2d8: {  	(v2sf) =	vpush v2, $0x6;
	v3 =	vadd.s32 $0x1, v3  }
0x2d9: {  	s17 =	spop (v2sf);
	[tilespmem:s16+$0x0] =	vst v3  }
0x2da: {  	v3 =	vld [tilespmem:s17+$0x0];
	_ =	sdelay $0x4  }
0x2db: {  	(v2sf) =	vpush v2, $0x7;
	v3 =	vadd.s32 $0x1, v3  }
0x2dc: {  	s15 =	spop (v2sf);
	[tilespmem:s17+$0x0] =	vst v3  }
0x2dd: {  	v3 =	vld [tilespmem:s15+$0x0];
	_ =	sdelay $0x4  }
0x2de: {  	(v2sf) =	vpush v2, $0x8;
	v3 =	vadd.s32 $0x1, v3  }
0x2df: {  	s16 =	spop (v2sf);
	[tilespmem:s15+$0x0] =	vst v3  }
0x2e0: {  	v3 =	vld [tilespmem:s16+$0x0];
	_ =	sdelay $0x4  }
0x2e1: {  	(v2sf) =	vpush v2, $0x9;
	v3 =	vadd.s32 $0x1, v3  }
0x2e2: {  	s17 =	spop (v2sf);
	[tilespmem:s16+$0x0] =	vst v3  }
0x2e3: {  	v3 =	vld [tilespmem:s17+$0x0];
	_ =	sdelay $0x4  }
0x2e4: {  	(v2sf) =	vpush v2, $0xA;
	v3 =	vadd.s32 $0x1, v3  }
0x2e5: {  	s15 =	spop (v2sf);
	[tilespmem:s17+$0x0] =	vst v3  }
0x2e6: {  	v3 =	vld [tilespmem:s15+$0x0];
	_ =	sdelay $0x4  }
0x2e7: {  	(v2sf) =	vpush v2, $0xB;
	v3 =	vadd.s32 $0x1, v3  }
0x2e8: {  	s16 =	spop (v2sf);
	[tilespmem:s15+$0x0] =	vst v3  }
0x2e9: {  	v3 =	vld [tilespmem:s16+$0x0];
	_ =	sdelay $0x4  }
0x2ea: {  	(v2sf) =	vpush v2, $0xC;
	v3 =	vadd.s32 $0x1, v3  }
0x2eb: {  	s17 =	spop (v2sf);
	[tilespmem:s16+$0x0] =	vst v3  }
0x2ec: {  	v3 =	vld [tilespmem:s17+$0x0];
	_ =	sdelay $0x4  }
0x2ed: {  	(v2sf) =	vpush v2, $0xD;
	v3 =	vadd.s32 $0x1, v3  }
0x2ee: {  	s15 =	spop (v2sf);
	[tilespmem:s17+$0x0] =	vst v3  }
0x2ef: {  	v3 =	vld [tilespmem:s15+$0x0];
	_ =	sdelay $0x4  }
0x2f0: {  	(v2sf) =	vpush v2, $0xE;
	v3 =	vadd.s32 $0x1, v3  }
0x2f1: {  	s16 =	spop (v2sf);
	[tilespmem:s15+$0x0] =	vst v3  }
0x2f2: {  	v3 =	vld [tilespmem:s16+$0x0];
	_ =	sdelay $0x4  }
0x2f3: {  	(v2sf) =	vpush v2, $0xF;
	v3 =	vadd.s32 $0x1, v3  }
0x2f4: {  	s17 =	spop (v2sf);
	[tilespmem:s16+$0x0] =	vst v3  }
0x2f5: {  	v2 =	vld [tilespmem:s17+$0x0];
	_ =	sdelay $0x4  }
0x2f6: {  	v2 =	vadd.s32 $0x1, v2  }
0x2f7: {  	s15 =	spop (v2sf);
	[tilespmem:s17+$0x0] =	vst v2  }
0x2f8: {  	v2 =	vld [tilespmem:s15+$0x0];
	_ =	sdelay $0x4  }
0x2f9: {  	v2 =	vadd.s32 $0x1, v2  }
0x2fa: {  	s16 =	spop (v2sf);
	[tilespmem:s15+$0x0] =	vst v2  }
0x2fb: {  	v2 =	vld [tilespmem:s16+$0x0];
	_ =	sdelay $0x4  }
0x2fc: {  	s17 =	sadd.s32 s7, s12;
	v2 =	vadd.s32 $0x1, v2  }
0x2fd: {  	s13 =	sshll.u32 s17, $0x1;
	[tilespmem:s16+$0x0] =	vst v2  }
0x2fe: {  	p0 =	slt.s32 s13, $0x4DE;
	_ =	swait.ge [sflag:s0], $0x4000  }
0x2ff: {  	s13 =	simm.s32 @!p0 $0x4DE;
	[sflag:s0] =	ssyncset.done $0x0  }
0x300: {  	s13 =	sadd.s32 $0x2, s13;
	[sflag:s0] =	ssyncadd.s32 $0xFFFFC000  }
0x301: {  	s16 =	sshll.u32 s13, $0xC;
	_ =	swait.ge [sflag:s0], $0x4000  }
0x302: {  	s15 =	sand.u32 $0x1FFFE000, s16;
	[sflag:s0] =	ssyncset.done $0x0  }
0x303: {  	s13 =	sshll.u32 s13, $0x8;
	s15 =	sadd.s32 s1, s15;
	[sflag:s0] =	ssyncadd.s32 $0xFFFFC000  }
0x304: {  	[tilespmem:s5], [sflag:$0x1] =	stream.linear.gather [hbm4b:s15+s5], $0x8000, $0x38;
	[tilespmem:$0x16200] =	vst v63  }
0x305: {  	s15 =	sshrl.u32 s13, $0x3  }
0x306: {  	s16 =	sadd.s32 s2, s15  }
0x307: {  	[tilespmem:s21], [sflag:$0x1] =	stream.linear.gather [hbm4b:s16+s5], $0x80, $0x38;
	[tilespmem:$0x16200] =	vst v63  }
0x308: {  	s17 =	sadd.s32 s15, s10  }
0x309: {  	[tilespmem:s22], [sflag:$0x1] =	stream.linear.gather [hbm4b:s17+s5], $0x80, $0x38;
	[tilespmem:$0x16200] =	vst v63  }
0x30a: {  	_ =	swait.ge [sflag:s3], $0x4000  }
0x30b: {  	[sflag:s3] =	ssyncset.done $0x0  }
0x30c: {  	[sflag:s3] =	ssyncadd.s32 $0xFFFFC000  }
0x30d: {  	s13 =	sor.u32 $0x100, s13;
	_ =	swait.ge [sflag:s3], $0x4000  }
0x30e: {  	s12 =	sadd.s32 $0x1, s12;
	s17 =	sshll.u32 s13, $0x4;
	[sflag:s3] =	ssyncset.done $0x0  }
0x30f: {  	p0 =	sne.s32 s12, s8;
	s16 =	sadd.s32 s1, s17;
	[sflag:s3] =	ssyncadd.s32 $0xFFFFC000  }
0x310: {  	[tilespmem:s23], [sflag:$0x2] =	stream.linear.gather [hbm4b:s16+s5], $0x8000, $0x38;
	[tilespmem:$0x16200] =	vst v63  }
.Ltmp4:
0x311: {  	s13 =	sshrl.u32 s13, $0x3;
	(pc) =	sbr.rel @p0 .LBB2_6-.Ltmp4, $4  }
0x312: {  	s13 =	sadd.s32 s2, s13  }
0x313: {  	[tilespmem:s24], [sflag:$0x2] =	stream.linear.gather [hbm4b:s13+s5], $0x80, $0x38;
	[tilespmem:$0x16200] =	vst v63  }
0x314: {  	s17 =	sadd.s32 s15, s14  }
0x315: {  	[tilespmem:s25], [sflag:$0x2] =	stream.linear.gather [hbm4b:s17+s5], $0x80, $0x38;
	[tilespmem:$0x16200] =	vst v63  }
0x316: {  	_ =	swait.ge [sflag:s26], $0x8000  }
0x317: {  	[sflag:s26] =	ssyncset.done $0x0  }
0x318: {  	[sflag:s26] =	ssyncadd.s32 $0xFFFF8000  }
0x319: {  	_ =	swait.ge [sflag:s26], $0x80  }
0x31a: {  	[sflag:s26] =	ssyncset.done $0x0  }
0x31b: {  	[sflag:s26] =	ssyncadd.s32 $0xFFFFFF80  }
0x31c: {  	_ =	swait.ge [sflag:s26], $0x80  }
0x31d: {  	[sflag:s26] =	ssyncset.done $0x0  }
0x31e: {  	[sflag:s26] =	ssyncadd.s32 $0xFFFFFF80  }
0x31f: {  	_ =	swait.ge [sflag:s30], $0x8000  }
0x320: {  	[sflag:s30] =	ssyncset.done $0x0  }
0x321: {  	[sflag:s30] =	ssyncadd.s32 $0xFFFF8000  }
0x322: {  	_ =	swait.ge [sflag:s30], $0x80  }
0x323: {  	[sflag:s30] =	ssyncset.done $0x0  }
0x324: {  	[sflag:s30] =	ssyncadd.s32 $0xFFFFFF80  }
0x325: {  	_ =	swait.ge [sflag:s30], $0x80  }
0x326: {  	[sflag:s30] =	ssyncset.done $0x0  }
0x327: {  	[sflag:s30] =	ssyncadd.s32 $0xFFFFFF80  }
0x328: {  	[bflag:$0x0] =	sbarrier.arrive $0xFFFF  }
0x329: {  	[tilespmem:s5], [sflag:$0x5] =	stream.linear.gather [spmem:s6], $0x2000, $0x38;
	[tilespmem:$0x16200] =	vst v63  }
0x32a: {  	_ =	swait.ge [sflag:s20], $0x2000  }
0x32b: {  	[sflag:s20] =	ssyncset.done $0x0  }
0x32c: {  	s11 =	rddreg [dreg:$0xb];
	[sflag:s20] =	ssyncadd.s32 $0xFFFFE000  }
0x32d: {  	[hbm4b:s11+s5] =	stream.linear.scatter [tilespmem:s5], [sflag:$0x5], $0x2000, $0x38;
	[tilespmem:$0x16200] =	vst v63  }
0x32e: {  	s9 =	sadd.s32 $0x1, s9;
	_ =	swait.ge [sflag:s20], $0x2000  }
0x32f: {  	p0 =	sne.s32 s9, s19;
	[sflag:s20] =	ssyncset.done $0x0  }
.Ltmp5:
0x330: {  	s17 =	simm.s32 $0x10200;
	[sflag:s20] =	ssyncadd.s32 $0xFFFFE000;
	(pc) =	sbr.rel @p0 .LBB2_1-.Ltmp5, $4  }
0x331: {  	[hbm4b:s18+s5] =	stream.linear.scatter [tilespmem:s17], [sflag:$0x5], $0x4000, $0x38;
	[tilespmem:$0x16200] =	vst v63  }
0x332: {  	_ =	swait.ge [sflag:s20], $0x4000  }
0x333: {  	[sflag:s20] =	ssyncset.done $0x0  }
0x334: {  	[sflag:s20] =	ssyncadd.s32 $0xFFFFC000  }
0x335: {  	_ =	sfence.sel $0x180000  }
0x336: {  	[bflag:$0x0] =	sbarrier.arrive $0xFFFF  }
0x337: {  	_ =	strace $0x90000047  }
0x338: {  	s0 =	stileid.u32;
	[bflag:$0x2] =	sbarrier.arrive $0xFFFF  }
0x339: {  	p0 =	sne.s32 s0, $0x0;
	s0 =	rddreg [dreg:$0x4]  }
0x33a: {  	s0 =	sadd.s32 @!p0 $0x100000, s0  }
0x33b: {  	[sflag:s0] =	ssyncadd.tile.s32 @!p0 $0x1;
	_ =	shalt  }
.Lfunc_end2:
_tile_overlayer_lowered:
.L_overlay_start_2:
0x33c: {  	(tag) =	ssettag $0x2  }
0x33d: {  	s0 =	rddreg [dreg:$0x0];
	s2 =	stileid.u32  }
0x33e: {  	s1 =	rddreg [dreg:$0x1];
	p0 =	sne.s32 s2, $0x0  }
0x33f: {  	s3 =	rddreg [dreg:$0x2];
	[bflag:$0x3] =	sbarrier.arrive $0xFFFF;
	s2 =	simm.s32 @!p0 $0x1C05  }
0x340: {  	[timem:s3], [sflag:s2] =	dma.local @!p0 [hbm:s0], s1  }
0x341: {  	s0 =	simm.s32 @!p0 $0x5  }
0x342: {  	_ =	swait.ge @!p0 [sflag:s0], s1  }
0x343: {  	s1 =	ssub.s32 @!p0 $0x0, s1;
	[sflag:s0] =	ssyncset.done @!p0 $0x0  }
0x344: {  	[sflag:s0] =	ssyncadd.s32 @!p0 s1  }
0x345: {  	[bflag:$0x3] =	sbarrier.arrive $0xFFFF  }
0x346: {  	_ =	shalt  }

</sc_bundles>
